<compile_context>
chip_gen: v7x
topology: tpu7x:2x2x1
jax: 0.10.2.dev20260603
libtpu: 0.0.44.dev20260713+nightly
codegen_flags: <defaults>
</compile_context>

<pallas_src>
import functools
import jax
import jax.numpy as jnp
from jax import lax
from jax.experimental import pallas as pl
from jax.experimental.pallas import tpu as pltpu
from jax.experimental.pallas import tpu_sc as plsc

B = 2
T = 8
BT = B * T
N = 10000
E = 160000
D = 128
H = 128

NC = 2
NS = 16
LANES = 16

EPT = E // NS
K = 80
NCH = EPT // K
GN = BT // 2
SPT = GN // NC
RPT = N // NS

_mesh = lambda: plsc.VectorSubcoreMesh(
    core_axis_name="c", subcore_axis_name="s", num_cores=NC, num_subcores=NS)



def _sc_agg_body(base, xf_hbm, pidx_hbm, out_hbm,
                 pidx_t, rb0, rb1, agg_sh,
                 g0, g1, s0, s1, zsem, csem):
    cid = lax.axis_index("c")
    sid = lax.axis_index("s")

    pltpu.sync_copy(pidx_hbm.at[sid], pidx_t)

    def slice_body(j, carry):
        lbt = cid * SPT + j
        bt = base + lbt
        r0 = sid * RPT
        xfsl = xf_hbm.at[pl.ds(bt * N, N)]

        def gth(k, rbuf, sem):
            return pltpu.make_async_copy(
                xfsl.at[pidx_t.at[k].at[0]], rbuf, sem)

        def sct(k, rbuf, sem):
            return pltpu.make_async_copy(
                rbuf, agg_sh.at[pidx_t.at[k].at[1]], sem)

        pltpu.make_async_copy(xfsl.at[pl.ds(r0, RPT)],
                              agg_sh.at[pl.ds(r0, RPT)], zsem).start()
        pltpu.make_async_copy(xfsl.at[pl.ds(r0, RPT)],
                              agg_sh.at[pl.ds(r0, RPT)], zsem).wait()
        plsc.subcore_barrier()

        gth(0, rb0, g0).start()
        gth(1, rb1, g1).start()

        def pair(i, c2):
            k0 = 2 * i
            k1 = 2 * i + 1
            gth(k0, rb0, g0).wait()
            sct(k0, rb0, s0).start(add=True)
            sct(k0, rb0, s0).wait()
            gth(k0 + 2, rb0, g0).start()
            gth(k1, rb1, g1).wait()
            sct(k1, rb1, s1).start(add=True)
            sct(k1, rb1, s1).wait()

            @pl.when(k1 + 2 < NCH)
            def _():
                gth(k1 + 2, rb1, g1).start()
            return c2
        lax.fori_loop(0, (NCH - 1) // 2, pair, 0)
        gth(NCH - 1, rb0, g0).wait()
        sct(NCH - 1, rb0, s0).start(add=True)
        sct(NCH - 1, rb0, s0).wait()
        plsc.subcore_barrier()

        pltpu.make_async_copy(agg_sh.at[pl.ds(r0, RPT)],
                              out_hbm.at[pl.ds(lbt * N + r0, RPT)],
                              csem).start()
        pltpu.make_async_copy(agg_sh.at[pl.ds(r0, RPT)],
                              out_hbm.at[pl.ds(lbt * N + r0, RPT)],
                              csem).wait()
        plsc.subcore_barrier()
        return carry

    lax.fori_loop(0, SPT, slice_body, 0)


def _make_sc_agg(base, interpret=False):
    return pl.kernel(
        functools.partial(_sc_agg_body, base),
        out_type=jax.ShapeDtypeStruct((GN * N, D), jnp.float32),
        mesh=_mesh(),
        compiler_params=pltpu.CompilerParams(needs_layout_passes=False, use_tc_tiling_on_sc=False),
        scratch_types=[
            pltpu.VMEM((NCH, 2, K), jnp.int32),
            pltpu.VMEM((K, D), jnp.float32),
            pltpu.VMEM((K, D), jnp.float32),
            pltpu.VMEM_SHARED((N, D), jnp.float32),
            pltpu.SemaphoreType.DMA,
            pltpu.SemaphoreType.DMA,
            pltpu.SemaphoreType.DMA,
            pltpu.SemaphoreType.DMA,
            pltpu.SemaphoreType.DMA,
            pltpu.SemaphoreType.DMA,
        ],
        interpret=interpret,
    )



def _sc_deg_body(dst_hbm, z1d_hbm, cnt_hbm, dst_all, deg1d):
    cid = lax.axis_index("c")
    sid = lax.axis_index("s")

    @pl.when(cid == 0)
    def _():
        pltpu.sync_copy(dst_hbm.at[pl.ds(sid * EPT, EPT)], dst_all)
        pltpu.sync_copy(z1d_hbm, deg1d)

        ones = jnp.full((LANES,), 1.0, jnp.float32)

        def it(i, c2):
            d = dst_all[pl.ds(i * LANES, LANES)]
            plsc.addupdate_scatter(deg1d, [d], ones)
            return c2
        lax.fori_loop(0, EPT // LANES, it, 0)
        pltpu.sync_copy(deg1d, cnt_hbm.at[sid])


def _make_sc_deg(interpret=False):
    return pl.kernel(
        _sc_deg_body,
        out_type=jax.ShapeDtypeStruct((NS, N), jnp.float32),
        mesh=_mesh(),
        compiler_params=pltpu.CompilerParams(needs_layout_passes=False, use_tc_tiling_on_sc=False),
        scratch_types=[
            pltpu.VMEM((EPT,), jnp.int32),
            pltpu.VMEM((N,), jnp.float32),
        ],
        interpret=interpret,
    )



def _sc_root_body(nsa_hbm, src_hbm, dst_hbm, z1d_hbm, seg_hbm,
                  nsa_v, src_all, dst_all, seg1d):
    cid = lax.axis_index("c")
    sid = lax.axis_index("s")

    pltpu.sync_copy(nsa_hbm.at[cid], nsa_v)
    pltpu.sync_copy(src_hbm.at[pl.ds(sid * EPT, EPT)], src_all)
    pltpu.sync_copy(dst_hbm.at[pl.ds(sid * EPT, EPT)], dst_all)
    pltpu.sync_copy(z1d_hbm, seg1d)

    def it(i, c2):
        s = src_all[pl.ds(i * LANES, LANES)]
        vals = plsc.load_gather(nsa_v, [s])
        d = dst_all[pl.ds(i * LANES, LANES)]
        plsc.addupdate_scatter(seg1d, [d], vals)
        return c2
    lax.fori_loop(0, EPT // LANES, it, 0)
    pltpu.sync_copy(seg1d, seg_hbm.at[cid * NS + sid])


def _make_sc_root(interpret=False):
    return pl.kernel(
        _sc_root_body,
        out_type=jax.ShapeDtypeStruct((B * NS, N), jnp.float32),
        mesh=_mesh(),
        compiler_params=pltpu.CompilerParams(needs_layout_passes=False, use_tc_tiling_on_sc=False),
        scratch_types=[
            pltpu.VMEM((N,), jnp.float32),
            pltpu.VMEM((EPT,), jnp.int32),
            pltpu.VMEM((EPT,), jnp.int32),
            pltpu.VMEM((N,), jnp.float32),
        ],
        interpret=interpret,
    )



_RB = 1000


def _deg_body(cnt_ref, c_ref, inv_ref):
    c = jnp.sum(cnt_ref[...], axis=0)
    c_ref[...] = c
    inv_ref[...] = 1.0 / (c + 1.0)


def _tc_deg(cnt_p, interpret=False):
    return pl.pallas_call(
        _deg_body,
        grid=(N // _RB,),
        in_specs=[pl.BlockSpec((NS, _RB, 1), lambda nb: (0, nb, 0))],
        out_specs=[
            pl.BlockSpec((_RB, 1), lambda nb: (nb, 0)),
            pl.BlockSpec((_RB, 1), lambda nb: (nb, 0)),
        ],
        out_shape=[
            jax.ShapeDtypeStruct((N, 1), jnp.float32),
            jax.ShapeDtypeStruct((N, 1), jnp.float32),
        ],
        interpret=interpret,
    )(cnt_p)


def _dense_body_dual(a_ref, inv_ref, wT_ref, b_ref, g_ref, be_ref,
                     o_ref, ob_ref):
    v = a_ref[0] * inv_ref[...]
    o = jnp.dot(v.astype(jnp.bfloat16), wT_ref[...],
                preferred_element_type=jnp.float32) + b_ref[...]
    mu = jnp.mean(o, axis=-1, keepdims=True)
    dlt = o - mu
    var = jnp.mean(dlt * dlt, axis=-1, keepdims=True)
    y = dlt * lax.rsqrt(var + 1e-5) * g_ref[...] + be_ref[...]
    r = jnp.maximum(y, 0.0)
    o_ref[0] = r
    if ob_ref is not None:
        ob_ref[0] = r.astype(jnp.bfloat16)


def _dense_body(a_ref, inv_ref, wT_ref, b_ref, g_ref, be_ref, o_ref):
    _dense_body_dual(a_ref, inv_ref, wT_ref, b_ref, g_ref, be_ref,
                     o_ref, None)


def _tc_dense(agg3, inv, W, b, g, be, dual=False, interpret=False):
    wspec = pl.BlockSpec((D, H), lambda bt, nb: (0, 0))
    vspec = pl.BlockSpec((1, H), lambda bt, nb: (0, 0))
    ospec = pl.BlockSpec((1, _RB, H), lambda bt, nb: (bt, nb, 0))
    nbt = agg3.shape[0]
    return pl.pallas_call(
        _dense_body_dual if dual else _dense_body,
        grid=(nbt, N // _RB),
        in_specs=[
            pl.BlockSpec((1, _RB, D), lambda bt, nb: (bt, nb, 0)),
            pl.BlockSpec((_RB, 1), lambda bt, nb: (nb, 0)),
            wspec, vspec, vspec, vspec,
        ],
        out_specs=[ospec, ospec] if dual else ospec,
        out_shape=(
            [jax.ShapeDtypeStruct((nbt, N, H), jnp.float32),
             jax.ShapeDtypeStruct((nbt, N, H), jnp.bfloat16)]
            if dual else jax.ShapeDtypeStruct((nbt, N, H), jnp.float32)),
        interpret=interpret,
    )(agg3, inv, W.T.astype(jnp.bfloat16), b[None, :], g[None, :], be[None, :])



def _gru_step(x, h, WiT, WhT, bi, bh):
    gi = jnp.dot(x.astype(jnp.bfloat16), WiT,
                 preferred_element_type=jnp.float32) + bi
    gh = jnp.dot(h.astype(jnp.bfloat16), WhT,
                 preferred_element_type=jnp.float32) + bh
    r = jax.nn.sigmoid(gi[:, :H] + gh[:, :H])
    z = jax.nn.sigmoid(gi[:, H:2 * H] + gh[:, H:2 * H])
    n = jnp.tanh(gi[:, 2 * H:] + r * gh[:, 2 * H:])
    return (1.0 - z) * n + z * h


def _gru_body(a_ref, inv_ref, cnt_ref, wT_ref, b_ref, g_ref, be_ref,
              wi0_ref, wh0_ref, bi0_ref, bh0_ref,
              wi1_ref, wh1_ref, bi1_ref, bh1_ref,
              wc1_ref, bc1_ref, wc2_ref, bc2_ref,
              wr1_ref, br1_ref, wr2_ref, br2_ref,
              we_ref, bee_ref, wn_ref, bn_ref,
              o_ref, rc_ref, rr_ref, nsa_ref, base_ref):
    inv = inv_ref[...]
    wT = wT_ref[...]
    bb = b_ref[...]
    gg = g_ref[...]
    be = be_ref[...]
    Wi0 = wi0_ref[...]
    Wh0 = wh0_ref[...]
    Wi1 = wi1_ref[...]
    Wh1 = wh1_ref[...]
    bi0 = bi0_ref[...]
    bh0 = bh0_ref[...]
    bi1 = bi1_ref[...]
    bh1 = bh1_ref[...]
    h0 = jnp.zeros((_RB, H), jnp.float32)
    h1 = jnp.zeros((_RB, H), jnp.float32)
    for t in range(T):
        v = a_ref[0, t] * inv
        o = jnp.dot(v.astype(jnp.bfloat16), wT,
                    preferred_element_type=jnp.float32) + bb
        mu = jnp.mean(o, axis=-1, keepdims=True)
        dlt = o - mu
        var = jnp.mean(dlt * dlt, axis=-1, keepdims=True)
        xt = jnp.maximum(dlt * lax.rsqrt(var + 1e-5) * gg + be, 0.0)
        h0 = _gru_step(xt, h0, Wi0, Wh0, bi0, bh0)
        h1 = _gru_step(h0, h1, Wi1, Wh1, bi1, bh1)
    o_ref[0] = h1
    c = cnt_ref[...]
    weT = we_ref[...]
    z1 = jnp.maximum(
        jnp.dot(h1, wc1_ref[...], preferred_element_type=jnp.float32)
        + bc1_ref[...], 0.0)
    rc_ref[0] = jnp.dot(z1, wc2_ref[...],
                        preferred_element_type=jnp.float32) + bc2_ref[...]
    z2 = jnp.maximum(
        jnp.dot(h1, wr1_ref[...], preferred_element_type=jnp.float32)
        + br1_ref[...], 0.0)
    rr_ref[0] = jax.nn.sigmoid(
        jnp.dot(z2, wr2_ref[...], preferred_element_type=jnp.float32)
        + br2_ref[...])
    nsa_ref[0] = jnp.dot(h1, weT[:H], preferred_element_type=jnp.float32)
    nsb = jnp.dot(h1, weT[H:], preferred_element_type=jnp.float32)
    nss = jnp.dot(h1, wn_ref[...],
                  preferred_element_type=jnp.float32) + bn_ref[...]
    base_ref[0] = c * (nsb + bee_ref[...]) + nss


def _tc_gru(a4, inv, cnt, W, b, g, be, Wih0, Whh0, bih0, bhh0,
            Wih1, Whh1, bih1, bhh1, Wc1, bc1, Wc2, bc2,
            Wr1, br1, Wr2, br2, We, bee, Wn, bn, interpret=False):
    wspec = pl.BlockSpec((H, 3 * H), lambda bq, nb: (0, 0))
    bspec = pl.BlockSpec((1, 3 * H), lambda bq, nb: (0, 0))

    def full(shape):
        return pl.BlockSpec(shape, lambda bq, nb: tuple(0 for _ in shape))

    def obs(w):
        return pl.BlockSpec((1, _RB, w), lambda bq, nb: (bq, nb, 0))
    return pl.pallas_call(
        _gru_body,
        grid=(1, N // _RB),
        in_specs=[
            pl.BlockSpec((1, T, _RB, D), lambda bq, nb: (bq, 0, nb, 0)),
            pl.BlockSpec((_RB, 1), lambda bq, nb: (nb, 0)),
            pl.BlockSpec((_RB, 1), lambda bq, nb: (nb, 0)),
            full((D, H)), full((1, H)), full((1, H)), full((1, H)),
            wspec, wspec, bspec, bspec, wspec, wspec, bspec, bspec,
            full((H, H // 2)), full((1, H // 2)),
            full((H // 2, 4)), full((1, 4)),
            full((H, H // 2)), full((1, H // 2)),
            full((H // 2, 1)), full((1, 1)),
            full((2 * H, 1)), full((1, 1)),
            full((H, 1)), full((1, 1)),
        ],
        out_specs=[obs(H), obs(4), obs(1), obs(1), obs(1)],
        out_shape=[
            jax.ShapeDtypeStruct((1, N, H), jnp.float32),
            jax.ShapeDtypeStruct((1, N, 4), jnp.float32),
            jax.ShapeDtypeStruct((1, N, 1), jnp.float32),
            jax.ShapeDtypeStruct((1, N, 1), jnp.float32),
            jax.ShapeDtypeStruct((1, N, 1), jnp.float32),
        ],
        interpret=interpret,
    )(a4, inv, cnt, W.T.astype(jnp.bfloat16), b[None, :], g[None, :],
      be[None, :],
      Wih0.T.astype(jnp.bfloat16), Whh0.T.astype(jnp.bfloat16),
      bih0[None, :], bhh0[None, :],
      Wih1.T.astype(jnp.bfloat16), Whh1.T.astype(jnp.bfloat16),
      bih1[None, :], bhh1[None, :],
      Wc1.T, bc1[None, :], Wc2.T, bc2[None, :],
      Wr1.T, br1[None, :], Wr2.T, br2[None, :],
      We.T, bee[None, :], Wn.T, bn[None, :])



def _softmax_body(seg_ref, base_ref, o_ref):
    l = jnp.sum(seg_ref[...], axis=1) + base_ref[...]
    m = jnp.max(l, axis=-1, keepdims=True)
    e = jnp.exp(l - m)
    o_ref[...] = e / jnp.sum(e, axis=-1, keepdims=True)


def _tc_softmax(seg, base, interpret=False):
    return pl.pallas_call(
        _softmax_body,
        out_shape=jax.ShapeDtypeStruct((B, N), jnp.float32),
        interpret=interpret,
    )(seg, base)



def kernel(x, edge_index, W_gcn1, b_gcn1, g1, be1, W_gcn2, b_gcn2, g2, be2,
           Wih0, Whh0, bih0, bhh0, Wih1, Whh1, bih1, bhh1, Wc1, bc1, Wc2, bc2,
           Wr1, br1, Wr2, br2, We, bee, Wn, bn):
    x = x.astype(jnp.float32)
    src = edge_index[0].astype(jnp.int32)
    dst = edge_index[1].astype(jnp.int32)
    pidx = jnp.stack([src.reshape(NS, NCH, K), dst.reshape(NS, NCH, K)],
                     axis=2)
    zeros_1d = jnp.zeros((N,), jnp.float32)

    sc_agg_a = _make_sc_agg(0)
    sc_agg_b = _make_sc_agg(GN)
    sc_deg = _make_sc_deg()
    sc_root = _make_sc_root()

    cnt_p = sc_deg(dst, zeros_1d).reshape(NS, N, 1)
    cnt, inv = _tc_deg(cnt_p)

    xf = x.reshape(BT * N, D)
    agg1a = sc_agg_a(xf, pidx).reshape(GN, N, D)
    agg1b = sc_agg_b(xf, pidx).reshape(GN, N, D)
    h1a = _tc_dense(agg1a, inv, W_gcn1, b_gcn1, g1, be1)
    h1b = _tc_dense(agg1b, inv, W_gcn1, b_gcn1, g1, be1)
    agg2a = sc_agg_a(h1a.reshape(GN * N, H), pidx).reshape(GN, N, D)
    hga, rca, rra, nsaa, basea = _tc_gru(
        agg2a.reshape(1, T, N, D), inv, cnt, W_gcn2, b_gcn2, g2, be2,
        Wih0, Whh0, bih0, bhh0, Wih1, Whh1, bih1, bhh1,
        Wc1, bc1, Wc2, bc2, Wr1, br1, Wr2, br2, We, bee, Wn, bn)
    agg2b = sc_agg_a(h1b.reshape(GN * N, H), pidx).reshape(GN, N, D)
    inv_b = inv + 0.0 * hga[0, :, :1]
    hgb, rcb, rrb, nsab, baseb = _tc_gru(
        agg2b.reshape(1, T, N, D), inv_b, cnt, W_gcn2, b_gcn2, g2, be2,
        Wih0, Whh0, bih0, bhh0, Wih1, Whh1, bih1, bhh1,
        Wc1, bc1, Wc2, bc2, Wr1, br1, Wr2, br2, We, bee, Wn, bn)

    rc = jnp.concatenate([rca, rcb], axis=0)
    rr = jnp.concatenate([rra, rrb], axis=0)
    nsa = jnp.concatenate([nsaa, nsab], axis=0)
    base = jnp.concatenate([basea, baseb], axis=0)
    hg = jnp.concatenate([hga, hgb], axis=0)

    seg = sc_root(nsa.reshape(B, N), src, dst, zeros_1d)
    root = _tc_softmax(seg.reshape(B, NS, N), base.reshape(B, N))

    return rc, rr.reshape(B, N), root, hg

# --- scband reference (transcript-rebuilt; emitter-appended) ---
"""Pipeline reference for scband-tgnn-18399639896425 (READ-ONLY COPY).

The authoritative reference and input builder live on the scoring server;
editing this copy changes nothing except your own understanding.
"""

import jax, jax.numpy as jnp
import numpy as np

B = 2
T = 8
N_NODES = 10000
E_EDGES = 160000
F_IN = 128
H_GCN = 128
H_GRU = 128
N_CLS = 4


def _p(key, i, shape, scale):
    return jax.random.normal(jax.random.fold_in(key, i), shape, jnp.float32) * scale


def setup_inputs(seed: int = 0):
    key = jax.random.key(seed)
    inp = {}
    inp['x'] = jax.random.normal(jax.random.fold_in(key, 0), (B, T, N_NODES, F_IN), jnp.float32)
    inp['edge_index'] = jax.random.randint(jax.random.fold_in(key, 1), (2, E_EDGES), 0, N_NODES)
    s1 = 1.0 / np.sqrt(F_IN)
    s2 = 1.0 / np.sqrt(H_GCN)
    inp['W_gcn1'] = _p(key, 2, (H_GCN, F_IN), s1)
    inp['b_gcn1'] = jnp.zeros((H_GCN,), jnp.float32)
    inp['g1'] = jnp.ones((H_GCN,), jnp.float32)
    inp['be1'] = jnp.zeros((H_GCN,), jnp.float32)
    inp['W_gcn2'] = _p(key, 3, (H_GCN, H_GCN), s2)
    inp['b_gcn2'] = jnp.zeros((H_GCN,), jnp.float32)
    inp['g2'] = jnp.ones((H_GCN,), jnp.float32)
    inp['be2'] = jnp.zeros((H_GCN,), jnp.float32)
    inp['Wih0'] = _p(key, 4, (3 * H_GRU, H_GCN), s2)
    inp['Whh0'] = _p(key, 5, (3 * H_GRU, H_GRU), s2)
    inp['bih0'] = jnp.zeros((3 * H_GRU,), jnp.float32)
    inp['bhh0'] = jnp.zeros((3 * H_GRU,), jnp.float32)
    inp['Wih1'] = _p(key, 6, (3 * H_GRU, H_GRU), s2)
    inp['Whh1'] = _p(key, 7, (3 * H_GRU, H_GRU), s2)
    inp['bih1'] = jnp.zeros((3 * H_GRU,), jnp.float32)
    inp['bhh1'] = jnp.zeros((3 * H_GRU,), jnp.float32)
    inp['Wc1'] = _p(key, 8, (H_GRU // 2, H_GRU), s2)
    inp['bc1'] = jnp.zeros((H_GRU // 2,), jnp.float32)
    inp['Wc2'] = _p(key, 9, (N_CLS, H_GRU // 2), 1.0 / np.sqrt(H_GRU // 2))
    inp['bc2'] = jnp.zeros((N_CLS,), jnp.float32)
    inp['Wr1'] = _p(key, 10, (H_GRU // 2, H_GRU), s2)
    inp['br1'] = jnp.zeros((H_GRU // 2,), jnp.float32)
    inp['Wr2'] = _p(key, 11, (1, H_GRU // 2), 1.0 / np.sqrt(H_GRU // 2))
    inp['br2'] = jnp.zeros((1,), jnp.float32)
    inp['We'] = _p(key, 12, (1, 2 * H_GRU), 1.0 / np.sqrt(2 * H_GRU))
    inp['bee'] = jnp.zeros((1,), jnp.float32)
    inp['Wn'] = _p(key, 13, (1, H_GRU), s2)
    inp['bn'] = jnp.zeros((1,), jnp.float32)
    return inp


def reference(x, edge_index, W_gcn1, b_gcn1, g1, be1, W_gcn2, b_gcn2, g2, be2, Wih0, Whh0, bih0, bhh0, Wih1, Whh1, bih1, bhh1, Wc1, bc1, Wc2, bc2, Wr1, br1, Wr2, br2, We, bee, Wn, bn):
    Bb, Tt, N, Fd = x.shape
    src = edge_index[0]
    dst = edge_index[1]
    xf = x.reshape(Bb * Tt, N, Fd)

    def gcn(xin, W, b, g, bt):
        agg = jnp.zeros_like(xin).at[:, dst].add(xin[:, src])
        deg = jnp.zeros((N,), xin.dtype).at[dst].add(1.0)
        deg = jnp.clip(deg + 1.0, 1.0)[None, :, None]
        out = (xin + agg) / deg
        out = out @ W.T + b
        mu = jnp.mean(out, axis=-1, keepdims=True)
        var = jnp.mean((out - mu) ** 2, axis=-1, keepdims=True)
        out = (out - mu) / jnp.sqrt(var + 1e-5) * g + bt
        return jax.nn.relu(out)

    h1 = gcn(xf, W_gcn1, b_gcn1, g1, be1)
    h2 = gcn(h1, W_gcn2, b_gcn2, g2, be2)
    gcn_out = h2.reshape(Bb, Tt, N, H_GCN)
    gru_in = jnp.transpose(gcn_out, (0, 2, 1, 3)).reshape(Bb * N, Tt, H_GCN)

    def gru_layer(xseq, Wih, Whh, bih, bhh):
        H = Whh.shape[1]

        def step(h, xt):
            gi = xt @ Wih.T + bih
            gh = h @ Whh.T + bhh
            ir, iz, inn = jnp.split(gi, 3, axis=-1)
            hr, hz, hn = jnp.split(gh, 3, axis=-1)
            r = jax.nn.sigmoid(ir + hr)
            z = jax.nn.sigmoid(iz + hz)
            n = jnp.tanh(inn + r * hn)
            hnew = (1.0 - z) * n + z * h
            return hnew, hnew

        h0 = jnp.zeros((xseq.shape[0], H), xseq.dtype)
        _, ys = jax.lax.scan(step, h0, jnp.swapaxes(xseq, 0, 1))
        return jnp.swapaxes(ys, 0, 1)

    y0 = gru_layer(gru_in, Wih0, Whh0, bih0, bhh0)
    y1 = gru_layer(y0, Wih1, Whh1, bih1, bhh1)
    h = y1[:, -1, :].reshape(Bb, N, H_GRU)

    z1 = jax.nn.relu(h @ Wc1.T + bc1)
    risk_cls = z1 @ Wc2.T + bc2
    z2 = jax.nn.relu(h @ Wr1.T + br1)
    risk_reg = jax.nn.sigmoid(z2 @ Wr2.T + br2).squeeze(-1)

    def root(hb):
        ef = jnp.concatenate([hb[src], hb[dst]], axis=-1)
        es = (ef @ We.T + bee).squeeze(-1)
        nes = jnp.zeros((N,), hb.dtype).at[dst].add(es)
        nss = (hb @ Wn.T + bn).squeeze(-1)
        return jax.nn.softmax(nes + nss, axis=0)

    root_cause = jax.vmap(root)(h)
    return (risk_cls, risk_reg, root_cause, h)

if __name__ == "__main__":
    import jax
    _d = setup_inputs()
    print(jax.jit(kernel)(*tuple(_d.values())))

</pallas_src>

<mosaic_0001>
#map = affine_map<(d0, d1) -> (0, 0)>
#map1 = affine_map<(d0, d1) -> (0, 0, 0, 0)>
module attributes {stable_mosaic.version = 14 : i64} {
  func.func @_sc_agg_body(%arg0: i32, %arg1: i32, %arg2: memref<160000x128xf32, #tpu.memory_space<hbm>>, %arg3: memref<16x125x2x80xi32, #tpu.memory_space<hbm>>, %arg4: memref<80000x128xf32, #tpu.memory_space<hbm>>, %arg5: memref<125x2x80xi32, #tpu.memory_space<vmem>>, %arg6: memref<80x128xf32, #tpu.memory_space<vmem>>, %arg7: memref<80x128xf32, #tpu.memory_space<vmem>>, %arg8: memref<10000x128xf32, #tpu.memory_space<vmem_shared>>, %arg9: memref<!tpu.dma_semaphore, #tpu.memory_space<semaphore_mem>>, %arg10: memref<!tpu.dma_semaphore, #tpu.memory_space<semaphore_mem>>, %arg11: memref<!tpu.dma_semaphore, #tpu.memory_space<semaphore_mem>>, %arg12: memref<!tpu.dma_semaphore, #tpu.memory_space<semaphore_mem>>, %arg13: memref<!tpu.dma_semaphore, #tpu.memory_space<semaphore_mem>>, %arg14: memref<!tpu.dma_semaphore, #tpu.memory_space<semaphore_mem>>) attributes {dimension_semantics = [#tpu.dimension_semantics<core_parallel>, #tpu.dimension_semantics<subcore_parallel>], iteration_bounds = array<i64: 2, 16>, scalar_prefetch = 0 : i64, scratch_operands = 10 : i64, tpu.core_type = #tpu.core_type<sc_vector_subcore>, window_params = [{transform_indices = #map}, {transform_indices = #map1}, {transform_indices = #map}]} {
    "tpu.region"() ({
      %run_scoped3A = tpu.sem_alloc : memref<!tpu.dma_semaphore, #tpu.memory_space<semaphore_mem>>
      %dma_start3A = arith.constant 0 : i32
      %dma_start3A_5 = arith.constant 0 : i32
      %dma_start3A_6 = arith.constant 0 : i32
      %dma_start3A_7 = tpu.memref_slice %arg3[%arg1, %dma_start3A, %dma_start3A_5, %dma_start3A_6] : memref<16x125x2x80xi32, #tpu.memory_space<hbm>> -> memref<1x125x2x80xi32, #tpu.memory_space<hbm>>
      %dma_start3A_8 = tpu.memref_squeeze %dma_start3A_7 : memref<1x125x2x80xi32, #tpu.memory_space<hbm>> -> memref<125x2x80xi32, #tpu.memory_space<hbm>>
      %dma_start3A_9 = arith.constant 0 : i32
      %dma_start3A_10 = arith.constant 0 : i32
      %dma_start3A_11 = arith.constant 0 : i32
      %dma_start3A_12 = tpu.memref_slice %arg3[%arg1, %dma_start3A_9, %dma_start3A_10, %dma_start3A_11] : memref<16x125x2x80xi32, #tpu.memory_space<hbm>> -> memref<1x125x2x80xi32, #tpu.memory_space<hbm>>
      %dma_start3A_13 = tpu.memref_squeeze %dma_start3A_12 : memref<1x125x2x80xi32, #tpu.memory_space<hbm>> -> memref<125x2x80xi32, #tpu.memory_space<hbm>>
      tpu.enqueue_dma source(%dma_start3A_13 : memref<125x2x80xi32, #tpu.memory_space<hbm>>) target(%arg5 : memref<125x2x80xi32, #tpu.memory_space<vmem>>) target_semaphore(%run_scoped3A : memref<!tpu.dma_semaphore, #tpu.memory_space<semaphore_mem>>)
      %dma_wait3A = arith.constant 0 : i32
      %dma_wait3A_14 = arith.constant 0 : i32
      %dma_wait3A_15 = arith.constant 0 : i32
      %dma_wait3A_16 = tpu.memref_slice %arg3[%arg1, %dma_wait3A, %dma_wait3A_14, %dma_wait3A_15] : memref<16x125x2x80xi32, #tpu.memory_space<hbm>> -> memref<1x125x2x80xi32, #tpu.memory_space<hbm>>
      %dma_wait3A_17 = tpu.memref_squeeze %dma_wait3A_16 : memref<1x125x2x80xi32, #tpu.memory_space<hbm>> -> memref<125x2x80xi32, #tpu.memory_space<hbm>>
      %dma_wait3A_18 = arith.constant 0 : i32
      %dma_wait3A_19 = arith.constant 0 : i32
      %dma_wait3A_20 = arith.constant 0 : i32
      %dma_wait3A_21 = tpu.memref_slice %arg3[%arg1, %dma_wait3A_18, %dma_wait3A_19, %dma_wait3A_20] : memref<16x125x2x80xi32, #tpu.memory_space<hbm>> -> memref<1x125x2x80xi32, #tpu.memory_space<hbm>>
      %dma_wait3A_22 = tpu.memref_squeeze %dma_wait3A_21 : memref<1x125x2x80xi32, #tpu.memory_space<hbm>> -> memref<125x2x80xi32, #tpu.memory_space<hbm>>
      tpu.wait_dma2 semaphore(%run_scoped3A : memref<!tpu.dma_semaphore, #tpu.memory_space<semaphore_mem>>) src(%dma_wait3A_22 : memref<125x2x80xi32, #tpu.memory_space<hbm>>) dst(%arg5 : memref<125x2x80xi32, #tpu.memory_space<vmem>>)
      tpu.yield
    }) : () -> ()
    %scan3A = arith.constant 0 : i32
    %scan3A_0 = arith.constant 0 : i32
    %scan3A_1 = arith.constant 4 : i32
    %scan3A_2 = arith.addi %scan3A_0, %scan3A_1 : i32
    %scan3A_3 = arith.constant 1 : i32
    scf.for %scan3A_5 = %scan3A_0 to %scan3A_2 step %scan3A_3  : i32 {
      %mul3A = arith.constant 4 : i32
      %mul3A_6 = arith.muli %arg0, %mul3A : i32
      %add3A = arith.addi %mul3A_6, %scan3A_5 : i32
      %add3A_7 = arith.constant 0 : i32
      %add3A_8 = arith.addi %add3A_7, %add3A : i32
      %mul3A_9 = arith.constant 625 : i32
      %mul3A_10 = arith.muli %arg1, %mul3A_9 : i32
      %mul3A_11 = arith.constant 10000 : i32
      %mul3A_12 = arith.muli %add3A_8, %mul3A_11 : i32
      %dma_start3A = arith.constant 0 : i32
      %dma_start3A_13 = tpu.memref_slice %arg8[%mul3A_10, %dma_start3A] : memref<10000x128xf32, #tpu.memory_space<vmem_shared>> -> memref<625x128xf32, #tpu.memory_space<vmem_shared>>
      %dma_start3A_14 = arith.constant 0 : i32
      %dma_start3A_15 = tpu.memref_slice %arg2[%mul3A_12, %dma_start3A_14] : memref<160000x128xf32, #tpu.memory_space<hbm>> -> memref<10000x128xf32, #tpu.memory_space<hbm>>
      %dma_start3A_16 = arith.constant 0 : i32
      %dma_start3A_17 = tpu.memref_slice %dma_start3A_15[%mul3A_10, %dma_start3A_16] : memref<10000x128xf32, #tpu.memory_space<hbm>> -> memref<625x128xf32, #tpu.memory_space<hbm>>
      tpu.enqueue_dma source(%dma_start3A_17 : memref<625x128xf32, #tpu.memory_space<hbm>>) target(%dma_start3A_13 : memref<625x128xf32, #tpu.memory_space<vmem_shared>>) target_semaphore(%arg13 : memref<!tpu.dma_semaphore, #tpu.memory_space<semaphore_mem>>)
      %dma_wait3A = arith.constant 0 : i32
      %dma_wait3A_18 = tpu.memref_slice %arg8[%mul3A_10, %dma_wait3A] : memref<10000x128xf32, #tpu.memory_space<vmem_shared>> -> memref<625x128xf32, #tpu.memory_space<vmem_shared>>
      %dma_wait3A_19 = arith.constant 0 : i32
      %dma_wait3A_20 = tpu.memref_slice %arg2[%mul3A_12, %dma_wait3A_19] : memref<160000x128xf32, #tpu.memory_space<hbm>> -> memref<10000x128xf32, #tpu.memory_space<hbm>>
      %dma_wait3A_21 = arith.constant 0 : i32
      %dma_wait3A_22 = tpu.memref_slice %dma_wait3A_20[%mul3A_10, %dma_wait3A_21] : memref<10000x128xf32, #tpu.memory_space<hbm>> -> memref<625x128xf32, #tpu.memory_space<hbm>>
      tpu.wait_dma2 semaphore(%arg13 : memref<!tpu.dma_semaphore, #tpu.memory_space<semaphore_mem>>) src(%dma_wait3A_22 : memref<625x128xf32, #tpu.memory_space<hbm>>) dst(%dma_wait3A_18 : memref<625x128xf32, #tpu.memory_space<vmem_shared>>)
      %barrier3A = arith.constant 0 : index
      tpu.barrier barrier_id(%barrier3A)
      %dma_start3A_23 = arith.constant 0 : i32
      %dma_start3A_24 = arith.constant 0 : i32
      %dma_start3A_25 = arith.constant 0 : i32
      %dma_start3A_26 = arith.constant 0 : i32
      %dma_start3A_27 = tpu.memref_slice %arg5[%dma_start3A_23, %dma_start3A_25, %dma_start3A_26] : memref<125x2x80xi32, #tpu.memory_space<vmem>> -> memref<1x2x80xi32, #tpu.memory_space<vmem>>
      %dma_start3A_28 = tpu.memref_squeeze %dma_start3A_27 : memref<1x2x80xi32, #tpu.memory_space<vmem>> -> memref<2x80xi32, #tpu.memory_space<vmem>>
      %dma_start3A_29 = arith.constant 0 : i32
      %dma_start3A_30 = tpu.memref_slice %dma_start3A_28[%dma_start3A_24, %dma_start3A_29] : memref<2x80xi32, #tpu.memory_space<vmem>> -> memref<1x80xi32, #tpu.memory_space<vmem>>
      %dma_start3A_31 = tpu.memref_squeeze %dma_start3A_30 : memref<1x80xi32, #tpu.memory_space<vmem>> -> memref<80xi32, #tpu.memory_space<vmem>>
      %dma_start3A_32 = arith.constant 0 : i32
      %dma_start3A_33 = tpu.memref_slice %arg2[%mul3A_12, %dma_start3A_32] : memref<160000x128xf32, #tpu.memory_space<hbm>> -> memref<10000x128xf32, #tpu.memory_space<hbm>>
      %dma_start3A_34 = arith.constant 0 : i32
      %dma_start3A_35 = arith.constant 0 : i32
      %dma_start3A_36 = tpu.memref_slice %dma_start3A_33[%dma_start3A_34, %dma_start3A_35] : memref<10000x128xf32, #tpu.memory_space<hbm>> -> memref<10000x128xf32, #tpu.memory_space<hbm>>
      tpu.enqueue_indirect_dma source(%dma_start3A_36 : memref<10000x128xf32, #tpu.memory_space<hbm>>) target(%arg6 : memref<80x128xf32, #tpu.memory_space<vmem>>) offsets(%dma_start3A_31 : memref<80xi32, #tpu.memory_space<vmem>>) semaphore(%arg9 : memref<!tpu.dma_semaphore, #tpu.memory_space<semaphore_mem>>)
      %dma_start3A_37 = arith.constant 1 : i32
      %dma_start3A_38 = arith.constant 0 : i32
      %dma_start3A_39 = arith.constant 0 : i32
      %dma_start3A_40 = arith.constant 0 : i32
      %dma_start3A_41 = tpu.memref_slice %arg5[%dma_start3A_37, %dma_start3A_39, %dma_start3A_40] : memref<125x2x80xi32, #tpu.memory_space<vmem>> -> memref<1x2x80xi32, #tpu.memory_space<vmem>>
      %dma_start3A_42 = tpu.memref_squeeze %dma_start3A_41 : memref<1x2x80xi32, #tpu.memory_space<vmem>> -> memref<2x80xi32, #tpu.memory_space<vmem>>
      %dma_start3A_43 = arith.constant 0 : i32
      %dma_start3A_44 = tpu.memref_slice %dma_start3A_42[%dma_start3A_38, %dma_start3A_43] : memref<2x80xi32, #tpu.memory_space<vmem>> -> memref<1x80xi32, #tpu.memory_space<vmem>>
      %dma_start3A_45 = tpu.memref_squeeze %dma_start3A_44 : memref<1x80xi32, #tpu.memory_space<vmem>> -> memref<80xi32, #tpu.memory_space<vmem>>
      %dma_start3A_46 = arith.constant 0 : i32
      %dma_start3A_47 = tpu.memref_slice %arg2[%mul3A_12, %dma_start3A_46] : memref<160000x128xf32, #tpu.memory_space<hbm>> -> memref<10000x128xf32, #tpu.memory_space<hbm>>
      %dma_start3A_48 = arith.constant 0 : i32
      %dma_start3A_49 = arith.constant 0 : i32
      %dma_start3A_50 = tpu.memref_slice %dma_start3A_47[%dma_start3A_48, %dma_start3A_49] : memref<10000x128xf32, #tpu.memory_space<hbm>> -> memref<10000x128xf32, #tpu.memory_space<hbm>>
      tpu.enqueue_indirect_dma source(%dma_start3A_50 : memref<10000x128xf32, #tpu.memory_space<hbm>>) target(%arg7 : memref<80x128xf32, #tpu.memory_space<vmem>>) offsets(%dma_start3A_45 : memref<80xi32, #tpu.memory_space<vmem>>) semaphore(%arg10 : memref<!tpu.dma_semaphore, #tpu.memory_space<semaphore_mem>>)
      %scan3A_51 = arith.constant 0 : i32
      %scan3A_52 = arith.constant 0 : i32
      %scan3A_53 = arith.constant 62 : i32
      %scan3A_54 = arith.addi %scan3A_52, %scan3A_53 : i32
      %scan3A_55 = arith.constant 1 : i32
      scf.for %scan3A_111 = %scan3A_52 to %scan3A_54 step %scan3A_55  : i32 {
        %mul3A_112 = arith.constant 2 : i32
        %mul3A_113 = arith.muli %mul3A_112, %scan3A_111 : i32
        %mul3A_114 = arith.constant 2 : i32
        %mul3A_115 = arith.muli %mul3A_114, %scan3A_111 : i32
        %add3A_116 = arith.constant 1 : i32
        %add3A_117 = arith.addi %mul3A_115, %add3A_116 : i32
        %dma_wait3A_118 = arith.constant 0 : i32
        %dma_wait3A_119 = arith.constant 0 : i32
        %dma_wait3A_120 = arith.constant 0 : i32
        %dma_wait3A_121 = tpu.memref_slice %arg5[%mul3A_113, %dma_wait3A_119, %dma_wait3A_120] : memref<125x2x80xi32, #tpu.memory_space<vmem>> -> memref<1x2x80xi32, #tpu.memory_space<vmem>>
        %dma_wait3A_122 = tpu.memref_squeeze %dma_wait3A_121 : memref<1x2x80xi32, #tpu.memory_space<vmem>> -> memref<2x80xi32, #tpu.memory_space<vmem>>
        %dma_wait3A_123 = arith.constant 0 : i32
        %dma_wait3A_124 = tpu.memref_slice %dma_wait3A_122[%dma_wait3A_118, %dma_wait3A_123] : memref<2x80xi32, #tpu.memory_space<vmem>> -> memref<1x80xi32, #tpu.memory_space<vmem>>
        %dma_wait3A_125 = tpu.memref_squeeze %dma_wait3A_124 : memref<1x80xi32, #tpu.memory_space<vmem>> -> memref<80xi32, #tpu.memory_space<vmem>>
        %dma_wait3A_126 = arith.constant 0 : i32
        %dma_wait3A_127 = tpu.memref_slice %arg2[%mul3A_12, %dma_wait3A_126] : memref<160000x128xf32, #tpu.memory_space<hbm>> -> memref<10000x128xf32, #tpu.memory_space<hbm>>
        %dma_wait3A_128 = arith.constant 0 : i32
        %dma_wait3A_129 = arith.constant 0 : i32
        %dma_wait3A_130 = tpu.memref_slice %dma_wait3A_127[%dma_wait3A_128, %dma_wait3A_129] : memref<10000x128xf32, #tpu.memory_space<hbm>> -> memref<10000x128xf32, #tpu.memory_space<hbm>>
        tpu.wait_indirect_dma semaphore(%arg9 : memref<!tpu.dma_semaphore, #tpu.memory_space<semaphore_mem>>) src(%dma_wait3A_130 : memref<10000x128xf32, #tpu.memory_space<hbm>>) dst(%arg6 : memref<80x128xf32, #tpu.memory_space<vmem>>)
        %dma_start3A_131 = arith.constant 1 : i32
        %dma_start3A_132 = arith.constant 0 : i32
        %dma_start3A_133 = arith.constant 0 : i32
        %dma_start3A_134 = tpu.memref_slice %arg5[%mul3A_113, %dma_start3A_132, %dma_start3A_133] : memref<125x2x80xi32, #tpu.memory_space<vmem>> -> memref<1x2x80xi32, #tpu.memory_space<vmem>>
        %dma_start3A_135 = tpu.memref_squeeze %dma_start3A_134 : memref<1x2x80xi32, #tpu.memory_space<vmem>> -> memref<2x80xi32, #tpu.memory_space<vmem>>
        %dma_start3A_136 = arith.constant 0 : i32
        %dma_start3A_137 = tpu.memref_slice %dma_start3A_135[%dma_start3A_131, %dma_start3A_136] : memref<2x80xi32, #tpu.memory_space<vmem>> -> memref<1x80xi32, #tpu.memory_space<vmem>>
        %dma_start3A_138 = tpu.memref_squeeze %dma_start3A_137 : memref<1x80xi32, #tpu.memory_space<vmem>> -> memref<80xi32, #tpu.memory_space<vmem>>
        %dma_start3A_139 = arith.constant 0 : i32
        %dma_start3A_140 = arith.constant 0 : i32
        %dma_start3A_141 = tpu.memref_slice %arg8[%dma_start3A_139, %dma_start3A_140] : memref<10000x128xf32, #tpu.memory_space<vmem_shared>> -> memref<10000x128xf32, #tpu.memory_space<vmem_shared>>
        tpu.enqueue_indirect_dma source(%arg6 : memref<80x128xf32, #tpu.memory_space<vmem>>) target(%dma_start3A_141 : memref<10000x128xf32, #tpu.memory_space<vmem_shared>>) offsets(%dma_start3A_138 : memref<80xi32, #tpu.memory_space<vmem>>) semaphore(%arg11 : memref<!tpu.dma_semaphore, #tpu.memory_space<semaphore_mem>>) {add = true}
        %dma_wait3A_142 = arith.constant 1 : i32
        %dma_wait3A_143 = arith.constant 0 : i32
        %dma_wait3A_144 = arith.constant 0 : i32
        %dma_wait3A_145 = tpu.memref_slice %arg5[%mul3A_113, %dma_wait3A_143, %dma_wait3A_144] : memref<125x2x80xi32, #tpu.memory_space<vmem>> -> memref<1x2x80xi32, #tpu.memory_space<vmem>>
        %dma_wait3A_146 = tpu.memref_squeeze %dma_wait3A_145 : memref<1x2x80xi32, #tpu.memory_space<vmem>> -> memref<2x80xi32, #tpu.memory_space<vmem>>
        %dma_wait3A_147 = arith.constant 0 : i32
        %dma_wait3A_148 = tpu.memref_slice %dma_wait3A_146[%dma_wait3A_142, %dma_wait3A_147] : memref<2x80xi32, #tpu.memory_space<vmem>> -> memref<1x80xi32, #tpu.memory_space<vmem>>
        %dma_wait3A_149 = tpu.memref_squeeze %dma_wait3A_148 : memref<1x80xi32, #tpu.memory_space<vmem>> -> memref<80xi32, #tpu.memory_space<vmem>>
        %dma_wait3A_150 = arith.constant 0 : i32
        %dma_wait3A_151 = arith.constant 0 : i32
        %dma_wait3A_152 = tpu.memref_slice %arg8[%dma_wait3A_150, %dma_wait3A_151] : memref<10000x128xf32, #tpu.memory_space<vmem_shared>> -> memref<10000x128xf32, #tpu.memory_space<vmem_shared>>
        tpu.wait_indirect_dma semaphore(%arg11 : memref<!tpu.dma_semaphore, #tpu.memory_space<semaphore_mem>>) src(%arg6 : memref<80x128xf32, #tpu.memory_space<vmem>>) dst(%dma_wait3A_152 : memref<10000x128xf32, #tpu.memory_space<vmem_shared>>)
        %add3A_153 = arith.constant 2 : i32
        %add3A_154 = arith.addi %mul3A_113, %add3A_153 : i32
        %dma_start3A_155 = arith.constant 0 : i32
        %dma_start3A_156 = arith.constant 0 : i32
        %dma_start3A_157 = arith.constant 0 : i32
        %dma_start3A_158 = tpu.memref_slice %arg5[%add3A_154, %dma_start3A_156, %dma_start3A_157] : memref<125x2x80xi32, #tpu.memory_space<vmem>> -> memref<1x2x80xi32, #tpu.memory_space<vmem>>
        %dma_start3A_159 = tpu.memref_squeeze %dma_start3A_158 : memref<1x2x80xi32, #tpu.memory_space<vmem>> -> memref<2x80xi32, #tpu.memory_space<vmem>>
        %dma_start3A_160 = arith.constant 0 : i32
        %dma_start3A_161 = tpu.memref_slice %dma_start3A_159[%dma_start3A_155, %dma_start3A_160] : memref<2x80xi32, #tpu.memory_space<vmem>> -> memref<1x80xi32, #tpu.memory_space<vmem>>
        %dma_start3A_162 = tpu.memref_squeeze %dma_start3A_161 : memref<1x80xi32, #tpu.memory_space<vmem>> -> memref<80xi32, #tpu.memory_space<vmem>>
        %dma_start3A_163 = arith.constant 0 : i32
        %dma_start3A_164 = tpu.memref_slice %arg2[%mul3A_12, %dma_start3A_163] : memref<160000x128xf32, #tpu.memory_space<hbm>> -> memref<10000x128xf32, #tpu.memory_space<hbm>>
        %dma_start3A_165 = arith.constant 0 : i32
        %dma_start3A_166 = arith.constant 0 : i32
        %dma_start3A_167 = tpu.memref_slice %dma_start3A_164[%dma_start3A_165, %dma_start3A_166] : memref<10000x128xf32, #tpu.memory_space<hbm>> -> memref<10000x128xf32, #tpu.memory_space<hbm>>
        tpu.enqueue_indirect_dma source(%dma_start3A_167 : memref<10000x128xf32, #tpu.memory_space<hbm>>) target(%arg6 : memref<80x128xf32, #tpu.memory_space<vmem>>) offsets(%dma_start3A_162 : memref<80xi32, #tpu.memory_space<vmem>>) semaphore(%arg9 : memref<!tpu.dma_semaphore, #tpu.memory_space<semaphore_mem>>)
        %dma_wait3A_168 = arith.constant 0 : i32
        %dma_wait3A_169 = arith.constant 0 : i32
        %dma_wait3A_170 = arith.constant 0 : i32
        %dma_wait3A_171 = tpu.memref_slice %arg5[%add3A_117, %dma_wait3A_169, %dma_wait3A_170] : memref<125x2x80xi32, #tpu.memory_space<vmem>> -> memref<1x2x80xi32, #tpu.memory_space<vmem>>
        %dma_wait3A_172 = tpu.memref_squeeze %dma_wait3A_171 : memref<1x2x80xi32, #tpu.memory_space<vmem>> -> memref<2x80xi32, #tpu.memory_space<vmem>>
        %dma_wait3A_173 = arith.constant 0 : i32
        %dma_wait3A_174 = tpu.memref_slice %dma_wait3A_172[%dma_wait3A_168, %dma_wait3A_173] : memref<2x80xi32, #tpu.memory_space<vmem>> -> memref<1x80xi32, #tpu.memory_space<vmem>>
        %dma_wait3A_175 = tpu.memref_squeeze %dma_wait3A_174 : memref<1x80xi32, #tpu.memory_space<vmem>> -> memref<80xi32, #tpu.memory_space<vmem>>
        %dma_wait3A_176 = arith.constant 0 : i32
        %dma_wait3A_177 = tpu.memref_slice %arg2[%mul3A_12, %dma_wait3A_176] : memref<160000x128xf32, #tpu.memory_space<hbm>> -> memref<10000x128xf32, #tpu.memory_space<hbm>>
        %dma_wait3A_178 = arith.constant 0 : i32
        %dma_wait3A_179 = arith.constant 0 : i32
        %dma_wait3A_180 = tpu.memref_slice %dma_wait3A_177[%dma_wait3A_178, %dma_wait3A_179] : memref<10000x128xf32, #tpu.memory_space<hbm>> -> memref<10000x128xf32, #tpu.memory_space<hbm>>
        tpu.wait_indirect_dma semaphore(%arg10 : memref<!tpu.dma_semaphore, #tpu.memory_space<semaphore_mem>>) src(%dma_wait3A_180 : memref<10000x128xf32, #tpu.memory_space<hbm>>) dst(%arg7 : memref<80x128xf32, #tpu.memory_space<vmem>>)
        %dma_start3A_181 = arith.constant 1 : i32
        %dma_start3A_182 = arith.constant 0 : i32
        %dma_start3A_183 = arith.constant 0 : i32
        %dma_start3A_184 = tpu.memref_slice %arg5[%add3A_117, %dma_start3A_182, %dma_start3A_183] : memref<125x2x80xi32, #tpu.memory_space<vmem>> -> memref<1x2x80xi32, #tpu.memory_space<vmem>>
        %dma_start3A_185 = tpu.memref_squeeze %dma_start3A_184 : memref<1x2x80xi32, #tpu.memory_space<vmem>> -> memref<2x80xi32, #tpu.memory_space<vmem>>
        %dma_start3A_186 = arith.constant 0 : i32
        %dma_start3A_187 = tpu.memref_slice %dma_start3A_185[%dma_start3A_181, %dma_start3A_186] : memref<2x80xi32, #tpu.memory_space<vmem>> -> memref<1x80xi32, #tpu.memory_space<vmem>>
        %dma_start3A_188 = tpu.memref_squeeze %dma_start3A_187 : memref<1x80xi32, #tpu.memory_space<vmem>> -> memref<80xi32, #tpu.memory_space<vmem>>
        %dma_start3A_189 = arith.constant 0 : i32
        %dma_start3A_190 = arith.constant 0 : i32
        %dma_start3A_191 = tpu.memref_slice %arg8[%dma_start3A_189, %dma_start3A_190] : memref<10000x128xf32, #tpu.memory_space<vmem_shared>> -> memref<10000x128xf32, #tpu.memory_space<vmem_shared>>
        tpu.enqueue_indirect_dma source(%arg7 : memref<80x128xf32, #tpu.memory_space<vmem>>) target(%dma_start3A_191 : memref<10000x128xf32, #tpu.memory_space<vmem_shared>>) offsets(%dma_start3A_188 : memref<80xi32, #tpu.memory_space<vmem>>) semaphore(%arg12 : memref<!tpu.dma_semaphore, #tpu.memory_space<semaphore_mem>>) {add = true}
        %dma_wait3A_192 = arith.constant 1 : i32
        %dma_wait3A_193 = arith.constant 0 : i32
        %dma_wait3A_194 = arith.constant 0 : i32
        %dma_wait3A_195 = tpu.memref_slice %arg5[%add3A_117, %dma_wait3A_193, %dma_wait3A_194] : memref<125x2x80xi32, #tpu.memory_space<vmem>> -> memref<1x2x80xi32, #tpu.memory_space<vmem>>
        %dma_wait3A_196 = tpu.memref_squeeze %dma_wait3A_195 : memref<1x2x80xi32, #tpu.memory_space<vmem>> -> memref<2x80xi32, #tpu.memory_space<vmem>>
        %dma_wait3A_197 = arith.constant 0 : i32
        %dma_wait3A_198 = tpu.memref_slice %dma_wait3A_196[%dma_wait3A_192, %dma_wait3A_197] : memref<2x80xi32, #tpu.memory_space<vmem>> -> memref<1x80xi32, #tpu.memory_space<vmem>>
        %dma_wait3A_199 = tpu.memref_squeeze %dma_wait3A_198 : memref<1x80xi32, #tpu.memory_space<vmem>> -> memref<80xi32, #tpu.memory_space<vmem>>
        %dma_wait3A_200 = arith.constant 0 : i32
        %dma_wait3A_201 = arith.constant 0 : i32
        %dma_wait3A_202 = tpu.memref_slice %arg8[%dma_wait3A_200, %dma_wait3A_201] : memref<10000x128xf32, #tpu.memory_space<vmem_shared>> -> memref<10000x128xf32, #tpu.memory_space<vmem_shared>>
        tpu.wait_indirect_dma semaphore(%arg12 : memref<!tpu.dma_semaphore, #tpu.memory_space<semaphore_mem>>) src(%arg7 : memref<80x128xf32, #tpu.memory_space<vmem>>) dst(%dma_wait3A_202 : memref<10000x128xf32, #tpu.memory_space<vmem_shared>>)
        %add3A_203 = arith.constant 2 : i32
        %add3A_204 = arith.addi %add3A_117, %add3A_203 : i32
        %lt3A = arith.constant 125 : i32
        %lt3A_205 = arith.cmpi slt, %add3A_204, %lt3A : i32
        %convert_element_type3A = arith.extui %lt3A_205 : i1 to i32
        %cond3A = arith.constant 0 : i32
        %cond3A_206 = arith.cmpi ne, %convert_element_type3A, %cond3A : i32
        scf.if %cond3A_206 {
          %add3A_207 = arith.constant 2 : i32
          %add3A_208 = arith.addi %add3A_117, %add3A_207 : i32
          %dma_start3A_209 = arith.constant 0 : i32
          %dma_start3A_210 = arith.constant 0 : i32
          %dma_start3A_211 = arith.constant 0 : i32
          %dma_start3A_212 = tpu.memref_slice %arg5[%add3A_208, %dma_start3A_210, %dma_start3A_211] : memref<125x2x80xi32, #tpu.memory_space<vmem>> -> memref<1x2x80xi32, #tpu.memory_space<vmem>>
          %dma_start3A_213 = tpu.memref_squeeze %dma_start3A_212 : memref<1x2x80xi32, #tpu.memory_space<vmem>> -> memref<2x80xi32, #tpu.memory_space<vmem>>
          %dma_start3A_214 = arith.constant 0 : i32
          %dma_start3A_215 = tpu.memref_slice %dma_start3A_213[%dma_start3A_209, %dma_start3A_214] : memref<2x80xi32, #tpu.memory_space<vmem>> -> memref<1x80xi32, #tpu.memory_space<vmem>>
          %dma_start3A_216 = tpu.memref_squeeze %dma_start3A_215 : memref<1x80xi32, #tpu.memory_space<vmem>> -> memref<80xi32, #tpu.memory_space<vmem>>
          %dma_start3A_217 = arith.constant 0 : i32
          %dma_start3A_218 = tpu.memref_slice %arg2[%mul3A_12, %dma_start3A_217] : memref<160000x128xf32, #tpu.memory_space<hbm>> -> memref<10000x128xf32, #tpu.memory_space<hbm>>
          %dma_start3A_219 = arith.constant 0 : i32
          %dma_start3A_220 = arith.constant 0 : i32
          %dma_start3A_221 = tpu.memref_slice %dma_start3A_218[%dma_start3A_219, %dma_start3A_220] : memref<10000x128xf32, #tpu.memory_space<hbm>> -> memref<10000x128xf32, #tpu.memory_space<hbm>>
          tpu.enqueue_indirect_dma source(%dma_start3A_221 : memref<10000x128xf32, #tpu.memory_space<hbm>>) target(%arg7 : memref<80x128xf32, #tpu.memory_space<vmem>>) offsets(%dma_start3A_216 : memref<80xi32, #tpu.memory_space<vmem>>) semaphore(%arg10 : memref<!tpu.dma_semaphore, #tpu.memory_space<semaphore_mem>>)
        } else {
        }
      }
      %scan3A_56 = arith.constant 62 : i32
      %dma_wait3A_57 = arith.constant 124 : i32
      %dma_wait3A_58 = arith.constant 0 : i32
      %dma_wait3A_59 = arith.constant 0 : i32
      %dma_wait3A_60 = arith.constant 0 : i32
      %dma_wait3A_61 = tpu.memref_slice %arg5[%dma_wait3A_57, %dma_wait3A_59, %dma_wait3A_60] : memref<125x2x80xi32, #tpu.memory_space<vmem>> -> memref<1x2x80xi32, #tpu.memory_space<vmem>>
      %dma_wait3A_62 = tpu.memref_squeeze %dma_wait3A_61 : memref<1x2x80xi32, #tpu.memory_space<vmem>> -> memref<2x80xi32, #tpu.memory_space<vmem>>
      %dma_wait3A_63 = arith.constant 0 : i32
      %dma_wait3A_64 = tpu.memref_slice %dma_wait3A_62[%dma_wait3A_58, %dma_wait3A_63] : memref<2x80xi32, #tpu.memory_space<vmem>> -> memref<1x80xi32, #tpu.memory_space<vmem>>
      %dma_wait3A_65 = tpu.memref_squeeze %dma_wait3A_64 : memref<1x80xi32, #tpu.memory_space<vmem>> -> memref<80xi32, #tpu.memory_space<vmem>>
      %dma_wait3A_66 = arith.constant 0 : i32
      %dma_wait3A_67 = tpu.memref_slice %arg2[%mul3A_12, %dma_wait3A_66] : memref<160000x128xf32, #tpu.memory_space<hbm>> -> memref<10000x128xf32, #tpu.memory_space<hbm>>
      %dma_wait3A_68 = arith.constant 0 : i32
      %dma_wait3A_69 = arith.constant 0 : i32
      %dma_wait3A_70 = tpu.memref_slice %dma_wait3A_67[%dma_wait3A_68, %dma_wait3A_69] : memref<10000x128xf32, #tpu.memory_space<hbm>> -> memref<10000x128xf32, #tpu.memory_space<hbm>>
      tpu.wait_indirect_dma semaphore(%arg9 : memref<!tpu.dma_semaphore, #tpu.memory_space<semaphore_mem>>) src(%dma_wait3A_70 : memref<10000x128xf32, #tpu.memory_space<hbm>>) dst(%arg6 : memref<80x128xf32, #tpu.memory_space<vmem>>)
      %dma_start3A_71 = arith.constant 124 : i32
      %dma_start3A_72 = arith.constant 1 : i32
      %dma_start3A_73 = arith.constant 0 : i32
      %dma_start3A_74 = arith.constant 0 : i32
      %dma_start3A_75 = tpu.memref_slice %arg5[%dma_start3A_71, %dma_start3A_73, %dma_start3A_74] : memref<125x2x80xi32, #tpu.memory_space<vmem>> -> memref<1x2x80xi32, #tpu.memory_space<vmem>>
      %dma_start3A_76 = tpu.memref_squeeze %dma_start3A_75 : memref<1x2x80xi32, #tpu.memory_space<vmem>> -> memref<2x80xi32, #tpu.memory_space<vmem>>
      %dma_start3A_77 = arith.constant 0 : i32
      %dma_start3A_78 = tpu.memref_slice %dma_start3A_76[%dma_start3A_72, %dma_start3A_77] : memref<2x80xi32, #tpu.memory_space<vmem>> -> memref<1x80xi32, #tpu.memory_space<vmem>>
      %dma_start3A_79 = tpu.memref_squeeze %dma_start3A_78 : memref<1x80xi32, #tpu.memory_space<vmem>> -> memref<80xi32, #tpu.memory_space<vmem>>
      %dma_start3A_80 = arith.constant 0 : i32
      %dma_start3A_81 = arith.constant 0 : i32
      %dma_start3A_82 = tpu.memref_slice %arg8[%dma_start3A_80, %dma_start3A_81] : memref<10000x128xf32, #tpu.memory_space<vmem_shared>> -> memref<10000x128xf32, #tpu.memory_space<vmem_shared>>
      tpu.enqueue_indirect_dma source(%arg6 : memref<80x128xf32, #tpu.memory_space<vmem>>) target(%dma_start3A_82 : memref<10000x128xf32, #tpu.memory_space<vmem_shared>>) offsets(%dma_start3A_79 : memref<80xi32, #tpu.memory_space<vmem>>) semaphore(%arg11 : memref<!tpu.dma_semaphore, #tpu.memory_space<semaphore_mem>>) {add = true}
      %dma_wait3A_83 = arith.constant 124 : i32
      %dma_wait3A_84 = arith.constant 1 : i32
      %dma_wait3A_85 = arith.constant 0 : i32
      %dma_wait3A_86 = arith.constant 0 : i32
      %dma_wait3A_87 = tpu.memref_slice %arg5[%dma_wait3A_83, %dma_wait3A_85, %dma_wait3A_86] : memref<125x2x80xi32, #tpu.memory_space<vmem>> -> memref<1x2x80xi32, #tpu.memory_space<vmem>>
      %dma_wait3A_88 = tpu.memref_squeeze %dma_wait3A_87 : memref<1x2x80xi32, #tpu.memory_space<vmem>> -> memref<2x80xi32, #tpu.memory_space<vmem>>
      %dma_wait3A_89 = arith.constant 0 : i32
      %dma_wait3A_90 = tpu.memref_slice %dma_wait3A_88[%dma_wait3A_84, %dma_wait3A_89] : memref<2x80xi32, #tpu.memory_space<vmem>> -> memref<1x80xi32, #tpu.memory_space<vmem>>
      %dma_wait3A_91 = tpu.memref_squeeze %dma_wait3A_90 : memref<1x80xi32, #tpu.memory_space<vmem>> -> memref<80xi32, #tpu.memory_space<vmem>>
      %dma_wait3A_92 = arith.constant 0 : i32
      %dma_wait3A_93 = arith.constant 0 : i32
      %dma_wait3A_94 = tpu.memref_slice %arg8[%dma_wait3A_92, %dma_wait3A_93] : memref<10000x128xf32, #tpu.memory_space<vmem_shared>> -> memref<10000x128xf32, #tpu.memory_space<vmem_shared>>
      tpu.wait_indirect_dma semaphore(%arg11 : memref<!tpu.dma_semaphore, #tpu.memory_space<semaphore_mem>>) src(%arg6 : memref<80x128xf32, #tpu.memory_space<vmem>>) dst(%dma_wait3A_94 : memref<10000x128xf32, #tpu.memory_space<vmem_shared>>)
      %barrier3A_95 = arith.constant 0 : index
      tpu.barrier barrier_id(%barrier3A_95)
      %mul3A_96 = arith.constant 10000 : i32
      %mul3A_97 = arith.muli %add3A, %mul3A_96 : i32
      %add3A_98 = arith.addi %mul3A_97, %mul3A_10 : i32
      %dma_start3A_99 = arith.constant 0 : i32
      %dma_start3A_100 = tpu.memref_slice %arg4[%add3A_98, %dma_start3A_99] : memref<80000x128xf32, #tpu.memory_space<hbm>> -> memref<625x128xf32, #tpu.memory_space<hbm>>
      %dma_start3A_101 = arith.constant 0 : i32
      %dma_start3A_102 = tpu.memref_slice %arg8[%mul3A_10, %dma_start3A_101] : memref<10000x128xf32, #tpu.memory_space<vmem_shared>> -> memref<625x128xf32, #tpu.memory_space<vmem_shared>>
      tpu.enqueue_dma source(%dma_start3A_102 : memref<625x128xf32, #tpu.memory_space<vmem_shared>>) target(%dma_start3A_100 : memref<625x128xf32, #tpu.memory_space<hbm>>) target_semaphore(%arg14 : memref<!tpu.dma_semaphore, #tpu.memory_space<semaphore_mem>>)
      %mul3A_103 = arith.constant 10000 : i32
      %mul3A_104 = arith.muli %add3A, %mul3A_103 : i32
      %add3A_105 = arith.addi %mul3A_104, %mul3A_10 : i32
      %dma_wait3A_106 = arith.constant 0 : i32
      %dma_wait3A_107 = tpu.memref_slice %arg4[%add3A_105, %dma_wait3A_106] : memref<80000x128xf32, #tpu.memory_space<hbm>> -> memref<625x128xf32, #tpu.memory_space<hbm>>
      %dma_wait3A_108 = arith.constant 0 : i32
      %dma_wait3A_109 = tpu.memref_slice %arg8[%mul3A_10, %dma_wait3A_108] : memref<10000x128xf32, #tpu.memory_space<vmem_shared>> -> memref<625x128xf32, #tpu.memory_space<vmem_shared>>
      tpu.wait_dma2 semaphore(%arg14 : memref<!tpu.dma_semaphore, #tpu.memory_space<semaphore_mem>>) src(%dma_wait3A_109 : memref<625x128xf32, #tpu.memory_space<vmem_shared>>) dst(%dma_wait3A_107 : memref<625x128xf32, #tpu.memory_space<hbm>>)
      %barrier3A_110 = arith.constant 0 : index
      tpu.barrier barrier_id(%barrier3A_110)
    }
    %scan3A_4 = arith.constant 4 : i32
    return
  }
}

#map = affine_map<(d0, d1) -> (0, 0)>
#map1 = affine_map<(d0, d1) -> (0, 0, 0, 0)>
module attributes {stable_mosaic.version = 14 : i64} {
  func.func @_sc_agg_body(%arg0: i32, %arg1: i32, %arg2: memref<80000x128xf32, #tpu.memory_space<hbm>>, %arg3: memref<16x125x2x80xi32, #tpu.memory_space<hbm>>, %arg4: memref<80000x128xf32, #tpu.memory_space<hbm>>, %arg5: memref<125x2x80xi32, #tpu.memory_space<vmem>>, %arg6: memref<80x128xf32, #tpu.memory_space<vmem>>, %arg7: memref<80x128xf32, #tpu.memory_space<vmem>>, %arg8: memref<10000x128xf32, #tpu.memory_space<vmem_shared>>, %arg9: memref<!tpu.dma_semaphore, #tpu.memory_space<semaphore_mem>>, %arg10: memref<!tpu.dma_semaphore, #tpu.memory_space<semaphore_mem>>, %arg11: memref<!tpu.dma_semaphore, #tpu.memory_space<semaphore_mem>>, %arg12: memref<!tpu.dma_semaphore, #tpu.memory_space<semaphore_mem>>, %arg13: memref<!tpu.dma_semaphore, #tpu.memory_space<semaphore_mem>>, %arg14: memref<!tpu.dma_semaphore, #tpu.memory_space<semaphore_mem>>) attributes {dimension_semantics = [#tpu.dimension_semantics<core_parallel>, #tpu.dimension_semantics<subcore_parallel>], iteration_bounds = array<i64: 2, 16>, scalar_prefetch = 0 : i64, scratch_operands = 10 : i64, tpu.core_type = #tpu.core_type<sc_vector_subcore>, window_params = [{transform_indices = #map}, {transform_indices = #map1}, {transform_indices = #map}]} {
    "tpu.region"() ({
      %run_scoped3A = tpu.sem_alloc : memref<!tpu.dma_semaphore, #tpu.memory_space<semaphore_mem>>
      %dma_start3A = arith.constant 0 : i32
      %dma_start3A_5 = arith.constant 0 : i32
      %dma_start3A_6 = arith.constant 0 : i32
      %dma_start3A_7 = tpu.memref_slice %arg3[%arg1, %dma_start3A, %dma_start3A_5, %dma_start3A_6] : memref<16x125x2x80xi32, #tpu.memory_space<hbm>> -> memref<1x125x2x80xi32, #tpu.memory_space<hbm>>
      %dma_start3A_8 = tpu.memref_squeeze %dma_start3A_7 : memref<1x125x2x80xi32, #tpu.memory_space<hbm>> -> memref<125x2x80xi32, #tpu.memory_space<hbm>>
      %dma_start3A_9 = arith.constant 0 : i32
      %dma_start3A_10 = arith.constant 0 : i32
      %dma_start3A_11 = arith.constant 0 : i32
      %dma_start3A_12 = tpu.memref_slice %arg3[%arg1, %dma_start3A_9, %dma_start3A_10, %dma_start3A_11] : memref<16x125x2x80xi32, #tpu.memory_space<hbm>> -> memref<1x125x2x80xi32, #tpu.memory_space<hbm>>
      %dma_start3A_13 = tpu.memref_squeeze %dma_start3A_12 : memref<1x125x2x80xi32, #tpu.memory_space<hbm>> -> memref<125x2x80xi32, #tpu.memory_space<hbm>>
      tpu.enqueue_dma source(%dma_start3A_13 : memref<125x2x80xi32, #tpu.memory_space<hbm>>) target(%arg5 : memref<125x2x80xi32, #tpu.memory_space<vmem>>) target_semaphore(%run_scoped3A : memref<!tpu.dma_semaphore, #tpu.memory_space<semaphore_mem>>)
      %dma_wait3A = arith.constant 0 : i32
      %dma_wait3A_14 = arith.constant 0 : i32
      %dma_wait3A_15 = arith.constant 0 : i32
      %dma_wait3A_16 = tpu.memref_slice %arg3[%arg1, %dma_wait3A, %dma_wait3A_14, %dma_wait3A_15] : memref<16x125x2x80xi32, #tpu.memory_space<hbm>> -> memref<1x125x2x80xi32, #tpu.memory_space<hbm>>
      %dma_wait3A_17 = tpu.memref_squeeze %dma_wait3A_16 : memref<1x125x2x80xi32, #tpu.memory_space<hbm>> -> memref<125x2x80xi32, #tpu.memory_space<hbm>>
      %dma_wait3A_18 = arith.constant 0 : i32
      %dma_wait3A_19 = arith.constant 0 : i32
      %dma_wait3A_20 = arith.constant 0 : i32
      %dma_wait3A_21 = tpu.memref_slice %arg3[%arg1, %dma_wait3A_18, %dma_wait3A_19, %dma_wait3A_20] : memref<16x125x2x80xi32, #tpu.memory_space<hbm>> -> memref<1x125x2x80xi32, #tpu.memory_space<hbm>>
      %dma_wait3A_22 = tpu.memref_squeeze %dma_wait3A_21 : memref<1x125x2x80xi32, #tpu.memory_space<hbm>> -> memref<125x2x80xi32, #tpu.memory_space<hbm>>
      tpu.wait_dma2 semaphore(%run_scoped3A : memref<!tpu.dma_semaphore, #tpu.memory_space<semaphore_mem>>) src(%dma_wait3A_22 : memref<125x2x80xi32, #tpu.memory_space<hbm>>) dst(%arg5 : memref<125x2x80xi32, #tpu.memory_space<vmem>>)
      tpu.yield
    }) : () -> ()
    %scan3A = arith.constant 0 : i32
    %scan3A_0 = arith.constant 0 : i32
    %scan3A_1 = arith.constant 4 : i32
    %scan3A_2 = arith.addi %scan3A_0, %scan3A_1 : i32
    %scan3A_3 = arith.constant 1 : i32
    scf.for %scan3A_5 = %scan3A_0 to %scan3A_2 step %scan3A_3  : i32 {
      %mul3A = arith.constant 4 : i32
      %mul3A_6 = arith.muli %arg0, %mul3A : i32
      %add3A = arith.addi %mul3A_6, %scan3A_5 : i32
      %add3A_7 = arith.constant 0 : i32
      %add3A_8 = arith.addi %add3A_7, %add3A : i32
      %mul3A_9 = arith.constant 625 : i32
      %mul3A_10 = arith.muli %arg1, %mul3A_9 : i32
      %mul3A_11 = arith.constant 10000 : i32
      %mul3A_12 = arith.muli %add3A_8, %mul3A_11 : i32
      %dma_start3A = arith.constant 0 : i32
      %dma_start3A_13 = tpu.memref_slice %arg8[%mul3A_10, %dma_start3A] : memref<10000x128xf32, #tpu.memory_space<vmem_shared>> -> memref<625x128xf32, #tpu.memory_space<vmem_shared>>
      %dma_start3A_14 = arith.constant 0 : i32
      %dma_start3A_15 = tpu.memref_slice %arg2[%mul3A_12, %dma_start3A_14] : memref<80000x128xf32, #tpu.memory_space<hbm>> -> memref<10000x128xf32, #tpu.memory_space<hbm>>
      %dma_start3A_16 = arith.constant 0 : i32
      %dma_start3A_17 = tpu.memref_slice %dma_start3A_15[%mul3A_10, %dma_start3A_16] : memref<10000x128xf32, #tpu.memory_space<hbm>> -> memref<625x128xf32, #tpu.memory_space<hbm>>
      tpu.enqueue_dma source(%dma_start3A_17 : memref<625x128xf32, #tpu.memory_space<hbm>>) target(%dma_start3A_13 : memref<625x128xf32, #tpu.memory_space<vmem_shared>>) target_semaphore(%arg13 : memref<!tpu.dma_semaphore, #tpu.memory_space<semaphore_mem>>)
      %dma_wait3A = arith.constant 0 : i32
      %dma_wait3A_18 = tpu.memref_slice %arg8[%mul3A_10, %dma_wait3A] : memref<10000x128xf32, #tpu.memory_space<vmem_shared>> -> memref<625x128xf32, #tpu.memory_space<vmem_shared>>
      %dma_wait3A_19 = arith.constant 0 : i32
      %dma_wait3A_20 = tpu.memref_slice %arg2[%mul3A_12, %dma_wait3A_19] : memref<80000x128xf32, #tpu.memory_space<hbm>> -> memref<10000x128xf32, #tpu.memory_space<hbm>>
      %dma_wait3A_21 = arith.constant 0 : i32
      %dma_wait3A_22 = tpu.memref_slice %dma_wait3A_20[%mul3A_10, %dma_wait3A_21] : memref<10000x128xf32, #tpu.memory_space<hbm>> -> memref<625x128xf32, #tpu.memory_space<hbm>>
      tpu.wait_dma2 semaphore(%arg13 : memref<!tpu.dma_semaphore, #tpu.memory_space<semaphore_mem>>) src(%dma_wait3A_22 : memref<625x128xf32, #tpu.memory_space<hbm>>) dst(%dma_wait3A_18 : memref<625x128xf32, #tpu.memory_space<vmem_shared>>)
      %barrier3A = arith.constant 0 : index
      tpu.barrier barrier_id(%barrier3A)
      %dma_start3A_23 = arith.constant 0 : i32
      %dma_start3A_24 = arith.constant 0 : i32
      %dma_start3A_25 = arith.constant 0 : i32
      %dma_start3A_26 = arith.constant 0 : i32
      %dma_start3A_27 = tpu.memref_slice %arg5[%dma_start3A_23, %dma_start3A_25, %dma_start3A_26] : memref<125x2x80xi32, #tpu.memory_space<vmem>> -> memref<1x2x80xi32, #tpu.memory_space<vmem>>
      %dma_start3A_28 = tpu.memref_squeeze %dma_start3A_27 : memref<1x2x80xi32, #tpu.memory_space<vmem>> -> memref<2x80xi32, #tpu.memory_space<vmem>>
      %dma_start3A_29 = arith.constant 0 : i32
      %dma_start3A_30 = tpu.memref_slice %dma_start3A_28[%dma_start3A_24, %dma_start3A_29] : memref<2x80xi32, #tpu.memory_space<vmem>> -> memref<1x80xi32, #tpu.memory_space<vmem>>
      %dma_start3A_31 = tpu.memref_squeeze %dma_start3A_30 : memref<1x80xi32, #tpu.memory_space<vmem>> -> memref<80xi32, #tpu.memory_space<vmem>>
      %dma_start3A_32 = arith.constant 0 : i32
      %dma_start3A_33 = tpu.memref_slice %arg2[%mul3A_12, %dma_start3A_32] : memref<80000x128xf32, #tpu.memory_space<hbm>> -> memref<10000x128xf32, #tpu.memory_space<hbm>>
      %dma_start3A_34 = arith.constant 0 : i32
      %dma_start3A_35 = arith.constant 0 : i32
      %dma_start3A_36 = tpu.memref_slice %dma_start3A_33[%dma_start3A_34, %dma_start3A_35] : memref<10000x128xf32, #tpu.memory_space<hbm>> -> memref<10000x128xf32, #tpu.memory_space<hbm>>
      tpu.enqueue_indirect_dma source(%dma_start3A_36 : memref<10000x128xf32, #tpu.memory_space<hbm>>) target(%arg6 : memref<80x128xf32, #tpu.memory_space<vmem>>) offsets(%dma_start3A_31 : memref<80xi32, #tpu.memory_space<vmem>>) semaphore(%arg9 : memref<!tpu.dma_semaphore, #tpu.memory_space<semaphore_mem>>)
      %dma_start3A_37 = arith.constant 1 : i32
      %dma_start3A_38 = arith.constant 0 : i32
      %dma_start3A_39 = arith.constant 0 : i32
      %dma_start3A_40 = arith.constant 0 : i32
      %dma_start3A_41 = tpu.memref_slice %arg5[%dma_start3A_37, %dma_start3A_39, %dma_start3A_40] : memref<125x2x80xi32, #tpu.memory_space<vmem>> -> memref<1x2x80xi32, #tpu.memory_space<vmem>>
      %dma_start3A_42 = tpu.memref_squeeze %dma_start3A_41 : memref<1x2x80xi32, #tpu.memory_space<vmem>> -> memref<2x80xi32, #tpu.memory_space<vmem>>
      %dma_start3A_43 = arith.constant 0 : i32
      %dma_start3A_44 = tpu.memref_slice %dma_start3A_42[%dma_start3A_38, %dma_start3A_43] : memref<2x80xi32, #tpu.memory_space<vmem>> -> memref<1x80xi32, #tpu.memory_space<vmem>>
      %dma_start3A_45 = tpu.memref_squeeze %dma_start3A_44 : memref<1x80xi32, #tpu.memory_space<vmem>> -> memref<80xi32, #tpu.memory_space<vmem>>
      %dma_start3A_46 = arith.constant 0 : i32
      %dma_start3A_47 = tpu.memref_slice %arg2[%mul3A_12, %dma_start3A_46] : memref<80000x128xf32, #tpu.memory_space<hbm>> -> memref<10000x128xf32, #tpu.memory_space<hbm>>
      %dma_start3A_48 = arith.constant 0 : i32
      %dma_start3A_49 = arith.constant 0 : i32
      %dma_start3A_50 = tpu.memref_slice %dma_start3A_47[%dma_start3A_48, %dma_start3A_49] : memref<10000x128xf32, #tpu.memory_space<hbm>> -> memref<10000x128xf32, #tpu.memory_space<hbm>>
      tpu.enqueue_indirect_dma source(%dma_start3A_50 : memref<10000x128xf32, #tpu.memory_space<hbm>>) target(%arg7 : memref<80x128xf32, #tpu.memory_space<vmem>>) offsets(%dma_start3A_45 : memref<80xi32, #tpu.memory_space<vmem>>) semaphore(%arg10 : memref<!tpu.dma_semaphore, #tpu.memory_space<semaphore_mem>>)
      %scan3A_51 = arith.constant 0 : i32
      %scan3A_52 = arith.constant 0 : i32
      %scan3A_53 = arith.constant 62 : i32
      %scan3A_54 = arith.addi %scan3A_52, %scan3A_53 : i32
      %scan3A_55 = arith.constant 1 : i32
      scf.for %scan3A_111 = %scan3A_52 to %scan3A_54 step %scan3A_55  : i32 {
        %mul3A_112 = arith.constant 2 : i32
        %mul3A_113 = arith.muli %mul3A_112, %scan3A_111 : i32
        %mul3A_114 = arith.constant 2 : i32
        %mul3A_115 = arith.muli %mul3A_114, %scan3A_111 : i32
        %add3A_116 = arith.constant 1 : i32
        %add3A_117 = arith.addi %mul3A_115, %add3A_116 : i32
        %dma_wait3A_118 = arith.constant 0 : i32
        %dma_wait3A_119 = arith.constant 0 : i32
        %dma_wait3A_120 = arith.constant 0 : i32
        %dma_wait3A_121 = tpu.memref_slice %arg5[%mul3A_113, %dma_wait3A_119, %dma_wait3A_120] : memref<125x2x80xi32, #tpu.memory_space<vmem>> -> memref<1x2x80xi32, #tpu.memory_space<vmem>>
        %dma_wait3A_122 = tpu.memref_squeeze %dma_wait3A_121 : memref<1x2x80xi32, #tpu.memory_space<vmem>> -> memref<2x80xi32, #tpu.memory_space<vmem>>
        %dma_wait3A_123 = arith.constant 0 : i32
        %dma_wait3A_124 = tpu.memref_slice %dma_wait3A_122[%dma_wait3A_118, %dma_wait3A_123] : memref<2x80xi32, #tpu.memory_space<vmem>> -> memref<1x80xi32, #tpu.memory_space<vmem>>
        %dma_wait3A_125 = tpu.memref_squeeze %dma_wait3A_124 : memref<1x80xi32, #tpu.memory_space<vmem>> -> memref<80xi32, #tpu.memory_space<vmem>>
        %dma_wait3A_126 = arith.constant 0 : i32
        %dma_wait3A_127 = tpu.memref_slice %arg2[%mul3A_12, %dma_wait3A_126] : memref<80000x128xf32, #tpu.memory_space<hbm>> -> memref<10000x128xf32, #tpu.memory_space<hbm>>
        %dma_wait3A_128 = arith.constant 0 : i32
        %dma_wait3A_129 = arith.constant 0 : i32
        %dma_wait3A_130 = tpu.memref_slice %dma_wait3A_127[%dma_wait3A_128, %dma_wait3A_129] : memref<10000x128xf32, #tpu.memory_space<hbm>> -> memref<10000x128xf32, #tpu.memory_space<hbm>>
        tpu.wait_indirect_dma semaphore(%arg9 : memref<!tpu.dma_semaphore, #tpu.memory_space<semaphore_mem>>) src(%dma_wait3A_130 : memref<10000x128xf32, #tpu.memory_space<hbm>>) dst(%arg6 : memref<80x128xf32, #tpu.memory_space<vmem>>)
        %dma_start3A_131 = arith.constant 1 : i32
        %dma_start3A_132 = arith.constant 0 : i32
        %dma_start3A_133 = arith.constant 0 : i32
        %dma_start3A_134 = tpu.memref_slice %arg5[%mul3A_113, %dma_start3A_132, %dma_start3A_133] : memref<125x2x80xi32, #tpu.memory_space<vmem>> -> memref<1x2x80xi32, #tpu.memory_space<vmem>>
        %dma_start3A_135 = tpu.memref_squeeze %dma_start3A_134 : memref<1x2x80xi32, #tpu.memory_space<vmem>> -> memref<2x80xi32, #tpu.memory_space<vmem>>
        %dma_start3A_136 = arith.constant 0 : i32
        %dma_start3A_137 = tpu.memref_slice %dma_start3A_135[%dma_start3A_131, %dma_start3A_136] : memref<2x80xi32, #tpu.memory_space<vmem>> -> memref<1x80xi32, #tpu.memory_space<vmem>>
        %dma_start3A_138 = tpu.memref_squeeze %dma_start3A_137 : memref<1x80xi32, #tpu.memory_space<vmem>> -> memref<80xi32, #tpu.memory_space<vmem>>
        %dma_start3A_139 = arith.constant 0 : i32
        %dma_start3A_140 = arith.constant 0 : i32
        %dma_start3A_141 = tpu.memref_slice %arg8[%dma_start3A_139, %dma_start3A_140] : memref<10000x128xf32, #tpu.memory_space<vmem_shared>> -> memref<10000x128xf32, #tpu.memory_space<vmem_shared>>
        tpu.enqueue_indirect_dma source(%arg6 : memref<80x128xf32, #tpu.memory_space<vmem>>) target(%dma_start3A_141 : memref<10000x128xf32, #tpu.memory_space<vmem_shared>>) offsets(%dma_start3A_138 : memref<80xi32, #tpu.memory_space<vmem>>) semaphore(%arg11 : memref<!tpu.dma_semaphore, #tpu.memory_space<semaphore_mem>>) {add = true}
        %dma_wait3A_142 = arith.constant 1 : i32
        %dma_wait3A_143 = arith.constant 0 : i32
        %dma_wait3A_144 = arith.constant 0 : i32
        %dma_wait3A_145 = tpu.memref_slice %arg5[%mul3A_113, %dma_wait3A_143, %dma_wait3A_144] : memref<125x2x80xi32, #tpu.memory_space<vmem>> -> memref<1x2x80xi32, #tpu.memory_space<vmem>>
        %dma_wait3A_146 = tpu.memref_squeeze %dma_wait3A_145 : memref<1x2x80xi32, #tpu.memory_space<vmem>> -> memref<2x80xi32, #tpu.memory_space<vmem>>
        %dma_wait3A_147 = arith.constant 0 : i32
        %dma_wait3A_148 = tpu.memref_slice %dma_wait3A_146[%dma_wait3A_142, %dma_wait3A_147] : memref<2x80xi32, #tpu.memory_space<vmem>> -> memref<1x80xi32, #tpu.memory_space<vmem>>
        %dma_wait3A_149 = tpu.memref_squeeze %dma_wait3A_148 : memref<1x80xi32, #tpu.memory_space<vmem>> -> memref<80xi32, #tpu.memory_space<vmem>>
        %dma_wait3A_150 = arith.constant 0 : i32
        %dma_wait3A_151 = arith.constant 0 : i32
        %dma_wait3A_152 = tpu.memref_slice %arg8[%dma_wait3A_150, %dma_wait3A_151] : memref<10000x128xf32, #tpu.memory_space<vmem_shared>> -> memref<10000x128xf32, #tpu.memory_space<vmem_shared>>
        tpu.wait_indirect_dma semaphore(%arg11 : memref<!tpu.dma_semaphore, #tpu.memory_space<semaphore_mem>>) src(%arg6 : memref<80x128xf32, #tpu.memory_space<vmem>>) dst(%dma_wait3A_152 : memref<10000x128xf32, #tpu.memory_space<vmem_shared>>)
        %add3A_153 = arith.constant 2 : i32
        %add3A_154 = arith.addi %mul3A_113, %add3A_153 : i32
        %dma_start3A_155 = arith.constant 0 : i32
        %dma_start3A_156 = arith.constant 0 : i32
        %dma_start3A_157 = arith.constant 0 : i32
        %dma_start3A_158 = tpu.memref_slice %arg5[%add3A_154, %dma_start3A_156, %dma_start3A_157] : memref<125x2x80xi32, #tpu.memory_space<vmem>> -> memref<1x2x80xi32, #tpu.memory_space<vmem>>
        %dma_start3A_159 = tpu.memref_squeeze %dma_start3A_158 : memref<1x2x80xi32, #tpu.memory_space<vmem>> -> memref<2x80xi32, #tpu.memory_space<vmem>>
        %dma_start3A_160 = arith.constant 0 : i32
        %dma_start3A_161 = tpu.memref_slice %dma_start3A_159[%dma_start3A_155, %dma_start3A_160] : memref<2x80xi32, #tpu.memory_space<vmem>> -> memref<1x80xi32, #tpu.memory_space<vmem>>
        %dma_start3A_162 = tpu.memref_squeeze %dma_start3A_161 : memref<1x80xi32, #tpu.memory_space<vmem>> -> memref<80xi32, #tpu.memory_space<vmem>>
        %dma_start3A_163 = arith.constant 0 : i32
        %dma_start3A_164 = tpu.memref_slice %arg2[%mul3A_12, %dma_start3A_163] : memref<80000x128xf32, #tpu.memory_space<hbm>> -> memref<10000x128xf32, #tpu.memory_space<hbm>>
        %dma_start3A_165 = arith.constant 0 : i32
        %dma_start3A_166 = arith.constant 0 : i32
        %dma_start3A_167 = tpu.memref_slice %dma_start3A_164[%dma_start3A_165, %dma_start3A_166] : memref<10000x128xf32, #tpu.memory_space<hbm>> -> memref<10000x128xf32, #tpu.memory_space<hbm>>
        tpu.enqueue_indirect_dma source(%dma_start3A_167 : memref<10000x128xf32, #tpu.memory_space<hbm>>) target(%arg6 : memref<80x128xf32, #tpu.memory_space<vmem>>) offsets(%dma_start3A_162 : memref<80xi32, #tpu.memory_space<vmem>>) semaphore(%arg9 : memref<!tpu.dma_semaphore, #tpu.memory_space<semaphore_mem>>)
        %dma_wait3A_168 = arith.constant 0 : i32
        %dma_wait3A_169 = arith.constant 0 : i32
        %dma_wait3A_170 = arith.constant 0 : i32
        %dma_wait3A_171 = tpu.memref_slice %arg5[%add3A_117, %dma_wait3A_169, %dma_wait3A_170] : memref<125x2x80xi32, #tpu.memory_space<vmem>> -> memref<1x2x80xi32, #tpu.memory_space<vmem>>
        %dma_wait3A_172 = tpu.memref_squeeze %dma_wait3A_171 : memref<1x2x80xi32, #tpu.memory_space<vmem>> -> memref<2x80xi32, #tpu.memory_space<vmem>>
        %dma_wait3A_173 = arith.constant 0 : i32
        %dma_wait3A_174 = tpu.memref_slice %dma_wait3A_172[%dma_wait3A_168, %dma_wait3A_173] : memref<2x80xi32, #tpu.memory_space<vmem>> -> memref<1x80xi32, #tpu.memory_space<vmem>>
        %dma_wait3A_175 = tpu.memref_squeeze %dma_wait3A_174 : memref<1x80xi32, #tpu.memory_space<vmem>> -> memref<80xi32, #tpu.memory_space<vmem>>
        %dma_wait3A_176 = arith.constant 0 : i32
        %dma_wait3A_177 = tpu.memref_slice %arg2[%mul3A_12, %dma_wait3A_176] : memref<80000x128xf32, #tpu.memory_space<hbm>> -> memref<10000x128xf32, #tpu.memory_space<hbm>>
        %dma_wait3A_178 = arith.constant 0 : i32
        %dma_wait3A_179 = arith.constant 0 : i32
        %dma_wait3A_180 = tpu.memref_slice %dma_wait3A_177[%dma_wait3A_178, %dma_wait3A_179] : memref<10000x128xf32, #tpu.memory_space<hbm>> -> memref<10000x128xf32, #tpu.memory_space<hbm>>
        tpu.wait_indirect_dma semaphore(%arg10 : memref<!tpu.dma_semaphore, #tpu.memory_space<semaphore_mem>>) src(%dma_wait3A_180 : memref<10000x128xf32, #tpu.memory_space<hbm>>) dst(%arg7 : memref<80x128xf32, #tpu.memory_space<vmem>>)
        %dma_start3A_181 = arith.constant 1 : i32
        %dma_start3A_182 = arith.constant 0 : i32
        %dma_start3A_183 = arith.constant 0 : i32
        %dma_start3A_184 = tpu.memref_slice %arg5[%add3A_117, %dma_start3A_182, %dma_start3A_183] : memref<125x2x80xi32, #tpu.memory_space<vmem>> -> memref<1x2x80xi32, #tpu.memory_space<vmem>>
        %dma_start3A_185 = tpu.memref_squeeze %dma_start3A_184 : memref<1x2x80xi32, #tpu.memory_space<vmem>> -> memref<2x80xi32, #tpu.memory_space<vmem>>
        %dma_start3A_186 = arith.constant 0 : i32
        %dma_start3A_187 = tpu.memref_slice %dma_start3A_185[%dma_start3A_181, %dma_start3A_186] : memref<2x80xi32, #tpu.memory_space<vmem>> -> memref<1x80xi32, #tpu.memory_space<vmem>>
        %dma_start3A_188 = tpu.memref_squeeze %dma_start3A_187 : memref<1x80xi32, #tpu.memory_space<vmem>> -> memref<80xi32, #tpu.memory_space<vmem>>
        %dma_start3A_189 = arith.constant 0 : i32
        %dma_start3A_190 = arith.constant 0 : i32
        %dma_start3A_191 = tpu.memref_slice %arg8[%dma_start3A_189, %dma_start3A_190] : memref<10000x128xf32, #tpu.memory_space<vmem_shared>> -> memref<10000x128xf32, #tpu.memory_space<vmem_shared>>
        tpu.enqueue_indirect_dma source(%arg7 : memref<80x128xf32, #tpu.memory_space<vmem>>) target(%dma_start3A_191 : memref<10000x128xf32, #tpu.memory_space<vmem_shared>>) offsets(%dma_start3A_188 : memref<80xi32, #tpu.memory_space<vmem>>) semaphore(%arg12 : memref<!tpu.dma_semaphore, #tpu.memory_space<semaphore_mem>>) {add = true}
        %dma_wait3A_192 = arith.constant 1 : i32
        %dma_wait3A_193 = arith.constant 0 : i32
        %dma_wait3A_194 = arith.constant 0 : i32
        %dma_wait3A_195 = tpu.memref_slice %arg5[%add3A_117, %dma_wait3A_193, %dma_wait3A_194] : memref<125x2x80xi32, #tpu.memory_space<vmem>> -> memref<1x2x80xi32, #tpu.memory_space<vmem>>
        %dma_wait3A_196 = tpu.memref_squeeze %dma_wait3A_195 : memref<1x2x80xi32, #tpu.memory_space<vmem>> -> memref<2x80xi32, #tpu.memory_space<vmem>>
        %dma_wait3A_197 = arith.constant 0 : i32
        %dma_wait3A_198 = tpu.memref_slice %dma_wait3A_196[%dma_wait3A_192, %dma_wait3A_197] : memref<2x80xi32, #tpu.memory_space<vmem>> -> memref<1x80xi32, #tpu.memory_space<vmem>>
        %dma_wait3A_199 = tpu.memref_squeeze %dma_wait3A_198 : memref<1x80xi32, #tpu.memory_space<vmem>> -> memref<80xi32, #tpu.memory_space<vmem>>
        %dma_wait3A_200 = arith.constant 0 : i32
        %dma_wait3A_201 = arith.constant 0 : i32
        %dma_wait3A_202 = tpu.memref_slice %arg8[%dma_wait3A_200, %dma_wait3A_201] : memref<10000x128xf32, #tpu.memory_space<vmem_shared>> -> memref<10000x128xf32, #tpu.memory_space<vmem_shared>>
        tpu.wait_indirect_dma semaphore(%arg12 : memref<!tpu.dma_semaphore, #tpu.memory_space<semaphore_mem>>) src(%arg7 : memref<80x128xf32, #tpu.memory_space<vmem>>) dst(%dma_wait3A_202 : memref<10000x128xf32, #tpu.memory_space<vmem_shared>>)
        %add3A_203 = arith.constant 2 : i32
        %add3A_204 = arith.addi %add3A_117, %add3A_203 : i32
        %lt3A = arith.constant 125 : i32
        %lt3A_205 = arith.cmpi slt, %add3A_204, %lt3A : i32
        %convert_element_type3A = arith.extui %lt3A_205 : i1 to i32
        %cond3A = arith.constant 0 : i32
        %cond3A_206 = arith.cmpi ne, %convert_element_type3A, %cond3A : i32
        scf.if %cond3A_206 {
          %add3A_207 = arith.constant 2 : i32
          %add3A_208 = arith.addi %add3A_117, %add3A_207 : i32
          %dma_start3A_209 = arith.constant 0 : i32
          %dma_start3A_210 = arith.constant 0 : i32
          %dma_start3A_211 = arith.constant 0 : i32
          %dma_start3A_212 = tpu.memref_slice %arg5[%add3A_208, %dma_start3A_210, %dma_start3A_211] : memref<125x2x80xi32, #tpu.memory_space<vmem>> -> memref<1x2x80xi32, #tpu.memory_space<vmem>>
          %dma_start3A_213 = tpu.memref_squeeze %dma_start3A_212 : memref<1x2x80xi32, #tpu.memory_space<vmem>> -> memref<2x80xi32, #tpu.memory_space<vmem>>
          %dma_start3A_214 = arith.constant 0 : i32
          %dma_start3A_215 = tpu.memref_slice %dma_start3A_213[%dma_start3A_209, %dma_start3A_214] : memref<2x80xi32, #tpu.memory_space<vmem>> -> memref<1x80xi32, #tpu.memory_space<vmem>>
          %dma_start3A_216 = tpu.memref_squeeze %dma_start3A_215 : memref<1x80xi32, #tpu.memory_space<vmem>> -> memref<80xi32, #tpu.memory_space<vmem>>
          %dma_start3A_217 = arith.constant 0 : i32
          %dma_start3A_218 = tpu.memref_slice %arg2[%mul3A_12, %dma_start3A_217] : memref<80000x128xf32, #tpu.memory_space<hbm>> -> memref<10000x128xf32, #tpu.memory_space<hbm>>
          %dma_start3A_219 = arith.constant 0 : i32
          %dma_start3A_220 = arith.constant 0 : i32
          %dma_start3A_221 = tpu.memref_slice %dma_start3A_218[%dma_start3A_219, %dma_start3A_220] : memref<10000x128xf32, #tpu.memory_space<hbm>> -> memref<10000x128xf32, #tpu.memory_space<hbm>>
          tpu.enqueue_indirect_dma source(%dma_start3A_221 : memref<10000x128xf32, #tpu.memory_space<hbm>>) target(%arg7 : memref<80x128xf32, #tpu.memory_space<vmem>>) offsets(%dma_start3A_216 : memref<80xi32, #tpu.memory_space<vmem>>) semaphore(%arg10 : memref<!tpu.dma_semaphore, #tpu.memory_space<semaphore_mem>>)
        } else {
        }
      }
      %scan3A_56 = arith.constant 62 : i32
      %dma_wait3A_57 = arith.constant 124 : i32
      %dma_wait3A_58 = arith.constant 0 : i32
      %dma_wait3A_59 = arith.constant 0 : i32
      %dma_wait3A_60 = arith.constant 0 : i32
      %dma_wait3A_61 = tpu.memref_slice %arg5[%dma_wait3A_57, %dma_wait3A_59, %dma_wait3A_60] : memref<125x2x80xi32, #tpu.memory_space<vmem>> -> memref<1x2x80xi32, #tpu.memory_space<vmem>>
      %dma_wait3A_62 = tpu.memref_squeeze %dma_wait3A_61 : memref<1x2x80xi32, #tpu.memory_space<vmem>> -> memref<2x80xi32, #tpu.memory_space<vmem>>
      %dma_wait3A_63 = arith.constant 0 : i32
      %dma_wait3A_64 = tpu.memref_slice %dma_wait3A_62[%dma_wait3A_58, %dma_wait3A_63] : memref<2x80xi32, #tpu.memory_space<vmem>> -> memref<1x80xi32, #tpu.memory_space<vmem>>
      %dma_wait3A_65 = tpu.memref_squeeze %dma_wait3A_64 : memref<1x80xi32, #tpu.memory_space<vmem>> -> memref<80xi32, #tpu.memory_space<vmem>>
      %dma_wait3A_66 = arith.constant 0 : i32
      %dma_wait3A_67 = tpu.memref_slice %arg2[%mul3A_12, %dma_wait3A_66] : memref<80000x128xf32, #tpu.memory_space<hbm>> -> memref<10000x128xf32, #tpu.memory_space<hbm>>
      %dma_wait3A_68 = arith.constant 0 : i32
      %dma_wait3A_69 = arith.constant 0 : i32
      %dma_wait3A_70 = tpu.memref_slice %dma_wait3A_67[%dma_wait3A_68, %dma_wait3A_69] : memref<10000x128xf32, #tpu.memory_space<hbm>> -> memref<10000x128xf32, #tpu.memory_space<hbm>>
      tpu.wait_indirect_dma semaphore(%arg9 : memref<!tpu.dma_semaphore, #tpu.memory_space<semaphore_mem>>) src(%dma_wait3A_70 : memref<10000x128xf32, #tpu.memory_space<hbm>>) dst(%arg6 : memref<80x128xf32, #tpu.memory_space<vmem>>)
      %dma_start3A_71 = arith.constant 124 : i32
      %dma_start3A_72 = arith.constant 1 : i32
      %dma_start3A_73 = arith.constant 0 : i32
      %dma_start3A_74 = arith.constant 0 : i32
      %dma_start3A_75 = tpu.memref_slice %arg5[%dma_start3A_71, %dma_start3A_73, %dma_start3A_74] : memref<125x2x80xi32, #tpu.memory_space<vmem>> -> memref<1x2x80xi32, #tpu.memory_space<vmem>>
      %dma_start3A_76 = tpu.memref_squeeze %dma_start3A_75 : memref<1x2x80xi32, #tpu.memory_space<vmem>> -> memref<2x80xi32, #tpu.memory_space<vmem>>
      %dma_start3A_77 = arith.constant 0 : i32
      %dma_start3A_78 = tpu.memref_slice %dma_start3A_76[%dma_start3A_72, %dma_start3A_77] : memref<2x80xi32, #tpu.memory_space<vmem>> -> memref<1x80xi32, #tpu.memory_space<vmem>>
      %dma_start3A_79 = tpu.memref_squeeze %dma_start3A_78 : memref<1x80xi32, #tpu.memory_space<vmem>> -> memref<80xi32, #tpu.memory_space<vmem>>
      %dma_start3A_80 = arith.constant 0 : i32
      %dma_start3A_81 = arith.constant 0 : i32
      %dma_start3A_82 = tpu.memref_slice %arg8[%dma_start3A_80, %dma_start3A_81] : memref<10000x128xf32, #tpu.memory_space<vmem_shared>> -> memref<10000x128xf32, #tpu.memory_space<vmem_shared>>
      tpu.enqueue_indirect_dma source(%arg6 : memref<80x128xf32, #tpu.memory_space<vmem>>) target(%dma_start3A_82 : memref<10000x128xf32, #tpu.memory_space<vmem_shared>>) offsets(%dma_start3A_79 : memref<80xi32, #tpu.memory_space<vmem>>) semaphore(%arg11 : memref<!tpu.dma_semaphore, #tpu.memory_space<semaphore_mem>>) {add = true}
      %dma_wait3A_83 = arith.constant 124 : i32
      %dma_wait3A_84 = arith.constant 1 : i32
      %dma_wait3A_85 = arith.constant 0 : i32
      %dma_wait3A_86 = arith.constant 0 : i32
      %dma_wait3A_87 = tpu.memref_slice %arg5[%dma_wait3A_83, %dma_wait3A_85, %dma_wait3A_86] : memref<125x2x80xi32, #tpu.memory_space<vmem>> -> memref<1x2x80xi32, #tpu.memory_space<vmem>>
      %dma_wait3A_88 = tpu.memref_squeeze %dma_wait3A_87 : memref<1x2x80xi32, #tpu.memory_space<vmem>> -> memref<2x80xi32, #tpu.memory_space<vmem>>
      %dma_wait3A_89 = arith.constant 0 : i32
      %dma_wait3A_90 = tpu.memref_slice %dma_wait3A_88[%dma_wait3A_84, %dma_wait3A_89] : memref<2x80xi32, #tpu.memory_space<vmem>> -> memref<1x80xi32, #tpu.memory_space<vmem>>
      %dma_wait3A_91 = tpu.memref_squeeze %dma_wait3A_90 : memref<1x80xi32, #tpu.memory_space<vmem>> -> memref<80xi32, #tpu.memory_space<vmem>>
      %dma_wait3A_92 = arith.constant 0 : i32
      %dma_wait3A_93 = arith.constant 0 : i32
      %dma_wait3A_94 = tpu.memref_slice %arg8[%dma_wait3A_92, %dma_wait3A_93] : memref<10000x128xf32, #tpu.memory_space<vmem_shared>> -> memref<10000x128xf32, #tpu.memory_space<vmem_shared>>
      tpu.wait_indirect_dma semaphore(%arg11 : memref<!tpu.dma_semaphore, #tpu.memory_space<semaphore_mem>>) src(%arg6 : memref<80x128xf32, #tpu.memory_space<vmem>>) dst(%dma_wait3A_94 : memref<10000x128xf32, #tpu.memory_space<vmem_shared>>)
      %barrier3A_95 = arith.constant 0 : index
      tpu.barrier barrier_id(%barrier3A_95)
      %mul3A_96 = arith.constant 10000 : i32
      %mul3A_97 = arith.muli %add3A, %mul3A_96 : i32
      %add3A_98 = arith.addi %mul3A_97, %mul3A_10 : i32
      %dma_start3A_99 = arith.constant 0 : i32
      %dma_start3A_100 = tpu.memref_slice %arg4[%add3A_98, %dma_start3A_99] : memref<80000x128xf32, #tpu.memory_space<hbm>> -> memref<625x128xf32, #tpu.memory_space<hbm>>
      %dma_start3A_101 = arith.constant 0 : i32
      %dma_start3A_102 = tpu.memref_slice %arg8[%mul3A_10, %dma_start3A_101] : memref<10000x128xf32, #tpu.memory_space<vmem_shared>> -> memref<625x128xf32, #tpu.memory_space<vmem_shared>>
      tpu.enqueue_dma source(%dma_start3A_102 : memref<625x128xf32, #tpu.memory_space<vmem_shared>>) target(%dma_start3A_100 : memref<625x128xf32, #tpu.memory_space<hbm>>) target_semaphore(%arg14 : memref<!tpu.dma_semaphore, #tpu.memory_space<semaphore_mem>>)
      %mul3A_103 = arith.constant 10000 : i32
      %mul3A_104 = arith.muli %add3A, %mul3A_103 : i32
      %add3A_105 = arith.addi %mul3A_104, %mul3A_10 : i32
      %dma_wait3A_106 = arith.constant 0 : i32
      %dma_wait3A_107 = tpu.memref_slice %arg4[%add3A_105, %dma_wait3A_106] : memref<80000x128xf32, #tpu.memory_space<hbm>> -> memref<625x128xf32, #tpu.memory_space<hbm>>
      %dma_wait3A_108 = arith.constant 0 : i32
      %dma_wait3A_109 = tpu.memref_slice %arg8[%mul3A_10, %dma_wait3A_108] : memref<10000x128xf32, #tpu.memory_space<vmem_shared>> -> memref<625x128xf32, #tpu.memory_space<vmem_shared>>
      tpu.wait_dma2 semaphore(%arg14 : memref<!tpu.dma_semaphore, #tpu.memory_space<semaphore_mem>>) src(%dma_wait3A_109 : memref<625x128xf32, #tpu.memory_space<vmem_shared>>) dst(%dma_wait3A_107 : memref<625x128xf32, #tpu.memory_space<hbm>>)
      %barrier3A_110 = arith.constant 0 : index
      tpu.barrier barrier_id(%barrier3A_110)
    }
    %scan3A_4 = arith.constant 4 : i32
    return
  }
}

#map = affine_map<(d0, d1) -> (0)>
#map1 = affine_map<(d0, d1) -> (0, 0)>
module attributes {stable_mosaic.version = 14 : i64} {
  func.func @_sc_deg_body(%arg0: i32, %arg1: i32, %arg2: memref<160000xi32, #tpu.memory_space<hbm>>, %arg3: memref<10000xf32, #tpu.memory_space<hbm>>, %arg4: memref<16x10000xf32, #tpu.memory_space<hbm>>, %arg5: memref<10000xi32, #tpu.memory_space<vmem>>, %arg6: memref<10000xf32, #tpu.memory_space<vmem>>) attributes {dimension_semantics = [#tpu.dimension_semantics<core_parallel>, #tpu.dimension_semantics<subcore_parallel>], iteration_bounds = array<i64: 2, 16>, scalar_prefetch = 0 : i64, scratch_operands = 2 : i64, tpu.core_type = #tpu.core_type<sc_vector_subcore>, window_params = [{transform_indices = #map}, {transform_indices = #map}, {transform_indices = #map1}]} {
    %eq3A = arith.constant 0 : i32
    %eq3A_0 = arith.cmpi eq, %arg0, %eq3A : i32
    %convert_element_type3A = arith.extui %eq3A_0 : i1 to i32
    %cond3A = arith.constant 0 : i32
    %cond3A_1 = arith.cmpi ne, %convert_element_type3A, %cond3A : i32
    scf.if %cond3A_1 {
      %mul3A = arith.constant 10000 : i32
      %mul3A_2 = arith.muli %arg1, %mul3A : i32
      "tpu.region"() ({
        %run_scoped3A = tpu.sem_alloc : memref<!tpu.dma_semaphore, #tpu.memory_space<semaphore_mem>>
        %dma_start3A = tpu.memref_slice %arg2[%mul3A_2] : memref<160000xi32, #tpu.memory_space<hbm>> -> memref<10000xi32, #tpu.memory_space<hbm>>
        %dma_start3A_9 = tpu.memref_slice %arg2[%mul3A_2] : memref<160000xi32, #tpu.memory_space<hbm>> -> memref<10000xi32, #tpu.memory_space<hbm>>
        tpu.enqueue_dma source(%dma_start3A_9 : memref<10000xi32, #tpu.memory_space<hbm>>) target(%arg5 : memref<10000xi32, #tpu.memory_space<vmem>>) target_semaphore(%run_scoped3A : memref<!tpu.dma_semaphore, #tpu.memory_space<semaphore_mem>>)
        %dma_wait3A = tpu.memref_slice %arg2[%mul3A_2] : memref<160000xi32, #tpu.memory_space<hbm>> -> memref<10000xi32, #tpu.memory_space<hbm>>
        %dma_wait3A_10 = tpu.memref_slice %arg2[%mul3A_2] : memref<160000xi32, #tpu.memory_space<hbm>> -> memref<10000xi32, #tpu.memory_space<hbm>>
        tpu.wait_dma2 semaphore(%run_scoped3A : memref<!tpu.dma_semaphore, #tpu.memory_space<semaphore_mem>>) src(%dma_wait3A_10 : memref<10000xi32, #tpu.memory_space<hbm>>) dst(%arg5 : memref<10000xi32, #tpu.memory_space<vmem>>)
        tpu.yield
      }) : () -> ()
      "tpu.region"() ({
        %run_scoped3A = tpu.sem_alloc : memref<!tpu.dma_semaphore, #tpu.memory_space<semaphore_mem>>
        tpu.enqueue_dma source(%arg3 : memref<10000xf32, #tpu.memory_space<hbm>>) target(%arg6 : memref<10000xf32, #tpu.memory_space<vmem>>) target_semaphore(%run_scoped3A : memref<!tpu.dma_semaphore, #tpu.memory_space<semaphore_mem>>)
        tpu.wait_dma2 semaphore(%run_scoped3A : memref<!tpu.dma_semaphore, #tpu.memory_space<semaphore_mem>>) src(%arg3 : memref<10000xf32, #tpu.memory_space<hbm>>) dst(%arg6 : memref<10000xf32, #tpu.memory_space<vmem>>)
        tpu.yield
      }) : () -> ()
      %broadcast_in_dim3A = arith.constant 1.000000e+00 : f32
      %broadcast_in_dim3A_3 = vector.broadcast %broadcast_in_dim3A : f32 to vector<16xf32>
      %scan3A = arith.constant 0 : i32
      %scan3A_4 = arith.constant 0 : i32
      %scan3A_5 = arith.constant 625 : i32
      %scan3A_6 = arith.addi %scan3A_4, %scan3A_5 : i32
      %scan3A_7 = arith.constant 1 : i32
      scf.for %scan3A_9 = %scan3A_4 to %scan3A_6 step %scan3A_7  : i32 {
        %mul3A_10 = arith.constant 16 : i32
        %mul3A_11 = arith.muli %scan3A_9, %mul3A_10 : i32
        %get3A = arith.index_cast %mul3A_11 : i32 to index
        %get3A_12 = tpu.vector_load %arg5[%get3A] {strides = array<i32>} : memref<10000xi32, #tpu.memory_space<vmem>>, vector<16xi32>,
        tpu.vector_store_idx %arg6[%get3A_12], %broadcast_in_dim3A_3 {add = true} : memref<10000xf32, #tpu.memory_space<vmem>>[vector<16xi32>], vector<16xf32>,
      }
      %scan3A_8 = arith.constant 625 : i32
      "tpu.region"() ({
        %run_scoped3A = tpu.sem_alloc : memref<!tpu.dma_semaphore, #tpu.memory_space<semaphore_mem>>
        %dma_start3A = arith.constant 0 : i32
        %dma_start3A_9 = tpu.memref_slice %arg4[%arg1, %dma_start3A] : memref<16x10000xf32, #tpu.memory_space<hbm>> -> memref<1x10000xf32, #tpu.memory_space<hbm>>
        %dma_start3A_10 = tpu.memref_squeeze %dma_start3A_9 : memref<1x10000xf32, #tpu.memory_space<hbm>> -> memref<10000xf32, #tpu.memory_space<hbm>>
        %dma_start3A_11 = arith.constant 0 : i32
        %dma_start3A_12 = tpu.memref_slice %arg4[%arg1, %dma_start3A_11] : memref<16x10000xf32, #tpu.memory_space<hbm>> -> memref<1x10000xf32, #tpu.memory_space<hbm>>
        %dma_start3A_13 = tpu.memref_squeeze %dma_start3A_12 : memref<1x10000xf32, #tpu.memory_space<hbm>> -> memref<10000xf32, #tpu.memory_space<hbm>>
        tpu.enqueue_dma source(%arg6 : memref<10000xf32, #tpu.memory_space<vmem>>) target(%dma_start3A_13 : memref<10000xf32, #tpu.memory_space<hbm>>) target_semaphore(%run_scoped3A : memref<!tpu.dma_semaphore, #tpu.memory_space<semaphore_mem>>)
        %dma_wait3A = arith.constant 0 : i32
        %dma_wait3A_14 = tpu.memref_slice %arg4[%arg1, %dma_wait3A] : memref<16x10000xf32, #tpu.memory_space<hbm>> -> memref<1x10000xf32, #tpu.memory_space<hbm>>
        %dma_wait3A_15 = tpu.memref_squeeze %dma_wait3A_14 : memref<1x10000xf32, #tpu.memory_space<hbm>> -> memref<10000xf32, #tpu.memory_space<hbm>>
        %dma_wait3A_16 = arith.constant 0 : i32
        %dma_wait3A_17 = tpu.memref_slice %arg4[%arg1, %dma_wait3A_16] : memref<16x10000xf32, #tpu.memory_space<hbm>> -> memref<1x10000xf32, #tpu.memory_space<hbm>>
        %dma_wait3A_18 = tpu.memref_squeeze %dma_wait3A_17 : memref<1x10000xf32, #tpu.memory_space<hbm>> -> memref<10000xf32, #tpu.memory_space<hbm>>
        tpu.wait_dma2 semaphore(%run_scoped3A : memref<!tpu.dma_semaphore, #tpu.memory_space<semaphore_mem>>) src(%arg6 : memref<10000xf32, #tpu.memory_space<vmem>>) dst(%dma_wait3A_18 : memref<10000xf32, #tpu.memory_space<hbm>>)
        tpu.yield
      }) : () -> ()
    } else {
    }
    return
  }
}

#map = affine_map<(d0, d1) -> (0, 0)>
#map1 = affine_map<(d0, d1) -> (0, 0, 0, 0)>
module attributes {stable_mosaic.version = 14 : i64} {
  func.func @_sc_agg_body(%arg0: i32, %arg1: i32, %arg2: memref<160000x128xf32, #tpu.memory_space<hbm>>, %arg3: memref<16x125x2x80xi32, #tpu.memory_space<hbm>>, %arg4: memref<80000x128xf32, #tpu.memory_space<hbm>>, %arg5: memref<125x2x80xi32, #tpu.memory_space<vmem>>, %arg6: memref<80x128xf32, #tpu.memory_space<vmem>>, %arg7: memref<80x128xf32, #tpu.memory_space<vmem>>, %arg8: memref<10000x128xf32, #tpu.memory_space<vmem_shared>>, %arg9: memref<!tpu.dma_semaphore, #tpu.memory_space<semaphore_mem>>, %arg10: memref<!tpu.dma_semaphore, #tpu.memory_space<semaphore_mem>>, %arg11: memref<!tpu.dma_semaphore, #tpu.memory_space<semaphore_mem>>, %arg12: memref<!tpu.dma_semaphore, #tpu.memory_space<semaphore_mem>>, %arg13: memref<!tpu.dma_semaphore, #tpu.memory_space<semaphore_mem>>, %arg14: memref<!tpu.dma_semaphore, #tpu.memory_space<semaphore_mem>>) attributes {dimension_semantics = [#tpu.dimension_semantics<core_parallel>, #tpu.dimension_semantics<subcore_parallel>], iteration_bounds = array<i64: 2, 16>, scalar_prefetch = 0 : i64, scratch_operands = 10 : i64, tpu.core_type = #tpu.core_type<sc_vector_subcore>, window_params = [{transform_indices = #map}, {transform_indices = #map1}, {transform_indices = #map}]} {
    "tpu.region"() ({
      %run_scoped3A = tpu.sem_alloc : memref<!tpu.dma_semaphore, #tpu.memory_space<semaphore_mem>>
      %dma_start3A = arith.constant 0 : i32
      %dma_start3A_5 = arith.constant 0 : i32
      %dma_start3A_6 = arith.constant 0 : i32
      %dma_start3A_7 = tpu.memref_slice %arg3[%arg1, %dma_start3A, %dma_start3A_5, %dma_start3A_6] : memref<16x125x2x80xi32, #tpu.memory_space<hbm>> -> memref<1x125x2x80xi32, #tpu.memory_space<hbm>>
      %dma_start3A_8 = tpu.memref_squeeze %dma_start3A_7 : memref<1x125x2x80xi32, #tpu.memory_space<hbm>> -> memref<125x2x80xi32, #tpu.memory_space<hbm>>
      %dma_start3A_9 = arith.constant 0 : i32
      %dma_start3A_10 = arith.constant 0 : i32
      %dma_start3A_11 = arith.constant 0 : i32
      %dma_start3A_12 = tpu.memref_slice %arg3[%arg1, %dma_start3A_9, %dma_start3A_10, %dma_start3A_11] : memref<16x125x2x80xi32, #tpu.memory_space<hbm>> -> memref<1x125x2x80xi32, #tpu.memory_space<hbm>>
      %dma_start3A_13 = tpu.memref_squeeze %dma_start3A_12 : memref<1x125x2x80xi32, #tpu.memory_space<hbm>> -> memref<125x2x80xi32, #tpu.memory_space<hbm>>
      tpu.enqueue_dma source(%dma_start3A_13 : memref<125x2x80xi32, #tpu.memory_space<hbm>>) target(%arg5 : memref<125x2x80xi32, #tpu.memory_space<vmem>>) target_semaphore(%run_scoped3A : memref<!tpu.dma_semaphore, #tpu.memory_space<semaphore_mem>>)
      %dma_wait3A = arith.constant 0 : i32
      %dma_wait3A_14 = arith.constant 0 : i32
      %dma_wait3A_15 = arith.constant 0 : i32
      %dma_wait3A_16 = tpu.memref_slice %arg3[%arg1, %dma_wait3A, %dma_wait3A_14, %dma_wait3A_15] : memref<16x125x2x80xi32, #tpu.memory_space<hbm>> -> memref<1x125x2x80xi32, #tpu.memory_space<hbm>>
      %dma_wait3A_17 = tpu.memref_squeeze %dma_wait3A_16 : memref<1x125x2x80xi32, #tpu.memory_space<hbm>> -> memref<125x2x80xi32, #tpu.memory_space<hbm>>
      %dma_wait3A_18 = arith.constant 0 : i32
      %dma_wait3A_19 = arith.constant 0 : i32
      %dma_wait3A_20 = arith.constant 0 : i32
      %dma_wait3A_21 = tpu.memref_slice %arg3[%arg1, %dma_wait3A_18, %dma_wait3A_19, %dma_wait3A_20] : memref<16x125x2x80xi32, #tpu.memory_space<hbm>> -> memref<1x125x2x80xi32, #tpu.memory_space<hbm>>
      %dma_wait3A_22 = tpu.memref_squeeze %dma_wait3A_21 : memref<1x125x2x80xi32, #tpu.memory_space<hbm>> -> memref<125x2x80xi32, #tpu.memory_space<hbm>>
      tpu.wait_dma2 semaphore(%run_scoped3A : memref<!tpu.dma_semaphore, #tpu.memory_space<semaphore_mem>>) src(%dma_wait3A_22 : memref<125x2x80xi32, #tpu.memory_space<hbm>>) dst(%arg5 : memref<125x2x80xi32, #tpu.memory_space<vmem>>)
      tpu.yield
    }) : () -> ()
    %scan3A = arith.constant 0 : i32
    %scan3A_0 = arith.constant 0 : i32
    %scan3A_1 = arith.constant 4 : i32
    %scan3A_2 = arith.addi %scan3A_0, %scan3A_1 : i32
    %scan3A_3 = arith.constant 1 : i32
    scf.for %scan3A_5 = %scan3A_0 to %scan3A_2 step %scan3A_3  : i32 {
      %mul3A = arith.constant 4 : i32
      %mul3A_6 = arith.muli %arg0, %mul3A : i32
      %add3A = arith.addi %mul3A_6, %scan3A_5 : i32
      %add3A_7 = arith.constant 8 : i32
      %add3A_8 = arith.addi %add3A_7, %add3A : i32
      %mul3A_9 = arith.constant 625 : i32
      %mul3A_10 = arith.muli %arg1, %mul3A_9 : i32
      %mul3A_11 = arith.constant 10000 : i32
      %mul3A_12 = arith.muli %add3A_8, %mul3A_11 : i32
      %dma_start3A = arith.constant 0 : i32
      %dma_start3A_13 = tpu.memref_slice %arg8[%mul3A_10, %dma_start3A] : memref<10000x128xf32, #tpu.memory_space<vmem_shared>> -> memref<625x128xf32, #tpu.memory_space<vmem_shared>>
      %dma_start3A_14 = arith.constant 0 : i32
      %dma_start3A_15 = tpu.memref_slice %arg2[%mul3A_12, %dma_start3A_14] : memref<160000x128xf32, #tpu.memory_space<hbm>> -> memref<10000x128xf32, #tpu.memory_space<hbm>>
      %dma_start3A_16 = arith.constant 0 : i32
      %dma_start3A_17 = tpu.memref_slice %dma_start3A_15[%mul3A_10, %dma_start3A_16] : memref<10000x128xf32, #tpu.memory_space<hbm>> -> memref<625x128xf32, #tpu.memory_space<hbm>>
      tpu.enqueue_dma source(%dma_start3A_17 : memref<625x128xf32, #tpu.memory_space<hbm>>) target(%dma_start3A_13 : memref<625x128xf32, #tpu.memory_space<vmem_shared>>) target_semaphore(%arg13 : memref<!tpu.dma_semaphore, #tpu.memory_space<semaphore_mem>>)
      %dma_wait3A = arith.constant 0 : i32
      %dma_wait3A_18 = tpu.memref_slice %arg8[%mul3A_10, %dma_wait3A] : memref<10000x128xf32, #tpu.memory_space<vmem_shared>> -> memref<625x128xf32, #tpu.memory_space<vmem_shared>>
      %dma_wait3A_19 = arith.constant 0 : i32
      %dma_wait3A_20 = tpu.memref_slice %arg2[%mul3A_12, %dma_wait3A_19] : memref<160000x128xf32, #tpu.memory_space<hbm>> -> memref<10000x128xf32, #tpu.memory_space<hbm>>
      %dma_wait3A_21 = arith.constant 0 : i32
      %dma_wait3A_22 = tpu.memref_slice %dma_wait3A_20[%mul3A_10, %dma_wait3A_21] : memref<10000x128xf32, #tpu.memory_space<hbm>> -> memref<625x128xf32, #tpu.memory_space<hbm>>
      tpu.wait_dma2 semaphore(%arg13 : memref<!tpu.dma_semaphore, #tpu.memory_space<semaphore_mem>>) src(%dma_wait3A_22 : memref<625x128xf32, #tpu.memory_space<hbm>>) dst(%dma_wait3A_18 : memref<625x128xf32, #tpu.memory_space<vmem_shared>>)
      %barrier3A = arith.constant 0 : index
      tpu.barrier barrier_id(%barrier3A)
      %dma_start3A_23 = arith.constant 0 : i32
      %dma_start3A_24 = arith.constant 0 : i32
      %dma_start3A_25 = arith.constant 0 : i32
      %dma_start3A_26 = arith.constant 0 : i32
      %dma_start3A_27 = tpu.memref_slice %arg5[%dma_start3A_23, %dma_start3A_25, %dma_start3A_26] : memref<125x2x80xi32, #tpu.memory_space<vmem>> -> memref<1x2x80xi32, #tpu.memory_space<vmem>>
      %dma_start3A_28 = tpu.memref_squeeze %dma_start3A_27 : memref<1x2x80xi32, #tpu.memory_space<vmem>> -> memref<2x80xi32, #tpu.memory_space<vmem>>
      %dma_start3A_29 = arith.constant 0 : i32
      %dma_start3A_30 = tpu.memref_slice %dma_start3A_28[%dma_start3A_24, %dma_start3A_29] : memref<2x80xi32, #tpu.memory_space<vmem>> -> memref<1x80xi32, #tpu.memory_space<vmem>>
      %dma_start3A_31 = tpu.memref_squeeze %dma_start3A_30 : memref<1x80xi32, #tpu.memory_space<vmem>> -> memref<80xi32, #tpu.memory_space<vmem>>
      %dma_start3A_32 = arith.constant 0 : i32
      %dma_start3A_33 = tpu.memref_slice %arg2[%mul3A_12, %dma_start3A_32] : memref<160000x128xf32, #tpu.memory_space<hbm>> -> memref<10000x128xf32, #tpu.memory_space<hbm>>
      %dma_start3A_34 = arith.constant 0 : i32
      %dma_start3A_35 = arith.constant 0 : i32
      %dma_start3A_36 = tpu.memref_slice %dma_start3A_33[%dma_start3A_34, %dma_start3A_35] : memref<10000x128xf32, #tpu.memory_space<hbm>> -> memref<10000x128xf32, #tpu.memory_space<hbm>>
      tpu.enqueue_indirect_dma source(%dma_start3A_36 : memref<10000x128xf32, #tpu.memory_space<hbm>>) target(%arg6 : memref<80x128xf32, #tpu.memory_space<vmem>>) offsets(%dma_start3A_31 : memref<80xi32, #tpu.memory_space<vmem>>) semaphore(%arg9 : memref<!tpu.dma_semaphore, #tpu.memory_space<semaphore_mem>>)
      %dma_start3A_37 = arith.constant 1 : i32
      %dma_start3A_38 = arith.constant 0 : i32
      %dma_start3A_39 = arith.constant 0 : i32
      %dma_start3A_40 = arith.constant 0 : i32
      %dma_start3A_41 = tpu.memref_slice %arg5[%dma_start3A_37, %dma_start3A_39, %dma_start3A_40] : memref<125x2x80xi32, #tpu.memory_space<vmem>> -> memref<1x2x80xi32, #tpu.memory_space<vmem>>
      %dma_start3A_42 = tpu.memref_squeeze %dma_start3A_41 : memref<1x2x80xi32, #tpu.memory_space<vmem>> -> memref<2x80xi32, #tpu.memory_space<vmem>>
      %dma_start3A_43 = arith.constant 0 : i32
      %dma_start3A_44 = tpu.memref_slice %dma_start3A_42[%dma_start3A_38, %dma_start3A_43] : memref<2x80xi32, #tpu.memory_space<vmem>> -> memref<1x80xi32, #tpu.memory_space<vmem>>
      %dma_start3A_45 = tpu.memref_squeeze %dma_start3A_44 : memref<1x80xi32, #tpu.memory_space<vmem>> -> memref<80xi32, #tpu.memory_space<vmem>>
      %dma_start3A_46 = arith.constant 0 : i32
      %dma_start3A_47 = tpu.memref_slice %arg2[%mul3A_12, %dma_start3A_46] : memref<160000x128xf32, #tpu.memory_space<hbm>> -> memref<10000x128xf32, #tpu.memory_space<hbm>>
      %dma_start3A_48 = arith.constant 0 : i32
      %dma_start3A_49 = arith.constant 0 : i32
      %dma_start3A_50 = tpu.memref_slice %dma_start3A_47[%dma_start3A_48, %dma_start3A_49] : memref<10000x128xf32, #tpu.memory_space<hbm>> -> memref<10000x128xf32, #tpu.memory_space<hbm>>
      tpu.enqueue_indirect_dma source(%dma_start3A_50 : memref<10000x128xf32, #tpu.memory_space<hbm>>) target(%arg7 : memref<80x128xf32, #tpu.memory_space<vmem>>) offsets(%dma_start3A_45 : memref<80xi32, #tpu.memory_space<vmem>>) semaphore(%arg10 : memref<!tpu.dma_semaphore, #tpu.memory_space<semaphore_mem>>)
      %scan3A_51 = arith.constant 0 : i32
      %scan3A_52 = arith.constant 0 : i32
      %scan3A_53 = arith.constant 62 : i32
      %scan3A_54 = arith.addi %scan3A_52, %scan3A_53 : i32
      %scan3A_55 = arith.constant 1 : i32
      scf.for %scan3A_111 = %scan3A_52 to %scan3A_54 step %scan3A_55  : i32 {
        %mul3A_112 = arith.constant 2 : i32
        %mul3A_113 = arith.muli %mul3A_112, %scan3A_111 : i32
        %mul3A_114 = arith.constant 2 : i32
        %mul3A_115 = arith.muli %mul3A_114, %scan3A_111 : i32
        %add3A_116 = arith.constant 1 : i32
        %add3A_117 = arith.addi %mul3A_115, %add3A_116 : i32
        %dma_wait3A_118 = arith.constant 0 : i32
        %dma_wait3A_119 = arith.constant 0 : i32
        %dma_wait3A_120 = arith.constant 0 : i32
        %dma_wait3A_121 = tpu.memref_slice %arg5[%mul3A_113, %dma_wait3A_119, %dma_wait3A_120] : memref<125x2x80xi32, #tpu.memory_space<vmem>> -> memref<1x2x80xi32, #tpu.memory_space<vmem>>
        %dma_wait3A_122 = tpu.memref_squeeze %dma_wait3A_121 : memref<1x2x80xi32, #tpu.memory_space<vmem>> -> memref<2x80xi32, #tpu.memory_space<vmem>>
        %dma_wait3A_123 = arith.constant 0 : i32
        %dma_wait3A_124 = tpu.memref_slice %dma_wait3A_122[%dma_wait3A_118, %dma_wait3A_123] : memref<2x80xi32, #tpu.memory_space<vmem>> -> memref<1x80xi32, #tpu.memory_space<vmem>>
        %dma_wait3A_125 = tpu.memref_squeeze %dma_wait3A_124 : memref<1x80xi32, #tpu.memory_space<vmem>> -> memref<80xi32, #tpu.memory_space<vmem>>
        %dma_wait3A_126 = arith.constant 0 : i32
        %dma_wait3A_127 = tpu.memref_slice %arg2[%mul3A_12, %dma_wait3A_126] : memref<160000x128xf32, #tpu.memory_space<hbm>> -> memref<10000x128xf32, #tpu.memory_space<hbm>>
        %dma_wait3A_128 = arith.constant 0 : i32
        %dma_wait3A_129 = arith.constant 0 : i32
        %dma_wait3A_130 = tpu.memref_slice %dma_wait3A_127[%dma_wait3A_128, %dma_wait3A_129] : memref<10000x128xf32, #tpu.memory_space<hbm>> -> memref<10000x128xf32, #tpu.memory_space<hbm>>
        tpu.wait_indirect_dma semaphore(%arg9 : memref<!tpu.dma_semaphore, #tpu.memory_space<semaphore_mem>>) src(%dma_wait3A_130 : memref<10000x128xf32, #tpu.memory_space<hbm>>) dst(%arg6 : memref<80x128xf32, #tpu.memory_space<vmem>>)
        %dma_start3A_131 = arith.constant 1 : i32
        %dma_start3A_132 = arith.constant 0 : i32
        %dma_start3A_133 = arith.constant 0 : i32
        %dma_start3A_134 = tpu.memref_slice %arg5[%mul3A_113, %dma_start3A_132, %dma_start3A_133] : memref<125x2x80xi32, #tpu.memory_space<vmem>> -> memref<1x2x80xi32, #tpu.memory_space<vmem>>
        %dma_start3A_135 = tpu.memref_squeeze %dma_start3A_134 : memref<1x2x80xi32, #tpu.memory_space<vmem>> -> memref<2x80xi32, #tpu.memory_space<vmem>>
        %dma_start3A_136 = arith.constant 0 : i32
        %dma_start3A_137 = tpu.memref_slice %dma_start3A_135[%dma_start3A_131, %dma_start3A_136] : memref<2x80xi32, #tpu.memory_space<vmem>> -> memref<1x80xi32, #tpu.memory_space<vmem>>
        %dma_start3A_138 = tpu.memref_squeeze %dma_start3A_137 : memref<1x80xi32, #tpu.memory_space<vmem>> -> memref<80xi32, #tpu.memory_space<vmem>>
        %dma_start3A_139 = arith.constant 0 : i32
        %dma_start3A_140 = arith.constant 0 : i32
        %dma_start3A_141 = tpu.memref_slice %arg8[%dma_start3A_139, %dma_start3A_140] : memref<10000x128xf32, #tpu.memory_space<vmem_shared>> -> memref<10000x128xf32, #tpu.memory_space<vmem_shared>>
        tpu.enqueue_indirect_dma source(%arg6 : memref<80x128xf32, #tpu.memory_space<vmem>>) target(%dma_start3A_141 : memref<10000x128xf32, #tpu.memory_space<vmem_shared>>) offsets(%dma_start3A_138 : memref<80xi32, #tpu.memory_space<vmem>>) semaphore(%arg11 : memref<!tpu.dma_semaphore, #tpu.memory_space<semaphore_mem>>) {add = true}
        %dma_wait3A_142 = arith.constant 1 : i32
        %dma_wait3A_143 = arith.constant 0 : i32
        %dma_wait3A_144 = arith.constant 0 : i32
        %dma_wait3A_145 = tpu.memref_slice %arg5[%mul3A_113, %dma_wait3A_143, %dma_wait3A_144] : memref<125x2x80xi32, #tpu.memory_space<vmem>> -> memref<1x2x80xi32, #tpu.memory_space<vmem>>
        %dma_wait3A_146 = tpu.memref_squeeze %dma_wait3A_145 : memref<1x2x80xi32, #tpu.memory_space<vmem>> -> memref<2x80xi32, #tpu.memory_space<vmem>>
        %dma_wait3A_147 = arith.constant 0 : i32
        %dma_wait3A_148 = tpu.memref_slice %dma_wait3A_146[%dma_wait3A_142, %dma_wait3A_147] : memref<2x80xi32, #tpu.memory_space<vmem>> -> memref<1x80xi32, #tpu.memory_space<vmem>>
        %dma_wait3A_149 = tpu.memref_squeeze %dma_wait3A_148 : memref<1x80xi32, #tpu.memory_space<vmem>> -> memref<80xi32, #tpu.memory_space<vmem>>
        %dma_wait3A_150 = arith.constant 0 : i32
        %dma_wait3A_151 = arith.constant 0 : i32
        %dma_wait3A_152 = tpu.memref_slice %arg8[%dma_wait3A_150, %dma_wait3A_151] : memref<10000x128xf32, #tpu.memory_space<vmem_shared>> -> memref<10000x128xf32, #tpu.memory_space<vmem_shared>>
        tpu.wait_indirect_dma semaphore(%arg11 : memref<!tpu.dma_semaphore, #tpu.memory_space<semaphore_mem>>) src(%arg6 : memref<80x128xf32, #tpu.memory_space<vmem>>) dst(%dma_wait3A_152 : memref<10000x128xf32, #tpu.memory_space<vmem_shared>>)
        %add3A_153 = arith.constant 2 : i32
        %add3A_154 = arith.addi %mul3A_113, %add3A_153 : i32
        %dma_start3A_155 = arith.constant 0 : i32
        %dma_start3A_156 = arith.constant 0 : i32
        %dma_start3A_157 = arith.constant 0 : i32
        %dma_start3A_158 = tpu.memref_slice %arg5[%add3A_154, %dma_start3A_156, %dma_start3A_157] : memref<125x2x80xi32, #tpu.memory_space<vmem>> -> memref<1x2x80xi32, #tpu.memory_space<vmem>>
        %dma_start3A_159 = tpu.memref_squeeze %dma_start3A_158 : memref<1x2x80xi32, #tpu.memory_space<vmem>> -> memref<2x80xi32, #tpu.memory_space<vmem>>
        %dma_start3A_160 = arith.constant 0 : i32
        %dma_start3A_161 = tpu.memref_slice %dma_start3A_159[%dma_start3A_155, %dma_start3A_160] : memref<2x80xi32, #tpu.memory_space<vmem>> -> memref<1x80xi32, #tpu.memory_space<vmem>>
        %dma_start3A_162 = tpu.memref_squeeze %dma_start3A_161 : memref<1x80xi32, #tpu.memory_space<vmem>> -> memref<80xi32, #tpu.memory_space<vmem>>
        %dma_start3A_163 = arith.constant 0 : i32
        %dma_start3A_164 = tpu.memref_slice %arg2[%mul3A_12, %dma_start3A_163] : memref<160000x128xf32, #tpu.memory_space<hbm>> -> memref<10000x128xf32, #tpu.memory_space<hbm>>
        %dma_start3A_165 = arith.constant 0 : i32
        %dma_start3A_166 = arith.constant 0 : i32
        %dma_start3A_167 = tpu.memref_slice %dma_start3A_164[%dma_start3A_165, %dma_start3A_166] : memref<10000x128xf32, #tpu.memory_space<hbm>> -> memref<10000x128xf32, #tpu.memory_space<hbm>>
        tpu.enqueue_indirect_dma source(%dma_start3A_167 : memref<10000x128xf32, #tpu.memory_space<hbm>>) target(%arg6 : memref<80x128xf32, #tpu.memory_space<vmem>>) offsets(%dma_start3A_162 : memref<80xi32, #tpu.memory_space<vmem>>) semaphore(%arg9 : memref<!tpu.dma_semaphore, #tpu.memory_space<semaphore_mem>>)
        %dma_wait3A_168 = arith.constant 0 : i32
        %dma_wait3A_169 = arith.constant 0 : i32
        %dma_wait3A_170 = arith.constant 0 : i32
        %dma_wait3A_171 = tpu.memref_slice %arg5[%add3A_117, %dma_wait3A_169, %dma_wait3A_170] : memref<125x2x80xi32, #tpu.memory_space<vmem>> -> memref<1x2x80xi32, #tpu.memory_space<vmem>>
        %dma_wait3A_172 = tpu.memref_squeeze %dma_wait3A_171 : memref<1x2x80xi32, #tpu.memory_space<vmem>> -> memref<2x80xi32, #tpu.memory_space<vmem>>
        %dma_wait3A_173 = arith.constant 0 : i32
        %dma_wait3A_174 = tpu.memref_slice %dma_wait3A_172[%dma_wait3A_168, %dma_wait3A_173] : memref<2x80xi32, #tpu.memory_space<vmem>> -> memref<1x80xi32, #tpu.memory_space<vmem>>
        %dma_wait3A_175 = tpu.memref_squeeze %dma_wait3A_174 : memref<1x80xi32, #tpu.memory_space<vmem>> -> memref<80xi32, #tpu.memory_space<vmem>>
        %dma_wait3A_176 = arith.constant 0 : i32
        %dma_wait3A_177 = tpu.memref_slice %arg2[%mul3A_12, %dma_wait3A_176] : memref<160000x128xf32, #tpu.memory_space<hbm>> -> memref<10000x128xf32, #tpu.memory_space<hbm>>
        %dma_wait3A_178 = arith.constant 0 : i32
        %dma_wait3A_179 = arith.constant 0 : i32
        %dma_wait3A_180 = tpu.memref_slice %dma_wait3A_177[%dma_wait3A_178, %dma_wait3A_179] : memref<10000x128xf32, #tpu.memory_space<hbm>> -> memref<10000x128xf32, #tpu.memory_space<hbm>>
        tpu.wait_indirect_dma semaphore(%arg10 : memref<!tpu.dma_semaphore, #tpu.memory_space<semaphore_mem>>) src(%dma_wait3A_180 : memref<10000x128xf32, #tpu.memory_space<hbm>>) dst(%arg7 : memref<80x128xf32, #tpu.memory_space<vmem>>)
        %dma_start3A_181 = arith.constant 1 : i32
        %dma_start3A_182 = arith.constant 0 : i32
        %dma_start3A_183 = arith.constant 0 : i32
        %dma_start3A_184 = tpu.memref_slice %arg5[%add3A_117, %dma_start3A_182, %dma_start3A_183] : memref<125x2x80xi32, #tpu.memory_space<vmem>> -> memref<1x2x80xi32, #tpu.memory_space<vmem>>
        %dma_start3A_185 = tpu.memref_squeeze %dma_start3A_184 : memref<1x2x80xi32, #tpu.memory_space<vmem>> -> memref<2x80xi32, #tpu.memory_space<vmem>>
        %dma_start3A_186 = arith.constant 0 : i32
        %dma_start3A_187 = tpu.memref_slice %dma_start3A_185[%dma_start3A_181, %dma_start3A_186] : memref<2x80xi32, #tpu.memory_space<vmem>> -> memref<1x80xi32, #tpu.memory_space<vmem>>
        %dma_start3A_188 = tpu.memref_squeeze %dma_start3A_187 : memref<1x80xi32, #tpu.memory_space<vmem>> -> memref<80xi32, #tpu.memory_space<vmem>>
        %dma_start3A_189 = arith.constant 0 : i32
        %dma_start3A_190 = arith.constant 0 : i32
        %dma_start3A_191 = tpu.memref_slice %arg8[%dma_start3A_189, %dma_start3A_190] : memref<10000x128xf32, #tpu.memory_space<vmem_shared>> -> memref<10000x128xf32, #tpu.memory_space<vmem_shared>>
        tpu.enqueue_indirect_dma source(%arg7 : memref<80x128xf32, #tpu.memory_space<vmem>>) target(%dma_start3A_191 : memref<10000x128xf32, #tpu.memory_space<vmem_shared>>) offsets(%dma_start3A_188 : memref<80xi32, #tpu.memory_space<vmem>>) semaphore(%arg12 : memref<!tpu.dma_semaphore, #tpu.memory_space<semaphore_mem>>) {add = true}
        %dma_wait3A_192 = arith.constant 1 : i32
        %dma_wait3A_193 = arith.constant 0 : i32
        %dma_wait3A_194 = arith.constant 0 : i32
        %dma_wait3A_195 = tpu.memref_slice %arg5[%add3A_117, %dma_wait3A_193, %dma_wait3A_194] : memref<125x2x80xi32, #tpu.memory_space<vmem>> -> memref<1x2x80xi32, #tpu.memory_space<vmem>>
        %dma_wait3A_196 = tpu.memref_squeeze %dma_wait3A_195 : memref<1x2x80xi32, #tpu.memory_space<vmem>> -> memref<2x80xi32, #tpu.memory_space<vmem>>
        %dma_wait3A_197 = arith.constant 0 : i32
        %dma_wait3A_198 = tpu.memref_slice %dma_wait3A_196[%dma_wait3A_192, %dma_wait3A_197] : memref<2x80xi32, #tpu.memory_space<vmem>> -> memref<1x80xi32, #tpu.memory_space<vmem>>
        %dma_wait3A_199 = tpu.memref_squeeze %dma_wait3A_198 : memref<1x80xi32, #tpu.memory_space<vmem>> -> memref<80xi32, #tpu.memory_space<vmem>>
        %dma_wait3A_200 = arith.constant 0 : i32
        %dma_wait3A_201 = arith.constant 0 : i32
        %dma_wait3A_202 = tpu.memref_slice %arg8[%dma_wait3A_200, %dma_wait3A_201] : memref<10000x128xf32, #tpu.memory_space<vmem_shared>> -> memref<10000x128xf32, #tpu.memory_space<vmem_shared>>
        tpu.wait_indirect_dma semaphore(%arg12 : memref<!tpu.dma_semaphore, #tpu.memory_space<semaphore_mem>>) src(%arg7 : memref<80x128xf32, #tpu.memory_space<vmem>>) dst(%dma_wait3A_202 : memref<10000x128xf32, #tpu.memory_space<vmem_shared>>)
        %add3A_203 = arith.constant 2 : i32
        %add3A_204 = arith.addi %add3A_117, %add3A_203 : i32
        %lt3A = arith.constant 125 : i32
        %lt3A_205 = arith.cmpi slt, %add3A_204, %lt3A : i32
        %convert_element_type3A = arith.extui %lt3A_205 : i1 to i32
        %cond3A = arith.constant 0 : i32
        %cond3A_206 = arith.cmpi ne, %convert_element_type3A, %cond3A : i32
        scf.if %cond3A_206 {
          %add3A_207 = arith.constant 2 : i32
          %add3A_208 = arith.addi %add3A_117, %add3A_207 : i32
          %dma_start3A_209 = arith.constant 0 : i32
          %dma_start3A_210 = arith.constant 0 : i32
          %dma_start3A_211 = arith.constant 0 : i32
          %dma_start3A_212 = tpu.memref_slice %arg5[%add3A_208, %dma_start3A_210, %dma_start3A_211] : memref<125x2x80xi32, #tpu.memory_space<vmem>> -> memref<1x2x80xi32, #tpu.memory_space<vmem>>
          %dma_start3A_213 = tpu.memref_squeeze %dma_start3A_212 : memref<1x2x80xi32, #tpu.memory_space<vmem>> -> memref<2x80xi32, #tpu.memory_space<vmem>>
          %dma_start3A_214 = arith.constant 0 : i32
          %dma_start3A_215 = tpu.memref_slice %dma_start3A_213[%dma_start3A_209, %dma_start3A_214] : memref<2x80xi32, #tpu.memory_space<vmem>> -> memref<1x80xi32, #tpu.memory_space<vmem>>
          %dma_start3A_216 = tpu.memref_squeeze %dma_start3A_215 : memref<1x80xi32, #tpu.memory_space<vmem>> -> memref<80xi32, #tpu.memory_space<vmem>>
          %dma_start3A_217 = arith.constant 0 : i32
          %dma_start3A_218 = tpu.memref_slice %arg2[%mul3A_12, %dma_start3A_217] : memref<160000x128xf32, #tpu.memory_space<hbm>> -> memref<10000x128xf32, #tpu.memory_space<hbm>>
          %dma_start3A_219 = arith.constant 0 : i32
          %dma_start3A_220 = arith.constant 0 : i32
          %dma_start3A_221 = tpu.memref_slice %dma_start3A_218[%dma_start3A_219, %dma_start3A_220] : memref<10000x128xf32, #tpu.memory_space<hbm>> -> memref<10000x128xf32, #tpu.memory_space<hbm>>
          tpu.enqueue_indirect_dma source(%dma_start3A_221 : memref<10000x128xf32, #tpu.memory_space<hbm>>) target(%arg7 : memref<80x128xf32, #tpu.memory_space<vmem>>) offsets(%dma_start3A_216 : memref<80xi32, #tpu.memory_space<vmem>>) semaphore(%arg10 : memref<!tpu.dma_semaphore, #tpu.memory_space<semaphore_mem>>)
        } else {
        }
      }
      %scan3A_56 = arith.constant 62 : i32
      %dma_wait3A_57 = arith.constant 124 : i32
      %dma_wait3A_58 = arith.constant 0 : i32
      %dma_wait3A_59 = arith.constant 0 : i32
      %dma_wait3A_60 = arith.constant 0 : i32
      %dma_wait3A_61 = tpu.memref_slice %arg5[%dma_wait3A_57, %dma_wait3A_59, %dma_wait3A_60] : memref<125x2x80xi32, #tpu.memory_space<vmem>> -> memref<1x2x80xi32, #tpu.memory_space<vmem>>
      %dma_wait3A_62 = tpu.memref_squeeze %dma_wait3A_61 : memref<1x2x80xi32, #tpu.memory_space<vmem>> -> memref<2x80xi32, #tpu.memory_space<vmem>>
      %dma_wait3A_63 = arith.constant 0 : i32
      %dma_wait3A_64 = tpu.memref_slice %dma_wait3A_62[%dma_wait3A_58, %dma_wait3A_63] : memref<2x80xi32, #tpu.memory_space<vmem>> -> memref<1x80xi32, #tpu.memory_space<vmem>>
      %dma_wait3A_65 = tpu.memref_squeeze %dma_wait3A_64 : memref<1x80xi32, #tpu.memory_space<vmem>> -> memref<80xi32, #tpu.memory_space<vmem>>
      %dma_wait3A_66 = arith.constant 0 : i32
      %dma_wait3A_67 = tpu.memref_slice %arg2[%mul3A_12, %dma_wait3A_66] : memref<160000x128xf32, #tpu.memory_space<hbm>> -> memref<10000x128xf32, #tpu.memory_space<hbm>>
      %dma_wait3A_68 = arith.constant 0 : i32
      %dma_wait3A_69 = arith.constant 0 : i32
      %dma_wait3A_70 = tpu.memref_slice %dma_wait3A_67[%dma_wait3A_68, %dma_wait3A_69] : memref<10000x128xf32, #tpu.memory_space<hbm>> -> memref<10000x128xf32, #tpu.memory_space<hbm>>
      tpu.wait_indirect_dma semaphore(%arg9 : memref<!tpu.dma_semaphore, #tpu.memory_space<semaphore_mem>>) src(%dma_wait3A_70 : memref<10000x128xf32, #tpu.memory_space<hbm>>) dst(%arg6 : memref<80x128xf32, #tpu.memory_space<vmem>>)
      %dma_start3A_71 = arith.constant 124 : i32
      %dma_start3A_72 = arith.constant 1 : i32
      %dma_start3A_73 = arith.constant 0 : i32
      %dma_start3A_74 = arith.constant 0 : i32
      %dma_start3A_75 = tpu.memref_slice %arg5[%dma_start3A_71, %dma_start3A_73, %dma_start3A_74] : memref<125x2x80xi32, #tpu.memory_space<vmem>> -> memref<1x2x80xi32, #tpu.memory_space<vmem>>
      %dma_start3A_76 = tpu.memref_squeeze %dma_start3A_75 : memref<1x2x80xi32, #tpu.memory_space<vmem>> -> memref<2x80xi32, #tpu.memory_space<vmem>>
      %dma_start3A_77 = arith.constant 0 : i32
      %dma_start3A_78 = tpu.memref_slice %dma_start3A_76[%dma_start3A_72, %dma_start3A_77] : memref<2x80xi32, #tpu.memory_space<vmem>> -> memref<1x80xi32, #tpu.memory_space<vmem>>
      %dma_start3A_79 = tpu.memref_squeeze %dma_start3A_78 : memref<1x80xi32, #tpu.memory_space<vmem>> -> memref<80xi32, #tpu.memory_space<vmem>>
      %dma_start3A_80 = arith.constant 0 : i32
      %dma_start3A_81 = arith.constant 0 : i32
      %dma_start3A_82 = tpu.memref_slice %arg8[%dma_start3A_80, %dma_start3A_81] : memref<10000x128xf32, #tpu.memory_space<vmem_shared>> -> memref<10000x128xf32, #tpu.memory_space<vmem_shared>>
      tpu.enqueue_indirect_dma source(%arg6 : memref<80x128xf32, #tpu.memory_space<vmem>>) target(%dma_start3A_82 : memref<10000x128xf32, #tpu.memory_space<vmem_shared>>) offsets(%dma_start3A_79 : memref<80xi32, #tpu.memory_space<vmem>>) semaphore(%arg11 : memref<!tpu.dma_semaphore, #tpu.memory_space<semaphore_mem>>) {add = true}
      %dma_wait3A_83 = arith.constant 124 : i32
      %dma_wait3A_84 = arith.constant 1 : i32
      %dma_wait3A_85 = arith.constant 0 : i32
      %dma_wait3A_86 = arith.constant 0 : i32
      %dma_wait3A_87 = tpu.memref_slice %arg5[%dma_wait3A_83, %dma_wait3A_85, %dma_wait3A_86] : memref<125x2x80xi32, #tpu.memory_space<vmem>> -> memref<1x2x80xi32, #tpu.memory_space<vmem>>
      %dma_wait3A_88 = tpu.memref_squeeze %dma_wait3A_87 : memref<1x2x80xi32, #tpu.memory_space<vmem>> -> memref<2x80xi32, #tpu.memory_space<vmem>>
      %dma_wait3A_89 = arith.constant 0 : i32
      %dma_wait3A_90 = tpu.memref_slice %dma_wait3A_88[%dma_wait3A_84, %dma_wait3A_89] : memref<2x80xi32, #tpu.memory_space<vmem>> -> memref<1x80xi32, #tpu.memory_space<vmem>>
      %dma_wait3A_91 = tpu.memref_squeeze %dma_wait3A_90 : memref<1x80xi32, #tpu.memory_space<vmem>> -> memref<80xi32, #tpu.memory_space<vmem>>
      %dma_wait3A_92 = arith.constant 0 : i32
      %dma_wait3A_93 = arith.constant 0 : i32
      %dma_wait3A_94 = tpu.memref_slice %arg8[%dma_wait3A_92, %dma_wait3A_93] : memref<10000x128xf32, #tpu.memory_space<vmem_shared>> -> memref<10000x128xf32, #tpu.memory_space<vmem_shared>>
      tpu.wait_indirect_dma semaphore(%arg11 : memref<!tpu.dma_semaphore, #tpu.memory_space<semaphore_mem>>) src(%arg6 : memref<80x128xf32, #tpu.memory_space<vmem>>) dst(%dma_wait3A_94 : memref<10000x128xf32, #tpu.memory_space<vmem_shared>>)
      %barrier3A_95 = arith.constant 0 : index
      tpu.barrier barrier_id(%barrier3A_95)
      %mul3A_96 = arith.constant 10000 : i32
      %mul3A_97 = arith.muli %add3A, %mul3A_96 : i32
      %add3A_98 = arith.addi %mul3A_97, %mul3A_10 : i32
      %dma_start3A_99 = arith.constant 0 : i32
      %dma_start3A_100 = tpu.memref_slice %arg4[%add3A_98, %dma_start3A_99] : memref<80000x128xf32, #tpu.memory_space<hbm>> -> memref<625x128xf32, #tpu.memory_space<hbm>>
      %dma_start3A_101 = arith.constant 0 : i32
      %dma_start3A_102 = tpu.memref_slice %arg8[%mul3A_10, %dma_start3A_101] : memref<10000x128xf32, #tpu.memory_space<vmem_shared>> -> memref<625x128xf32, #tpu.memory_space<vmem_shared>>
      tpu.enqueue_dma source(%dma_start3A_102 : memref<625x128xf32, #tpu.memory_space<vmem_shared>>) target(%dma_start3A_100 : memref<625x128xf32, #tpu.memory_space<hbm>>) target_semaphore(%arg14 : memref<!tpu.dma_semaphore, #tpu.memory_space<semaphore_mem>>)
      %mul3A_103 = arith.constant 10000 : i32
      %mul3A_104 = arith.muli %add3A, %mul3A_103 : i32
      %add3A_105 = arith.addi %mul3A_104, %mul3A_10 : i32
      %dma_wait3A_106 = arith.constant 0 : i32
      %dma_wait3A_107 = tpu.memref_slice %arg4[%add3A_105, %dma_wait3A_106] : memref<80000x128xf32, #tpu.memory_space<hbm>> -> memref<625x128xf32, #tpu.memory_space<hbm>>
      %dma_wait3A_108 = arith.constant 0 : i32
      %dma_wait3A_109 = tpu.memref_slice %arg8[%mul3A_10, %dma_wait3A_108] : memref<10000x128xf32, #tpu.memory_space<vmem_shared>> -> memref<625x128xf32, #tpu.memory_space<vmem_shared>>
      tpu.wait_dma2 semaphore(%arg14 : memref<!tpu.dma_semaphore, #tpu.memory_space<semaphore_mem>>) src(%dma_wait3A_109 : memref<625x128xf32, #tpu.memory_space<vmem_shared>>) dst(%dma_wait3A_107 : memref<625x128xf32, #tpu.memory_space<hbm>>)
      %barrier3A_110 = arith.constant 0 : index
      tpu.barrier barrier_id(%barrier3A_110)
    }
    %scan3A_4 = arith.constant 4 : i32
    return
  }
}

#map = affine_map<(d0, d1) -> (0, 0)>
#map1 = affine_map<(d0, d1) -> (0, 0, 0, 0)>
module attributes {stable_mosaic.version = 14 : i64} {
  func.func @_sc_agg_body(%arg0: i32, %arg1: i32, %arg2: memref<80000x128xf32, #tpu.memory_space<hbm>>, %arg3: memref<16x125x2x80xi32, #tpu.memory_space<hbm>>, %arg4: memref<80000x128xf32, #tpu.memory_space<hbm>>, %arg5: memref<125x2x80xi32, #tpu.memory_space<vmem>>, %arg6: memref<80x128xf32, #tpu.memory_space<vmem>>, %arg7: memref<80x128xf32, #tpu.memory_space<vmem>>, %arg8: memref<10000x128xf32, #tpu.memory_space<vmem_shared>>, %arg9: memref<!tpu.dma_semaphore, #tpu.memory_space<semaphore_mem>>, %arg10: memref<!tpu.dma_semaphore, #tpu.memory_space<semaphore_mem>>, %arg11: memref<!tpu.dma_semaphore, #tpu.memory_space<semaphore_mem>>, %arg12: memref<!tpu.dma_semaphore, #tpu.memory_space<semaphore_mem>>, %arg13: memref<!tpu.dma_semaphore, #tpu.memory_space<semaphore_mem>>, %arg14: memref<!tpu.dma_semaphore, #tpu.memory_space<semaphore_mem>>) attributes {dimension_semantics = [#tpu.dimension_semantics<core_parallel>, #tpu.dimension_semantics<subcore_parallel>], iteration_bounds = array<i64: 2, 16>, scalar_prefetch = 0 : i64, scratch_operands = 10 : i64, tpu.core_type = #tpu.core_type<sc_vector_subcore>, window_params = [{transform_indices = #map}, {transform_indices = #map1}, {transform_indices = #map}]} {
    "tpu.region"() ({
      %run_scoped3A = tpu.sem_alloc : memref<!tpu.dma_semaphore, #tpu.memory_space<semaphore_mem>>
      %dma_start3A = arith.constant 0 : i32
      %dma_start3A_5 = arith.constant 0 : i32
      %dma_start3A_6 = arith.constant 0 : i32
      %dma_start3A_7 = tpu.memref_slice %arg3[%arg1, %dma_start3A, %dma_start3A_5, %dma_start3A_6] : memref<16x125x2x80xi32, #tpu.memory_space<hbm>> -> memref<1x125x2x80xi32, #tpu.memory_space<hbm>>
      %dma_start3A_8 = tpu.memref_squeeze %dma_start3A_7 : memref<1x125x2x80xi32, #tpu.memory_space<hbm>> -> memref<125x2x80xi32, #tpu.memory_space<hbm>>
      %dma_start3A_9 = arith.constant 0 : i32
      %dma_start3A_10 = arith.constant 0 : i32
      %dma_start3A_11 = arith.constant 0 : i32
      %dma_start3A_12 = tpu.memref_slice %arg3[%arg1, %dma_start3A_9, %dma_start3A_10, %dma_start3A_11] : memref<16x125x2x80xi32, #tpu.memory_space<hbm>> -> memref<1x125x2x80xi32, #tpu.memory_space<hbm>>
      %dma_start3A_13 = tpu.memref_squeeze %dma_start3A_12 : memref<1x125x2x80xi32, #tpu.memory_space<hbm>> -> memref<125x2x80xi32, #tpu.memory_space<hbm>>
      tpu.enqueue_dma source(%dma_start3A_13 : memref<125x2x80xi32, #tpu.memory_space<hbm>>) target(%arg5 : memref<125x2x80xi32, #tpu.memory_space<vmem>>) target_semaphore(%run_scoped3A : memref<!tpu.dma_semaphore, #tpu.memory_space<semaphore_mem>>)
      %dma_wait3A = arith.constant 0 : i32
      %dma_wait3A_14 = arith.constant 0 : i32
      %dma_wait3A_15 = arith.constant 0 : i32
      %dma_wait3A_16 = tpu.memref_slice %arg3[%arg1, %dma_wait3A, %dma_wait3A_14, %dma_wait3A_15] : memref<16x125x2x80xi32, #tpu.memory_space<hbm>> -> memref<1x125x2x80xi32, #tpu.memory_space<hbm>>
      %dma_wait3A_17 = tpu.memref_squeeze %dma_wait3A_16 : memref<1x125x2x80xi32, #tpu.memory_space<hbm>> -> memref<125x2x80xi32, #tpu.memory_space<hbm>>
      %dma_wait3A_18 = arith.constant 0 : i32
      %dma_wait3A_19 = arith.constant 0 : i32
      %dma_wait3A_20 = arith.constant 0 : i32
      %dma_wait3A_21 = tpu.memref_slice %arg3[%arg1, %dma_wait3A_18, %dma_wait3A_19, %dma_wait3A_20] : memref<16x125x2x80xi32, #tpu.memory_space<hbm>> -> memref<1x125x2x80xi32, #tpu.memory_space<hbm>>
      %dma_wait3A_22 = tpu.memref_squeeze %dma_wait3A_21 : memref<1x125x2x80xi32, #tpu.memory_space<hbm>> -> memref<125x2x80xi32, #tpu.memory_space<hbm>>
      tpu.wait_dma2 semaphore(%run_scoped3A : memref<!tpu.dma_semaphore, #tpu.memory_space<semaphore_mem>>) src(%dma_wait3A_22 : memref<125x2x80xi32, #tpu.memory_space<hbm>>) dst(%arg5 : memref<125x2x80xi32, #tpu.memory_space<vmem>>)
      tpu.yield
    }) : () -> ()
    %scan3A = arith.constant 0 : i32
    %scan3A_0 = arith.constant 0 : i32
    %scan3A_1 = arith.constant 4 : i32
    %scan3A_2 = arith.addi %scan3A_0, %scan3A_1 : i32
    %scan3A_3 = arith.constant 1 : i32
    scf.for %scan3A_5 = %scan3A_0 to %scan3A_2 step %scan3A_3  : i32 {
      %mul3A = arith.constant 4 : i32
      %mul3A_6 = arith.muli %arg0, %mul3A : i32
      %add3A = arith.addi %mul3A_6, %scan3A_5 : i32
      %add3A_7 = arith.constant 0 : i32
      %add3A_8 = arith.addi %add3A_7, %add3A : i32
      %mul3A_9 = arith.constant 625 : i32
      %mul3A_10 = arith.muli %arg1, %mul3A_9 : i32
      %mul3A_11 = arith.constant 10000 : i32
      %mul3A_12 = arith.muli %add3A_8, %mul3A_11 : i32
      %dma_start3A = arith.constant 0 : i32
      %dma_start3A_13 = tpu.memref_slice %arg8[%mul3A_10, %dma_start3A] : memref<10000x128xf32, #tpu.memory_space<vmem_shared>> -> memref<625x128xf32, #tpu.memory_space<vmem_shared>>
      %dma_start3A_14 = arith.constant 0 : i32
      %dma_start3A_15 = tpu.memref_slice %arg2[%mul3A_12, %dma_start3A_14] : memref<80000x128xf32, #tpu.memory_space<hbm>> -> memref<10000x128xf32, #tpu.memory_space<hbm>>
      %dma_start3A_16 = arith.constant 0 : i32
      %dma_start3A_17 = tpu.memref_slice %dma_start3A_15[%mul3A_10, %dma_start3A_16] : memref<10000x128xf32, #tpu.memory_space<hbm>> -> memref<625x128xf32, #tpu.memory_space<hbm>>
      tpu.enqueue_dma source(%dma_start3A_17 : memref<625x128xf32, #tpu.memory_space<hbm>>) target(%dma_start3A_13 : memref<625x128xf32, #tpu.memory_space<vmem_shared>>) target_semaphore(%arg13 : memref<!tpu.dma_semaphore, #tpu.memory_space<semaphore_mem>>)
      %dma_wait3A = arith.constant 0 : i32
      %dma_wait3A_18 = tpu.memref_slice %arg8[%mul3A_10, %dma_wait3A] : memref<10000x128xf32, #tpu.memory_space<vmem_shared>> -> memref<625x128xf32, #tpu.memory_space<vmem_shared>>
      %dma_wait3A_19 = arith.constant 0 : i32
      %dma_wait3A_20 = tpu.memref_slice %arg2[%mul3A_12, %dma_wait3A_19] : memref<80000x128xf32, #tpu.memory_space<hbm>> -> memref<10000x128xf32, #tpu.memory_space<hbm>>
      %dma_wait3A_21 = arith.constant 0 : i32
      %dma_wait3A_22 = tpu.memref_slice %dma_wait3A_20[%mul3A_10, %dma_wait3A_21] : memref<10000x128xf32, #tpu.memory_space<hbm>> -> memref<625x128xf32, #tpu.memory_space<hbm>>
      tpu.wait_dma2 semaphore(%arg13 : memref<!tpu.dma_semaphore, #tpu.memory_space<semaphore_mem>>) src(%dma_wait3A_22 : memref<625x128xf32, #tpu.memory_space<hbm>>) dst(%dma_wait3A_18 : memref<625x128xf32, #tpu.memory_space<vmem_shared>>)
      %barrier3A = arith.constant 0 : index
      tpu.barrier barrier_id(%barrier3A)
      %dma_start3A_23 = arith.constant 0 : i32
      %dma_start3A_24 = arith.constant 0 : i32
      %dma_start3A_25 = arith.constant 0 : i32
      %dma_start3A_26 = arith.constant 0 : i32
      %dma_start3A_27 = tpu.memref_slice %arg5[%dma_start3A_23, %dma_start3A_25, %dma_start3A_26] : memref<125x2x80xi32, #tpu.memory_space<vmem>> -> memref<1x2x80xi32, #tpu.memory_space<vmem>>
      %dma_start3A_28 = tpu.memref_squeeze %dma_start3A_27 : memref<1x2x80xi32, #tpu.memory_space<vmem>> -> memref<2x80xi32, #tpu.memory_space<vmem>>
      %dma_start3A_29 = arith.constant 0 : i32
      %dma_start3A_30 = tpu.memref_slice %dma_start3A_28[%dma_start3A_24, %dma_start3A_29] : memref<2x80xi32, #tpu.memory_space<vmem>> -> memref<1x80xi32, #tpu.memory_space<vmem>>
      %dma_start3A_31 = tpu.memref_squeeze %dma_start3A_30 : memref<1x80xi32, #tpu.memory_space<vmem>> -> memref<80xi32, #tpu.memory_space<vmem>>
      %dma_start3A_32 = arith.constant 0 : i32
      %dma_start3A_33 = tpu.memref_slice %arg2[%mul3A_12, %dma_start3A_32] : memref<80000x128xf32, #tpu.memory_space<hbm>> -> memref<10000x128xf32, #tpu.memory_space<hbm>>
      %dma_start3A_34 = arith.constant 0 : i32
      %dma_start3A_35 = arith.constant 0 : i32
      %dma_start3A_36 = tpu.memref_slice %dma_start3A_33[%dma_start3A_34, %dma_start3A_35] : memref<10000x128xf32, #tpu.memory_space<hbm>> -> memref<10000x128xf32, #tpu.memory_space<hbm>>
      tpu.enqueue_indirect_dma source(%dma_start3A_36 : memref<10000x128xf32, #tpu.memory_space<hbm>>) target(%arg6 : memref<80x128xf32, #tpu.memory_space<vmem>>) offsets(%dma_start3A_31 : memref<80xi32, #tpu.memory_space<vmem>>) semaphore(%arg9 : memref<!tpu.dma_semaphore, #tpu.memory_space<semaphore_mem>>)
      %dma_start3A_37 = arith.constant 1 : i32
      %dma_start3A_38 = arith.constant 0 : i32
      %dma_start3A_39 = arith.constant 0 : i32
      %dma_start3A_40 = arith.constant 0 : i32
      %dma_start3A_41 = tpu.memref_slice %arg5[%dma_start3A_37, %dma_start3A_39, %dma_start3A_40] : memref<125x2x80xi32, #tpu.memory_space<vmem>> -> memref<1x2x80xi32, #tpu.memory_space<vmem>>
      %dma_start3A_42 = tpu.memref_squeeze %dma_start3A_41 : memref<1x2x80xi32, #tpu.memory_space<vmem>> -> memref<2x80xi32, #tpu.memory_space<vmem>>
      %dma_start3A_43 = arith.constant 0 : i32
      %dma_start3A_44 = tpu.memref_slice %dma_start3A_42[%dma_start3A_38, %dma_start3A_43] : memref<2x80xi32, #tpu.memory_space<vmem>> -> memref<1x80xi32, #tpu.memory_space<vmem>>
      %dma_start3A_45 = tpu.memref_squeeze %dma_start3A_44 : memref<1x80xi32, #tpu.memory_space<vmem>> -> memref<80xi32, #tpu.memory_space<vmem>>
      %dma_start3A_46 = arith.constant 0 : i32
      %dma_start3A_47 = tpu.memref_slice %arg2[%mul3A_12, %dma_start3A_46] : memref<80000x128xf32, #tpu.memory_space<hbm>> -> memref<10000x128xf32, #tpu.memory_space<hbm>>
      %dma_start3A_48 = arith.constant 0 : i32
      %dma_start3A_49 = arith.constant 0 : i32
      %dma_start3A_50 = tpu.memref_slice %dma_start3A_47[%dma_start3A_48, %dma_start3A_49] : memref<10000x128xf32, #tpu.memory_space<hbm>> -> memref<10000x128xf32, #tpu.memory_space<hbm>>
      tpu.enqueue_indirect_dma source(%dma_start3A_50 : memref<10000x128xf32, #tpu.memory_space<hbm>>) target(%arg7 : memref<80x128xf32, #tpu.memory_space<vmem>>) offsets(%dma_start3A_45 : memref<80xi32, #tpu.memory_space<vmem>>) semaphore(%arg10 : memref<!tpu.dma_semaphore, #tpu.memory_space<semaphore_mem>>)
      %scan3A_51 = arith.constant 0 : i32
      %scan3A_52 = arith.constant 0 : i32
      %scan3A_53 = arith.constant 62 : i32
      %scan3A_54 = arith.addi %scan3A_52, %scan3A_53 : i32
      %scan3A_55 = arith.constant 1 : i32
      scf.for %scan3A_111 = %scan3A_52 to %scan3A_54 step %scan3A_55  : i32 {
        %mul3A_112 = arith.constant 2 : i32
        %mul3A_113 = arith.muli %mul3A_112, %scan3A_111 : i32
        %mul3A_114 = arith.constant 2 : i32
        %mul3A_115 = arith.muli %mul3A_114, %scan3A_111 : i32
        %add3A_116 = arith.constant 1 : i32
        %add3A_117 = arith.addi %mul3A_115, %add3A_116 : i32
        %dma_wait3A_118 = arith.constant 0 : i32
        %dma_wait3A_119 = arith.constant 0 : i32
        %dma_wait3A_120 = arith.constant 0 : i32
        %dma_wait3A_121 = tpu.memref_slice %arg5[%mul3A_113, %dma_wait3A_119, %dma_wait3A_120] : memref<125x2x80xi32, #tpu.memory_space<vmem>> -> memref<1x2x80xi32, #tpu.memory_space<vmem>>
        %dma_wait3A_122 = tpu.memref_squeeze %dma_wait3A_121 : memref<1x2x80xi32, #tpu.memory_space<vmem>> -> memref<2x80xi32, #tpu.memory_space<vmem>>
        %dma_wait3A_123 = arith.constant 0 : i32
        %dma_wait3A_124 = tpu.memref_slice %dma_wait3A_122[%dma_wait3A_118, %dma_wait3A_123] : memref<2x80xi32, #tpu.memory_space<vmem>> -> memref<1x80xi32, #tpu.memory_space<vmem>>
        %dma_wait3A_125 = tpu.memref_squeeze %dma_wait3A_124 : memref<1x80xi32, #tpu.memory_space<vmem>> -> memref<80xi32, #tpu.memory_space<vmem>>
        %dma_wait3A_126 = arith.constant 0 : i32
        %dma_wait3A_127 = tpu.memref_slice %arg2[%mul3A_12, %dma_wait3A_126] : memref<80000x128xf32, #tpu.memory_space<hbm>> -> memref<10000x128xf32, #tpu.memory_space<hbm>>
        %dma_wait3A_128 = arith.constant 0 : i32
        %dma_wait3A_129 = arith.constant 0 : i32
        %dma_wait3A_130 = tpu.memref_slice %dma_wait3A_127[%dma_wait3A_128, %dma_wait3A_129] : memref<10000x128xf32, #tpu.memory_space<hbm>> -> memref<10000x128xf32, #tpu.memory_space<hbm>>
        tpu.wait_indirect_dma semaphore(%arg9 : memref<!tpu.dma_semaphore, #tpu.memory_space<semaphore_mem>>) src(%dma_wait3A_130 : memref<10000x128xf32, #tpu.memory_space<hbm>>) dst(%arg6 : memref<80x128xf32, #tpu.memory_space<vmem>>)
        %dma_start3A_131 = arith.constant 1 : i32
        %dma_start3A_132 = arith.constant 0 : i32
        %dma_start3A_133 = arith.constant 0 : i32
        %dma_start3A_134 = tpu.memref_slice %arg5[%mul3A_113, %dma_start3A_132, %dma_start3A_133] : memref<125x2x80xi32, #tpu.memory_space<vmem>> -> memref<1x2x80xi32, #tpu.memory_space<vmem>>
        %dma_start3A_135 = tpu.memref_squeeze %dma_start3A_134 : memref<1x2x80xi32, #tpu.memory_space<vmem>> -> memref<2x80xi32, #tpu.memory_space<vmem>>
        %dma_start3A_136 = arith.constant 0 : i32
        %dma_start3A_137 = tpu.memref_slice %dma_start3A_135[%dma_start3A_131, %dma_start3A_136] : memref<2x80xi32, #tpu.memory_space<vmem>> -> memref<1x80xi32, #tpu.memory_space<vmem>>
        %dma_start3A_138 = tpu.memref_squeeze %dma_start3A_137 : memref<1x80xi32, #tpu.memory_space<vmem>> -> memref<80xi32, #tpu.memory_space<vmem>>
        %dma_start3A_139 = arith.constant 0 : i32
        %dma_start3A_140 = arith.constant 0 : i32
        %dma_start3A_141 = tpu.memref_slice %arg8[%dma_start3A_139, %dma_start3A_140] : memref<10000x128xf32, #tpu.memory_space<vmem_shared>> -> memref<10000x128xf32, #tpu.memory_space<vmem_shared>>
        tpu.enqueue_indirect_dma source(%arg6 : memref<80x128xf32, #tpu.memory_space<vmem>>) target(%dma_start3A_141 : memref<10000x128xf32, #tpu.memory_space<vmem_shared>>) offsets(%dma_start3A_138 : memref<80xi32, #tpu.memory_space<vmem>>) semaphore(%arg11 : memref<!tpu.dma_semaphore, #tpu.memory_space<semaphore_mem>>) {add = true}
        %dma_wait3A_142 = arith.constant 1 : i32
        %dma_wait3A_143 = arith.constant 0 : i32
        %dma_wait3A_144 = arith.constant 0 : i32
        %dma_wait3A_145 = tpu.memref_slice %arg5[%mul3A_113, %dma_wait3A_143, %dma_wait3A_144] : memref<125x2x80xi32, #tpu.memory_space<vmem>> -> memref<1x2x80xi32, #tpu.memory_space<vmem>>
        %dma_wait3A_146 = tpu.memref_squeeze %dma_wait3A_145 : memref<1x2x80xi32, #tpu.memory_space<vmem>> -> memref<2x80xi32, #tpu.memory_space<vmem>>
        %dma_wait3A_147 = arith.constant 0 : i32
        %dma_wait3A_148 = tpu.memref_slice %dma_wait3A_146[%dma_wait3A_142, %dma_wait3A_147] : memref<2x80xi32, #tpu.memory_space<vmem>> -> memref<1x80xi32, #tpu.memory_space<vmem>>
        %dma_wait3A_149 = tpu.memref_squeeze %dma_wait3A_148 : memref<1x80xi32, #tpu.memory_space<vmem>> -> memref<80xi32, #tpu.memory_space<vmem>>
        %dma_wait3A_150 = arith.constant 0 : i32
        %dma_wait3A_151 = arith.constant 0 : i32
        %dma_wait3A_152 = tpu.memref_slice %arg8[%dma_wait3A_150, %dma_wait3A_151] : memref<10000x128xf32, #tpu.memory_space<vmem_shared>> -> memref<10000x128xf32, #tpu.memory_space<vmem_shared>>
        tpu.wait_indirect_dma semaphore(%arg11 : memref<!tpu.dma_semaphore, #tpu.memory_space<semaphore_mem>>) src(%arg6 : memref<80x128xf32, #tpu.memory_space<vmem>>) dst(%dma_wait3A_152 : memref<10000x128xf32, #tpu.memory_space<vmem_shared>>)
        %add3A_153 = arith.constant 2 : i32
        %add3A_154 = arith.addi %mul3A_113, %add3A_153 : i32
        %dma_start3A_155 = arith.constant 0 : i32
        %dma_start3A_156 = arith.constant 0 : i32
        %dma_start3A_157 = arith.constant 0 : i32
        %dma_start3A_158 = tpu.memref_slice %arg5[%add3A_154, %dma_start3A_156, %dma_start3A_157] : memref<125x2x80xi32, #tpu.memory_space<vmem>> -> memref<1x2x80xi32, #tpu.memory_space<vmem>>
        %dma_start3A_159 = tpu.memref_squeeze %dma_start3A_158 : memref<1x2x80xi32, #tpu.memory_space<vmem>> -> memref<2x80xi32, #tpu.memory_space<vmem>>
        %dma_start3A_160 = arith.constant 0 : i32
        %dma_start3A_161 = tpu.memref_slice %dma_start3A_159[%dma_start3A_155, %dma_start3A_160] : memref<2x80xi32, #tpu.memory_space<vmem>> -> memref<1x80xi32, #tpu.memory_space<vmem>>
        %dma_start3A_162 = tpu.memref_squeeze %dma_start3A_161 : memref<1x80xi32, #tpu.memory_space<vmem>> -> memref<80xi32, #tpu.memory_space<vmem>>
        %dma_start3A_163 = arith.constant 0 : i32
        %dma_start3A_164 = tpu.memref_slice %arg2[%mul3A_12, %dma_start3A_163] : memref<80000x128xf32, #tpu.memory_space<hbm>> -> memref<10000x128xf32, #tpu.memory_space<hbm>>
        %dma_start3A_165 = arith.constant 0 : i32
        %dma_start3A_166 = arith.constant 0 : i32
        %dma_start3A_167 = tpu.memref_slice %dma_start3A_164[%dma_start3A_165, %dma_start3A_166] : memref<10000x128xf32, #tpu.memory_space<hbm>> -> memref<10000x128xf32, #tpu.memory_space<hbm>>
        tpu.enqueue_indirect_dma source(%dma_start3A_167 : memref<10000x128xf32, #tpu.memory_space<hbm>>) target(%arg6 : memref<80x128xf32, #tpu.memory_space<vmem>>) offsets(%dma_start3A_162 : memref<80xi32, #tpu.memory_space<vmem>>) semaphore(%arg9 : memref<!tpu.dma_semaphore, #tpu.memory_space<semaphore_mem>>)
        %dma_wait3A_168 = arith.constant 0 : i32
        %dma_wait3A_169 = arith.constant 0 : i32
        %dma_wait3A_170 = arith.constant 0 : i32
        %dma_wait3A_171 = tpu.memref_slice %arg5[%add3A_117, %dma_wait3A_169, %dma_wait3A_170] : memref<125x2x80xi32, #tpu.memory_space<vmem>> -> memref<1x2x80xi32, #tpu.memory_space<vmem>>
        %dma_wait3A_172 = tpu.memref_squeeze %dma_wait3A_171 : memref<1x2x80xi32, #tpu.memory_space<vmem>> -> memref<2x80xi32, #tpu.memory_space<vmem>>
        %dma_wait3A_173 = arith.constant 0 : i32
        %dma_wait3A_174 = tpu.memref_slice %dma_wait3A_172[%dma_wait3A_168, %dma_wait3A_173] : memref<2x80xi32, #tpu.memory_space<vmem>> -> memref<1x80xi32, #tpu.memory_space<vmem>>
        %dma_wait3A_175 = tpu.memref_squeeze %dma_wait3A_174 : memref<1x80xi32, #tpu.memory_space<vmem>> -> memref<80xi32, #tpu.memory_space<vmem>>
        %dma_wait3A_176 = arith.constant 0 : i32
        %dma_wait3A_177 = tpu.memref_slice %arg2[%mul3A_12, %dma_wait3A_176] : memref<80000x128xf32, #tpu.memory_space<hbm>> -> memref<10000x128xf32, #tpu.memory_space<hbm>>
        %dma_wait3A_178 = arith.constant 0 : i32
        %dma_wait3A_179 = arith.constant 0 : i32
        %dma_wait3A_180 = tpu.memref_slice %dma_wait3A_177[%dma_wait3A_178, %dma_wait3A_179] : memref<10000x128xf32, #tpu.memory_space<hbm>> -> memref<10000x128xf32, #tpu.memory_space<hbm>>
        tpu.wait_indirect_dma semaphore(%arg10 : memref<!tpu.dma_semaphore, #tpu.memory_space<semaphore_mem>>) src(%dma_wait3A_180 : memref<10000x128xf32, #tpu.memory_space<hbm>>) dst(%arg7 : memref<80x128xf32, #tpu.memory_space<vmem>>)
        %dma_start3A_181 = arith.constant 1 : i32
        %dma_start3A_182 = arith.constant 0 : i32
        %dma_start3A_183 = arith.constant 0 : i32
        %dma_start3A_184 = tpu.memref_slice %arg5[%add3A_117, %dma_start3A_182, %dma_start3A_183] : memref<125x2x80xi32, #tpu.memory_space<vmem>> -> memref<1x2x80xi32, #tpu.memory_space<vmem>>
        %dma_start3A_185 = tpu.memref_squeeze %dma_start3A_184 : memref<1x2x80xi32, #tpu.memory_space<vmem>> -> memref<2x80xi32, #tpu.memory_space<vmem>>
        %dma_start3A_186 = arith.constant 0 : i32
        %dma_start3A_187 = tpu.memref_slice %dma_start3A_185[%dma_start3A_181, %dma_start3A_186] : memref<2x80xi32, #tpu.memory_space<vmem>> -> memref<1x80xi32, #tpu.memory_space<vmem>>
        %dma_start3A_188 = tpu.memref_squeeze %dma_start3A_187 : memref<1x80xi32, #tpu.memory_space<vmem>> -> memref<80xi32, #tpu.memory_space<vmem>>
        %dma_start3A_189 = arith.constant 0 : i32
        %dma_start3A_190 = arith.constant 0 : i32
        %dma_start3A_191 = tpu.memref_slice %arg8[%dma_start3A_189, %dma_start3A_190] : memref<10000x128xf32, #tpu.memory_space<vmem_shared>> -> memref<10000x128xf32, #tpu.memory_space<vmem_shared>>
        tpu.enqueue_indirect_dma source(%arg7 : memref<80x128xf32, #tpu.memory_space<vmem>>) target(%dma_start3A_191 : memref<10000x128xf32, #tpu.memory_space<vmem_shared>>) offsets(%dma_start3A_188 : memref<80xi32, #tpu.memory_space<vmem>>) semaphore(%arg12 : memref<!tpu.dma_semaphore, #tpu.memory_space<semaphore_mem>>) {add = true}
        %dma_wait3A_192 = arith.constant 1 : i32
        %dma_wait3A_193 = arith.constant 0 : i32
        %dma_wait3A_194 = arith.constant 0 : i32
        %dma_wait3A_195 = tpu.memref_slice %arg5[%add3A_117, %dma_wait3A_193, %dma_wait3A_194] : memref<125x2x80xi32, #tpu.memory_space<vmem>> -> memref<1x2x80xi32, #tpu.memory_space<vmem>>
        %dma_wait3A_196 = tpu.memref_squeeze %dma_wait3A_195 : memref<1x2x80xi32, #tpu.memory_space<vmem>> -> memref<2x80xi32, #tpu.memory_space<vmem>>
        %dma_wait3A_197 = arith.constant 0 : i32
        %dma_wait3A_198 = tpu.memref_slice %dma_wait3A_196[%dma_wait3A_192, %dma_wait3A_197] : memref<2x80xi32, #tpu.memory_space<vmem>> -> memref<1x80xi32, #tpu.memory_space<vmem>>
        %dma_wait3A_199 = tpu.memref_squeeze %dma_wait3A_198 : memref<1x80xi32, #tpu.memory_space<vmem>> -> memref<80xi32, #tpu.memory_space<vmem>>
        %dma_wait3A_200 = arith.constant 0 : i32
        %dma_wait3A_201 = arith.constant 0 : i32
        %dma_wait3A_202 = tpu.memref_slice %arg8[%dma_wait3A_200, %dma_wait3A_201] : memref<10000x128xf32, #tpu.memory_space<vmem_shared>> -> memref<10000x128xf32, #tpu.memory_space<vmem_shared>>
        tpu.wait_indirect_dma semaphore(%arg12 : memref<!tpu.dma_semaphore, #tpu.memory_space<semaphore_mem>>) src(%arg7 : memref<80x128xf32, #tpu.memory_space<vmem>>) dst(%dma_wait3A_202 : memref<10000x128xf32, #tpu.memory_space<vmem_shared>>)
        %add3A_203 = arith.constant 2 : i32
        %add3A_204 = arith.addi %add3A_117, %add3A_203 : i32
        %lt3A = arith.constant 125 : i32
        %lt3A_205 = arith.cmpi slt, %add3A_204, %lt3A : i32
        %convert_element_type3A = arith.extui %lt3A_205 : i1 to i32
        %cond3A = arith.constant 0 : i32
        %cond3A_206 = arith.cmpi ne, %convert_element_type3A, %cond3A : i32
        scf.if %cond3A_206 {
          %add3A_207 = arith.constant 2 : i32
          %add3A_208 = arith.addi %add3A_117, %add3A_207 : i32
          %dma_start3A_209 = arith.constant 0 : i32
          %dma_start3A_210 = arith.constant 0 : i32
          %dma_start3A_211 = arith.constant 0 : i32
          %dma_start3A_212 = tpu.memref_slice %arg5[%add3A_208, %dma_start3A_210, %dma_start3A_211] : memref<125x2x80xi32, #tpu.memory_space<vmem>> -> memref<1x2x80xi32, #tpu.memory_space<vmem>>
          %dma_start3A_213 = tpu.memref_squeeze %dma_start3A_212 : memref<1x2x80xi32, #tpu.memory_space<vmem>> -> memref<2x80xi32, #tpu.memory_space<vmem>>
          %dma_start3A_214 = arith.constant 0 : i32
          %dma_start3A_215 = tpu.memref_slice %dma_start3A_213[%dma_start3A_209, %dma_start3A_214] : memref<2x80xi32, #tpu.memory_space<vmem>> -> memref<1x80xi32, #tpu.memory_space<vmem>>
          %dma_start3A_216 = tpu.memref_squeeze %dma_start3A_215 : memref<1x80xi32, #tpu.memory_space<vmem>> -> memref<80xi32, #tpu.memory_space<vmem>>
          %dma_start3A_217 = arith.constant 0 : i32
          %dma_start3A_218 = tpu.memref_slice %arg2[%mul3A_12, %dma_start3A_217] : memref<80000x128xf32, #tpu.memory_space<hbm>> -> memref<10000x128xf32, #tpu.memory_space<hbm>>
          %dma_start3A_219 = arith.constant 0 : i32
          %dma_start3A_220 = arith.constant 0 : i32
          %dma_start3A_221 = tpu.memref_slice %dma_start3A_218[%dma_start3A_219, %dma_start3A_220] : memref<10000x128xf32, #tpu.memory_space<hbm>> -> memref<10000x128xf32, #tpu.memory_space<hbm>>
          tpu.enqueue_indirect_dma source(%dma_start3A_221 : memref<10000x128xf32, #tpu.memory_space<hbm>>) target(%arg7 : memref<80x128xf32, #tpu.memory_space<vmem>>) offsets(%dma_start3A_216 : memref<80xi32, #tpu.memory_space<vmem>>) semaphore(%arg10 : memref<!tpu.dma_semaphore, #tpu.memory_space<semaphore_mem>>)
        } else {
        }
      }
      %scan3A_56 = arith.constant 62 : i32
      %dma_wait3A_57 = arith.constant 124 : i32
      %dma_wait3A_58 = arith.constant 0 : i32
      %dma_wait3A_59 = arith.constant 0 : i32
      %dma_wait3A_60 = arith.constant 0 : i32
      %dma_wait3A_61 = tpu.memref_slice %arg5[%dma_wait3A_57, %dma_wait3A_59, %dma_wait3A_60] : memref<125x2x80xi32, #tpu.memory_space<vmem>> -> memref<1x2x80xi32, #tpu.memory_space<vmem>>
      %dma_wait3A_62 = tpu.memref_squeeze %dma_wait3A_61 : memref<1x2x80xi32, #tpu.memory_space<vmem>> -> memref<2x80xi32, #tpu.memory_space<vmem>>
      %dma_wait3A_63 = arith.constant 0 : i32
      %dma_wait3A_64 = tpu.memref_slice %dma_wait3A_62[%dma_wait3A_58, %dma_wait3A_63] : memref<2x80xi32, #tpu.memory_space<vmem>> -> memref<1x80xi32, #tpu.memory_space<vmem>>
      %dma_wait3A_65 = tpu.memref_squeeze %dma_wait3A_64 : memref<1x80xi32, #tpu.memory_space<vmem>> -> memref<80xi32, #tpu.memory_space<vmem>>
      %dma_wait3A_66 = arith.constant 0 : i32
      %dma_wait3A_67 = tpu.memref_slice %arg2[%mul3A_12, %dma_wait3A_66] : memref<80000x128xf32, #tpu.memory_space<hbm>> -> memref<10000x128xf32, #tpu.memory_space<hbm>>
      %dma_wait3A_68 = arith.constant 0 : i32
      %dma_wait3A_69 = arith.constant 0 : i32
      %dma_wait3A_70 = tpu.memref_slice %dma_wait3A_67[%dma_wait3A_68, %dma_wait3A_69] : memref<10000x128xf32, #tpu.memory_space<hbm>> -> memref<10000x128xf32, #tpu.memory_space<hbm>>
      tpu.wait_indirect_dma semaphore(%arg9 : memref<!tpu.dma_semaphore, #tpu.memory_space<semaphore_mem>>) src(%dma_wait3A_70 : memref<10000x128xf32, #tpu.memory_space<hbm>>) dst(%arg6 : memref<80x128xf32, #tpu.memory_space<vmem>>)
      %dma_start3A_71 = arith.constant 124 : i32
      %dma_start3A_72 = arith.constant 1 : i32
      %dma_start3A_73 = arith.constant 0 : i32
      %dma_start3A_74 = arith.constant 0 : i32
      %dma_start3A_75 = tpu.memref_slice %arg5[%dma_start3A_71, %dma_start3A_73, %dma_start3A_74] : memref<125x2x80xi32, #tpu.memory_space<vmem>> -> memref<1x2x80xi32, #tpu.memory_space<vmem>>
      %dma_start3A_76 = tpu.memref_squeeze %dma_start3A_75 : memref<1x2x80xi32, #tpu.memory_space<vmem>> -> memref<2x80xi32, #tpu.memory_space<vmem>>
      %dma_start3A_77 = arith.constant 0 : i32
      %dma_start3A_78 = tpu.memref_slice %dma_start3A_76[%dma_start3A_72, %dma_start3A_77] : memref<2x80xi32, #tpu.memory_space<vmem>> -> memref<1x80xi32, #tpu.memory_space<vmem>>
      %dma_start3A_79 = tpu.memref_squeeze %dma_start3A_78 : memref<1x80xi32, #tpu.memory_space<vmem>> -> memref<80xi32, #tpu.memory_space<vmem>>
      %dma_start3A_80 = arith.constant 0 : i32
      %dma_start3A_81 = arith.constant 0 : i32
      %dma_start3A_82 = tpu.memref_slice %arg8[%dma_start3A_80, %dma_start3A_81] : memref<10000x128xf32, #tpu.memory_space<vmem_shared>> -> memref<10000x128xf32, #tpu.memory_space<vmem_shared>>
      tpu.enqueue_indirect_dma source(%arg6 : memref<80x128xf32, #tpu.memory_space<vmem>>) target(%dma_start3A_82 : memref<10000x128xf32, #tpu.memory_space<vmem_shared>>) offsets(%dma_start3A_79 : memref<80xi32, #tpu.memory_space<vmem>>) semaphore(%arg11 : memref<!tpu.dma_semaphore, #tpu.memory_space<semaphore_mem>>) {add = true}
      %dma_wait3A_83 = arith.constant 124 : i32
      %dma_wait3A_84 = arith.constant 1 : i32
      %dma_wait3A_85 = arith.constant 0 : i32
      %dma_wait3A_86 = arith.constant 0 : i32
      %dma_wait3A_87 = tpu.memref_slice %arg5[%dma_wait3A_83, %dma_wait3A_85, %dma_wait3A_86] : memref<125x2x80xi32, #tpu.memory_space<vmem>> -> memref<1x2x80xi32, #tpu.memory_space<vmem>>
      %dma_wait3A_88 = tpu.memref_squeeze %dma_wait3A_87 : memref<1x2x80xi32, #tpu.memory_space<vmem>> -> memref<2x80xi32, #tpu.memory_space<vmem>>
      %dma_wait3A_89 = arith.constant 0 : i32
      %dma_wait3A_90 = tpu.memref_slice %dma_wait3A_88[%dma_wait3A_84, %dma_wait3A_89] : memref<2x80xi32, #tpu.memory_space<vmem>> -> memref<1x80xi32, #tpu.memory_space<vmem>>
      %dma_wait3A_91 = tpu.memref_squeeze %dma_wait3A_90 : memref<1x80xi32, #tpu.memory_space<vmem>> -> memref<80xi32, #tpu.memory_space<vmem>>
      %dma_wait3A_92 = arith.constant 0 : i32
      %dma_wait3A_93 = arith.constant 0 : i32
      %dma_wait3A_94 = tpu.memref_slice %arg8[%dma_wait3A_92, %dma_wait3A_93] : memref<10000x128xf32, #tpu.memory_space<vmem_shared>> -> memref<10000x128xf32, #tpu.memory_space<vmem_shared>>
      tpu.wait_indirect_dma semaphore(%arg11 : memref<!tpu.dma_semaphore, #tpu.memory_space<semaphore_mem>>) src(%arg6 : memref<80x128xf32, #tpu.memory_space<vmem>>) dst(%dma_wait3A_94 : memref<10000x128xf32, #tpu.memory_space<vmem_shared>>)
      %barrier3A_95 = arith.constant 0 : index
      tpu.barrier barrier_id(%barrier3A_95)
      %mul3A_96 = arith.constant 10000 : i32
      %mul3A_97 = arith.muli %add3A, %mul3A_96 : i32
      %add3A_98 = arith.addi %mul3A_97, %mul3A_10 : i32
      %dma_start3A_99 = arith.constant 0 : i32
      %dma_start3A_100 = tpu.memref_slice %arg4[%add3A_98, %dma_start3A_99] : memref<80000x128xf32, #tpu.memory_space<hbm>> -> memref<625x128xf32, #tpu.memory_space<hbm>>
      %dma_start3A_101 = arith.constant 0 : i32
      %dma_start3A_102 = tpu.memref_slice %arg8[%mul3A_10, %dma_start3A_101] : memref<10000x128xf32, #tpu.memory_space<vmem_shared>> -> memref<625x128xf32, #tpu.memory_space<vmem_shared>>
      tpu.enqueue_dma source(%dma_start3A_102 : memref<625x128xf32, #tpu.memory_space<vmem_shared>>) target(%dma_start3A_100 : memref<625x128xf32, #tpu.memory_space<hbm>>) target_semaphore(%arg14 : memref<!tpu.dma_semaphore, #tpu.memory_space<semaphore_mem>>)
      %mul3A_103 = arith.constant 10000 : i32
      %mul3A_104 = arith.muli %add3A, %mul3A_103 : i32
      %add3A_105 = arith.addi %mul3A_104, %mul3A_10 : i32
      %dma_wait3A_106 = arith.constant 0 : i32
      %dma_wait3A_107 = tpu.memref_slice %arg4[%add3A_105, %dma_wait3A_106] : memref<80000x128xf32, #tpu.memory_space<hbm>> -> memref<625x128xf32, #tpu.memory_space<hbm>>
      %dma_wait3A_108 = arith.constant 0 : i32
      %dma_wait3A_109 = tpu.memref_slice %arg8[%mul3A_10, %dma_wait3A_108] : memref<10000x128xf32, #tpu.memory_space<vmem_shared>> -> memref<625x128xf32, #tpu.memory_space<vmem_shared>>
      tpu.wait_dma2 semaphore(%arg14 : memref<!tpu.dma_semaphore, #tpu.memory_space<semaphore_mem>>) src(%dma_wait3A_109 : memref<625x128xf32, #tpu.memory_space<vmem_shared>>) dst(%dma_wait3A_107 : memref<625x128xf32, #tpu.memory_space<hbm>>)
      %barrier3A_110 = arith.constant 0 : index
      tpu.barrier barrier_id(%barrier3A_110)
    }
    %scan3A_4 = arith.constant 4 : i32
    return
  }
}

#map = affine_map<(d0, d1) -> (0, 0)>
#map1 = affine_map<(d0, d1) -> (0)>
module attributes {stable_mosaic.version = 14 : i64} {
  func.func @_sc_root_body(%arg0: i32, %arg1: i32, %arg2: memref<2x10000xf32, #tpu.memory_space<hbm>>, %arg3: memref<160000xi32, #tpu.memory_space<hbm>>, %arg4: memref<160000xi32, #tpu.memory_space<hbm>>, %arg5: memref<10000xf32, #tpu.memory_space<hbm>>, %arg6: memref<32x10000xf32, #tpu.memory_space<hbm>>, %arg7: memref<10000xf32, #tpu.memory_space<vmem>>, %arg8: memref<10000xi32, #tpu.memory_space<vmem>>, %arg9: memref<10000xi32, #tpu.memory_space<vmem>>, %arg10: memref<10000xf32, #tpu.memory_space<vmem>>) attributes {dimension_semantics = [#tpu.dimension_semantics<core_parallel>, #tpu.dimension_semantics<subcore_parallel>], iteration_bounds = array<i64: 2, 16>, scalar_prefetch = 0 : i64, scratch_operands = 4 : i64, tpu.core_type = #tpu.core_type<sc_vector_subcore>, window_params = [{transform_indices = #map}, {transform_indices = #map1}, {transform_indices = #map1}, {transform_indices = #map1}, {transform_indices = #map}]} {
    "tpu.region"() ({
      %run_scoped3A = tpu.sem_alloc : memref<!tpu.dma_semaphore, #tpu.memory_space<semaphore_mem>>
      %dma_start3A = arith.constant 0 : i32
      %dma_start3A_10 = tpu.memref_slice %arg2[%arg0, %dma_start3A] : memref<2x10000xf32, #tpu.memory_space<hbm>> -> memref<1x10000xf32, #tpu.memory_space<hbm>>
      %dma_start3A_11 = tpu.memref_squeeze %dma_start3A_10 : memref<1x10000xf32, #tpu.memory_space<hbm>> -> memref<10000xf32, #tpu.memory_space<hbm>>
      %dma_start3A_12 = arith.constant 0 : i32
      %dma_start3A_13 = tpu.memref_slice %arg2[%arg0, %dma_start3A_12] : memref<2x10000xf32, #tpu.memory_space<hbm>> -> memref<1x10000xf32, #tpu.memory_space<hbm>>
      %dma_start3A_14 = tpu.memref_squeeze %dma_start3A_13 : memref<1x10000xf32, #tpu.memory_space<hbm>> -> memref<10000xf32, #tpu.memory_space<hbm>>
      tpu.enqueue_dma source(%dma_start3A_14 : memref<10000xf32, #tpu.memory_space<hbm>>) target(%arg7 : memref<10000xf32, #tpu.memory_space<vmem>>) target_semaphore(%run_scoped3A : memref<!tpu.dma_semaphore, #tpu.memory_space<semaphore_mem>>)
      %dma_wait3A = arith.constant 0 : i32
      %dma_wait3A_15 = tpu.memref_slice %arg2[%arg0, %dma_wait3A] : memref<2x10000xf32, #tpu.memory_space<hbm>> -> memref<1x10000xf32, #tpu.memory_space<hbm>>
      %dma_wait3A_16 = tpu.memref_squeeze %dma_wait3A_15 : memref<1x10000xf32, #tpu.memory_space<hbm>> -> memref<10000xf32, #tpu.memory_space<hbm>>
      %dma_wait3A_17 = arith.constant 0 : i32
      %dma_wait3A_18 = tpu.memref_slice %arg2[%arg0, %dma_wait3A_17] : memref<2x10000xf32, #tpu.memory_space<hbm>> -> memref<1x10000xf32, #tpu.memory_space<hbm>>
      %dma_wait3A_19 = tpu.memref_squeeze %dma_wait3A_18 : memref<1x10000xf32, #tpu.memory_space<hbm>> -> memref<10000xf32, #tpu.memory_space<hbm>>
      tpu.wait_dma2 semaphore(%run_scoped3A : memref<!tpu.dma_semaphore, #tpu.memory_space<semaphore_mem>>) src(%dma_wait3A_19 : memref<10000xf32, #tpu.memory_space<hbm>>) dst(%arg7 : memref<10000xf32, #tpu.memory_space<vmem>>)
      tpu.yield
    }) : () -> ()
    %mul3A = arith.constant 10000 : i32
    %mul3A_0 = arith.muli %arg1, %mul3A : i32
    "tpu.region"() ({
      %run_scoped3A = tpu.sem_alloc : memref<!tpu.dma_semaphore, #tpu.memory_space<semaphore_mem>>
      %dma_start3A = tpu.memref_slice %arg3[%mul3A_0] : memref<160000xi32, #tpu.memory_space<hbm>> -> memref<10000xi32, #tpu.memory_space<hbm>>
      %dma_start3A_10 = tpu.memref_slice %arg3[%mul3A_0] : memref<160000xi32, #tpu.memory_space<hbm>> -> memref<10000xi32, #tpu.memory_space<hbm>>
      tpu.enqueue_dma source(%dma_start3A_10 : memref<10000xi32, #tpu.memory_space<hbm>>) target(%arg8 : memref<10000xi32, #tpu.memory_space<vmem>>) target_semaphore(%run_scoped3A : memref<!tpu.dma_semaphore, #tpu.memory_space<semaphore_mem>>)
      %dma_wait3A = tpu.memref_slice %arg3[%mul3A_0] : memref<160000xi32, #tpu.memory_space<hbm>> -> memref<10000xi32, #tpu.memory_space<hbm>>
      %dma_wait3A_11 = tpu.memref_slice %arg3[%mul3A_0] : memref<160000xi32, #tpu.memory_space<hbm>> -> memref<10000xi32, #tpu.memory_space<hbm>>
      tpu.wait_dma2 semaphore(%run_scoped3A : memref<!tpu.dma_semaphore, #tpu.memory_space<semaphore_mem>>) src(%dma_wait3A_11 : memref<10000xi32, #tpu.memory_space<hbm>>) dst(%arg8 : memref<10000xi32, #tpu.memory_space<vmem>>)
      tpu.yield
    }) : () -> ()
    %mul3A_1 = arith.constant 10000 : i32
    %mul3A_2 = arith.muli %arg1, %mul3A_1 : i32
    "tpu.region"() ({
      %run_scoped3A = tpu.sem_alloc : memref<!tpu.dma_semaphore, #tpu.memory_space<semaphore_mem>>
      %dma_start3A = tpu.memref_slice %arg4[%mul3A_2] : memref<160000xi32, #tpu.memory_space<hbm>> -> memref<10000xi32, #tpu.memory_space<hbm>>
      %dma_start3A_10 = tpu.memref_slice %arg4[%mul3A_2] : memref<160000xi32, #tpu.memory_space<hbm>> -> memref<10000xi32, #tpu.memory_space<hbm>>
      tpu.enqueue_dma source(%dma_start3A_10 : memref<10000xi32, #tpu.memory_space<hbm>>) target(%arg9 : memref<10000xi32, #tpu.memory_space<vmem>>) target_semaphore(%run_scoped3A : memref<!tpu.dma_semaphore, #tpu.memory_space<semaphore_mem>>)
      %dma_wait3A = tpu.memref_slice %arg4[%mul3A_2] : memref<160000xi32, #tpu.memory_space<hbm>> -> memref<10000xi32, #tpu.memory_space<hbm>>
      %dma_wait3A_11 = tpu.memref_slice %arg4[%mul3A_2] : memref<160000xi32, #tpu.memory_space<hbm>> -> memref<10000xi32, #tpu.memory_space<hbm>>
      tpu.wait_dma2 semaphore(%run_scoped3A : memref<!tpu.dma_semaphore, #tpu.memory_space<semaphore_mem>>) src(%dma_wait3A_11 : memref<10000xi32, #tpu.memory_space<hbm>>) dst(%arg9 : memref<10000xi32, #tpu.memory_space<vmem>>)
      tpu.yield
    }) : () -> ()
    "tpu.region"() ({
      %run_scoped3A = tpu.sem_alloc : memref<!tpu.dma_semaphore, #tpu.memory_space<semaphore_mem>>
      tpu.enqueue_dma source(%arg5 : memref<10000xf32, #tpu.memory_space<hbm>>) target(%arg10 : memref<10000xf32, #tpu.memory_space<vmem>>) target_semaphore(%run_scoped3A : memref<!tpu.dma_semaphore, #tpu.memory_space<semaphore_mem>>)
      tpu.wait_dma2 semaphore(%run_scoped3A : memref<!tpu.dma_semaphore, #tpu.memory_space<semaphore_mem>>) src(%arg5 : memref<10000xf32, #tpu.memory_space<hbm>>) dst(%arg10 : memref<10000xf32, #tpu.memory_space<vmem>>)
      tpu.yield
    }) : () -> ()
    %scan3A = arith.constant 0 : i32
    %scan3A_3 = arith.constant 0 : i32
    %scan3A_4 = arith.constant 625 : i32
    %scan3A_5 = arith.addi %scan3A_3, %scan3A_4 : i32
    %scan3A_6 = arith.constant 1 : i32
    scf.for %scan3A_10 = %scan3A_3 to %scan3A_5 step %scan3A_6  : i32 {
      %mul3A_11 = arith.constant 16 : i32
      %mul3A_12 = arith.muli %scan3A_10, %mul3A_11 : i32
      %get3A = arith.index_cast %mul3A_12 : i32 to index
      %get3A_13 = tpu.vector_load %arg8[%get3A] {strides = array<i32>} : memref<10000xi32, #tpu.memory_space<vmem>>, vector<16xi32>,
      %gather3A = tpu.vector_load_idx %arg7[%get3A_13] : memref<10000xf32, #tpu.memory_space<vmem>>[vector<16xi32>], vector<16xf32>,
      %mul3A_14 = arith.constant 16 : i32
      %mul3A_15 = arith.muli %scan3A_10, %mul3A_14 : i32
      %get3A_16 = arith.index_cast %mul3A_15 : i32 to index
      %get3A_17 = tpu.vector_load %arg9[%get3A_16] {strides = array<i32>} : memref<10000xi32, #tpu.memory_space<vmem>>, vector<16xi32>,
      tpu.vector_store_idx %arg10[%get3A_17], %gather3A {add = true} : memref<10000xf32, #tpu.memory_space<vmem>>[vector<16xi32>], vector<16xf32>,
    }
    %scan3A_7 = arith.constant 625 : i32
    %mul3A_8 = arith.constant 16 : i32
    %mul3A_9 = arith.muli %arg0, %mul3A_8 : i32
    %add3A = arith.addi %mul3A_9, %arg1 : i32
    "tpu.region"() ({
      %run_scoped3A = tpu.sem_alloc : memref<!tpu.dma_semaphore, #tpu.memory_space<semaphore_mem>>
      %dma_start3A = arith.constant 0 : i32
      %dma_start3A_10 = tpu.memref_slice %arg6[%add3A, %dma_start3A] : memref<32x10000xf32, #tpu.memory_space<hbm>> -> memref<1x10000xf32, #tpu.memory_space<hbm>>
      %dma_start3A_11 = tpu.memref_squeeze %dma_start3A_10 : memref<1x10000xf32, #tpu.memory_space<hbm>> -> memref<10000xf32, #tpu.memory_space<hbm>>
      %dma_start3A_12 = arith.constant 0 : i32
      %dma_start3A_13 = tpu.memref_slice %arg6[%add3A, %dma_start3A_12] : memref<32x10000xf32, #tpu.memory_space<hbm>> -> memref<1x10000xf32, #tpu.memory_space<hbm>>
      %dma_start3A_14 = tpu.memref_squeeze %dma_start3A_13 : memref<1x10000xf32, #tpu.memory_space<hbm>> -> memref<10000xf32, #tpu.memory_space<hbm>>
      tpu.enqueue_dma source(%arg10 : memref<10000xf32, #tpu.memory_space<vmem>>) target(%dma_start3A_14 : memref<10000xf32, #tpu.memory_space<hbm>>) target_semaphore(%run_scoped3A : memref<!tpu.dma_semaphore, #tpu.memory_space<semaphore_mem>>)
      %dma_wait3A = arith.constant 0 : i32
      %dma_wait3A_15 = tpu.memref_slice %arg6[%add3A, %dma_wait3A] : memref<32x10000xf32, #tpu.memory_space<hbm>> -> memref<1x10000xf32, #tpu.memory_space<hbm>>
      %dma_wait3A_16 = tpu.memref_squeeze %dma_wait3A_15 : memref<1x10000xf32, #tpu.memory_space<hbm>> -> memref<10000xf32, #tpu.memory_space<hbm>>
      %dma_wait3A_17 = arith.constant 0 : i32
      %dma_wait3A_18 = tpu.memref_slice %arg6[%add3A, %dma_wait3A_17] : memref<32x10000xf32, #tpu.memory_space<hbm>> -> memref<1x10000xf32, #tpu.memory_space<hbm>>
      %dma_wait3A_19 = tpu.memref_squeeze %dma_wait3A_18 : memref<1x10000xf32, #tpu.memory_space<hbm>> -> memref<10000xf32, #tpu.memory_space<hbm>>
      tpu.wait_dma2 semaphore(%run_scoped3A : memref<!tpu.dma_semaphore, #tpu.memory_space<semaphore_mem>>) src(%arg10 : memref<10000xf32, #tpu.memory_space<vmem>>) dst(%dma_wait3A_19 : memref<10000xf32, #tpu.memory_space<hbm>>)
      tpu.yield
    }) : () -> ()
    return
  }
}

module attributes {stable_mosaic.version = 14 : i64} {
  func.func @_deg_body(%arg0: i32, %arg1: memref<16x1000x1xf32, #tpu.memory_space<vmem>>, %arg2: memref<1000x1xf32, #tpu.memory_space<vmem>>, %arg3: memref<1000x1xf32, #tpu.memory_space<vmem>>) attributes {dimension_semantics = [#tpu.dimension_semantics<arbitrary>], iteration_bounds = array<i64: 10>, scalar_prefetch = 0 : i64, scratch_operands = 0 : i64, tpu.core_type = #tpu.core_type<tc>, window_params = [{transform_indices = @transform_0, window_bounds = array<i64: 16, 1000, 1>}, {transform_indices = @transform_1, window_bounds = array<i64: 1000, 1>}, {transform_indices = @transform_2, window_bounds = array<i64: 1000, 1>}]} {
    %get3A = arith.constant 0 : index
    %get3A_0 = arith.constant 0 : index
    %get3A_1 = arith.constant 0 : index
    %get3A_2 = vector.load %arg1[%get3A, %get3A_0, %get3A_1] : memref<16x1000x1xf32, #tpu.memory_space<vmem>>, vector<16x1000x1xf32>
    %reduce_sum3A = arith.constant dense<0.000000e+00> : vector<1000x1xf32>
    %reduce_sum3A_3 = vector.multi_reduction <add>, %get3A_2, %reduce_sum3A [0] : vector<16x1000x1xf32> to vector<1000x1xf32>
    %swap3A = arith.constant 0 : index
    %swap3A_4 = arith.constant 0 : index
    %swap3A_5 = vector.load %arg2[%swap3A, %swap3A_4] : memref<1000x1xf32, #tpu.memory_space<vmem>>, vector<1000x1xf32>
    tpu.vector_store %arg2[%swap3A, %swap3A_4], %reduce_sum3A_3 {strides = array<i32>} : memref<1000x1xf32, #tpu.memory_space<vmem>>, vector<1000x1xf32>,
    %add3A = arith.constant 1.000000e+00 : f32
    %add3A_6 = vector.broadcast %add3A : f32 to vector<1000x1xf32>
    %add3A_7 = arith.addf %reduce_sum3A_3, %add3A_6 : vector<1000x1xf32>
    %div3A = arith.constant 1.000000e+00 : f32
    %div3A_8 = vector.broadcast %div3A : f32 to vector<1000x1xf32>
    %div3A_9 = arith.divf %div3A_8, %add3A_7 : vector<1000x1xf32>
    %swap3A_10 = arith.constant 0 : index
    %swap3A_11 = arith.constant 0 : index
    %swap3A_12 = vector.load %arg3[%swap3A_10, %swap3A_11] : memref<1000x1xf32, #tpu.memory_space<vmem>>, vector<1000x1xf32>
    tpu.vector_store %arg3[%swap3A_10, %swap3A_11], %div3A_9 {strides = array<i32>} : memref<1000x1xf32, #tpu.memory_space<vmem>>, vector<1000x1xf32>,
    return
  }
  func.func @transform_0(%arg0: i32) -> (i32, i32, i32) {
    %c0_i32 = arith.constant 0 : i32
    %c0_i32_0 = arith.constant 0 : i32
    %c0_i32_1 = arith.constant 0 : i32
    return %c0_i32, %arg0, %c0_i32_0 : i32, i32, i32
  }
  func.func @transform_1(%arg0: i32) -> (i32, i32) {
    %c0_i32 = arith.constant 0 : i32
    %c0_i32_0 = arith.constant 0 : i32
    return %arg0, %c0_i32 : i32, i32
  }
  func.func @transform_2(%arg0: i32) -> (i32, i32) {
    %c0_i32 = arith.constant 0 : i32
    %c0_i32_0 = arith.constant 0 : i32
    return %arg0, %c0_i32 : i32, i32
  }
}

module attributes {stable_mosaic.version = 14 : i64} {
  func.func @_dense_body(%arg0: i32, %arg1: i32, %arg2: memref<1x1000x128xf32, #tpu.memory_space<vmem>>, %arg3: memref<1000x1xf32, #tpu.memory_space<vmem>>, %arg4: memref<128x128xbf16, #tpu.memory_space<vmem>>, %arg5: memref<1x128xf32, #tpu.memory_space<vmem>>, %arg6: memref<1x128xf32, #tpu.memory_space<vmem>>, %arg7: memref<1x128xf32, #tpu.memory_space<vmem>>, %arg8: memref<1x1000x128xf32, #tpu.memory_space<vmem>>) attributes {dimension_semantics = [#tpu.dimension_semantics<arbitrary>, #tpu.dimension_semantics<arbitrary>], iteration_bounds = array<i64: 8, 10>, scalar_prefetch = 0 : i64, scratch_operands = 0 : i64, tpu.core_type = #tpu.core_type<tc>, window_params = [{transform_indices = @transform_0, window_bounds = array<i64: 1, 1000, 128>}, {transform_indices = @transform_1, window_bounds = array<i64: 1000, 1>}, {pipeline_mode = #tpu.pipeline_mode<synchronous>, transform_indices = @transform_2, window_bounds = array<i64: 128, 128>}, {pipeline_mode = #tpu.pipeline_mode<synchronous>, transform_indices = @transform_3, window_bounds = array<i64: 1, 128>}, {pipeline_mode = #tpu.pipeline_mode<synchronous>, transform_indices = @transform_4, window_bounds = array<i64: 1, 128>}, {pipeline_mode = #tpu.pipeline_mode<synchronous>, transform_indices = @transform_5, window_bounds = array<i64: 1, 128>}, {transform_indices = @transform_6, window_bounds = array<i64: 1, 1000, 128>}]} {
    %get3A = arith.constant 0 : index
    %get3A_0 = arith.constant 0 : index
    %get3A_1 = arith.constant 0 : index
    %get3A_2 = vector.load %arg2[%get3A, %get3A_0, %get3A_1] : memref<1x1000x128xf32, #tpu.memory_space<vmem>>, vector<1x1000x128xf32>
    %get3A_3 = vector.shape_cast %get3A_2 : vector<1x1000x128xf32> to vector<1000x128xf32>
    %get3A_4 = arith.constant 0 : index
    %get3A_5 = arith.constant 0 : index
    %get3A_6 = vector.load %arg3[%get3A_4, %get3A_5] : memref<1000x1xf32, #tpu.memory_space<vmem>>, vector<1000x1xf32>
    %mul3A = vector.broadcast %get3A_6 : vector<1000x1xf32> to vector<1000x128xf32>
    %mul3A_7 = arith.mulf %get3A_3, %mul3A : vector<1000x128xf32>
    %convert_element_type3A = arith.truncf %mul3A_7 : vector<1000x128xf32> to vector<1000x128xbf16>
    %get3A_8 = arith.constant 0 : index
    %get3A_9 = arith.constant 0 : index
    %get3A_10 = vector.load %arg4[%get3A_8, %get3A_9] : memref<128x128xbf16, #tpu.memory_space<vmem>>, vector<128x128xbf16>
    %dot_general3A = arith.constant dense<0.000000e+00> : vector<1000x128xf32>
    %dot_general3A_11 = tpu.matmul %convert_element_type3A, %get3A_10, %dot_general3A {dimension_numbers = #tpu.dot_dimension_numbers<[1], [0], [0], [1], [0, 0, 1, 1], [], []>, transpose_lhs_hint = false} : vector<1000x128xbf16>, vector<128x128xbf16>, vector<1000x128xf32> -> vector<1000x128xf32>
    %get3A_12 = arith.constant 0 : index
    %get3A_13 = arith.constant 0 : index
    %get3A_14 = vector.load %arg5[%get3A_12, %get3A_13] : memref<1x128xf32, #tpu.memory_space<vmem>>, vector<1x128xf32>
    %add3A = vector.broadcast %get3A_14 : vector<1x128xf32> to vector<1000x128xf32>
    %add3A_15 = arith.addf %dot_general3A_11, %add3A : vector<1000x128xf32>
    %reduce_sum3A = arith.constant dense<0.000000e+00> : vector<1000xf32>
    %reduce_sum3A_16 = vector.multi_reduction <add>, %add3A_15, %reduce_sum3A [1] : vector<1000x128xf32> to vector<1000xf32>
    %broadcast_in_dim3A = vector.shape_cast %reduce_sum3A_16 : vector<1000xf32> to vector<1000x1xf32>
    %div3A = arith.constant 1.280000e+02 : f32
    %div3A_17 = vector.broadcast %div3A : f32 to vector<1000x1xf32>
    %div3A_18 = arith.divf %broadcast_in_dim3A, %div3A_17 : vector<1000x1xf32>
    %sub3A = vector.broadcast %div3A_18 : vector<1000x1xf32> to vector<1000x128xf32>
    %sub3A_19 = arith.subf %add3A_15, %sub3A : vector<1000x128xf32>
    %mul3A_20 = arith.mulf %sub3A_19, %sub3A_19 : vector<1000x128xf32>
    %reduce_sum3A_21 = arith.constant dense<0.000000e+00> : vector<1000xf32>
    %reduce_sum3A_22 = vector.multi_reduction <add>, %mul3A_20, %reduce_sum3A_21 [1] : vector<1000x128xf32> to vector<1000xf32>
    %broadcast_in_dim3A_23 = vector.shape_cast %reduce_sum3A_22 : vector<1000xf32> to vector<1000x1xf32>
    %div3A_24 = arith.constant 1.280000e+02 : f32
    %div3A_25 = vector.broadcast %div3A_24 : f32 to vector<1000x1xf32>
    %div3A_26 = arith.divf %broadcast_in_dim3A_23, %div3A_25 : vector<1000x1xf32>
    %add3A_27 = arith.constant 9.99999974E-6 : f32
    %add3A_28 = vector.broadcast %add3A_27 : f32 to vector<1000x1xf32>
    %add3A_29 = arith.addf %div3A_26, %add3A_28 : vector<1000x1xf32>
    %rsqrt3A = math.rsqrt %add3A_29 : vector<1000x1xf32>
    %mul3A_30 = vector.broadcast %rsqrt3A : vector<1000x1xf32> to vector<1000x128xf32>
    %mul3A_31 = arith.mulf %sub3A_19, %mul3A_30 : vector<1000x128xf32>
    %get3A_32 = arith.constant 0 : index
    %get3A_33 = arith.constant 0 : index
    %get3A_34 = vector.load %arg6[%get3A_32, %get3A_33] : memref<1x128xf32, #tpu.memory_space<vmem>>, vector<1x128xf32>
    %mul3A_35 = vector.broadcast %get3A_34 : vector<1x128xf32> to vector<1000x128xf32>
    %mul3A_36 = arith.mulf %mul3A_31, %mul3A_35 : vector<1000x128xf32>
    %get3A_37 = arith.constant 0 : index
    %get3A_38 = arith.constant 0 : index
    %get3A_39 = vector.load %arg7[%get3A_37, %get3A_38] : memref<1x128xf32, #tpu.memory_space<vmem>>, vector<1x128xf32>
    %add3A_40 = vector.broadcast %get3A_39 : vector<1x128xf32> to vector<1000x128xf32>
    %add3A_41 = arith.addf %mul3A_36, %add3A_40 : vector<1000x128xf32>
    %max3A = arith.constant 0.000000e+00 : f32
    %max3A_42 = vector.broadcast %max3A : f32 to vector<1000x128xf32>
    %max3A_43 = arith.maximumf %add3A_41, %max3A_42 : vector<1000x128xf32>
    %swap3A = arith.constant 0 : index
    %swap3A_44 = arith.constant 0 : index
    %swap3A_45 = arith.constant 0 : index
    %swap3A_46 = vector.load %arg8[%swap3A, %swap3A_44, %swap3A_45] : memref<1x1000x128xf32, #tpu.memory_space<vmem>>, vector<1x1000x128xf32>
    %swap3A_47 = vector.shape_cast %swap3A_46 : vector<1x1000x128xf32> to vector<1000x128xf32>
    %swap3A_48 = vector.shape_cast %max3A_43 : vector<1000x128xf32> to vector<1x1000x128xf32>
    tpu.vector_store %arg8[%swap3A, %swap3A_44, %swap3A_45], %swap3A_48 {strides = array<i32>} : memref<1x1000x128xf32, #tpu.memory_space<vmem>>, vector<1x1000x128xf32>,
    return
  }
  func.func @transform_0(%arg0: i32, %arg1: i32) -> (i32, i32, i32) {
    %c0_i32 = arith.constant 0 : i32
    %c0_i32_0 = arith.constant 0 : i32
    return %arg0, %arg1, %c0_i32 : i32, i32, i32
  }
  func.func @transform_1(%arg0: i32, %arg1: i32) -> (i32, i32) {
    %c0_i32 = arith.constant 0 : i32
    %c0_i32_0 = arith.constant 0 : i32
    return %arg1, %c0_i32 : i32, i32
  }
  func.func @transform_2(%arg0: i32, %arg1: i32) -> (i32, i32) {
    %c0_i32 = arith.constant 0 : i32
    %c0_i32_0 = arith.constant 0 : i32
    %c0_i32_1 = arith.constant 0 : i32
    return %c0_i32, %c0_i32_0 : i32, i32
  }
  func.func @transform_3(%arg0: i32, %arg1: i32) -> (i32, i32) {
    %c0_i32 = arith.constant 0 : i32
    %c0_i32_0 = arith.constant 0 : i32
    %c0_i32_1 = arith.constant 0 : i32
    return %c0_i32, %c0_i32_0 : i32, i32
  }
  func.func @transform_4(%arg0: i32, %arg1: i32) -> (i32, i32) {
    %c0_i32 = arith.constant 0 : i32
    %c0_i32_0 = arith.constant 0 : i32
    %c0_i32_1 = arith.constant 0 : i32
    return %c0_i32, %c0_i32_0 : i32, i32
  }
  func.func @transform_5(%arg0: i32, %arg1: i32) -> (i32, i32) {
    %c0_i32 = arith.constant 0 : i32
    %c0_i32_0 = arith.constant 0 : i32
    %c0_i32_1 = arith.constant 0 : i32
    return %c0_i32, %c0_i32_0 : i32, i32
  }
  func.func @transform_6(%arg0: i32, %arg1: i32) -> (i32, i32, i32) {
    %c0_i32 = arith.constant 0 : i32
    %c0_i32_0 = arith.constant 0 : i32
    return %arg0, %arg1, %c0_i32 : i32, i32, i32
  }
}

module attributes {stable_mosaic.version = 14 : i64} {
  func.func @_gru_body(%arg0: i32, %arg1: i32, %arg2: memref<1x8x1000x128xf32, #tpu.memory_space<vmem>>, %arg3: memref<1000x1xf32, #tpu.memory_space<vmem>>, %arg4: memref<1000x1xf32, #tpu.memory_space<vmem>>, %arg5: memref<128x128xbf16, #tpu.memory_space<vmem>>, %arg6: memref<1x128xf32, #tpu.memory_space<vmem>>, %arg7: memref<1x128xf32, #tpu.memory_space<vmem>>, %arg8: memref<1x128xf32, #tpu.memory_space<vmem>>, %arg9: memref<128x384xbf16, #tpu.memory_space<vmem>>, %arg10: memref<128x384xbf16, #tpu.memory_space<vmem>>, %arg11: memref<1x384xf32, #tpu.memory_space<vmem>>, %arg12: memref<1x384xf32, #tpu.memory_space<vmem>>, %arg13: memref<128x384xbf16, #tpu.memory_space<vmem>>, %arg14: memref<128x384xbf16, #tpu.memory_space<vmem>>, %arg15: memref<1x384xf32, #tpu.memory_space<vmem>>, %arg16: memref<1x384xf32, #tpu.memory_space<vmem>>, %arg17: memref<128x64xf32, #tpu.memory_space<vmem>>, %arg18: memref<1x64xf32, #tpu.memory_space<vmem>>, %arg19: memref<64x4xf32, #tpu.memory_space<vmem>>, %arg20: memref<1x4xf32, #tpu.memory_space<vmem>>, %arg21: memref<128x64xf32, #tpu.memory_space<vmem>>, %arg22: memref<1x64xf32, #tpu.memory_space<vmem>>, %arg23: memref<64x1xf32, #tpu.memory_space<vmem>>, %arg24: memref<1x1xf32, #tpu.memory_space<vmem>>, %arg25: memref<256x1xf32, #tpu.memory_space<vmem>>, %arg26: memref<1x1xf32, #tpu.memory_space<vmem>>, %arg27: memref<128x1xf32, #tpu.memory_space<vmem>>, %arg28: memref<1x1xf32, #tpu.memory_space<vmem>>, %arg29: memref<1x1000x128xf32, #tpu.memory_space<vmem>>, %arg30: memref<1x1000x4xf32, #tpu.memory_space<vmem>>, %arg31: memref<1x1000x1xf32, #tpu.memory_space<vmem>>, %arg32: memref<1x1000x1xf32, #tpu.memory_space<vmem>>, %arg33: memref<1x1000x1xf32, #tpu.memory_space<vmem>>) attributes {dimension_semantics = [#tpu.dimension_semantics<arbitrary>, #tpu.dimension_semantics<arbitrary>], iteration_bounds = array<i64: 1, 10>, scalar_prefetch = 0 : i64, scratch_operands = 0 : i64, tpu.core_type = #tpu.core_type<tc>, window_params = [{transform_indices = @transform_0, window_bounds = array<i64: 1, 8, 1000, 128>}, {transform_indices = @transform_1, window_bounds = array<i64: 1000, 1>}, {transform_indices = @transform_2, window_bounds = array<i64: 1000, 1>}, {pipeline_mode = #tpu.pipeline_mode<synchronous>, transform_indices = @transform_3, window_bounds = array<i64: 128, 128>}, {pipeline_mode = #tpu.pipeline_mode<synchronous>, transform_indices = @transform_4, window_bounds = array<i64: 1, 128>}, {pipeline_mode = #tpu.pipeline_mode<synchronous>, transform_indices = @transform_5, window_bounds = array<i64: 1, 128>}, {pipeline_mode = #tpu.pipeline_mode<synchronous>, transform_indices = @transform_6, window_bounds = array<i64: 1, 128>}, {pipeline_mode = #tpu.pipeline_mode<synchronous>, transform_indices = @transform_7, window_bounds = array<i64: 128, 384>}, {pipeline_mode = #tpu.pipeline_mode<synchronous>, transform_indices = @transform_8, window_bounds = array<i64: 128, 384>}, {pipeline_mode = #tpu.pipeline_mode<synchronous>, transform_indices = @transform_9, window_bounds = array<i64: 1, 384>}, {pipeline_mode = #tpu.pipeline_mode<synchronous>, transform_indices = @transform_10, window_bounds = array<i64: 1, 384>}, {pipeline_mode = #tpu.pipeline_mode<synchronous>, transform_indices = @transform_11, window_bounds = array<i64: 128, 384>}, {pipeline_mode = #tpu.pipeline_mode<synchronous>, transform_indices = @transform_12, window_bounds = array<i64: 128, 384>}, {pipeline_mode = #tpu.pipeline_mode<synchronous>, transform_indices = @transform_13, window_bounds = array<i64: 1, 384>}, {pipeline_mode = #tpu.pipeline_mode<synchronous>, transform_indices = @transform_14, window_bounds = array<i64: 1, 384>}, {pipeline_mode = #tpu.pipeline_mode<synchronous>, transform_indices = @transform_15, window_bounds = array<i64: 128, 64>}, {pipeline_mode = #tpu.pipeline_mode<synchronous>, transform_indices = @transform_16, window_bounds = array<i64: 1, 64>}, {pipeline_mode = #tpu.pipeline_mode<synchronous>, transform_indices = @transform_17, window_bounds = array<i64: 64, 4>}, {pipeline_mode = #tpu.pipeline_mode<synchronous>, transform_indices = @transform_18, window_bounds = array<i64: 1, 4>}, {pipeline_mode = #tpu.pipeline_mode<synchronous>, transform_indices = @transform_19, window_bounds = array<i64: 128, 64>}, {pipeline_mode = #tpu.pipeline_mode<synchronous>, transform_indices = @transform_20, window_bounds = array<i64: 1, 64>}, {pipeline_mode = #tpu.pipeline_mode<synchronous>, transform_indices = @transform_21, window_bounds = array<i64: 64, 1>}, {pipeline_mode = #tpu.pipeline_mode<synchronous>, transform_indices = @transform_22, window_bounds = array<i64: 1, 1>}, {pipeline_mode = #tpu.pipeline_mode<synchronous>, transform_indices = @transform_23, window_bounds = array<i64: 256, 1>}, {pipeline_mode = #tpu.pipeline_mode<synchronous>, transform_indices = @transform_24, window_bounds = array<i64: 1, 1>}, {pipeline_mode = #tpu.pipeline_mode<synchronous>, transform_indices = @transform_25, window_bounds = array<i64: 128, 1>}, {pipeline_mode = #tpu.pipeline_mode<synchronous>, transform_indices = @transform_26, window_bounds = array<i64: 1, 1>}, {transform_indices = @transform_27, window_bounds = array<i64: 1, 1000, 128>}, {transform_indices = @transform_28, window_bounds = array<i64: 1, 1000, 4>}, {transform_indices = @transform_29, window_bounds = array<i64: 1, 1000, 1>}, {transform_indices = @transform_30, window_bounds = array<i64: 1, 1000, 1>}, {transform_indices = @transform_31, window_bounds = array<i64: 1, 1000, 1>}]} {
    %get3A = arith.constant 0 : index
    %get3A_0 = arith.constant 0 : index
    %get3A_1 = vector.load %arg3[%get3A, %get3A_0] : memref<1000x1xf32, #tpu.memory_space<vmem>>, vector<1000x1xf32>
    %get3A_2 = arith.constant 0 : index
    %get3A_3 = arith.constant 0 : index
    %get3A_4 = vector.load %arg5[%get3A_2, %get3A_3] : memref<128x128xbf16, #tpu.memory_space<vmem>>, vector<128x128xbf16>
    %get3A_5 = arith.constant 0 : index
    %get3A_6 = arith.constant 0 : index
    %get3A_7 = vector.load %arg6[%get3A_5, %get3A_6] : memref<1x128xf32, #tpu.memory_space<vmem>>, vector<1x128xf32>
    %get3A_8 = arith.constant 0 : index
    %get3A_9 = arith.constant 0 : index
    %get3A_10 = vector.load %arg7[%get3A_8, %get3A_9] : memref<1x128xf32, #tpu.memory_space<vmem>>, vector<1x128xf32>
    %get3A_11 = arith.constant 0 : index
    %get3A_12 = arith.constant 0 : index
    %get3A_13 = vector.load %arg8[%get3A_11, %get3A_12] : memref<1x128xf32, #tpu.memory_space<vmem>>, vector<1x128xf32>
    %get3A_14 = arith.constant 0 : index
    %get3A_15 = arith.constant 0 : index
    %get3A_16 = vector.load %arg9[%get3A_14, %get3A_15] : memref<128x384xbf16, #tpu.memory_space<vmem>>, vector<128x384xbf16>
    %get3A_17 = arith.constant 0 : index
    %get3A_18 = arith.constant 0 : index
    %get3A_19 = vector.load %arg10[%get3A_17, %get3A_18] : memref<128x384xbf16, #tpu.memory_space<vmem>>, vector<128x384xbf16>
    %get3A_20 = arith.constant 0 : index
    %get3A_21 = arith.constant 0 : index
    %get3A_22 = vector.load %arg13[%get3A_20, %get3A_21] : memref<128x384xbf16, #tpu.memory_space<vmem>>, vector<128x384xbf16>
    %get3A_23 = arith.constant 0 : index
    %get3A_24 = arith.constant 0 : index
    %get3A_25 = vector.load %arg14[%get3A_23, %get3A_24] : memref<128x384xbf16, #tpu.memory_space<vmem>>, vector<128x384xbf16>
    %get3A_26 = arith.constant 0 : index
    %get3A_27 = arith.constant 0 : index
    %get3A_28 = vector.load %arg11[%get3A_26, %get3A_27] : memref<1x384xf32, #tpu.memory_space<vmem>>, vector<1x384xf32>
    %get3A_29 = arith.constant 0 : index
    %get3A_30 = arith.constant 0 : index
    %get3A_31 = vector.load %arg12[%get3A_29, %get3A_30] : memref<1x384xf32, #tpu.memory_space<vmem>>, vector<1x384xf32>
    %get3A_32 = arith.constant 0 : index
    %get3A_33 = arith.constant 0 : index
    %get3A_34 = vector.load %arg15[%get3A_32, %get3A_33] : memref<1x384xf32, #tpu.memory_space<vmem>>, vector<1x384xf32>
    %get3A_35 = arith.constant 0 : index
    %get3A_36 = arith.constant 0 : index
    %get3A_37 = vector.load %arg16[%get3A_35, %get3A_36] : memref<1x384xf32, #tpu.memory_space<vmem>>, vector<1x384xf32>
    %broadcast_in_dim3A = arith.constant 0.000000e+00 : f32
    %broadcast_in_dim3A_38 = vector.broadcast %broadcast_in_dim3A : f32 to vector<1000x128xf32>
    %broadcast_in_dim3A_39 = arith.constant 0.000000e+00 : f32
    %broadcast_in_dim3A_40 = vector.broadcast %broadcast_in_dim3A_39 : f32 to vector<1000x128xf32>
    %get3A_41 = arith.constant 0 : index
    %get3A_42 = arith.constant 0 : index
    %get3A_43 = arith.constant 0 : index
    %get3A_44 = arith.constant 0 : index
    %get3A_45 = vector.load %arg2[%get3A_41, %get3A_42, %get3A_43, %get3A_44] : memref<1x8x1000x128xf32, #tpu.memory_space<vmem>>, vector<1x1x1000x128xf32>
    %get3A_46 = vector.shape_cast %get3A_45 : vector<1x1x1000x128xf32> to vector<1000x128xf32>
    %mul3A = vector.broadcast %get3A_1 : vector<1000x1xf32> to vector<1000x128xf32>
    %mul3A_47 = arith.mulf %get3A_46, %mul3A : vector<1000x128xf32>
    %convert_element_type3A = arith.truncf %mul3A_47 : vector<1000x128xf32> to vector<1000x128xbf16>
    %dot_general3A = arith.constant dense<0.000000e+00> : vector<1000x128xf32>
    %dot_general3A_48 = tpu.matmul %convert_element_type3A, %get3A_4, %dot_general3A {dimension_numbers = #tpu.dot_dimension_numbers<[1], [0], [0], [1], [0, 0, 1, 1], [], []>, transpose_lhs_hint = false} : vector<1000x128xbf16>, vector<128x128xbf16>, vector<1000x128xf32> -> vector<1000x128xf32>
    %add3A = vector.broadcast %get3A_7 : vector<1x128xf32> to vector<1000x128xf32>
    %add3A_49 = arith.addf %dot_general3A_48, %add3A : vector<1000x128xf32>
    %reduce_sum3A = arith.constant dense<0.000000e+00> : vector<1000xf32>
    %reduce_sum3A_50 = vector.multi_reduction <add>, %add3A_49, %reduce_sum3A [1] : vector<1000x128xf32> to vector<1000xf32>
    %broadcast_in_dim3A_51 = vector.shape_cast %reduce_sum3A_50 : vector<1000xf32> to vector<1000x1xf32>
    %div3A = arith.constant 1.280000e+02 : f32
    %div3A_52 = vector.broadcast %div3A : f32 to vector<1000x1xf32>
    %div3A_53 = arith.divf %broadcast_in_dim3A_51, %div3A_52 : vector<1000x1xf32>
    %sub3A = vector.broadcast %div3A_53 : vector<1000x1xf32> to vector<1000x128xf32>
    %sub3A_54 = arith.subf %add3A_49, %sub3A : vector<1000x128xf32>
    %mul3A_55 = arith.mulf %sub3A_54, %sub3A_54 : vector<1000x128xf32>
    %reduce_sum3A_56 = arith.constant dense<0.000000e+00> : vector<1000xf32>
    %reduce_sum3A_57 = vector.multi_reduction <add>, %mul3A_55, %reduce_sum3A_56 [1] : vector<1000x128xf32> to vector<1000xf32>
    %broadcast_in_dim3A_58 = vector.shape_cast %reduce_sum3A_57 : vector<1000xf32> to vector<1000x1xf32>
    %div3A_59 = arith.constant 1.280000e+02 : f32
    %div3A_60 = vector.broadcast %div3A_59 : f32 to vector<1000x1xf32>
    %div3A_61 = arith.divf %broadcast_in_dim3A_58, %div3A_60 : vector<1000x1xf32>
    %add3A_62 = arith.constant 9.99999974E-6 : f32
    %add3A_63 = vector.broadcast %add3A_62 : f32 to vector<1000x1xf32>
    %add3A_64 = arith.addf %div3A_61, %add3A_63 : vector<1000x1xf32>
    %rsqrt3A = math.rsqrt %add3A_64 : vector<1000x1xf32>
    %mul3A_65 = vector.broadcast %rsqrt3A : vector<1000x1xf32> to vector<1000x128xf32>
    %mul3A_66 = arith.mulf %sub3A_54, %mul3A_65 : vector<1000x128xf32>
    %mul3A_67 = vector.broadcast %get3A_10 : vector<1x128xf32> to vector<1000x128xf32>
    %mul3A_68 = arith.mulf %mul3A_66, %mul3A_67 : vector<1000x128xf32>
    %add3A_69 = vector.broadcast %get3A_13 : vector<1x128xf32> to vector<1000x128xf32>
    %add3A_70 = arith.addf %mul3A_68, %add3A_69 : vector<1000x128xf32>
    %max3A = arith.constant 0.000000e+00 : f32
    %max3A_71 = vector.broadcast %max3A : f32 to vector<1000x128xf32>
    %max3A_72 = arith.maximumf %add3A_70, %max3A_71 : vector<1000x128xf32>
    %convert_element_type3A_73 = arith.truncf %max3A_72 : vector<1000x128xf32> to vector<1000x128xbf16>
    %dot_general3A_74 = arith.constant dense<0.000000e+00> : vector<1000x384xf32>
    %dot_general3A_75 = tpu.matmul %convert_element_type3A_73, %get3A_16, %dot_general3A_74 {dimension_numbers = #tpu.dot_dimension_numbers<[1], [0], [0], [1], [0, 0, 1, 1], [], []>, transpose_lhs_hint = false} : vector<1000x128xbf16>, vector<128x384xbf16>, vector<1000x384xf32> -> vector<1000x384xf32>
    %add3A_76 = vector.broadcast %get3A_28 : vector<1x384xf32> to vector<1000x384xf32>
    %add3A_77 = arith.addf %dot_general3A_75, %add3A_76 : vector<1000x384xf32>
    %convert_element_type3A_78 = arith.truncf %broadcast_in_dim3A_38 : vector<1000x128xf32> to vector<1000x128xbf16>
    %dot_general3A_79 = arith.constant dense<0.000000e+00> : vector<1000x384xf32>
    %dot_general3A_80 = tpu.matmul %convert_element_type3A_78, %get3A_19, %dot_general3A_79 {dimension_numbers = #tpu.dot_dimension_numbers<[1], [0], [0], [1], [0, 0, 1, 1], [], []>, transpose_lhs_hint = false} : vector<1000x128xbf16>, vector<128x384xbf16>, vector<1000x384xf32> -> vector<1000x384xf32>
    %add3A_81 = vector.broadcast %get3A_31 : vector<1x384xf32> to vector<1000x384xf32>
    %add3A_82 = arith.addf %dot_general3A_80, %add3A_81 : vector<1000x384xf32>
    %slice3A = vector.extract_strided_slice %add3A_77 {offsets = [0, 0], sizes = [1000, 128], strides = [1, 1]} : vector<1000x384xf32> to vector<1000x128xf32>
    %slice3A_83 = vector.extract_strided_slice %add3A_82 {offsets = [0, 0], sizes = [1000, 128], strides = [1, 1]} : vector<1000x384xf32> to vector<1000x128xf32>
    %add3A_84 = arith.addf %slice3A, %slice3A_83 : vector<1000x128xf32>
    %logistic3A = arith.negf %add3A_84 : vector<1000x128xf32>
    %logistic3A_85 = math.exp %logistic3A : vector<1000x128xf32>
    %logistic3A_86 = arith.constant 1.000000e+00 : f32
    %logistic3A_87 = vector.broadcast %logistic3A_86 : f32 to vector<1000x128xf32>
    %logistic3A_88 = arith.addf %logistic3A_87, %logistic3A_85 : vector<1000x128xf32>
    %logistic3A_89 = arith.divf %logistic3A_87, %logistic3A_88 : vector<1000x128xf32>
    %slice3A_90 = vector.extract_strided_slice %add3A_77 {offsets = [0, 128], sizes = [1000, 128], strides = [1, 1]} : vector<1000x384xf32> to vector<1000x128xf32>
    %slice3A_91 = vector.extract_strided_slice %add3A_82 {offsets = [0, 128], sizes = [1000, 128], strides = [1, 1]} : vector<1000x384xf32> to vector<1000x128xf32>
    %add3A_92 = arith.addf %slice3A_90, %slice3A_91 : vector<1000x128xf32>
    %logistic3A_93 = arith.negf %add3A_92 : vector<1000x128xf32>
    %logistic3A_94 = math.exp %logistic3A_93 : vector<1000x128xf32>
    %logistic3A_95 = arith.constant 1.000000e+00 : f32
    %logistic3A_96 = vector.broadcast %logistic3A_95 : f32 to vector<1000x128xf32>
    %logistic3A_97 = arith.addf %logistic3A_96, %logistic3A_94 : vector<1000x128xf32>
    %logistic3A_98 = arith.divf %logistic3A_96, %logistic3A_97 : vector<1000x128xf32>
    %slice3A_99 = vector.extract_strided_slice %add3A_77 {offsets = [0, 256], sizes = [1000, 128], strides = [1, 1]} : vector<1000x384xf32> to vector<1000x128xf32>
    %slice3A_100 = vector.extract_strided_slice %add3A_82 {offsets = [0, 256], sizes = [1000, 128], strides = [1, 1]} : vector<1000x384xf32> to vector<1000x128xf32>
    %mul3A_101 = arith.mulf %logistic3A_89, %slice3A_100 : vector<1000x128xf32>
    %add3A_102 = arith.addf %slice3A_99, %mul3A_101 : vector<1000x128xf32>
    %tanh3A = math.tanh %add3A_102 : vector<1000x128xf32>
    %sub3A_103 = arith.constant 1.000000e+00 : f32
    %sub3A_104 = vector.broadcast %sub3A_103 : f32 to vector<1000x128xf32>
    %sub3A_105 = arith.subf %sub3A_104, %logistic3A_98 : vector<1000x128xf32>
    %mul3A_106 = arith.mulf %sub3A_105, %tanh3A : vector<1000x128xf32>
    %mul3A_107 = arith.mulf %logistic3A_98, %broadcast_in_dim3A_38 : vector<1000x128xf32>
    %add3A_108 = arith.addf %mul3A_106, %mul3A_107 : vector<1000x128xf32>
    %convert_element_type3A_109 = arith.truncf %add3A_108 : vector<1000x128xf32> to vector<1000x128xbf16>
    %dot_general3A_110 = arith.constant dense<0.000000e+00> : vector<1000x384xf32>
    %dot_general3A_111 = tpu.matmul %convert_element_type3A_109, %get3A_22, %dot_general3A_110 {dimension_numbers = #tpu.dot_dimension_numbers<[1], [0], [0], [1], [0, 0, 1, 1], [], []>, transpose_lhs_hint = false} : vector<1000x128xbf16>, vector<128x384xbf16>, vector<1000x384xf32> -> vector<1000x384xf32>
    %add3A_112 = vector.broadcast %get3A_34 : vector<1x384xf32> to vector<1000x384xf32>
    %add3A_113 = arith.addf %dot_general3A_111, %add3A_112 : vector<1000x384xf32>
    %convert_element_type3A_114 = arith.truncf %broadcast_in_dim3A_40 : vector<1000x128xf32> to vector<1000x128xbf16>
    %dot_general3A_115 = arith.constant dense<0.000000e+00> : vector<1000x384xf32>
    %dot_general3A_116 = tpu.matmul %convert_element_type3A_114, %get3A_25, %dot_general3A_115 {dimension_numbers = #tpu.dot_dimension_numbers<[1], [0], [0], [1], [0, 0, 1, 1], [], []>, transpose_lhs_hint = false} : vector<1000x128xbf16>, vector<128x384xbf16>, vector<1000x384xf32> -> vector<1000x384xf32>
    %add3A_117 = vector.broadcast %get3A_37 : vector<1x384xf32> to vector<1000x384xf32>
    %add3A_118 = arith.addf %dot_general3A_116, %add3A_117 : vector<1000x384xf32>
    %slice3A_119 = vector.extract_strided_slice %add3A_113 {offsets = [0, 0], sizes = [1000, 128], strides = [1, 1]} : vector<1000x384xf32> to vector<1000x128xf32>
    %slice3A_120 = vector.extract_strided_slice %add3A_118 {offsets = [0, 0], sizes = [1000, 128], strides = [1, 1]} : vector<1000x384xf32> to vector<1000x128xf32>
    %add3A_121 = arith.addf %slice3A_119, %slice3A_120 : vector<1000x128xf32>
    %logistic3A_122 = arith.negf %add3A_121 : vector<1000x128xf32>
    %logistic3A_123 = math.exp %logistic3A_122 : vector<1000x128xf32>
    %logistic3A_124 = arith.constant 1.000000e+00 : f32
    %logistic3A_125 = vector.broadcast %logistic3A_124 : f32 to vector<1000x128xf32>
    %logistic3A_126 = arith.addf %logistic3A_125, %logistic3A_123 : vector<1000x128xf32>
    %logistic3A_127 = arith.divf %logistic3A_125, %logistic3A_126 : vector<1000x128xf32>
    %slice3A_128 = vector.extract_strided_slice %add3A_113 {offsets = [0, 128], sizes = [1000, 128], strides = [1, 1]} : vector<1000x384xf32> to vector<1000x128xf32>
    %slice3A_129 = vector.extract_strided_slice %add3A_118 {offsets = [0, 128], sizes = [1000, 128], strides = [1, 1]} : vector<1000x384xf32> to vector<1000x128xf32>
    %add3A_130 = arith.addf %slice3A_128, %slice3A_129 : vector<1000x128xf32>
    %logistic3A_131 = arith.negf %add3A_130 : vector<1000x128xf32>
    %logistic3A_132 = math.exp %logistic3A_131 : vector<1000x128xf32>
    %logistic3A_133 = arith.constant 1.000000e+00 : f32
    %logistic3A_134 = vector.broadcast %logistic3A_133 : f32 to vector<1000x128xf32>
    %logistic3A_135 = arith.addf %logistic3A_134, %logistic3A_132 : vector<1000x128xf32>
    %logistic3A_136 = arith.divf %logistic3A_134, %logistic3A_135 : vector<1000x128xf32>
    %slice3A_137 = vector.extract_strided_slice %add3A_113 {offsets = [0, 256], sizes = [1000, 128], strides = [1, 1]} : vector<1000x384xf32> to vector<1000x128xf32>
    %slice3A_138 = vector.extract_strided_slice %add3A_118 {offsets = [0, 256], sizes = [1000, 128], strides = [1, 1]} : vector<1000x384xf32> to vector<1000x128xf32>
    %mul3A_139 = arith.mulf %logistic3A_127, %slice3A_138 : vector<1000x128xf32>
    %add3A_140 = arith.addf %slice3A_137, %mul3A_139 : vector<1000x128xf32>
    %tanh3A_141 = math.tanh %add3A_140 : vector<1000x128xf32>
    %sub3A_142 = arith.constant 1.000000e+00 : f32
    %sub3A_143 = vector.broadcast %sub3A_142 : f32 to vector<1000x128xf32>
    %sub3A_144 = arith.subf %sub3A_143, %logistic3A_136 : vector<1000x128xf32>
    %mul3A_145 = arith.mulf %sub3A_144, %tanh3A_141 : vector<1000x128xf32>
    %mul3A_146 = arith.mulf %logistic3A_136, %broadcast_in_dim3A_40 : vector<1000x128xf32>
    %add3A_147 = arith.addf %mul3A_145, %mul3A_146 : vector<1000x128xf32>
    %get3A_148 = arith.constant 0 : index
    %get3A_149 = arith.constant 1 : index
    %get3A_150 = arith.constant 0 : index
    %get3A_151 = arith.constant 0 : index
    %get3A_152 = vector.load %arg2[%get3A_148, %get3A_149, %get3A_150, %get3A_151] : memref<1x8x1000x128xf32, #tpu.memory_space<vmem>>, vector<1x1x1000x128xf32>
    %get3A_153 = vector.shape_cast %get3A_152 : vector<1x1x1000x128xf32> to vector<1000x128xf32>
    %mul3A_154 = vector.broadcast %get3A_1 : vector<1000x1xf32> to vector<1000x128xf32>
    %mul3A_155 = arith.mulf %get3A_153, %mul3A_154 : vector<1000x128xf32>
    %convert_element_type3A_156 = arith.truncf %mul3A_155 : vector<1000x128xf32> to vector<1000x128xbf16>
    %dot_general3A_157 = arith.constant dense<0.000000e+00> : vector<1000x128xf32>
    %dot_general3A_158 = tpu.matmul %convert_element_type3A_156, %get3A_4, %dot_general3A_157 {dimension_numbers = #tpu.dot_dimension_numbers<[1], [0], [0], [1], [0, 0, 1, 1], [], []>, transpose_lhs_hint = false} : vector<1000x128xbf16>, vector<128x128xbf16>, vector<1000x128xf32> -> vector<1000x128xf32>
    %add3A_159 = vector.broadcast %get3A_7 : vector<1x128xf32> to vector<1000x128xf32>
    %add3A_160 = arith.addf %dot_general3A_158, %add3A_159 : vector<1000x128xf32>
    %reduce_sum3A_161 = arith.constant dense<0.000000e+00> : vector<1000xf32>
    %reduce_sum3A_162 = vector.multi_reduction <add>, %add3A_160, %reduce_sum3A_161 [1] : vector<1000x128xf32> to vector<1000xf32>
    %broadcast_in_dim3A_163 = vector.shape_cast %reduce_sum3A_162 : vector<1000xf32> to vector<1000x1xf32>
    %div3A_164 = arith.constant 1.280000e+02 : f32
    %div3A_165 = vector.broadcast %div3A_164 : f32 to vector<1000x1xf32>
    %div3A_166 = arith.divf %broadcast_in_dim3A_163, %div3A_165 : vector<1000x1xf32>
    %sub3A_167 = vector.broadcast %div3A_166 : vector<1000x1xf32> to vector<1000x128xf32>
    %sub3A_168 = arith.subf %add3A_160, %sub3A_167 : vector<1000x128xf32>
    %mul3A_169 = arith.mulf %sub3A_168, %sub3A_168 : vector<1000x128xf32>
    %reduce_sum3A_170 = arith.constant dense<0.000000e+00> : vector<1000xf32>
    %reduce_sum3A_171 = vector.multi_reduction <add>, %mul3A_169, %reduce_sum3A_170 [1] : vector<1000x128xf32> to vector<1000xf32>
    %broadcast_in_dim3A_172 = vector.shape_cast %reduce_sum3A_171 : vector<1000xf32> to vector<1000x1xf32>
    %div3A_173 = arith.constant 1.280000e+02 : f32
    %div3A_174 = vector.broadcast %div3A_173 : f32 to vector<1000x1xf32>
    %div3A_175 = arith.divf %broadcast_in_dim3A_172, %div3A_174 : vector<1000x1xf32>
    %add3A_176 = arith.constant 9.99999974E-6 : f32
    %add3A_177 = vector.broadcast %add3A_176 : f32 to vector<1000x1xf32>
    %add3A_178 = arith.addf %div3A_175, %add3A_177 : vector<1000x1xf32>
    %rsqrt3A_179 = math.rsqrt %add3A_178 : vector<1000x1xf32>
    %mul3A_180 = vector.broadcast %rsqrt3A_179 : vector<1000x1xf32> to vector<1000x128xf32>
    %mul3A_181 = arith.mulf %sub3A_168, %mul3A_180 : vector<1000x128xf32>
    %mul3A_182 = vector.broadcast %get3A_10 : vector<1x128xf32> to vector<1000x128xf32>
    %mul3A_183 = arith.mulf %mul3A_181, %mul3A_182 : vector<1000x128xf32>
    %add3A_184 = vector.broadcast %get3A_13 : vector<1x128xf32> to vector<1000x128xf32>
    %add3A_185 = arith.addf %mul3A_183, %add3A_184 : vector<1000x128xf32>
    %max3A_186 = arith.constant 0.000000e+00 : f32
    %max3A_187 = vector.broadcast %max3A_186 : f32 to vector<1000x128xf32>
    %max3A_188 = arith.maximumf %add3A_185, %max3A_187 : vector<1000x128xf32>
    %convert_element_type3A_189 = arith.truncf %max3A_188 : vector<1000x128xf32> to vector<1000x128xbf16>
    %dot_general3A_190 = arith.constant dense<0.000000e+00> : vector<1000x384xf32>
    %dot_general3A_191 = tpu.matmul %convert_element_type3A_189, %get3A_16, %dot_general3A_190 {dimension_numbers = #tpu.dot_dimension_numbers<[1], [0], [0], [1], [0, 0, 1, 1], [], []>, transpose_lhs_hint = false} : vector<1000x128xbf16>, vector<128x384xbf16>, vector<1000x384xf32> -> vector<1000x384xf32>
    %add3A_192 = vector.broadcast %get3A_28 : vector<1x384xf32> to vector<1000x384xf32>
    %add3A_193 = arith.addf %dot_general3A_191, %add3A_192 : vector<1000x384xf32>
    %convert_element_type3A_194 = arith.truncf %add3A_108 : vector<1000x128xf32> to vector<1000x128xbf16>
    %dot_general3A_195 = arith.constant dense<0.000000e+00> : vector<1000x384xf32>
    %dot_general3A_196 = tpu.matmul %convert_element_type3A_194, %get3A_19, %dot_general3A_195 {dimension_numbers = #tpu.dot_dimension_numbers<[1], [0], [0], [1], [0, 0, 1, 1], [], []>, transpose_lhs_hint = false} : vector<1000x128xbf16>, vector<128x384xbf16>, vector<1000x384xf32> -> vector<1000x384xf32>
    %add3A_197 = vector.broadcast %get3A_31 : vector<1x384xf32> to vector<1000x384xf32>
    %add3A_198 = arith.addf %dot_general3A_196, %add3A_197 : vector<1000x384xf32>
    %slice3A_199 = vector.extract_strided_slice %add3A_193 {offsets = [0, 0], sizes = [1000, 128], strides = [1, 1]} : vector<1000x384xf32> to vector<1000x128xf32>
    %slice3A_200 = vector.extract_strided_slice %add3A_198 {offsets = [0, 0], sizes = [1000, 128], strides = [1, 1]} : vector<1000x384xf32> to vector<1000x128xf32>
    %add3A_201 = arith.addf %slice3A_199, %slice3A_200 : vector<1000x128xf32>
    %logistic3A_202 = arith.negf %add3A_201 : vector<1000x128xf32>
    %logistic3A_203 = math.exp %logistic3A_202 : vector<1000x128xf32>
    %logistic3A_204 = arith.constant 1.000000e+00 : f32
    %logistic3A_205 = vector.broadcast %logistic3A_204 : f32 to vector<1000x128xf32>
    %logistic3A_206 = arith.addf %logistic3A_205, %logistic3A_203 : vector<1000x128xf32>
    %logistic3A_207 = arith.divf %logistic3A_205, %logistic3A_206 : vector<1000x128xf32>
    %slice3A_208 = vector.extract_strided_slice %add3A_193 {offsets = [0, 128], sizes = [1000, 128], strides = [1, 1]} : vector<1000x384xf32> to vector<1000x128xf32>
    %slice3A_209 = vector.extract_strided_slice %add3A_198 {offsets = [0, 128], sizes = [1000, 128], strides = [1, 1]} : vector<1000x384xf32> to vector<1000x128xf32>
    %add3A_210 = arith.addf %slice3A_208, %slice3A_209 : vector<1000x128xf32>
    %logistic3A_211 = arith.negf %add3A_210 : vector<1000x128xf32>
    %logistic3A_212 = math.exp %logistic3A_211 : vector<1000x128xf32>
    %logistic3A_213 = arith.constant 1.000000e+00 : f32
    %logistic3A_214 = vector.broadcast %logistic3A_213 : f32 to vector<1000x128xf32>
    %logistic3A_215 = arith.addf %logistic3A_214, %logistic3A_212 : vector<1000x128xf32>
    %logistic3A_216 = arith.divf %logistic3A_214, %logistic3A_215 : vector<1000x128xf32>
    %slice3A_217 = vector.extract_strided_slice %add3A_193 {offsets = [0, 256], sizes = [1000, 128], strides = [1, 1]} : vector<1000x384xf32> to vector<1000x128xf32>
    %slice3A_218 = vector.extract_strided_slice %add3A_198 {offsets = [0, 256], sizes = [1000, 128], strides = [1, 1]} : vector<1000x384xf32> to vector<1000x128xf32>
    %mul3A_219 = arith.mulf %logistic3A_207, %slice3A_218 : vector<1000x128xf32>
    %add3A_220 = arith.addf %slice3A_217, %mul3A_219 : vector<1000x128xf32>
    %tanh3A_221 = math.tanh %add3A_220 : vector<1000x128xf32>
    %sub3A_222 = arith.constant 1.000000e+00 : f32
    %sub3A_223 = vector.broadcast %sub3A_222 : f32 to vector<1000x128xf32>
    %sub3A_224 = arith.subf %sub3A_223, %logistic3A_216 : vector<1000x128xf32>
    %mul3A_225 = arith.mulf %sub3A_224, %tanh3A_221 : vector<1000x128xf32>
    %mul3A_226 = arith.mulf %logistic3A_216, %add3A_108 : vector<1000x128xf32>
    %add3A_227 = arith.addf %mul3A_225, %mul3A_226 : vector<1000x128xf32>
    %convert_element_type3A_228 = arith.truncf %add3A_227 : vector<1000x128xf32> to vector<1000x128xbf16>
    %dot_general3A_229 = arith.constant dense<0.000000e+00> : vector<1000x384xf32>
    %dot_general3A_230 = tpu.matmul %convert_element_type3A_228, %get3A_22, %dot_general3A_229 {dimension_numbers = #tpu.dot_dimension_numbers<[1], [0], [0], [1], [0, 0, 1, 1], [], []>, transpose_lhs_hint = false} : vector<1000x128xbf16>, vector<128x384xbf16>, vector<1000x384xf32> -> vector<1000x384xf32>
    %add3A_231 = vector.broadcast %get3A_34 : vector<1x384xf32> to vector<1000x384xf32>
    %add3A_232 = arith.addf %dot_general3A_230, %add3A_231 : vector<1000x384xf32>
    %convert_element_type3A_233 = arith.truncf %add3A_147 : vector<1000x128xf32> to vector<1000x128xbf16>
    %dot_general3A_234 = arith.constant dense<0.000000e+00> : vector<1000x384xf32>
    %dot_general3A_235 = tpu.matmul %convert_element_type3A_233, %get3A_25, %dot_general3A_234 {dimension_numbers = #tpu.dot_dimension_numbers<[1], [0], [0], [1], [0, 0, 1, 1], [], []>, transpose_lhs_hint = false} : vector<1000x128xbf16>, vector<128x384xbf16>, vector<1000x384xf32> -> vector<1000x384xf32>
    %add3A_236 = vector.broadcast %get3A_37 : vector<1x384xf32> to vector<1000x384xf32>
    %add3A_237 = arith.addf %dot_general3A_235, %add3A_236 : vector<1000x384xf32>
    %slice3A_238 = vector.extract_strided_slice %add3A_232 {offsets = [0, 0], sizes = [1000, 128], strides = [1, 1]} : vector<1000x384xf32> to vector<1000x128xf32>
    %slice3A_239 = vector.extract_strided_slice %add3A_237 {offsets = [0, 0], sizes = [1000, 128], strides = [1, 1]} : vector<1000x384xf32> to vector<1000x128xf32>
    %add3A_240 = arith.addf %slice3A_238, %slice3A_239 : vector<1000x128xf32>
    %logistic3A_241 = arith.negf %add3A_240 : vector<1000x128xf32>
    %logistic3A_242 = math.exp %logistic3A_241 : vector<1000x128xf32>
    %logistic3A_243 = arith.constant 1.000000e+00 : f32
    %logistic3A_244 = vector.broadcast %logistic3A_243 : f32 to vector<1000x128xf32>
    %logistic3A_245 = arith.addf %logistic3A_244, %logistic3A_242 : vector<1000x128xf32>
    %logistic3A_246 = arith.divf %logistic3A_244, %logistic3A_245 : vector<1000x128xf32>
    %slice3A_247 = vector.extract_strided_slice %add3A_232 {offsets = [0, 128], sizes = [1000, 128], strides = [1, 1]} : vector<1000x384xf32> to vector<1000x128xf32>
    %slice3A_248 = vector.extract_strided_slice %add3A_237 {offsets = [0, 128], sizes = [1000, 128], strides = [1, 1]} : vector<1000x384xf32> to vector<1000x128xf32>
    %add3A_249 = arith.addf %slice3A_247, %slice3A_248 : vector<1000x128xf32>
    %logistic3A_250 = arith.negf %add3A_249 : vector<1000x128xf32>
    %logistic3A_251 = math.exp %logistic3A_250 : vector<1000x128xf32>
    %logistic3A_252 = arith.constant 1.000000e+00 : f32
    %logistic3A_253 = vector.broadcast %logistic3A_252 : f32 to vector<1000x128xf32>
    %logistic3A_254 = arith.addf %logistic3A_253, %logistic3A_251 : vector<1000x128xf32>
    %logistic3A_255 = arith.divf %logistic3A_253, %logistic3A_254 : vector<1000x128xf32>
    %slice3A_256 = vector.extract_strided_slice %add3A_232 {offsets = [0, 256], sizes = [1000, 128], strides = [1, 1]} : vector<1000x384xf32> to vector<1000x128xf32>
    %slice3A_257 = vector.extract_strided_slice %add3A_237 {offsets = [0, 256], sizes = [1000, 128], strides = [1, 1]} : vector<1000x384xf32> to vector<1000x128xf32>
    %mul3A_258 = arith.mulf %logistic3A_246, %slice3A_257 : vector<1000x128xf32>
    %add3A_259 = arith.addf %slice3A_256, %mul3A_258 : vector<1000x128xf32>
    %tanh3A_260 = math.tanh %add3A_259 : vector<1000x128xf32>
    %sub3A_261 = arith.constant 1.000000e+00 : f32
    %sub3A_262 = vector.broadcast %sub3A_261 : f32 to vector<1000x128xf32>
    %sub3A_263 = arith.subf %sub3A_262, %logistic3A_255 : vector<1000x128xf32>
    %mul3A_264 = arith.mulf %sub3A_263, %tanh3A_260 : vector<1000x128xf32>
    %mul3A_265 = arith.mulf %logistic3A_255, %add3A_147 : vector<1000x128xf32>
    %add3A_266 = arith.addf %mul3A_264, %mul3A_265 : vector<1000x128xf32>
    %get3A_267 = arith.constant 0 : index
    %get3A_268 = arith.constant 2 : index
    %get3A_269 = arith.constant 0 : index
    %get3A_270 = arith.constant 0 : index
    %get3A_271 = vector.load %arg2[%get3A_267, %get3A_268, %get3A_269, %get3A_270] : memref<1x8x1000x128xf32, #tpu.memory_space<vmem>>, vector<1x1x1000x128xf32>
    %get3A_272 = vector.shape_cast %get3A_271 : vector<1x1x1000x128xf32> to vector<1000x128xf32>
    %mul3A_273 = vector.broadcast %get3A_1 : vector<1000x1xf32> to vector<1000x128xf32>
    %mul3A_274 = arith.mulf %get3A_272, %mul3A_273 : vector<1000x128xf32>
    %convert_element_type3A_275 = arith.truncf %mul3A_274 : vector<1000x128xf32> to vector<1000x128xbf16>
    %dot_general3A_276 = arith.constant dense<0.000000e+00> : vector<1000x128xf32>
    %dot_general3A_277 = tpu.matmul %convert_element_type3A_275, %get3A_4, %dot_general3A_276 {dimension_numbers = #tpu.dot_dimension_numbers<[1], [0], [0], [1], [0, 0, 1, 1], [], []>, transpose_lhs_hint = false} : vector<1000x128xbf16>, vector<128x128xbf16>, vector<1000x128xf32> -> vector<1000x128xf32>
    %add3A_278 = vector.broadcast %get3A_7 : vector<1x128xf32> to vector<1000x128xf32>
    %add3A_279 = arith.addf %dot_general3A_277, %add3A_278 : vector<1000x128xf32>
    %reduce_sum3A_280 = arith.constant dense<0.000000e+00> : vector<1000xf32>
    %reduce_sum3A_281 = vector.multi_reduction <add>, %add3A_279, %reduce_sum3A_280 [1] : vector<1000x128xf32> to vector<1000xf32>
    %broadcast_in_dim3A_282 = vector.shape_cast %reduce_sum3A_281 : vector<1000xf32> to vector<1000x1xf32>
    %div3A_283 = arith.constant 1.280000e+02 : f32
    %div3A_284 = vector.broadcast %div3A_283 : f32 to vector<1000x1xf32>
    %div3A_285 = arith.divf %broadcast_in_dim3A_282, %div3A_284 : vector<1000x1xf32>
    %sub3A_286 = vector.broadcast %div3A_285 : vector<1000x1xf32> to vector<1000x128xf32>
    %sub3A_287 = arith.subf %add3A_279, %sub3A_286 : vector<1000x128xf32>
    %mul3A_288 = arith.mulf %sub3A_287, %sub3A_287 : vector<1000x128xf32>
    %reduce_sum3A_289 = arith.constant dense<0.000000e+00> : vector<1000xf32>
    %reduce_sum3A_290 = vector.multi_reduction <add>, %mul3A_288, %reduce_sum3A_289 [1] : vector<1000x128xf32> to vector<1000xf32>
    %broadcast_in_dim3A_291 = vector.shape_cast %reduce_sum3A_290 : vector<1000xf32> to vector<1000x1xf32>
    %div3A_292 = arith.constant 1.280000e+02 : f32
    %div3A_293 = vector.broadcast %div3A_292 : f32 to vector<1000x1xf32>
    %div3A_294 = arith.divf %broadcast_in_dim3A_291, %div3A_293 : vector<1000x1xf32>
    %add3A_295 = arith.constant 9.99999974E-6 : f32
    %add3A_296 = vector.broadcast %add3A_295 : f32 to vector<1000x1xf32>
    %add3A_297 = arith.addf %div3A_294, %add3A_296 : vector<1000x1xf32>
    %rsqrt3A_298 = math.rsqrt %add3A_297 : vector<1000x1xf32>
    %mul3A_299 = vector.broadcast %rsqrt3A_298 : vector<1000x1xf32> to vector<1000x128xf32>
    %mul3A_300 = arith.mulf %sub3A_287, %mul3A_299 : vector<1000x128xf32>
    %mul3A_301 = vector.broadcast %get3A_10 : vector<1x128xf32> to vector<1000x128xf32>
    %mul3A_302 = arith.mulf %mul3A_300, %mul3A_301 : vector<1000x128xf32>
    %add3A_303 = vector.broadcast %get3A_13 : vector<1x128xf32> to vector<1000x128xf32>
    %add3A_304 = arith.addf %mul3A_302, %add3A_303 : vector<1000x128xf32>
    %max3A_305 = arith.constant 0.000000e+00 : f32
    %max3A_306 = vector.broadcast %max3A_305 : f32 to vector<1000x128xf32>
    %max3A_307 = arith.maximumf %add3A_304, %max3A_306 : vector<1000x128xf32>
    %convert_element_type3A_308 = arith.truncf %max3A_307 : vector<1000x128xf32> to vector<1000x128xbf16>
    %dot_general3A_309 = arith.constant dense<0.000000e+00> : vector<1000x384xf32>
    %dot_general3A_310 = tpu.matmul %convert_element_type3A_308, %get3A_16, %dot_general3A_309 {dimension_numbers = #tpu.dot_dimension_numbers<[1], [0], [0], [1], [0, 0, 1, 1], [], []>, transpose_lhs_hint = false} : vector<1000x128xbf16>, vector<128x384xbf16>, vector<1000x384xf32> -> vector<1000x384xf32>
    %add3A_311 = vector.broadcast %get3A_28 : vector<1x384xf32> to vector<1000x384xf32>
    %add3A_312 = arith.addf %dot_general3A_310, %add3A_311 : vector<1000x384xf32>
    %convert_element_type3A_313 = arith.truncf %add3A_227 : vector<1000x128xf32> to vector<1000x128xbf16>
    %dot_general3A_314 = arith.constant dense<0.000000e+00> : vector<1000x384xf32>
    %dot_general3A_315 = tpu.matmul %convert_element_type3A_313, %get3A_19, %dot_general3A_314 {dimension_numbers = #tpu.dot_dimension_numbers<[1], [0], [0], [1], [0, 0, 1, 1], [], []>, transpose_lhs_hint = false} : vector<1000x128xbf16>, vector<128x384xbf16>, vector<1000x384xf32> -> vector<1000x384xf32>
    %add3A_316 = vector.broadcast %get3A_31 : vector<1x384xf32> to vector<1000x384xf32>
    %add3A_317 = arith.addf %dot_general3A_315, %add3A_316 : vector<1000x384xf32>
    %slice3A_318 = vector.extract_strided_slice %add3A_312 {offsets = [0, 0], sizes = [1000, 128], strides = [1, 1]} : vector<1000x384xf32> to vector<1000x128xf32>
    %slice3A_319 = vector.extract_strided_slice %add3A_317 {offsets = [0, 0], sizes = [1000, 128], strides = [1, 1]} : vector<1000x384xf32> to vector<1000x128xf32>
    %add3A_320 = arith.addf %slice3A_318, %slice3A_319 : vector<1000x128xf32>
    %logistic3A_321 = arith.negf %add3A_320 : vector<1000x128xf32>
    %logistic3A_322 = math.exp %logistic3A_321 : vector<1000x128xf32>
    %logistic3A_323 = arith.constant 1.000000e+00 : f32
    %logistic3A_324 = vector.broadcast %logistic3A_323 : f32 to vector<1000x128xf32>
    %logistic3A_325 = arith.addf %logistic3A_324, %logistic3A_322 : vector<1000x128xf32>
    %logistic3A_326 = arith.divf %logistic3A_324, %logistic3A_325 : vector<1000x128xf32>
    %slice3A_327 = vector.extract_strided_slice %add3A_312 {offsets = [0, 128], sizes = [1000, 128], strides = [1, 1]} : vector<1000x384xf32> to vector<1000x128xf32>
    %slice3A_328 = vector.extract_strided_slice %add3A_317 {offsets = [0, 128], sizes = [1000, 128], strides = [1, 1]} : vector<1000x384xf32> to vector<1000x128xf32>
    %add3A_329 = arith.addf %slice3A_327, %slice3A_328 : vector<1000x128xf32>
    %logistic3A_330 = arith.negf %add3A_329 : vector<1000x128xf32>
    %logistic3A_331 = math.exp %logistic3A_330 : vector<1000x128xf32>
    %logistic3A_332 = arith.constant 1.000000e+00 : f32
    %logistic3A_333 = vector.broadcast %logistic3A_332 : f32 to vector<1000x128xf32>
    %logistic3A_334 = arith.addf %logistic3A_333, %logistic3A_331 : vector<1000x128xf32>
    %logistic3A_335 = arith.divf %logistic3A_333, %logistic3A_334 : vector<1000x128xf32>
    %slice3A_336 = vector.extract_strided_slice %add3A_312 {offsets = [0, 256], sizes = [1000, 128], strides = [1, 1]} : vector<1000x384xf32> to vector<1000x128xf32>
    %slice3A_337 = vector.extract_strided_slice %add3A_317 {offsets = [0, 256], sizes = [1000, 128], strides = [1, 1]} : vector<1000x384xf32> to vector<1000x128xf32>
    %mul3A_338 = arith.mulf %logistic3A_326, %slice3A_337 : vector<1000x128xf32>
    %add3A_339 = arith.addf %slice3A_336, %mul3A_338 : vector<1000x128xf32>
    %tanh3A_340 = math.tanh %add3A_339 : vector<1000x128xf32>
    %sub3A_341 = arith.constant 1.000000e+00 : f32
    %sub3A_342 = vector.broadcast %sub3A_341 : f32 to vector<1000x128xf32>
    %sub3A_343 = arith.subf %sub3A_342, %logistic3A_335 : vector<1000x128xf32>
    %mul3A_344 = arith.mulf %sub3A_343, %tanh3A_340 : vector<1000x128xf32>
    %mul3A_345 = arith.mulf %logistic3A_335, %add3A_227 : vector<1000x128xf32>
    %add3A_346 = arith.addf %mul3A_344, %mul3A_345 : vector<1000x128xf32>
    %convert_element_type3A_347 = arith.truncf %add3A_346 : vector<1000x128xf32> to vector<1000x128xbf16>
    %dot_general3A_348 = arith.constant dense<0.000000e+00> : vector<1000x384xf32>
    %dot_general3A_349 = tpu.matmul %convert_element_type3A_347, %get3A_22, %dot_general3A_348 {dimension_numbers = #tpu.dot_dimension_numbers<[1], [0], [0], [1], [0, 0, 1, 1], [], []>, transpose_lhs_hint = false} : vector<1000x128xbf16>, vector<128x384xbf16>, vector<1000x384xf32> -> vector<1000x384xf32>
    %add3A_350 = vector.broadcast %get3A_34 : vector<1x384xf32> to vector<1000x384xf32>
    %add3A_351 = arith.addf %dot_general3A_349, %add3A_350 : vector<1000x384xf32>
    %convert_element_type3A_352 = arith.truncf %add3A_266 : vector<1000x128xf32> to vector<1000x128xbf16>
    %dot_general3A_353 = arith.constant dense<0.000000e+00> : vector<1000x384xf32>
    %dot_general3A_354 = tpu.matmul %convert_element_type3A_352, %get3A_25, %dot_general3A_353 {dimension_numbers = #tpu.dot_dimension_numbers<[1], [0], [0], [1], [0, 0, 1, 1], [], []>, transpose_lhs_hint = false} : vector<1000x128xbf16>, vector<128x384xbf16>, vector<1000x384xf32> -> vector<1000x384xf32>
    %add3A_355 = vector.broadcast %get3A_37 : vector<1x384xf32> to vector<1000x384xf32>
    %add3A_356 = arith.addf %dot_general3A_354, %add3A_355 : vector<1000x384xf32>
    %slice3A_357 = vector.extract_strided_slice %add3A_351 {offsets = [0, 0], sizes = [1000, 128], strides = [1, 1]} : vector<1000x384xf32> to vector<1000x128xf32>
    %slice3A_358 = vector.extract_strided_slice %add3A_356 {offsets = [0, 0], sizes = [1000, 128], strides = [1, 1]} : vector<1000x384xf32> to vector<1000x128xf32>
    %add3A_359 = arith.addf %slice3A_357, %slice3A_358 : vector<1000x128xf32>
    %logistic3A_360 = arith.negf %add3A_359 : vector<1000x128xf32>
    %logistic3A_361 = math.exp %logistic3A_360 : vector<1000x128xf32>
    %logistic3A_362 = arith.constant 1.000000e+00 : f32
    %logistic3A_363 = vector.broadcast %logistic3A_362 : f32 to vector<1000x128xf32>
    %logistic3A_364 = arith.addf %logistic3A_363, %logistic3A_361 : vector<1000x128xf32>
    %logistic3A_365 = arith.divf %logistic3A_363, %logistic3A_364 : vector<1000x128xf32>
    %slice3A_366 = vector.extract_strided_slice %add3A_351 {offsets = [0, 128], sizes = [1000, 128], strides = [1, 1]} : vector<1000x384xf32> to vector<1000x128xf32>
    %slice3A_367 = vector.extract_strided_slice %add3A_356 {offsets = [0, 128], sizes = [1000, 128], strides = [1, 1]} : vector<1000x384xf32> to vector<1000x128xf32>
    %add3A_368 = arith.addf %slice3A_366, %slice3A_367 : vector<1000x128xf32>
    %logistic3A_369 = arith.negf %add3A_368 : vector<1000x128xf32>
    %logistic3A_370 = math.exp %logistic3A_369 : vector<1000x128xf32>
    %logistic3A_371 = arith.constant 1.000000e+00 : f32
    %logistic3A_372 = vector.broadcast %logistic3A_371 : f32 to vector<1000x128xf32>
    %logistic3A_373 = arith.addf %logistic3A_372, %logistic3A_370 : vector<1000x128xf32>
    %logistic3A_374 = arith.divf %logistic3A_372, %logistic3A_373 : vector<1000x128xf32>
    %slice3A_375 = vector.extract_strided_slice %add3A_351 {offsets = [0, 256], sizes = [1000, 128], strides = [1, 1]} : vector<1000x384xf32> to vector<1000x128xf32>
    %slice3A_376 = vector.extract_strided_slice %add3A_356 {offsets = [0, 256], sizes = [1000, 128], strides = [1, 1]} : vector<1000x384xf32> to vector<1000x128xf32>
    %mul3A_377 = arith.mulf %logistic3A_365, %slice3A_376 : vector<1000x128xf32>
    %add3A_378 = arith.addf %slice3A_375, %mul3A_377 : vector<1000x128xf32>
    %tanh3A_379 = math.tanh %add3A_378 : vector<1000x128xf32>
    %sub3A_380 = arith.constant 1.000000e+00 : f32
    %sub3A_381 = vector.broadcast %sub3A_380 : f32 to vector<1000x128xf32>
    %sub3A_382 = arith.subf %sub3A_381, %logistic3A_374 : vector<1000x128xf32>
    %mul3A_383 = arith.mulf %sub3A_382, %tanh3A_379 : vector<1000x128xf32>
    %mul3A_384 = arith.mulf %logistic3A_374, %add3A_266 : vector<1000x128xf32>
    %add3A_385 = arith.addf %mul3A_383, %mul3A_384 : vector<1000x128xf32>
    %get3A_386 = arith.constant 0 : index
    %get3A_387 = arith.constant 3 : index
    %get3A_388 = arith.constant 0 : index
    %get3A_389 = arith.constant 0 : index
    %get3A_390 = vector.load %arg2[%get3A_386, %get3A_387, %get3A_388, %get3A_389] : memref<1x8x1000x128xf32, #tpu.memory_space<vmem>>, vector<1x1x1000x128xf32>
    %get3A_391 = vector.shape_cast %get3A_390 : vector<1x1x1000x128xf32> to vector<1000x128xf32>
    %mul3A_392 = vector.broadcast %get3A_1 : vector<1000x1xf32> to vector<1000x128xf32>
    %mul3A_393 = arith.mulf %get3A_391, %mul3A_392 : vector<1000x128xf32>
    %convert_element_type3A_394 = arith.truncf %mul3A_393 : vector<1000x128xf32> to vector<1000x128xbf16>
    %dot_general3A_395 = arith.constant dense<0.000000e+00> : vector<1000x128xf32>
    %dot_general3A_396 = tpu.matmul %convert_element_type3A_394, %get3A_4, %dot_general3A_395 {dimension_numbers = #tpu.dot_dimension_numbers<[1], [0], [0], [1], [0, 0, 1, 1], [], []>, transpose_lhs_hint = false} : vector<1000x128xbf16>, vector<128x128xbf16>, vector<1000x128xf32> -> vector<1000x128xf32>
    %add3A_397 = vector.broadcast %get3A_7 : vector<1x128xf32> to vector<1000x128xf32>
    %add3A_398 = arith.addf %dot_general3A_396, %add3A_397 : vector<1000x128xf32>
    %reduce_sum3A_399 = arith.constant dense<0.000000e+00> : vector<1000xf32>
    %reduce_sum3A_400 = vector.multi_reduction <add>, %add3A_398, %reduce_sum3A_399 [1] : vector<1000x128xf32> to vector<1000xf32>
    %broadcast_in_dim3A_401 = vector.shape_cast %reduce_sum3A_400 : vector<1000xf32> to vector<1000x1xf32>
    %div3A_402 = arith.constant 1.280000e+02 : f32
    %div3A_403 = vector.broadcast %div3A_402 : f32 to vector<1000x1xf32>
    %div3A_404 = arith.divf %broadcast_in_dim3A_401, %div3A_403 : vector<1000x1xf32>
    %sub3A_405 = vector.broadcast %div3A_404 : vector<1000x1xf32> to vector<1000x128xf32>
    %sub3A_406 = arith.subf %add3A_398, %sub3A_405 : vector<1000x128xf32>
    %mul3A_407 = arith.mulf %sub3A_406, %sub3A_406 : vector<1000x128xf32>
    %reduce_sum3A_408 = arith.constant dense<0.000000e+00> : vector<1000xf32>
    %reduce_sum3A_409 = vector.multi_reduction <add>, %mul3A_407, %reduce_sum3A_408 [1] : vector<1000x128xf32> to vector<1000xf32>
    %broadcast_in_dim3A_410 = vector.shape_cast %reduce_sum3A_409 : vector<1000xf32> to vector<1000x1xf32>
    %div3A_411 = arith.constant 1.280000e+02 : f32
    %div3A_412 = vector.broadcast %div3A_411 : f32 to vector<1000x1xf32>
    %div3A_413 = arith.divf %broadcast_in_dim3A_410, %div3A_412 : vector<1000x1xf32>
    %add3A_414 = arith.constant 9.99999974E-6 : f32
    %add3A_415 = vector.broadcast %add3A_414 : f32 to vector<1000x1xf32>
    %add3A_416 = arith.addf %div3A_413, %add3A_415 : vector<1000x1xf32>
    %rsqrt3A_417 = math.rsqrt %add3A_416 : vector<1000x1xf32>
    %mul3A_418 = vector.broadcast %rsqrt3A_417 : vector<1000x1xf32> to vector<1000x128xf32>
    %mul3A_419 = arith.mulf %sub3A_406, %mul3A_418 : vector<1000x128xf32>
    %mul3A_420 = vector.broadcast %get3A_10 : vector<1x128xf32> to vector<1000x128xf32>
    %mul3A_421 = arith.mulf %mul3A_419, %mul3A_420 : vector<1000x128xf32>
    %add3A_422 = vector.broadcast %get3A_13 : vector<1x128xf32> to vector<1000x128xf32>
    %add3A_423 = arith.addf %mul3A_421, %add3A_422 : vector<1000x128xf32>
    %max3A_424 = arith.constant 0.000000e+00 : f32
    %max3A_425 = vector.broadcast %max3A_424 : f32 to vector<1000x128xf32>
    %max3A_426 = arith.maximumf %add3A_423, %max3A_425 : vector<1000x128xf32>
    %convert_element_type3A_427 = arith.truncf %max3A_426 : vector<1000x128xf32> to vector<1000x128xbf16>
    %dot_general3A_428 = arith.constant dense<0.000000e+00> : vector<1000x384xf32>
    %dot_general3A_429 = tpu.matmul %convert_element_type3A_427, %get3A_16, %dot_general3A_428 {dimension_numbers = #tpu.dot_dimension_numbers<[1], [0], [0], [1], [0, 0, 1, 1], [], []>, transpose_lhs_hint = false} : vector<1000x128xbf16>, vector<128x384xbf16>, vector<1000x384xf32> -> vector<1000x384xf32>
    %add3A_430 = vector.broadcast %get3A_28 : vector<1x384xf32> to vector<1000x384xf32>
    %add3A_431 = arith.addf %dot_general3A_429, %add3A_430 : vector<1000x384xf32>
    %convert_element_type3A_432 = arith.truncf %add3A_346 : vector<1000x128xf32> to vector<1000x128xbf16>
    %dot_general3A_433 = arith.constant dense<0.000000e+00> : vector<1000x384xf32>
    %dot_general3A_434 = tpu.matmul %convert_element_type3A_432, %get3A_19, %dot_general3A_433 {dimension_numbers = #tpu.dot_dimension_numbers<[1], [0], [0], [1], [0, 0, 1, 1], [], []>, transpose_lhs_hint = false} : vector<1000x128xbf16>, vector<128x384xbf16>, vector<1000x384xf32> -> vector<1000x384xf32>
    %add3A_435 = vector.broadcast %get3A_31 : vector<1x384xf32> to vector<1000x384xf32>
    %add3A_436 = arith.addf %dot_general3A_434, %add3A_435 : vector<1000x384xf32>
    %slice3A_437 = vector.extract_strided_slice %add3A_431 {offsets = [0, 0], sizes = [1000, 128], strides = [1, 1]} : vector<1000x384xf32> to vector<1000x128xf32>
    %slice3A_438 = vector.extract_strided_slice %add3A_436 {offsets = [0, 0], sizes = [1000, 128], strides = [1, 1]} : vector<1000x384xf32> to vector<1000x128xf32>
    %add3A_439 = arith.addf %slice3A_437, %slice3A_438 : vector<1000x128xf32>
    %logistic3A_440 = arith.negf %add3A_439 : vector<1000x128xf32>
    %logistic3A_441 = math.exp %logistic3A_440 : vector<1000x128xf32>
    %logistic3A_442 = arith.constant 1.000000e+00 : f32
    %logistic3A_443 = vector.broadcast %logistic3A_442 : f32 to vector<1000x128xf32>
    %logistic3A_444 = arith.addf %logistic3A_443, %logistic3A_441 : vector<1000x128xf32>
    %logistic3A_445 = arith.divf %logistic3A_443, %logistic3A_444 : vector<1000x128xf32>
    %slice3A_446 = vector.extract_strided_slice %add3A_431 {offsets = [0, 128], sizes = [1000, 128], strides = [1, 1]} : vector<1000x384xf32> to vector<1000x128xf32>
    %slice3A_447 = vector.extract_strided_slice %add3A_436 {offsets = [0, 128], sizes = [1000, 128], strides = [1, 1]} : vector<1000x384xf32> to vector<1000x128xf32>
    %add3A_448 = arith.addf %slice3A_446, %slice3A_447 : vector<1000x128xf32>
    %logistic3A_449 = arith.negf %add3A_448 : vector<1000x128xf32>
    %logistic3A_450 = math.exp %logistic3A_449 : vector<1000x128xf32>
    %logistic3A_451 = arith.constant 1.000000e+00 : f32
    %logistic3A_452 = vector.broadcast %logistic3A_451 : f32 to vector<1000x128xf32>
    %logistic3A_453 = arith.addf %logistic3A_452, %logistic3A_450 : vector<1000x128xf32>
    %logistic3A_454 = arith.divf %logistic3A_452, %logistic3A_453 : vector<1000x128xf32>
    %slice3A_455 = vector.extract_strided_slice %add3A_431 {offsets = [0, 256], sizes = [1000, 128], strides = [1, 1]} : vector<1000x384xf32> to vector<1000x128xf32>
    %slice3A_456 = vector.extract_strided_slice %add3A_436 {offsets = [0, 256], sizes = [1000, 128], strides = [1, 1]} : vector<1000x384xf32> to vector<1000x128xf32>
    %mul3A_457 = arith.mulf %logistic3A_445, %slice3A_456 : vector<1000x128xf32>
    %add3A_458 = arith.addf %slice3A_455, %mul3A_457 : vector<1000x128xf32>
    %tanh3A_459 = math.tanh %add3A_458 : vector<1000x128xf32>
    %sub3A_460 = arith.constant 1.000000e+00 : f32
    %sub3A_461 = vector.broadcast %sub3A_460 : f32 to vector<1000x128xf32>
    %sub3A_462 = arith.subf %sub3A_461, %logistic3A_454 : vector<1000x128xf32>
    %mul3A_463 = arith.mulf %sub3A_462, %tanh3A_459 : vector<1000x128xf32>
    %mul3A_464 = arith.mulf %logistic3A_454, %add3A_346 : vector<1000x128xf32>
    %add3A_465 = arith.addf %mul3A_463, %mul3A_464 : vector<1000x128xf32>
    %convert_element_type3A_466 = arith.truncf %add3A_465 : vector<1000x128xf32> to vector<1000x128xbf16>
    %dot_general3A_467 = arith.constant dense<0.000000e+00> : vector<1000x384xf32>
    %dot_general3A_468 = tpu.matmul %convert_element_type3A_466, %get3A_22, %dot_general3A_467 {dimension_numbers = #tpu.dot_dimension_numbers<[1], [0], [0], [1], [0, 0, 1, 1], [], []>, transpose_lhs_hint = false} : vector<1000x128xbf16>, vector<128x384xbf16>, vector<1000x384xf32> -> vector<1000x384xf32>
    %add3A_469 = vector.broadcast %get3A_34 : vector<1x384xf32> to vector<1000x384xf32>
    %add3A_470 = arith.addf %dot_general3A_468, %add3A_469 : vector<1000x384xf32>
    %convert_element_type3A_471 = arith.truncf %add3A_385 : vector<1000x128xf32> to vector<1000x128xbf16>
    %dot_general3A_472 = arith.constant dense<0.000000e+00> : vector<1000x384xf32>
    %dot_general3A_473 = tpu.matmul %convert_element_type3A_471, %get3A_25, %dot_general3A_472 {dimension_numbers = #tpu.dot_dimension_numbers<[1], [0], [0], [1], [0, 0, 1, 1], [], []>, transpose_lhs_hint = false} : vector<1000x128xbf16>, vector<128x384xbf16>, vector<1000x384xf32> -> vector<1000x384xf32>
    %add3A_474 = vector.broadcast %get3A_37 : vector<1x384xf32> to vector<1000x384xf32>
    %add3A_475 = arith.addf %dot_general3A_473, %add3A_474 : vector<1000x384xf32>
    %slice3A_476 = vector.extract_strided_slice %add3A_470 {offsets = [0, 0], sizes = [1000, 128], strides = [1, 1]} : vector<1000x384xf32> to vector<1000x128xf32>
    %slice3A_477 = vector.extract_strided_slice %add3A_475 {offsets = [0, 0], sizes = [1000, 128], strides = [1, 1]} : vector<1000x384xf32> to vector<1000x128xf32>
    %add3A_478 = arith.addf %slice3A_476, %slice3A_477 : vector<1000x128xf32>
    %logistic3A_479 = arith.negf %add3A_478 : vector<1000x128xf32>
    %logistic3A_480 = math.exp %logistic3A_479 : vector<1000x128xf32>
    %logistic3A_481 = arith.constant 1.000000e+00 : f32
    %logistic3A_482 = vector.broadcast %logistic3A_481 : f32 to vector<1000x128xf32>
    %logistic3A_483 = arith.addf %logistic3A_482, %logistic3A_480 : vector<1000x128xf32>
    %logistic3A_484 = arith.divf %logistic3A_482, %logistic3A_483 : vector<1000x128xf32>
    %slice3A_485 = vector.extract_strided_slice %add3A_470 {offsets = [0, 128], sizes = [1000, 128], strides = [1, 1]} : vector<1000x384xf32> to vector<1000x128xf32>
    %slice3A_486 = vector.extract_strided_slice %add3A_475 {offsets = [0, 128], sizes = [1000, 128], strides = [1, 1]} : vector<1000x384xf32> to vector<1000x128xf32>
    %add3A_487 = arith.addf %slice3A_485, %slice3A_486 : vector<1000x128xf32>
    %logistic3A_488 = arith.negf %add3A_487 : vector<1000x128xf32>
    %logistic3A_489 = math.exp %logistic3A_488 : vector<1000x128xf32>
    %logistic3A_490 = arith.constant 1.000000e+00 : f32
    %logistic3A_491 = vector.broadcast %logistic3A_490 : f32 to vector<1000x128xf32>
    %logistic3A_492 = arith.addf %logistic3A_491, %logistic3A_489 : vector<1000x128xf32>
    %logistic3A_493 = arith.divf %logistic3A_491, %logistic3A_492 : vector<1000x128xf32>
    %slice3A_494 = vector.extract_strided_slice %add3A_470 {offsets = [0, 256], sizes = [1000, 128], strides = [1, 1]} : vector<1000x384xf32> to vector<1000x128xf32>
    %slice3A_495 = vector.extract_strided_slice %add3A_475 {offsets = [0, 256], sizes = [1000, 128], strides = [1, 1]} : vector<1000x384xf32> to vector<1000x128xf32>
    %mul3A_496 = arith.mulf %logistic3A_484, %slice3A_495 : vector<1000x128xf32>
    %add3A_497 = arith.addf %slice3A_494, %mul3A_496 : vector<1000x128xf32>
    %tanh3A_498 = math.tanh %add3A_497 : vector<1000x128xf32>
    %sub3A_499 = arith.constant 1.000000e+00 : f32
    %sub3A_500 = vector.broadcast %sub3A_499 : f32 to vector<1000x128xf32>
    %sub3A_501 = arith.subf %sub3A_500, %logistic3A_493 : vector<1000x128xf32>
    %mul3A_502 = arith.mulf %sub3A_501, %tanh3A_498 : vector<1000x128xf32>
    %mul3A_503 = arith.mulf %logistic3A_493, %add3A_385 : vector<1000x128xf32>
    %add3A_504 = arith.addf %mul3A_502, %mul3A_503 : vector<1000x128xf32>
    %get3A_505 = arith.constant 0 : index
    %get3A_506 = arith.constant 4 : index
    %get3A_507 = arith.constant 0 : index
    %get3A_508 = arith.constant 0 : index
    %get3A_509 = vector.load %arg2[%get3A_505, %get3A_506, %get3A_507, %get3A_508] : memref<1x8x1000x128xf32, #tpu.memory_space<vmem>>, vector<1x1x1000x128xf32>
    %get3A_510 = vector.shape_cast %get3A_509 : vector<1x1x1000x128xf32> to vector<1000x128xf32>
    %mul3A_511 = vector.broadcast %get3A_1 : vector<1000x1xf32> to vector<1000x128xf32>
    %mul3A_512 = arith.mulf %get3A_510, %mul3A_511 : vector<1000x128xf32>
    %convert_element_type3A_513 = arith.truncf %mul3A_512 : vector<1000x128xf32> to vector<1000x128xbf16>
    %dot_general3A_514 = arith.constant dense<0.000000e+00> : vector<1000x128xf32>
    %dot_general3A_515 = tpu.matmul %convert_element_type3A_513, %get3A_4, %dot_general3A_514 {dimension_numbers = #tpu.dot_dimension_numbers<[1], [0], [0], [1], [0, 0, 1, 1], [], []>, transpose_lhs_hint = false} : vector<1000x128xbf16>, vector<128x128xbf16>, vector<1000x128xf32> -> vector<1000x128xf32>
    %add3A_516 = vector.broadcast %get3A_7 : vector<1x128xf32> to vector<1000x128xf32>
    %add3A_517 = arith.addf %dot_general3A_515, %add3A_516 : vector<1000x128xf32>
    %reduce_sum3A_518 = arith.constant dense<0.000000e+00> : vector<1000xf32>
    %reduce_sum3A_519 = vector.multi_reduction <add>, %add3A_517, %reduce_sum3A_518 [1] : vector<1000x128xf32> to vector<1000xf32>
    %broadcast_in_dim3A_520 = vector.shape_cast %reduce_sum3A_519 : vector<1000xf32> to vector<1000x1xf32>
    %div3A_521 = arith.constant 1.280000e+02 : f32
    %div3A_522 = vector.broadcast %div3A_521 : f32 to vector<1000x1xf32>
    %div3A_523 = arith.divf %broadcast_in_dim3A_520, %div3A_522 : vector<1000x1xf32>
    %sub3A_524 = vector.broadcast %div3A_523 : vector<1000x1xf32> to vector<1000x128xf32>
    %sub3A_525 = arith.subf %add3A_517, %sub3A_524 : vector<1000x128xf32>
    %mul3A_526 = arith.mulf %sub3A_525, %sub3A_525 : vector<1000x128xf32>
    %reduce_sum3A_527 = arith.constant dense<0.000000e+00> : vector<1000xf32>
    %reduce_sum3A_528 = vector.multi_reduction <add>, %mul3A_526, %reduce_sum3A_527 [1] : vector<1000x128xf32> to vector<1000xf32>
    %broadcast_in_dim3A_529 = vector.shape_cast %reduce_sum3A_528 : vector<1000xf32> to vector<1000x1xf32>
    %div3A_530 = arith.constant 1.280000e+02 : f32
    %div3A_531 = vector.broadcast %div3A_530 : f32 to vector<1000x1xf32>
    %div3A_532 = arith.divf %broadcast_in_dim3A_529, %div3A_531 : vector<1000x1xf32>
    %add3A_533 = arith.constant 9.99999974E-6 : f32
    %add3A_534 = vector.broadcast %add3A_533 : f32 to vector<1000x1xf32>
    %add3A_535 = arith.addf %div3A_532, %add3A_534 : vector<1000x1xf32>
    %rsqrt3A_536 = math.rsqrt %add3A_535 : vector<1000x1xf32>
    %mul3A_537 = vector.broadcast %rsqrt3A_536 : vector<1000x1xf32> to vector<1000x128xf32>
    %mul3A_538 = arith.mulf %sub3A_525, %mul3A_537 : vector<1000x128xf32>
    %mul3A_539 = vector.broadcast %get3A_10 : vector<1x128xf32> to vector<1000x128xf32>
    %mul3A_540 = arith.mulf %mul3A_538, %mul3A_539 : vector<1000x128xf32>
    %add3A_541 = vector.broadcast %get3A_13 : vector<1x128xf32> to vector<1000x128xf32>
    %add3A_542 = arith.addf %mul3A_540, %add3A_541 : vector<1000x128xf32>
    %max3A_543 = arith.constant 0.000000e+00 : f32
    %max3A_544 = vector.broadcast %max3A_543 : f32 to vector<1000x128xf32>
    %max3A_545 = arith.maximumf %add3A_542, %max3A_544 : vector<1000x128xf32>
    %convert_element_type3A_546 = arith.truncf %max3A_545 : vector<1000x128xf32> to vector<1000x128xbf16>
    %dot_general3A_547 = arith.constant dense<0.000000e+00> : vector<1000x384xf32>
    %dot_general3A_548 = tpu.matmul %convert_element_type3A_546, %get3A_16, %dot_general3A_547 {dimension_numbers = #tpu.dot_dimension_numbers<[1], [0], [0], [1], [0, 0, 1, 1], [], []>, transpose_lhs_hint = false} : vector<1000x128xbf16>, vector<128x384xbf16>, vector<1000x384xf32> -> vector<1000x384xf32>
    %add3A_549 = vector.broadcast %get3A_28 : vector<1x384xf32> to vector<1000x384xf32>
    %add3A_550 = arith.addf %dot_general3A_548, %add3A_549 : vector<1000x384xf32>
    %convert_element_type3A_551 = arith.truncf %add3A_465 : vector<1000x128xf32> to vector<1000x128xbf16>
    %dot_general3A_552 = arith.constant dense<0.000000e+00> : vector<1000x384xf32>
    %dot_general3A_553 = tpu.matmul %convert_element_type3A_551, %get3A_19, %dot_general3A_552 {dimension_numbers = #tpu.dot_dimension_numbers<[1], [0], [0], [1], [0, 0, 1, 1], [], []>, transpose_lhs_hint = false} : vector<1000x128xbf16>, vector<128x384xbf16>, vector<1000x384xf32> -> vector<1000x384xf32>
    %add3A_554 = vector.broadcast %get3A_31 : vector<1x384xf32> to vector<1000x384xf32>
    %add3A_555 = arith.addf %dot_general3A_553, %add3A_554 : vector<1000x384xf32>
    %slice3A_556 = vector.extract_strided_slice %add3A_550 {offsets = [0, 0], sizes = [1000, 128], strides = [1, 1]} : vector<1000x384xf32> to vector<1000x128xf32>
    %slice3A_557 = vector.extract_strided_slice %add3A_555 {offsets = [0, 0], sizes = [1000, 128], strides = [1, 1]} : vector<1000x384xf32> to vector<1000x128xf32>
    %add3A_558 = arith.addf %slice3A_556, %slice3A_557 : vector<1000x128xf32>
    %logistic3A_559 = arith.negf %add3A_558 : vector<1000x128xf32>
    %logistic3A_560 = math.exp %logistic3A_559 : vector<1000x128xf32>
    %logistic3A_561 = arith.constant 1.000000e+00 : f32
    %logistic3A_562 = vector.broadcast %logistic3A_561 : f32 to vector<1000x128xf32>
    %logistic3A_563 = arith.addf %logistic3A_562, %logistic3A_560 : vector<1000x128xf32>
    %logistic3A_564 = arith.divf %logistic3A_562, %logistic3A_563 : vector<1000x128xf32>
    %slice3A_565 = vector.extract_strided_slice %add3A_550 {offsets = [0, 128], sizes = [1000, 128], strides = [1, 1]} : vector<1000x384xf32> to vector<1000x128xf32>
    %slice3A_566 = vector.extract_strided_slice %add3A_555 {offsets = [0, 128], sizes = [1000, 128], strides = [1, 1]} : vector<1000x384xf32> to vector<1000x128xf32>
    %add3A_567 = arith.addf %slice3A_565, %slice3A_566 : vector<1000x128xf32>
    %logistic3A_568 = arith.negf %add3A_567 : vector<1000x128xf32>
    %logistic3A_569 = math.exp %logistic3A_568 : vector<1000x128xf32>
    %logistic3A_570 = arith.constant 1.000000e+00 : f32
    %logistic3A_571 = vector.broadcast %logistic3A_570 : f32 to vector<1000x128xf32>
    %logistic3A_572 = arith.addf %logistic3A_571, %logistic3A_569 : vector<1000x128xf32>
    %logistic3A_573 = arith.divf %logistic3A_571, %logistic3A_572 : vector<1000x128xf32>
    %slice3A_574 = vector.extract_strided_slice %add3A_550 {offsets = [0, 256], sizes = [1000, 128], strides = [1, 1]} : vector<1000x384xf32> to vector<1000x128xf32>
    %slice3A_575 = vector.extract_strided_slice %add3A_555 {offsets = [0, 256], sizes = [1000, 128], strides = [1, 1]} : vector<1000x384xf32> to vector<1000x128xf32>
    %mul3A_576 = arith.mulf %logistic3A_564, %slice3A_575 : vector<1000x128xf32>
    %add3A_577 = arith.addf %slice3A_574, %mul3A_576 : vector<1000x128xf32>
    %tanh3A_578 = math.tanh %add3A_577 : vector<1000x128xf32>
    %sub3A_579 = arith.constant 1.000000e+00 : f32
    %sub3A_580 = vector.broadcast %sub3A_579 : f32 to vector<1000x128xf32>
    %sub3A_581 = arith.subf %sub3A_580, %logistic3A_573 : vector<1000x128xf32>
    %mul3A_582 = arith.mulf %sub3A_581, %tanh3A_578 : vector<1000x128xf32>
    %mul3A_583 = arith.mulf %logistic3A_573, %add3A_465 : vector<1000x128xf32>
    %add3A_584 = arith.addf %mul3A_582, %mul3A_583 : vector<1000x128xf32>
    %convert_element_type3A_585 = arith.truncf %add3A_584 : vector<1000x128xf32> to vector<1000x128xbf16>
    %dot_general3A_586 = arith.constant dense<0.000000e+00> : vector<1000x384xf32>
    %dot_general3A_587 = tpu.matmul %convert_element_type3A_585, %get3A_22, %dot_general3A_586 {dimension_numbers = #tpu.dot_dimension_numbers<[1], [0], [0], [1], [0, 0, 1, 1], [], []>, transpose_lhs_hint = false} : vector<1000x128xbf16>, vector<128x384xbf16>, vector<1000x384xf32> -> vector<1000x384xf32>
    %add3A_588 = vector.broadcast %get3A_34 : vector<1x384xf32> to vector<1000x384xf32>
    %add3A_589 = arith.addf %dot_general3A_587, %add3A_588 : vector<1000x384xf32>
    %convert_element_type3A_590 = arith.truncf %add3A_504 : vector<1000x128xf32> to vector<1000x128xbf16>
    %dot_general3A_591 = arith.constant dense<0.000000e+00> : vector<1000x384xf32>
    %dot_general3A_592 = tpu.matmul %convert_element_type3A_590, %get3A_25, %dot_general3A_591 {dimension_numbers = #tpu.dot_dimension_numbers<[1], [0], [0], [1], [0, 0, 1, 1], [], []>, transpose_lhs_hint = false} : vector<1000x128xbf16>, vector<128x384xbf16>, vector<1000x384xf32> -> vector<1000x384xf32>
    %add3A_593 = vector.broadcast %get3A_37 : vector<1x384xf32> to vector<1000x384xf32>
    %add3A_594 = arith.addf %dot_general3A_592, %add3A_593 : vector<1000x384xf32>
    %slice3A_595 = vector.extract_strided_slice %add3A_589 {offsets = [0, 0], sizes = [1000, 128], strides = [1, 1]} : vector<1000x384xf32> to vector<1000x128xf32>
    %slice3A_596 = vector.extract_strided_slice %add3A_594 {offsets = [0, 0], sizes = [1000, 128], strides = [1, 1]} : vector<1000x384xf32> to vector<1000x128xf32>
    %add3A_597 = arith.addf %slice3A_595, %slice3A_596 : vector<1000x128xf32>
    %logistic3A_598 = arith.negf %add3A_597 : vector<1000x128xf32>
    %logistic3A_599 = math.exp %logistic3A_598 : vector<1000x128xf32>
    %logistic3A_600 = arith.constant 1.000000e+00 : f32
    %logistic3A_601 = vector.broadcast %logistic3A_600 : f32 to vector<1000x128xf32>
    %logistic3A_602 = arith.addf %logistic3A_601, %logistic3A_599 : vector<1000x128xf32>
    %logistic3A_603 = arith.divf %logistic3A_601, %logistic3A_602 : vector<1000x128xf32>
    %slice3A_604 = vector.extract_strided_slice %add3A_589 {offsets = [0, 128], sizes = [1000, 128], strides = [1, 1]} : vector<1000x384xf32> to vector<1000x128xf32>
    %slice3A_605 = vector.extract_strided_slice %add3A_594 {offsets = [0, 128], sizes = [1000, 128], strides = [1, 1]} : vector<1000x384xf32> to vector<1000x128xf32>
    %add3A_606 = arith.addf %slice3A_604, %slice3A_605 : vector<1000x128xf32>
    %logistic3A_607 = arith.negf %add3A_606 : vector<1000x128xf32>
    %logistic3A_608 = math.exp %logistic3A_607 : vector<1000x128xf32>
    %logistic3A_609 = arith.constant 1.000000e+00 : f32
    %logistic3A_610 = vector.broadcast %logistic3A_609 : f32 to vector<1000x128xf32>
    %logistic3A_611 = arith.addf %logistic3A_610, %logistic3A_608 : vector<1000x128xf32>
    %logistic3A_612 = arith.divf %logistic3A_610, %logistic3A_611 : vector<1000x128xf32>
    %slice3A_613 = vector.extract_strided_slice %add3A_589 {offsets = [0, 256], sizes = [1000, 128], strides = [1, 1]} : vector<1000x384xf32> to vector<1000x128xf32>
    %slice3A_614 = vector.extract_strided_slice %add3A_594 {offsets = [0, 256], sizes = [1000, 128], strides = [1, 1]} : vector<1000x384xf32> to vector<1000x128xf32>
    %mul3A_615 = arith.mulf %logistic3A_603, %slice3A_614 : vector<1000x128xf32>
    %add3A_616 = arith.addf %slice3A_613, %mul3A_615 : vector<1000x128xf32>
    %tanh3A_617 = math.tanh %add3A_616 : vector<1000x128xf32>
    %sub3A_618 = arith.constant 1.000000e+00 : f32
    %sub3A_619 = vector.broadcast %sub3A_618 : f32 to vector<1000x128xf32>
    %sub3A_620 = arith.subf %sub3A_619, %logistic3A_612 : vector<1000x128xf32>
    %mul3A_621 = arith.mulf %sub3A_620, %tanh3A_617 : vector<1000x128xf32>
    %mul3A_622 = arith.mulf %logistic3A_612, %add3A_504 : vector<1000x128xf32>
    %add3A_623 = arith.addf %mul3A_621, %mul3A_622 : vector<1000x128xf32>
    %get3A_624 = arith.constant 0 : index
    %get3A_625 = arith.constant 5 : index
    %get3A_626 = arith.constant 0 : index
    %get3A_627 = arith.constant 0 : index
    %get3A_628 = vector.load %arg2[%get3A_624, %get3A_625, %get3A_626, %get3A_627] : memref<1x8x1000x128xf32, #tpu.memory_space<vmem>>, vector<1x1x1000x128xf32>
    %get3A_629 = vector.shape_cast %get3A_628 : vector<1x1x1000x128xf32> to vector<1000x128xf32>
    %mul3A_630 = vector.broadcast %get3A_1 : vector<1000x1xf32> to vector<1000x128xf32>
    %mul3A_631 = arith.mulf %get3A_629, %mul3A_630 : vector<1000x128xf32>
    %convert_element_type3A_632 = arith.truncf %mul3A_631 : vector<1000x128xf32> to vector<1000x128xbf16>
    %dot_general3A_633 = arith.constant dense<0.000000e+00> : vector<1000x128xf32>
    %dot_general3A_634 = tpu.matmul %convert_element_type3A_632, %get3A_4, %dot_general3A_633 {dimension_numbers = #tpu.dot_dimension_numbers<[1], [0], [0], [1], [0, 0, 1, 1], [], []>, transpose_lhs_hint = false} : vector<1000x128xbf16>, vector<128x128xbf16>, vector<1000x128xf32> -> vector<1000x128xf32>
    %add3A_635 = vector.broadcast %get3A_7 : vector<1x128xf32> to vector<1000x128xf32>
    %add3A_636 = arith.addf %dot_general3A_634, %add3A_635 : vector<1000x128xf32>
    %reduce_sum3A_637 = arith.constant dense<0.000000e+00> : vector<1000xf32>
    %reduce_sum3A_638 = vector.multi_reduction <add>, %add3A_636, %reduce_sum3A_637 [1] : vector<1000x128xf32> to vector<1000xf32>
    %broadcast_in_dim3A_639 = vector.shape_cast %reduce_sum3A_638 : vector<1000xf32> to vector<1000x1xf32>
    %div3A_640 = arith.constant 1.280000e+02 : f32
    %div3A_641 = vector.broadcast %div3A_640 : f32 to vector<1000x1xf32>
    %div3A_642 = arith.divf %broadcast_in_dim3A_639, %div3A_641 : vector<1000x1xf32>
    %sub3A_643 = vector.broadcast %div3A_642 : vector<1000x1xf32> to vector<1000x128xf32>
    %sub3A_644 = arith.subf %add3A_636, %sub3A_643 : vector<1000x128xf32>
    %mul3A_645 = arith.mulf %sub3A_644, %sub3A_644 : vector<1000x128xf32>
    %reduce_sum3A_646 = arith.constant dense<0.000000e+00> : vector<1000xf32>
    %reduce_sum3A_647 = vector.multi_reduction <add>, %mul3A_645, %reduce_sum3A_646 [1] : vector<1000x128xf32> to vector<1000xf32>
    %broadcast_in_dim3A_648 = vector.shape_cast %reduce_sum3A_647 : vector<1000xf32> to vector<1000x1xf32>
    %div3A_649 = arith.constant 1.280000e+02 : f32
    %div3A_650 = vector.broadcast %div3A_649 : f32 to vector<1000x1xf32>
    %div3A_651 = arith.divf %broadcast_in_dim3A_648, %div3A_650 : vector<1000x1xf32>
    %add3A_652 = arith.constant 9.99999974E-6 : f32
    %add3A_653 = vector.broadcast %add3A_652 : f32 to vector<1000x1xf32>
    %add3A_654 = arith.addf %div3A_651, %add3A_653 : vector<1000x1xf32>
    %rsqrt3A_655 = math.rsqrt %add3A_654 : vector<1000x1xf32>
    %mul3A_656 = vector.broadcast %rsqrt3A_655 : vector<1000x1xf32> to vector<1000x128xf32>
    %mul3A_657 = arith.mulf %sub3A_644, %mul3A_656 : vector<1000x128xf32>
    %mul3A_658 = vector.broadcast %get3A_10 : vector<1x128xf32> to vector<1000x128xf32>
    %mul3A_659 = arith.mulf %mul3A_657, %mul3A_658 : vector<1000x128xf32>
    %add3A_660 = vector.broadcast %get3A_13 : vector<1x128xf32> to vector<1000x128xf32>
    %add3A_661 = arith.addf %mul3A_659, %add3A_660 : vector<1000x128xf32>
    %max3A_662 = arith.constant 0.000000e+00 : f32
    %max3A_663 = vector.broadcast %max3A_662 : f32 to vector<1000x128xf32>
    %max3A_664 = arith.maximumf %add3A_661, %max3A_663 : vector<1000x128xf32>
    %convert_element_type3A_665 = arith.truncf %max3A_664 : vector<1000x128xf32> to vector<1000x128xbf16>
    %dot_general3A_666 = arith.constant dense<0.000000e+00> : vector<1000x384xf32>
    %dot_general3A_667 = tpu.matmul %convert_element_type3A_665, %get3A_16, %dot_general3A_666 {dimension_numbers = #tpu.dot_dimension_numbers<[1], [0], [0], [1], [0, 0, 1, 1], [], []>, transpose_lhs_hint = false} : vector<1000x128xbf16>, vector<128x384xbf16>, vector<1000x384xf32> -> vector<1000x384xf32>
    %add3A_668 = vector.broadcast %get3A_28 : vector<1x384xf32> to vector<1000x384xf32>
    %add3A_669 = arith.addf %dot_general3A_667, %add3A_668 : vector<1000x384xf32>
    %convert_element_type3A_670 = arith.truncf %add3A_584 : vector<1000x128xf32> to vector<1000x128xbf16>
    %dot_general3A_671 = arith.constant dense<0.000000e+00> : vector<1000x384xf32>
    %dot_general3A_672 = tpu.matmul %convert_element_type3A_670, %get3A_19, %dot_general3A_671 {dimension_numbers = #tpu.dot_dimension_numbers<[1], [0], [0], [1], [0, 0, 1, 1], [], []>, transpose_lhs_hint = false} : vector<1000x128xbf16>, vector<128x384xbf16>, vector<1000x384xf32> -> vector<1000x384xf32>
    %add3A_673 = vector.broadcast %get3A_31 : vector<1x384xf32> to vector<1000x384xf32>
    %add3A_674 = arith.addf %dot_general3A_672, %add3A_673 : vector<1000x384xf32>
    %slice3A_675 = vector.extract_strided_slice %add3A_669 {offsets = [0, 0], sizes = [1000, 128], strides = [1, 1]} : vector<1000x384xf32> to vector<1000x128xf32>
    %slice3A_676 = vector.extract_strided_slice %add3A_674 {offsets = [0, 0], sizes = [1000, 128], strides = [1, 1]} : vector<1000x384xf32> to vector<1000x128xf32>
    %add3A_677 = arith.addf %slice3A_675, %slice3A_676 : vector<1000x128xf32>
    %logistic3A_678 = arith.negf %add3A_677 : vector<1000x128xf32>
    %logistic3A_679 = math.exp %logistic3A_678 : vector<1000x128xf32>
    %logistic3A_680 = arith.constant 1.000000e+00 : f32
    %logistic3A_681 = vector.broadcast %logistic3A_680 : f32 to vector<1000x128xf32>
    %logistic3A_682 = arith.addf %logistic3A_681, %logistic3A_679 : vector<1000x128xf32>
    %logistic3A_683 = arith.divf %logistic3A_681, %logistic3A_682 : vector<1000x128xf32>
    %slice3A_684 = vector.extract_strided_slice %add3A_669 {offsets = [0, 128], sizes = [1000, 128], strides = [1, 1]} : vector<1000x384xf32> to vector<1000x128xf32>
    %slice3A_685 = vector.extract_strided_slice %add3A_674 {offsets = [0, 128], sizes = [1000, 128], strides = [1, 1]} : vector<1000x384xf32> to vector<1000x128xf32>
    %add3A_686 = arith.addf %slice3A_684, %slice3A_685 : vector<1000x128xf32>
    %logistic3A_687 = arith.negf %add3A_686 : vector<1000x128xf32>
    %logistic3A_688 = math.exp %logistic3A_687 : vector<1000x128xf32>
    %logistic3A_689 = arith.constant 1.000000e+00 : f32
    %logistic3A_690 = vector.broadcast %logistic3A_689 : f32 to vector<1000x128xf32>
    %logistic3A_691 = arith.addf %logistic3A_690, %logistic3A_688 : vector<1000x128xf32>
    %logistic3A_692 = arith.divf %logistic3A_690, %logistic3A_691 : vector<1000x128xf32>
    %slice3A_693 = vector.extract_strided_slice %add3A_669 {offsets = [0, 256], sizes = [1000, 128], strides = [1, 1]} : vector<1000x384xf32> to vector<1000x128xf32>
    %slice3A_694 = vector.extract_strided_slice %add3A_674 {offsets = [0, 256], sizes = [1000, 128], strides = [1, 1]} : vector<1000x384xf32> to vector<1000x128xf32>
    %mul3A_695 = arith.mulf %logistic3A_683, %slice3A_694 : vector<1000x128xf32>
    %add3A_696 = arith.addf %slice3A_693, %mul3A_695 : vector<1000x128xf32>
    %tanh3A_697 = math.tanh %add3A_696 : vector<1000x128xf32>
    %sub3A_698 = arith.constant 1.000000e+00 : f32
    %sub3A_699 = vector.broadcast %sub3A_698 : f32 to vector<1000x128xf32>
    %sub3A_700 = arith.subf %sub3A_699, %logistic3A_692 : vector<1000x128xf32>
    %mul3A_701 = arith.mulf %sub3A_700, %tanh3A_697 : vector<1000x128xf32>
    %mul3A_702 = arith.mulf %logistic3A_692, %add3A_584 : vector<1000x128xf32>
    %add3A_703 = arith.addf %mul3A_701, %mul3A_702 : vector<1000x128xf32>
    %convert_element_type3A_704 = arith.truncf %add3A_703 : vector<1000x128xf32> to vector<1000x128xbf16>
    %dot_general3A_705 = arith.constant dense<0.000000e+00> : vector<1000x384xf32>
    %dot_general3A_706 = tpu.matmul %convert_element_type3A_704, %get3A_22, %dot_general3A_705 {dimension_numbers = #tpu.dot_dimension_numbers<[1], [0], [0], [1], [0, 0, 1, 1], [], []>, transpose_lhs_hint = false} : vector<1000x128xbf16>, vector<128x384xbf16>, vector<1000x384xf32> -> vector<1000x384xf32>
    %add3A_707 = vector.broadcast %get3A_34 : vector<1x384xf32> to vector<1000x384xf32>
    %add3A_708 = arith.addf %dot_general3A_706, %add3A_707 : vector<1000x384xf32>
    %convert_element_type3A_709 = arith.truncf %add3A_623 : vector<1000x128xf32> to vector<1000x128xbf16>
    %dot_general3A_710 = arith.constant dense<0.000000e+00> : vector<1000x384xf32>
    %dot_general3A_711 = tpu.matmul %convert_element_type3A_709, %get3A_25, %dot_general3A_710 {dimension_numbers = #tpu.dot_dimension_numbers<[1], [0], [0], [1], [0, 0, 1, 1], [], []>, transpose_lhs_hint = false} : vector<1000x128xbf16>, vector<128x384xbf16>, vector<1000x384xf32> -> vector<1000x384xf32>
    %add3A_712 = vector.broadcast %get3A_37 : vector<1x384xf32> to vector<1000x384xf32>
    %add3A_713 = arith.addf %dot_general3A_711, %add3A_712 : vector<1000x384xf32>
    %slice3A_714 = vector.extract_strided_slice %add3A_708 {offsets = [0, 0], sizes = [1000, 128], strides = [1, 1]} : vector<1000x384xf32> to vector<1000x128xf32>
    %slice3A_715 = vector.extract_strided_slice %add3A_713 {offsets = [0, 0], sizes = [1000, 128], strides = [1, 1]} : vector<1000x384xf32> to vector<1000x128xf32>
    %add3A_716 = arith.addf %slice3A_714, %slice3A_715 : vector<1000x128xf32>
    %logistic3A_717 = arith.negf %add3A_716 : vector<1000x128xf32>
    %logistic3A_718 = math.exp %logistic3A_717 : vector<1000x128xf32>
    %logistic3A_719 = arith.constant 1.000000e+00 : f32
    %logistic3A_720 = vector.broadcast %logistic3A_719 : f32 to vector<1000x128xf32>
    %logistic3A_721 = arith.addf %logistic3A_720, %logistic3A_718 : vector<1000x128xf32>
    %logistic3A_722 = arith.divf %logistic3A_720, %logistic3A_721 : vector<1000x128xf32>
    %slice3A_723 = vector.extract_strided_slice %add3A_708 {offsets = [0, 128], sizes = [1000, 128], strides = [1, 1]} : vector<1000x384xf32> to vector<1000x128xf32>
    %slice3A_724 = vector.extract_strided_slice %add3A_713 {offsets = [0, 128], sizes = [1000, 128], strides = [1, 1]} : vector<1000x384xf32> to vector<1000x128xf32>
    %add3A_725 = arith.addf %slice3A_723, %slice3A_724 : vector<1000x128xf32>
    %logistic3A_726 = arith.negf %add3A_725 : vector<1000x128xf32>
    %logistic3A_727 = math.exp %logistic3A_726 : vector<1000x128xf32>
    %logistic3A_728 = arith.constant 1.000000e+00 : f32
    %logistic3A_729 = vector.broadcast %logistic3A_728 : f32 to vector<1000x128xf32>
    %logistic3A_730 = arith.addf %logistic3A_729, %logistic3A_727 : vector<1000x128xf32>
    %logistic3A_731 = arith.divf %logistic3A_729, %logistic3A_730 : vector<1000x128xf32>
    %slice3A_732 = vector.extract_strided_slice %add3A_708 {offsets = [0, 256], sizes = [1000, 128], strides = [1, 1]} : vector<1000x384xf32> to vector<1000x128xf32>
    %slice3A_733 = vector.extract_strided_slice %add3A_713 {offsets = [0, 256], sizes = [1000, 128], strides = [1, 1]} : vector<1000x384xf32> to vector<1000x128xf32>
    %mul3A_734 = arith.mulf %logistic3A_722, %slice3A_733 : vector<1000x128xf32>
    %add3A_735 = arith.addf %slice3A_732, %mul3A_734 : vector<1000x128xf32>
    %tanh3A_736 = math.tanh %add3A_735 : vector<1000x128xf32>
    %sub3A_737 = arith.constant 1.000000e+00 : f32
    %sub3A_738 = vector.broadcast %sub3A_737 : f32 to vector<1000x128xf32>
    %sub3A_739 = arith.subf %sub3A_738, %logistic3A_731 : vector<1000x128xf32>
    %mul3A_740 = arith.mulf %sub3A_739, %tanh3A_736 : vector<1000x128xf32>
    %mul3A_741 = arith.mulf %logistic3A_731, %add3A_623 : vector<1000x128xf32>
    %add3A_742 = arith.addf %mul3A_740, %mul3A_741 : vector<1000x128xf32>
    %get3A_743 = arith.constant 0 : index
    %get3A_744 = arith.constant 6 : index
    %get3A_745 = arith.constant 0 : index
    %get3A_746 = arith.constant 0 : index
    %get3A_747 = vector.load %arg2[%get3A_743, %get3A_744, %get3A_745, %get3A_746] : memref<1x8x1000x128xf32, #tpu.memory_space<vmem>>, vector<1x1x1000x128xf32>
    %get3A_748 = vector.shape_cast %get3A_747 : vector<1x1x1000x128xf32> to vector<1000x128xf32>
    %mul3A_749 = vector.broadcast %get3A_1 : vector<1000x1xf32> to vector<1000x128xf32>
    %mul3A_750 = arith.mulf %get3A_748, %mul3A_749 : vector<1000x128xf32>
    %convert_element_type3A_751 = arith.truncf %mul3A_750 : vector<1000x128xf32> to vector<1000x128xbf16>
    %dot_general3A_752 = arith.constant dense<0.000000e+00> : vector<1000x128xf32>
    %dot_general3A_753 = tpu.matmul %convert_element_type3A_751, %get3A_4, %dot_general3A_752 {dimension_numbers = #tpu.dot_dimension_numbers<[1], [0], [0], [1], [0, 0, 1, 1], [], []>, transpose_lhs_hint = false} : vector<1000x128xbf16>, vector<128x128xbf16>, vector<1000x128xf32> -> vector<1000x128xf32>
    %add3A_754 = vector.broadcast %get3A_7 : vector<1x128xf32> to vector<1000x128xf32>
    %add3A_755 = arith.addf %dot_general3A_753, %add3A_754 : vector<1000x128xf32>
    %reduce_sum3A_756 = arith.constant dense<0.000000e+00> : vector<1000xf32>
    %reduce_sum3A_757 = vector.multi_reduction <add>, %add3A_755, %reduce_sum3A_756 [1] : vector<1000x128xf32> to vector<1000xf32>
    %broadcast_in_dim3A_758 = vector.shape_cast %reduce_sum3A_757 : vector<1000xf32> to vector<1000x1xf32>
    %div3A_759 = arith.constant 1.280000e+02 : f32
    %div3A_760 = vector.broadcast %div3A_759 : f32 to vector<1000x1xf32>
    %div3A_761 = arith.divf %broadcast_in_dim3A_758, %div3A_760 : vector<1000x1xf32>
    %sub3A_762 = vector.broadcast %div3A_761 : vector<1000x1xf32> to vector<1000x128xf32>
    %sub3A_763 = arith.subf %add3A_755, %sub3A_762 : vector<1000x128xf32>
    %mul3A_764 = arith.mulf %sub3A_763, %sub3A_763 : vector<1000x128xf32>
    %reduce_sum3A_765 = arith.constant dense<0.000000e+00> : vector<1000xf32>
    %reduce_sum3A_766 = vector.multi_reduction <add>, %mul3A_764, %reduce_sum3A_765 [1] : vector<1000x128xf32> to vector<1000xf32>
    %broadcast_in_dim3A_767 = vector.shape_cast %reduce_sum3A_766 : vector<1000xf32> to vector<1000x1xf32>
    %div3A_768 = arith.constant 1.280000e+02 : f32
    %div3A_769 = vector.broadcast %div3A_768 : f32 to vector<1000x1xf32>
    %div3A_770 = arith.divf %broadcast_in_dim3A_767, %div3A_769 : vector<1000x1xf32>
    %add3A_771 = arith.constant 9.99999974E-6 : f32
    %add3A_772 = vector.broadcast %add3A_771 : f32 to vector<1000x1xf32>
    %add3A_773 = arith.addf %div3A_770, %add3A_772 : vector<1000x1xf32>
    %rsqrt3A_774 = math.rsqrt %add3A_773 : vector<1000x1xf32>
    %mul3A_775 = vector.broadcast %rsqrt3A_774 : vector<1000x1xf32> to vector<1000x128xf32>
    %mul3A_776 = arith.mulf %sub3A_763, %mul3A_775 : vector<1000x128xf32>
    %mul3A_777 = vector.broadcast %get3A_10 : vector<1x128xf32> to vector<1000x128xf32>
    %mul3A_778 = arith.mulf %mul3A_776, %mul3A_777 : vector<1000x128xf32>
    %add3A_779 = vector.broadcast %get3A_13 : vector<1x128xf32> to vector<1000x128xf32>
    %add3A_780 = arith.addf %mul3A_778, %add3A_779 : vector<1000x128xf32>
    %max3A_781 = arith.constant 0.000000e+00 : f32
    %max3A_782 = vector.broadcast %max3A_781 : f32 to vector<1000x128xf32>
    %max3A_783 = arith.maximumf %add3A_780, %max3A_782 : vector<1000x128xf32>
    %convert_element_type3A_784 = arith.truncf %max3A_783 : vector<1000x128xf32> to vector<1000x128xbf16>
    %dot_general3A_785 = arith.constant dense<0.000000e+00> : vector<1000x384xf32>
    %dot_general3A_786 = tpu.matmul %convert_element_type3A_784, %get3A_16, %dot_general3A_785 {dimension_numbers = #tpu.dot_dimension_numbers<[1], [0], [0], [1], [0, 0, 1, 1], [], []>, transpose_lhs_hint = false} : vector<1000x128xbf16>, vector<128x384xbf16>, vector<1000x384xf32> -> vector<1000x384xf32>
    %add3A_787 = vector.broadcast %get3A_28 : vector<1x384xf32> to vector<1000x384xf32>
    %add3A_788 = arith.addf %dot_general3A_786, %add3A_787 : vector<1000x384xf32>
    %convert_element_type3A_789 = arith.truncf %add3A_703 : vector<1000x128xf32> to vector<1000x128xbf16>
    %dot_general3A_790 = arith.constant dense<0.000000e+00> : vector<1000x384xf32>
    %dot_general3A_791 = tpu.matmul %convert_element_type3A_789, %get3A_19, %dot_general3A_790 {dimension_numbers = #tpu.dot_dimension_numbers<[1], [0], [0], [1], [0, 0, 1, 1], [], []>, transpose_lhs_hint = false} : vector<1000x128xbf16>, vector<128x384xbf16>, vector<1000x384xf32> -> vector<1000x384xf32>
    %add3A_792 = vector.broadcast %get3A_31 : vector<1x384xf32> to vector<1000x384xf32>
    %add3A_793 = arith.addf %dot_general3A_791, %add3A_792 : vector<1000x384xf32>
    %slice3A_794 = vector.extract_strided_slice %add3A_788 {offsets = [0, 0], sizes = [1000, 128], strides = [1, 1]} : vector<1000x384xf32> to vector<1000x128xf32>
    %slice3A_795 = vector.extract_strided_slice %add3A_793 {offsets = [0, 0], sizes = [1000, 128], strides = [1, 1]} : vector<1000x384xf32> to vector<1000x128xf32>
    %add3A_796 = arith.addf %slice3A_794, %slice3A_795 : vector<1000x128xf32>
    %logistic3A_797 = arith.negf %add3A_796 : vector<1000x128xf32>
    %logistic3A_798 = math.exp %logistic3A_797 : vector<1000x128xf32>
    %logistic3A_799 = arith.constant 1.000000e+00 : f32
    %logistic3A_800 = vector.broadcast %logistic3A_799 : f32 to vector<1000x128xf32>
    %logistic3A_801 = arith.addf %logistic3A_800, %logistic3A_798 : vector<1000x128xf32>
    %logistic3A_802 = arith.divf %logistic3A_800, %logistic3A_801 : vector<1000x128xf32>
    %slice3A_803 = vector.extract_strided_slice %add3A_788 {offsets = [0, 128], sizes = [1000, 128], strides = [1, 1]} : vector<1000x384xf32> to vector<1000x128xf32>
    %slice3A_804 = vector.extract_strided_slice %add3A_793 {offsets = [0, 128], sizes = [1000, 128], strides = [1, 1]} : vector<1000x384xf32> to vector<1000x128xf32>
    %add3A_805 = arith.addf %slice3A_803, %slice3A_804 : vector<1000x128xf32>
    %logistic3A_806 = arith.negf %add3A_805 : vector<1000x128xf32>
    %logistic3A_807 = math.exp %logistic3A_806 : vector<1000x128xf32>
    %logistic3A_808 = arith.constant 1.000000e+00 : f32
    %logistic3A_809 = vector.broadcast %logistic3A_808 : f32 to vector<1000x128xf32>
    %logistic3A_810 = arith.addf %logistic3A_809, %logistic3A_807 : vector<1000x128xf32>
    %logistic3A_811 = arith.divf %logistic3A_809, %logistic3A_810 : vector<1000x128xf32>
    %slice3A_812 = vector.extract_strided_slice %add3A_788 {offsets = [0, 256], sizes = [1000, 128], strides = [1, 1]} : vector<1000x384xf32> to vector<1000x128xf32>
    %slice3A_813 = vector.extract_strided_slice %add3A_793 {offsets = [0, 256], sizes = [1000, 128], strides = [1, 1]} : vector<1000x384xf32> to vector<1000x128xf32>
    %mul3A_814 = arith.mulf %logistic3A_802, %slice3A_813 : vector<1000x128xf32>
    %add3A_815 = arith.addf %slice3A_812, %mul3A_814 : vector<1000x128xf32>
    %tanh3A_816 = math.tanh %add3A_815 : vector<1000x128xf32>
    %sub3A_817 = arith.constant 1.000000e+00 : f32
    %sub3A_818 = vector.broadcast %sub3A_817 : f32 to vector<1000x128xf32>
    %sub3A_819 = arith.subf %sub3A_818, %logistic3A_811 : vector<1000x128xf32>
    %mul3A_820 = arith.mulf %sub3A_819, %tanh3A_816 : vector<1000x128xf32>
    %mul3A_821 = arith.mulf %logistic3A_811, %add3A_703 : vector<1000x128xf32>
    %add3A_822 = arith.addf %mul3A_820, %mul3A_821 : vector<1000x128xf32>
    %convert_element_type3A_823 = arith.truncf %add3A_822 : vector<1000x128xf32> to vector<1000x128xbf16>
    %dot_general3A_824 = arith.constant dense<0.000000e+00> : vector<1000x384xf32>
    %dot_general3A_825 = tpu.matmul %convert_element_type3A_823, %get3A_22, %dot_general3A_824 {dimension_numbers = #tpu.dot_dimension_numbers<[1], [0], [0], [1], [0, 0, 1, 1], [], []>, transpose_lhs_hint = false} : vector<1000x128xbf16>, vector<128x384xbf16>, vector<1000x384xf32> -> vector<1000x384xf32>
    %add3A_826 = vector.broadcast %get3A_34 : vector<1x384xf32> to vector<1000x384xf32>
    %add3A_827 = arith.addf %dot_general3A_825, %add3A_826 : vector<1000x384xf32>
    %convert_element_type3A_828 = arith.truncf %add3A_742 : vector<1000x128xf32> to vector<1000x128xbf16>
    %dot_general3A_829 = arith.constant dense<0.000000e+00> : vector<1000x384xf32>
    %dot_general3A_830 = tpu.matmul %convert_element_type3A_828, %get3A_25, %dot_general3A_829 {dimension_numbers = #tpu.dot_dimension_numbers<[1], [0], [0], [1], [0, 0, 1, 1], [], []>, transpose_lhs_hint = false} : vector<1000x128xbf16>, vector<128x384xbf16>, vector<1000x384xf32> -> vector<1000x384xf32>
    %add3A_831 = vector.broadcast %get3A_37 : vector<1x384xf32> to vector<1000x384xf32>
    %add3A_832 = arith.addf %dot_general3A_830, %add3A_831 : vector<1000x384xf32>
    %slice3A_833 = vector.extract_strided_slice %add3A_827 {offsets = [0, 0], sizes = [1000, 128], strides = [1, 1]} : vector<1000x384xf32> to vector<1000x128xf32>
    %slice3A_834 = vector.extract_strided_slice %add3A_832 {offsets = [0, 0], sizes = [1000, 128], strides = [1, 1]} : vector<1000x384xf32> to vector<1000x128xf32>
    %add3A_835 = arith.addf %slice3A_833, %slice3A_834 : vector<1000x128xf32>
    %logistic3A_836 = arith.negf %add3A_835 : vector<1000x128xf32>
    %logistic3A_837 = math.exp %logistic3A_836 : vector<1000x128xf32>
    %logistic3A_838 = arith.constant 1.000000e+00 : f32
    %logistic3A_839 = vector.broadcast %logistic3A_838 : f32 to vector<1000x128xf32>
    %logistic3A_840 = arith.addf %logistic3A_839, %logistic3A_837 : vector<1000x128xf32>
    %logistic3A_841 = arith.divf %logistic3A_839, %logistic3A_840 : vector<1000x128xf32>
    %slice3A_842 = vector.extract_strided_slice %add3A_827 {offsets = [0, 128], sizes = [1000, 128], strides = [1, 1]} : vector<1000x384xf32> to vector<1000x128xf32>
    %slice3A_843 = vector.extract_strided_slice %add3A_832 {offsets = [0, 128], sizes = [1000, 128], strides = [1, 1]} : vector<1000x384xf32> to vector<1000x128xf32>
    %add3A_844 = arith.addf %slice3A_842, %slice3A_843 : vector<1000x128xf32>
    %logistic3A_845 = arith.negf %add3A_844 : vector<1000x128xf32>
    %logistic3A_846 = math.exp %logistic3A_845 : vector<1000x128xf32>
    %logistic3A_847 = arith.constant 1.000000e+00 : f32
    %logistic3A_848 = vector.broadcast %logistic3A_847 : f32 to vector<1000x128xf32>
    %logistic3A_849 = arith.addf %logistic3A_848, %logistic3A_846 : vector<1000x128xf32>
    %logistic3A_850 = arith.divf %logistic3A_848, %logistic3A_849 : vector<1000x128xf32>
    %slice3A_851 = vector.extract_strided_slice %add3A_827 {offsets = [0, 256], sizes = [1000, 128], strides = [1, 1]} : vector<1000x384xf32> to vector<1000x128xf32>
    %slice3A_852 = vector.extract_strided_slice %add3A_832 {offsets = [0, 256], sizes = [1000, 128], strides = [1, 1]} : vector<1000x384xf32> to vector<1000x128xf32>
    %mul3A_853 = arith.mulf %logistic3A_841, %slice3A_852 : vector<1000x128xf32>
    %add3A_854 = arith.addf %slice3A_851, %mul3A_853 : vector<1000x128xf32>
    %tanh3A_855 = math.tanh %add3A_854 : vector<1000x128xf32>
    %sub3A_856 = arith.constant 1.000000e+00 : f32
    %sub3A_857 = vector.broadcast %sub3A_856 : f32 to vector<1000x128xf32>
    %sub3A_858 = arith.subf %sub3A_857, %logistic3A_850 : vector<1000x128xf32>
    %mul3A_859 = arith.mulf %sub3A_858, %tanh3A_855 : vector<1000x128xf32>
    %mul3A_860 = arith.mulf %logistic3A_850, %add3A_742 : vector<1000x128xf32>
    %add3A_861 = arith.addf %mul3A_859, %mul3A_860 : vector<1000x128xf32>
    %get3A_862 = arith.constant 0 : index
    %get3A_863 = arith.constant 7 : index
    %get3A_864 = arith.constant 0 : index
    %get3A_865 = arith.constant 0 : index
    %get3A_866 = vector.load %arg2[%get3A_862, %get3A_863, %get3A_864, %get3A_865] : memref<1x8x1000x128xf32, #tpu.memory_space<vmem>>, vector<1x1x1000x128xf32>
    %get3A_867 = vector.shape_cast %get3A_866 : vector<1x1x1000x128xf32> to vector<1000x128xf32>
    %mul3A_868 = vector.broadcast %get3A_1 : vector<1000x1xf32> to vector<1000x128xf32>
    %mul3A_869 = arith.mulf %get3A_867, %mul3A_868 : vector<1000x128xf32>
    %convert_element_type3A_870 = arith.truncf %mul3A_869 : vector<1000x128xf32> to vector<1000x128xbf16>
    %dot_general3A_871 = arith.constant dense<0.000000e+00> : vector<1000x128xf32>
    %dot_general3A_872 = tpu.matmul %convert_element_type3A_870, %get3A_4, %dot_general3A_871 {dimension_numbers = #tpu.dot_dimension_numbers<[1], [0], [0], [1], [0, 0, 1, 1], [], []>, transpose_lhs_hint = false} : vector<1000x128xbf16>, vector<128x128xbf16>, vector<1000x128xf32> -> vector<1000x128xf32>
    %add3A_873 = vector.broadcast %get3A_7 : vector<1x128xf32> to vector<1000x128xf32>
    %add3A_874 = arith.addf %dot_general3A_872, %add3A_873 : vector<1000x128xf32>
    %reduce_sum3A_875 = arith.constant dense<0.000000e+00> : vector<1000xf32>
    %reduce_sum3A_876 = vector.multi_reduction <add>, %add3A_874, %reduce_sum3A_875 [1] : vector<1000x128xf32> to vector<1000xf32>
    %broadcast_in_dim3A_877 = vector.shape_cast %reduce_sum3A_876 : vector<1000xf32> to vector<1000x1xf32>
    %div3A_878 = arith.constant 1.280000e+02 : f32
    %div3A_879 = vector.broadcast %div3A_878 : f32 to vector<1000x1xf32>
    %div3A_880 = arith.divf %broadcast_in_dim3A_877, %div3A_879 : vector<1000x1xf32>
    %sub3A_881 = vector.broadcast %div3A_880 : vector<1000x1xf32> to vector<1000x128xf32>
    %sub3A_882 = arith.subf %add3A_874, %sub3A_881 : vector<1000x128xf32>
    %mul3A_883 = arith.mulf %sub3A_882, %sub3A_882 : vector<1000x128xf32>
    %reduce_sum3A_884 = arith.constant dense<0.000000e+00> : vector<1000xf32>
    %reduce_sum3A_885 = vector.multi_reduction <add>, %mul3A_883, %reduce_sum3A_884 [1] : vector<1000x128xf32> to vector<1000xf32>
    %broadcast_in_dim3A_886 = vector.shape_cast %reduce_sum3A_885 : vector<1000xf32> to vector<1000x1xf32>
    %div3A_887 = arith.constant 1.280000e+02 : f32
    %div3A_888 = vector.broadcast %div3A_887 : f32 to vector<1000x1xf32>
    %div3A_889 = arith.divf %broadcast_in_dim3A_886, %div3A_888 : vector<1000x1xf32>
    %add3A_890 = arith.constant 9.99999974E-6 : f32
    %add3A_891 = vector.broadcast %add3A_890 : f32 to vector<1000x1xf32>
    %add3A_892 = arith.addf %div3A_889, %add3A_891 : vector<1000x1xf32>
    %rsqrt3A_893 = math.rsqrt %add3A_892 : vector<1000x1xf32>
    %mul3A_894 = vector.broadcast %rsqrt3A_893 : vector<1000x1xf32> to vector<1000x128xf32>
    %mul3A_895 = arith.mulf %sub3A_882, %mul3A_894 : vector<1000x128xf32>
    %mul3A_896 = vector.broadcast %get3A_10 : vector<1x128xf32> to vector<1000x128xf32>
    %mul3A_897 = arith.mulf %mul3A_895, %mul3A_896 : vector<1000x128xf32>
    %add3A_898 = vector.broadcast %get3A_13 : vector<1x128xf32> to vector<1000x128xf32>
    %add3A_899 = arith.addf %mul3A_897, %add3A_898 : vector<1000x128xf32>
    %max3A_900 = arith.constant 0.000000e+00 : f32
    %max3A_901 = vector.broadcast %max3A_900 : f32 to vector<1000x128xf32>
    %max3A_902 = arith.maximumf %add3A_899, %max3A_901 : vector<1000x128xf32>
    %convert_element_type3A_903 = arith.truncf %max3A_902 : vector<1000x128xf32> to vector<1000x128xbf16>
    %dot_general3A_904 = arith.constant dense<0.000000e+00> : vector<1000x384xf32>
    %dot_general3A_905 = tpu.matmul %convert_element_type3A_903, %get3A_16, %dot_general3A_904 {dimension_numbers = #tpu.dot_dimension_numbers<[1], [0], [0], [1], [0, 0, 1, 1], [], []>, transpose_lhs_hint = false} : vector<1000x128xbf16>, vector<128x384xbf16>, vector<1000x384xf32> -> vector<1000x384xf32>
    %add3A_906 = vector.broadcast %get3A_28 : vector<1x384xf32> to vector<1000x384xf32>
    %add3A_907 = arith.addf %dot_general3A_905, %add3A_906 : vector<1000x384xf32>
    %convert_element_type3A_908 = arith.truncf %add3A_822 : vector<1000x128xf32> to vector<1000x128xbf16>
    %dot_general3A_909 = arith.constant dense<0.000000e+00> : vector<1000x384xf32>
    %dot_general3A_910 = tpu.matmul %convert_element_type3A_908, %get3A_19, %dot_general3A_909 {dimension_numbers = #tpu.dot_dimension_numbers<[1], [0], [0], [1], [0, 0, 1, 1], [], []>, transpose_lhs_hint = false} : vector<1000x128xbf16>, vector<128x384xbf16>, vector<1000x384xf32> -> vector<1000x384xf32>
    %add3A_911 = vector.broadcast %get3A_31 : vector<1x384xf32> to vector<1000x384xf32>
    %add3A_912 = arith.addf %dot_general3A_910, %add3A_911 : vector<1000x384xf32>
    %slice3A_913 = vector.extract_strided_slice %add3A_907 {offsets = [0, 0], sizes = [1000, 128], strides = [1, 1]} : vector<1000x384xf32> to vector<1000x128xf32>
    %slice3A_914 = vector.extract_strided_slice %add3A_912 {offsets = [0, 0], sizes = [1000, 128], strides = [1, 1]} : vector<1000x384xf32> to vector<1000x128xf32>
    %add3A_915 = arith.addf %slice3A_913, %slice3A_914 : vector<1000x128xf32>
    %logistic3A_916 = arith.negf %add3A_915 : vector<1000x128xf32>
    %logistic3A_917 = math.exp %logistic3A_916 : vector<1000x128xf32>
    %logistic3A_918 = arith.constant 1.000000e+00 : f32
    %logistic3A_919 = vector.broadcast %logistic3A_918 : f32 to vector<1000x128xf32>
    %logistic3A_920 = arith.addf %logistic3A_919, %logistic3A_917 : vector<1000x128xf32>
    %logistic3A_921 = arith.divf %logistic3A_919, %logistic3A_920 : vector<1000x128xf32>
    %slice3A_922 = vector.extract_strided_slice %add3A_907 {offsets = [0, 128], sizes = [1000, 128], strides = [1, 1]} : vector<1000x384xf32> to vector<1000x128xf32>
    %slice3A_923 = vector.extract_strided_slice %add3A_912 {offsets = [0, 128], sizes = [1000, 128], strides = [1, 1]} : vector<1000x384xf32> to vector<1000x128xf32>
    %add3A_924 = arith.addf %slice3A_922, %slice3A_923 : vector<1000x128xf32>
    %logistic3A_925 = arith.negf %add3A_924 : vector<1000x128xf32>
    %logistic3A_926 = math.exp %logistic3A_925 : vector<1000x128xf32>
    %logistic3A_927 = arith.constant 1.000000e+00 : f32
    %logistic3A_928 = vector.broadcast %logistic3A_927 : f32 to vector<1000x128xf32>
    %logistic3A_929 = arith.addf %logistic3A_928, %logistic3A_926 : vector<1000x128xf32>
    %logistic3A_930 = arith.divf %logistic3A_928, %logistic3A_929 : vector<1000x128xf32>
    %slice3A_931 = vector.extract_strided_slice %add3A_907 {offsets = [0, 256], sizes = [1000, 128], strides = [1, 1]} : vector<1000x384xf32> to vector<1000x128xf32>
    %slice3A_932 = vector.extract_strided_slice %add3A_912 {offsets = [0, 256], sizes = [1000, 128], strides = [1, 1]} : vector<1000x384xf32> to vector<1000x128xf32>
    %mul3A_933 = arith.mulf %logistic3A_921, %slice3A_932 : vector<1000x128xf32>
    %add3A_934 = arith.addf %slice3A_931, %mul3A_933 : vector<1000x128xf32>
    %tanh3A_935 = math.tanh %add3A_934 : vector<1000x128xf32>
    %sub3A_936 = arith.constant 1.000000e+00 : f32
    %sub3A_937 = vector.broadcast %sub3A_936 : f32 to vector<1000x128xf32>
    %sub3A_938 = arith.subf %sub3A_937, %logistic3A_930 : vector<1000x128xf32>
    %mul3A_939 = arith.mulf %sub3A_938, %tanh3A_935 : vector<1000x128xf32>
    %mul3A_940 = arith.mulf %logistic3A_930, %add3A_822 : vector<1000x128xf32>
    %add3A_941 = arith.addf %mul3A_939, %mul3A_940 : vector<1000x128xf32>
    %convert_element_type3A_942 = arith.truncf %add3A_941 : vector<1000x128xf32> to vector<1000x128xbf16>
    %dot_general3A_943 = arith.constant dense<0.000000e+00> : vector<1000x384xf32>
    %dot_general3A_944 = tpu.matmul %convert_element_type3A_942, %get3A_22, %dot_general3A_943 {dimension_numbers = #tpu.dot_dimension_numbers<[1], [0], [0], [1], [0, 0, 1, 1], [], []>, transpose_lhs_hint = false} : vector<1000x128xbf16>, vector<128x384xbf16>, vector<1000x384xf32> -> vector<1000x384xf32>
    %add3A_945 = vector.broadcast %get3A_34 : vector<1x384xf32> to vector<1000x384xf32>
    %add3A_946 = arith.addf %dot_general3A_944, %add3A_945 : vector<1000x384xf32>
    %convert_element_type3A_947 = arith.truncf %add3A_861 : vector<1000x128xf32> to vector<1000x128xbf16>
    %dot_general3A_948 = arith.constant dense<0.000000e+00> : vector<1000x384xf32>
    %dot_general3A_949 = tpu.matmul %convert_element_type3A_947, %get3A_25, %dot_general3A_948 {dimension_numbers = #tpu.dot_dimension_numbers<[1], [0], [0], [1], [0, 0, 1, 1], [], []>, transpose_lhs_hint = false} : vector<1000x128xbf16>, vector<128x384xbf16>, vector<1000x384xf32> -> vector<1000x384xf32>
    %add3A_950 = vector.broadcast %get3A_37 : vector<1x384xf32> to vector<1000x384xf32>
    %add3A_951 = arith.addf %dot_general3A_949, %add3A_950 : vector<1000x384xf32>
    %slice3A_952 = vector.extract_strided_slice %add3A_946 {offsets = [0, 0], sizes = [1000, 128], strides = [1, 1]} : vector<1000x384xf32> to vector<1000x128xf32>
    %slice3A_953 = vector.extract_strided_slice %add3A_951 {offsets = [0, 0], sizes = [1000, 128], strides = [1, 1]} : vector<1000x384xf32> to vector<1000x128xf32>
    %add3A_954 = arith.addf %slice3A_952, %slice3A_953 : vector<1000x128xf32>
    %logistic3A_955 = arith.negf %add3A_954 : vector<1000x128xf32>
    %logistic3A_956 = math.exp %logistic3A_955 : vector<1000x128xf32>
    %logistic3A_957 = arith.constant 1.000000e+00 : f32
    %logistic3A_958 = vector.broadcast %logistic3A_957 : f32 to vector<1000x128xf32>
    %logistic3A_959 = arith.addf %logistic3A_958, %logistic3A_956 : vector<1000x128xf32>
    %logistic3A_960 = arith.divf %logistic3A_958, %logistic3A_959 : vector<1000x128xf32>
    %slice3A_961 = vector.extract_strided_slice %add3A_946 {offsets = [0, 128], sizes = [1000, 128], strides = [1, 1]} : vector<1000x384xf32> to vector<1000x128xf32>
    %slice3A_962 = vector.extract_strided_slice %add3A_951 {offsets = [0, 128], sizes = [1000, 128], strides = [1, 1]} : vector<1000x384xf32> to vector<1000x128xf32>
    %add3A_963 = arith.addf %slice3A_961, %slice3A_962 : vector<1000x128xf32>
    %logistic3A_964 = arith.negf %add3A_963 : vector<1000x128xf32>
    %logistic3A_965 = math.exp %logistic3A_964 : vector<1000x128xf32>
    %logistic3A_966 = arith.constant 1.000000e+00 : f32
    %logistic3A_967 = vector.broadcast %logistic3A_966 : f32 to vector<1000x128xf32>
    %logistic3A_968 = arith.addf %logistic3A_967, %logistic3A_965 : vector<1000x128xf32>
    %logistic3A_969 = arith.divf %logistic3A_967, %logistic3A_968 : vector<1000x128xf32>
    %slice3A_970 = vector.extract_strided_slice %add3A_946 {offsets = [0, 256], sizes = [1000, 128], strides = [1, 1]} : vector<1000x384xf32> to vector<1000x128xf32>
    %slice3A_971 = vector.extract_strided_slice %add3A_951 {offsets = [0, 256], sizes = [1000, 128], strides = [1, 1]} : vector<1000x384xf32> to vector<1000x128xf32>
    %mul3A_972 = arith.mulf %logistic3A_960, %slice3A_971 : vector<1000x128xf32>
    %add3A_973 = arith.addf %slice3A_970, %mul3A_972 : vector<1000x128xf32>
    %tanh3A_974 = math.tanh %add3A_973 : vector<1000x128xf32>
    %sub3A_975 = arith.constant 1.000000e+00 : f32
    %sub3A_976 = vector.broadcast %sub3A_975 : f32 to vector<1000x128xf32>
    %sub3A_977 = arith.subf %sub3A_976, %logistic3A_969 : vector<1000x128xf32>
    %mul3A_978 = arith.mulf %sub3A_977, %tanh3A_974 : vector<1000x128xf32>
    %mul3A_979 = arith.mulf %logistic3A_969, %add3A_861 : vector<1000x128xf32>
    %add3A_980 = arith.addf %mul3A_978, %mul3A_979 : vector<1000x128xf32>
    %swap3A = arith.constant 0 : index
    %swap3A_981 = arith.constant 0 : index
    %swap3A_982 = arith.constant 0 : index
    %swap3A_983 = vector.load %arg29[%swap3A, %swap3A_981, %swap3A_982] : memref<1x1000x128xf32, #tpu.memory_space<vmem>>, vector<1x1000x128xf32>
    %swap3A_984 = vector.shape_cast %swap3A_983 : vector<1x1000x128xf32> to vector<1000x128xf32>
    %swap3A_985 = vector.shape_cast %add3A_980 : vector<1000x128xf32> to vector<1x1000x128xf32>
    tpu.vector_store %arg29[%swap3A, %swap3A_981, %swap3A_982], %swap3A_985 {strides = array<i32>} : memref<1x1000x128xf32, #tpu.memory_space<vmem>>, vector<1x1000x128xf32>,
    %get3A_986 = arith.constant 0 : index
    %get3A_987 = arith.constant 0 : index
    %get3A_988 = vector.load %arg4[%get3A_986, %get3A_987] : memref<1000x1xf32, #tpu.memory_space<vmem>>, vector<1000x1xf32>
    %get3A_989 = arith.constant 0 : index
    %get3A_990 = arith.constant 0 : index
    %get3A_991 = vector.load %arg25[%get3A_989, %get3A_990] : memref<256x1xf32, #tpu.memory_space<vmem>>, vector<256x1xf32>
    %get3A_992 = arith.constant 0 : index
    %get3A_993 = arith.constant 0 : index
    %get3A_994 = vector.load %arg17[%get3A_992, %get3A_993] : memref<128x64xf32, #tpu.memory_space<vmem>>, vector<128x64xf32>
    %dot_general3A_995 = arith.constant dense<0.000000e+00> : vector<1000x64xf32>
    %dot_general3A_996 = tpu.matmul %add3A_980, %get3A_994, %dot_general3A_995 {dimension_numbers = #tpu.dot_dimension_numbers<[1], [0], [0], [1], [0, 0, 1, 1], [], []>, transpose_lhs_hint = false} : vector<1000x128xf32>, vector<128x64xf32>, vector<1000x64xf32> -> vector<1000x64xf32>
    %get3A_997 = arith.constant 0 : index
    %get3A_998 = arith.constant 0 : index
    %get3A_999 = vector.load %arg18[%get3A_997, %get3A_998] : memref<1x64xf32, #tpu.memory_space<vmem>>, vector<1x64xf32>
    %add3A_1000 = vector.broadcast %get3A_999 : vector<1x64xf32> to vector<1000x64xf32>
    %add3A_1001 = arith.addf %dot_general3A_996, %add3A_1000 : vector<1000x64xf32>
    %max3A_1002 = arith.constant 0.000000e+00 : f32
    %max3A_1003 = vector.broadcast %max3A_1002 : f32 to vector<1000x64xf32>
    %max3A_1004 = arith.maximumf %add3A_1001, %max3A_1003 : vector<1000x64xf32>
    %get3A_1005 = arith.constant 0 : index
    %get3A_1006 = arith.constant 0 : index
    %get3A_1007 = vector.load %arg19[%get3A_1005, %get3A_1006] : memref<64x4xf32, #tpu.memory_space<vmem>>, vector<64x4xf32>
    %dot_general3A_1008 = arith.constant dense<0.000000e+00> : vector<1000x4xf32>
    %dot_general3A_1009 = tpu.matmul %max3A_1004, %get3A_1007, %dot_general3A_1008 {dimension_numbers = #tpu.dot_dimension_numbers<[1], [0], [0], [1], [0, 0, 1, 1], [], []>, transpose_lhs_hint = false} : vector<1000x64xf32>, vector<64x4xf32>, vector<1000x4xf32> -> vector<1000x4xf32>
    %get3A_1010 = arith.constant 0 : index
    %get3A_1011 = arith.constant 0 : index
    %get3A_1012 = vector.load %arg20[%get3A_1010, %get3A_1011] : memref<1x4xf32, #tpu.memory_space<vmem>>, vector<1x4xf32>
    %add3A_1013 = vector.broadcast %get3A_1012 : vector<1x4xf32> to vector<1000x4xf32>
    %add3A_1014 = arith.addf %dot_general3A_1009, %add3A_1013 : vector<1000x4xf32>
    %swap3A_1015 = arith.constant 0 : index
    %swap3A_1016 = arith.constant 0 : index
    %swap3A_1017 = arith.constant 0 : index
    %swap3A_1018 = vector.load %arg30[%swap3A_1015, %swap3A_1016, %swap3A_1017] : memref<1x1000x4xf32, #tpu.memory_space<vmem>>, vector<1x1000x4xf32>
    %swap3A_1019 = vector.shape_cast %swap3A_1018 : vector<1x1000x4xf32> to vector<1000x4xf32>
    %swap3A_1020 = vector.shape_cast %add3A_1014 : vector<1000x4xf32> to vector<1x1000x4xf32>
    tpu.vector_store %arg30[%swap3A_1015, %swap3A_1016, %swap3A_1017], %swap3A_1020 {strides = array<i32>} : memref<1x1000x4xf32, #tpu.memory_space<vmem>>, vector<1x1000x4xf32>,
    %get3A_1021 = arith.constant 0 : index
    %get3A_1022 = arith.constant 0 : index
    %get3A_1023 = vector.load %arg21[%get3A_1021, %get3A_1022] : memref<128x64xf32, #tpu.memory_space<vmem>>, vector<128x64xf32>
    %dot_general3A_1024 = arith.constant dense<0.000000e+00> : vector<1000x64xf32>
    %dot_general3A_1025 = tpu.matmul %add3A_980, %get3A_1023, %dot_general3A_1024 {dimension_numbers = #tpu.dot_dimension_numbers<[1], [0], [0], [1], [0, 0, 1, 1], [], []>, transpose_lhs_hint = false} : vector<1000x128xf32>, vector<128x64xf32>, vector<1000x64xf32> -> vector<1000x64xf32>
    %get3A_1026 = arith.constant 0 : index
    %get3A_1027 = arith.constant 0 : index
    %get3A_1028 = vector.load %arg22[%get3A_1026, %get3A_1027] : memref<1x64xf32, #tpu.memory_space<vmem>>, vector<1x64xf32>
    %add3A_1029 = vector.broadcast %get3A_1028 : vector<1x64xf32> to vector<1000x64xf32>
    %add3A_1030 = arith.addf %dot_general3A_1025, %add3A_1029 : vector<1000x64xf32>
    %max3A_1031 = arith.constant 0.000000e+00 : f32
    %max3A_1032 = vector.broadcast %max3A_1031 : f32 to vector<1000x64xf32>
    %max3A_1033 = arith.maximumf %add3A_1030, %max3A_1032 : vector<1000x64xf32>
    %get3A_1034 = arith.constant 0 : index
    %get3A_1035 = arith.constant 0 : index
    %get3A_1036 = vector.load %arg23[%get3A_1034, %get3A_1035] : memref<64x1xf32, #tpu.memory_space<vmem>>, vector<64x1xf32>
    %dot_general3A_1037 = arith.constant dense<0.000000e+00> : vector<1000x1xf32>
    %dot_general3A_1038 = tpu.matmul %max3A_1033, %get3A_1036, %dot_general3A_1037 {dimension_numbers = #tpu.dot_dimension_numbers<[1], [0], [0], [1], [0, 0, 1, 1], [], []>, transpose_lhs_hint = false} : vector<1000x64xf32>, vector<64x1xf32>, vector<1000x1xf32> -> vector<1000x1xf32>
    %get3A_1039 = arith.constant 0 : index
    %get3A_1040 = arith.constant 0 : index
    %get3A_1041 = vector.load %arg24[%get3A_1039, %get3A_1040] : memref<1x1xf32, #tpu.memory_space<vmem>>, vector<1x1xf32>
    %add3A_1042 = vector.broadcast %get3A_1041 : vector<1x1xf32> to vector<1000x1xf32>
    %add3A_1043 = arith.addf %dot_general3A_1038, %add3A_1042 : vector<1000x1xf32>
    %logistic3A_1044 = arith.negf %add3A_1043 : vector<1000x1xf32>
    %logistic3A_1045 = math.exp %logistic3A_1044 : vector<1000x1xf32>
    %logistic3A_1046 = arith.constant 1.000000e+00 : f32
    %logistic3A_1047 = vector.broadcast %logistic3A_1046 : f32 to vector<1000x1xf32>
    %logistic3A_1048 = arith.addf %logistic3A_1047, %logistic3A_1045 : vector<1000x1xf32>
    %logistic3A_1049 = arith.divf %logistic3A_1047, %logistic3A_1048 : vector<1000x1xf32>
    %swap3A_1050 = arith.constant 0 : index
    %swap3A_1051 = arith.constant 0 : index
    %swap3A_1052 = arith.constant 0 : index
    %swap3A_1053 = vector.load %arg31[%swap3A_1050, %swap3A_1051, %swap3A_1052] : memref<1x1000x1xf32, #tpu.memory_space<vmem>>, vector<1x1000x1xf32>
    %swap3A_1054 = vector.shape_cast %swap3A_1053 : vector<1x1000x1xf32> to vector<1000x1xf32>
    %swap3A_1055 = vector.shape_cast %logistic3A_1049 : vector<1000x1xf32> to vector<1x1000x1xf32>
    tpu.vector_store %arg31[%swap3A_1050, %swap3A_1051, %swap3A_1052], %swap3A_1055 {strides = array<i32>} : memref<1x1000x1xf32, #tpu.memory_space<vmem>>, vector<1x1000x1xf32>,
    %slice3A_1056 = vector.extract_strided_slice %get3A_991 {offsets = [0, 0], sizes = [128, 1], strides = [1, 1]} : vector<256x1xf32> to vector<128x1xf32>
    %dot_general3A_1057 = arith.constant dense<0.000000e+00> : vector<1000x1xf32>
    %dot_general3A_1058 = tpu.matmul %add3A_980, %slice3A_1056, %dot_general3A_1057 {dimension_numbers = #tpu.dot_dimension_numbers<[1], [0], [0], [1], [0, 0, 1, 1], [], []>, transpose_lhs_hint = false} : vector<1000x128xf32>, vector<128x1xf32>, vector<1000x1xf32> -> vector<1000x1xf32>
    %swap3A_1059 = arith.constant 0 : index
    %swap3A_1060 = arith.constant 0 : index
    %swap3A_1061 = arith.constant 0 : index
    %swap3A_1062 = vector.load %arg32[%swap3A_1059, %swap3A_1060, %swap3A_1061] : memref<1x1000x1xf32, #tpu.memory_space<vmem>>, vector<1x1000x1xf32>
    %swap3A_1063 = vector.shape_cast %swap3A_1062 : vector<1x1000x1xf32> to vector<1000x1xf32>
    %swap3A_1064 = vector.shape_cast %dot_general3A_1058 : vector<1000x1xf32> to vector<1x1000x1xf32>
    tpu.vector_store %arg32[%swap3A_1059, %swap3A_1060, %swap3A_1061], %swap3A_1064 {strides = array<i32>} : memref<1x1000x1xf32, #tpu.memory_space<vmem>>, vector<1x1000x1xf32>,
    %slice3A_1065 = vector.extract_strided_slice %get3A_991 {offsets = [128, 0], sizes = [128, 1], strides = [1, 1]} : vector<256x1xf32> to vector<128x1xf32>
    %dot_general3A_1066 = arith.constant dense<0.000000e+00> : vector<1000x1xf32>
    %dot_general3A_1067 = tpu.matmul %add3A_980, %slice3A_1065, %dot_general3A_1066 {dimension_numbers = #tpu.dot_dimension_numbers<[1], [0], [0], [1], [0, 0, 1, 1], [], []>, transpose_lhs_hint = false} : vector<1000x128xf32>, vector<128x1xf32>, vector<1000x1xf32> -> vector<1000x1xf32>
    %get3A_1068 = arith.constant 0 : index
    %get3A_1069 = arith.constant 0 : index
    %get3A_1070 = vector.load %arg27[%get3A_1068, %get3A_1069] : memref<128x1xf32, #tpu.memory_space<vmem>>, vector<128x1xf32>
    %dot_general3A_1071 = arith.constant dense<0.000000e+00> : vector<1000x1xf32>
    %dot_general3A_1072 = tpu.matmul %add3A_980, %get3A_1070, %dot_general3A_1071 {dimension_numbers = #tpu.dot_dimension_numbers<[1], [0], [0], [1], [0, 0, 1, 1], [], []>, transpose_lhs_hint = false} : vector<1000x128xf32>, vector<128x1xf32>, vector<1000x1xf32> -> vector<1000x1xf32>
    %get3A_1073 = arith.constant 0 : index
    %get3A_1074 = arith.constant 0 : index
    %get3A_1075 = vector.load %arg28[%get3A_1073, %get3A_1074] : memref<1x1xf32, #tpu.memory_space<vmem>>, vector<1x1xf32>
    %add3A_1076 = vector.broadcast %get3A_1075 : vector<1x1xf32> to vector<1000x1xf32>
    %add3A_1077 = arith.addf %dot_general3A_1072, %add3A_1076 : vector<1000x1xf32>
    %get3A_1078 = arith.constant 0 : index
    %get3A_1079 = arith.constant 0 : index
    %get3A_1080 = vector.load %arg26[%get3A_1078, %get3A_1079] : memref<1x1xf32, #tpu.memory_space<vmem>>, vector<1x1xf32>
    %add3A_1081 = vector.broadcast %get3A_1080 : vector<1x1xf32> to vector<1000x1xf32>
    %add3A_1082 = arith.addf %dot_general3A_1067, %add3A_1081 : vector<1000x1xf32>
    %mul3A_1083 = arith.mulf %get3A_988, %add3A_1082 : vector<1000x1xf32>
    %add3A_1084 = arith.addf %mul3A_1083, %add3A_1077 : vector<1000x1xf32>
    %swap3A_1085 = arith.constant 0 : index
    %swap3A_1086 = arith.constant 0 : index
    %swap3A_1087 = arith.constant 0 : index
    %swap3A_1088 = vector.load %arg33[%swap3A_1085, %swap3A_1086, %swap3A_1087] : memref<1x1000x1xf32, #tpu.memory_space<vmem>>, vector<1x1000x1xf32>
    %swap3A_1089 = vector.shape_cast %swap3A_1088 : vector<1x1000x1xf32> to vector<1000x1xf32>
    %swap3A_1090 = vector.shape_cast %add3A_1084 : vector<1000x1xf32> to vector<1x1000x1xf32>
    tpu.vector_store %arg33[%swap3A_1085, %swap3A_1086, %swap3A_1087], %swap3A_1090 {strides = array<i32>} : memref<1x1000x1xf32, #tpu.memory_space<vmem>>, vector<1x1000x1xf32>,
    return
  }
  func.func @transform_0(%arg0: i32, %arg1: i32) -> (i32, i32, i32, i32) {
    %c0_i32 = arith.constant 0 : i32
    %c0_i32_0 = arith.constant 0 : i32
    %c0_i32_1 = arith.constant 0 : i32
    return %arg0, %c0_i32, %arg1, %c0_i32_0 : i32, i32, i32, i32
  }
  func.func @transform_1(%arg0: i32, %arg1: i32) -> (i32, i32) {
    %c0_i32 = arith.constant 0 : i32
    %c0_i32_0 = arith.constant 0 : i32
    return %arg1, %c0_i32 : i32, i32
  }
  func.func @transform_2(%arg0: i32, %arg1: i32) -> (i32, i32) {
    %c0_i32 = arith.constant 0 : i32
    %c0_i32_0 = arith.constant 0 : i32
    return %arg1, %c0_i32 : i32, i32
  }
  func.func @transform_3(%arg0: i32, %arg1: i32) -> (i32, i32) {
    %c0_i32 = arith.constant 0 : i32
    %c0_i32_0 = arith.constant 0 : i32
    %c0_i32_1 = arith.constant 0 : i32
    return %c0_i32, %c0_i32_0 : i32, i32
  }
  func.func @transform_4(%arg0: i32, %arg1: i32) -> (i32, i32) {
    %c0_i32 = arith.constant 0 : i32
    %c0_i32_0 = arith.constant 0 : i32
    %c0_i32_1 = arith.constant 0 : i32
    return %c0_i32, %c0_i32_0 : i32, i32
  }
  func.func @transform_5(%arg0: i32, %arg1: i32) -> (i32, i32) {
    %c0_i32 = arith.constant 0 : i32
    %c0_i32_0 = arith.constant 0 : i32
    %c0_i32_1 = arith.constant 0 : i32
    return %c0_i32, %c0_i32_0 : i32, i32
  }
  func.func @transform_6(%arg0: i32, %arg1: i32) -> (i32, i32) {
    %c0_i32 = arith.constant 0 : i32
    %c0_i32_0 = arith.constant 0 : i32
    %c0_i32_1 = arith.constant 0 : i32
    return %c0_i32, %c0_i32_0 : i32, i32
  }
  func.func @transform_7(%arg0: i32, %arg1: i32) -> (i32, i32) {
    %c0_i32 = arith.constant 0 : i32
    %c0_i32_0 = arith.constant 0 : i32
    %c0_i32_1 = arith.constant 0 : i32
    return %c0_i32, %c0_i32_0 : i32, i32
  }
  func.func @transform_8(%arg0: i32, %arg1: i32) -> (i32, i32) {
    %c0_i32 = arith.constant 0 : i32
    %c0_i32_0 = arith.constant 0 : i32
    %c0_i32_1 = arith.constant 0 : i32
    return %c0_i32, %c0_i32_0 : i32, i32
  }
  func.func @transform_9(%arg0: i32, %arg1: i32) -> (i32, i32) {
    %c0_i32 = arith.constant 0 : i32
    %c0_i32_0 = arith.constant 0 : i32
    %c0_i32_1 = arith.constant 0 : i32
    return %c0_i32, %c0_i32_0 : i32, i32
  }
  func.func @transform_10(%arg0: i32, %arg1: i32) -> (i32, i32) {
    %c0_i32 = arith.constant 0 : i32
    %c0_i32_0 = arith.constant 0 : i32
    %c0_i32_1 = arith.constant 0 : i32
    return %c0_i32, %c0_i32_0 : i32, i32
  }
  func.func @transform_11(%arg0: i32, %arg1: i32) -> (i32, i32) {
    %c0_i32 = arith.constant 0 : i32
    %c0_i32_0 = arith.constant 0 : i32
    %c0_i32_1 = arith.constant 0 : i32
    return %c0_i32, %c0_i32_0 : i32, i32
  }
  func.func @transform_12(%arg0: i32, %arg1: i32) -> (i32, i32) {
    %c0_i32 = arith.constant 0 : i32
    %c0_i32_0 = arith.constant 0 : i32
    %c0_i32_1 = arith.constant 0 : i32
    return %c0_i32, %c0_i32_0 : i32, i32
  }
  func.func @transform_13(%arg0: i32, %arg1: i32) -> (i32, i32) {
    %c0_i32 = arith.constant 0 : i32
    %c0_i32_0 = arith.constant 0 : i32
    %c0_i32_1 = arith.constant 0 : i32
    return %c0_i32, %c0_i32_0 : i32, i32
  }
  func.func @transform_14(%arg0: i32, %arg1: i32) -> (i32, i32) {
    %c0_i32 = arith.constant 0 : i32
    %c0_i32_0 = arith.constant 0 : i32
    %c0_i32_1 = arith.constant 0 : i32
    return %c0_i32, %c0_i32_0 : i32, i32
  }
  func.func @transform_15(%arg0: i32, %arg1: i32) -> (i32, i32) {
    %c0_i32 = arith.constant 0 : i32
    %c0_i32_0 = arith.constant 0 : i32
    %c0_i32_1 = arith.constant 0 : i32
    return %c0_i32, %c0_i32_0 : i32, i32
  }
  func.func @transform_16(%arg0: i32, %arg1: i32) -> (i32, i32) {
    %c0_i32 = arith.constant 0 : i32
    %c0_i32_0 = arith.constant 0 : i32
    %c0_i32_1 = arith.constant 0 : i32
    return %c0_i32, %c0_i32_0 : i32, i32
  }
  func.func @transform_17(%arg0: i32, %arg1: i32) -> (i32, i32) {
    %c0_i32 = arith.constant 0 : i32
    %c0_i32_0 = arith.constant 0 : i32
    %c0_i32_1 = arith.constant 0 : i32
    return %c0_i32, %c0_i32_0 : i32, i32
  }
  func.func @transform_18(%arg0: i32, %arg1: i32) -> (i32, i32) {
    %c0_i32 = arith.constant 0 : i32
    %c0_i32_0 = arith.constant 0 : i32
    %c0_i32_1 = arith.constant 0 : i32
    return %c0_i32, %c0_i32_0 : i32, i32
  }
  func.func @transform_19(%arg0: i32, %arg1: i32) -> (i32, i32) {
    %c0_i32 = arith.constant 0 : i32
    %c0_i32_0 = arith.constant 0 : i32
    %c0_i32_1 = arith.constant 0 : i32
    return %c0_i32, %c0_i32_0 : i32, i32
  }
  func.func @transform_20(%arg0: i32, %arg1: i32) -> (i32, i32) {
    %c0_i32 = arith.constant 0 : i32
    %c0_i32_0 = arith.constant 0 : i32
    %c0_i32_1 = arith.constant 0 : i32
    return %c0_i32, %c0_i32_0 : i32, i32
  }
  func.func @transform_21(%arg0: i32, %arg1: i32) -> (i32, i32) {
    %c0_i32 = arith.constant 0 : i32
    %c0_i32_0 = arith.constant 0 : i32
    %c0_i32_1 = arith.constant 0 : i32
    return %c0_i32, %c0_i32_0 : i32, i32
  }
  func.func @transform_22(%arg0: i32, %arg1: i32) -> (i32, i32) {
    %c0_i32 = arith.constant 0 : i32
    %c0_i32_0 = arith.constant 0 : i32
    %c0_i32_1 = arith.constant 0 : i32
    return %c0_i32, %c0_i32_0 : i32, i32
  }
  func.func @transform_23(%arg0: i32, %arg1: i32) -> (i32, i32) {
    %c0_i32 = arith.constant 0 : i32
    %c0_i32_0 = arith.constant 0 : i32
    %c0_i32_1 = arith.constant 0 : i32
    return %c0_i32, %c0_i32_0 : i32, i32
  }
  func.func @transform_24(%arg0: i32, %arg1: i32) -> (i32, i32) {
    %c0_i32 = arith.constant 0 : i32
    %c0_i32_0 = arith.constant 0 : i32
    %c0_i32_1 = arith.constant 0 : i32
    return %c0_i32, %c0_i32_0 : i32, i32
  }
  func.func @transform_25(%arg0: i32, %arg1: i32) -> (i32, i32) {
    %c0_i32 = arith.constant 0 : i32
    %c0_i32_0 = arith.constant 0 : i32
    %c0_i32_1 = arith.constant 0 : i32
    return %c0_i32, %c0_i32_0 : i32, i32
  }
  func.func @transform_26(%arg0: i32, %arg1: i32) -> (i32, i32) {
    %c0_i32 = arith.constant 0 : i32
    %c0_i32_0 = arith.constant 0 : i32
    %c0_i32_1 = arith.constant 0 : i32
    return %c0_i32, %c0_i32_0 : i32, i32
  }
  func.func @transform_27(%arg0: i32, %arg1: i32) -> (i32, i32, i32) {
    %c0_i32 = arith.constant 0 : i32
    %c0_i32_0 = arith.constant 0 : i32
    return %arg0, %arg1, %c0_i32 : i32, i32, i32
  }
  func.func @transform_28(%arg0: i32, %arg1: i32) -> (i32, i32, i32) {
    %c0_i32 = arith.constant 0 : i32
    %c0_i32_0 = arith.constant 0 : i32
    return %arg0, %arg1, %c0_i32 : i32, i32, i32
  }
  func.func @transform_29(%arg0: i32, %arg1: i32) -> (i32, i32, i32) {
    %c0_i32 = arith.constant 0 : i32
    %c0_i32_0 = arith.constant 0 : i32
    return %arg0, %arg1, %c0_i32 : i32, i32, i32
  }
  func.func @transform_30(%arg0: i32, %arg1: i32) -> (i32, i32, i32) {
    %c0_i32 = arith.constant 0 : i32
    %c0_i32_0 = arith.constant 0 : i32
    return %arg0, %arg1, %c0_i32 : i32, i32, i32
  }
  func.func @transform_31(%arg0: i32, %arg1: i32) -> (i32, i32, i32) {
    %c0_i32 = arith.constant 0 : i32
    %c0_i32_0 = arith.constant 0 : i32
    return %arg0, %arg1, %c0_i32 : i32, i32, i32
  }
}

module attributes {stable_mosaic.version = 14 : i64} {
  func.func @_softmax_body(%arg0: memref<2x16x10000xf32, #tpu.memory_space<vmem>>, %arg1: memref<2x10000xf32, #tpu.memory_space<vmem>>, %arg2: memref<2x10000xf32, #tpu.memory_space<vmem>>) attributes {dimension_semantics = [], scalar_prefetch = 0 : i64, scratch_operands = 0 : i64, tpu.core_type = #tpu.core_type<tc>} {
    %get3A = arith.constant 0 : index
    %get3A_0 = arith.constant 0 : index
    %get3A_1 = arith.constant 0 : index
    %get3A_2 = vector.load %arg0[%get3A, %get3A_0, %get3A_1] : memref<2x16x10000xf32, #tpu.memory_space<vmem>>, vector<2x16x10000xf32>
    %reduce_sum3A = arith.constant dense<0.000000e+00> : vector<2x10000xf32>
    %reduce_sum3A_3 = vector.multi_reduction <add>, %get3A_2, %reduce_sum3A [1] : vector<2x16x10000xf32> to vector<2x10000xf32>
    %get3A_4 = arith.constant 0 : index
    %get3A_5 = arith.constant 0 : index
    %get3A_6 = vector.load %arg1[%get3A_4, %get3A_5] : memref<2x10000xf32, #tpu.memory_space<vmem>>, vector<2x10000xf32>
    %add3A = arith.addf %reduce_sum3A_3, %get3A_6 : vector<2x10000xf32>
    %reduce_max3A = arith.constant dense<0xFF800000> : vector<2xf32>
    %reduce_max3A_7 = vector.multi_reduction <maximumf>, %add3A, %reduce_max3A [1] : vector<2x10000xf32> to vector<2xf32>
    %broadcast_in_dim3A = vector.shape_cast %reduce_max3A_7 : vector<2xf32> to vector<2x1xf32>
    %sub3A = vector.broadcast %broadcast_in_dim3A : vector<2x1xf32> to vector<2x10000xf32>
    %sub3A_8 = arith.subf %add3A, %sub3A : vector<2x10000xf32>
    %exp3A = math.exp %sub3A_8 : vector<2x10000xf32>
    %reduce_sum3A_9 = arith.constant dense<0.000000e+00> : vector<2xf32>
    %reduce_sum3A_10 = vector.multi_reduction <add>, %exp3A, %reduce_sum3A_9 [1] : vector<2x10000xf32> to vector<2xf32>
    %broadcast_in_dim3A_11 = vector.shape_cast %reduce_sum3A_10 : vector<2xf32> to vector<2x1xf32>
    %div3A = vector.broadcast %broadcast_in_dim3A_11 : vector<2x1xf32> to vector<2x10000xf32>
    %div3A_12 = arith.divf %exp3A, %div3A : vector<2x10000xf32>
    %swap3A = arith.constant 0 : index
    %swap3A_13 = arith.constant 0 : index
    %swap3A_14 = vector.load %arg2[%swap3A, %swap3A_13] : memref<2x10000xf32, #tpu.memory_space<vmem>>, vector<2x10000xf32>
    tpu.vector_store %arg2[%swap3A, %swap3A_13], %div3A_12 {strides = array<i32>} : memref<2x10000xf32, #tpu.memory_space<vmem>>, vector<2x10000xf32>,
    return
  }
}

</mosaic_0001>

<sc_bundles>
// kernel: kernel.14.cloned.1.call-start
scs
__scs_entry_jumppad:
0x0: {  	(pc) =	sbr.rel $0x88, $3  }
0x1: {  	(tag) =	ssettag $0x0;
	lr =	simm.s32 $0x1  }
0x2: {  	[smem:$0x3F83] =	sst lr;
	_ =	strace $0xD0000000  }
0x3: {  	_ = 	snop  }
0x4: {  	_ = 	snop  }
0x5: {  	_ = 	snop  }
0x6: {  	_ = 	snop  }
0x7: {  	_ = 	snop  }
__scs_overlays_trampoline_lowered:
0x8: {  	[smem:$0x3F92] =	sst s0  }
0x9: {  	[smem:$0x3F93] =	sst s1  }
0xa: {  	[smem:$0x3F94] =	sst s2  }
0xb: {  	[smem:$0x3F95] =	sst s3  }
0xc: {  	[smem:$0x3F96] =	sst s4  }
0xd: {  	[smem:$0x3F97] =	sst s5  }
0xe: {  	[smem:$0x3F98] =	sst s6  }
0xf: {  	[smem:$0x3F99] =	sst s7  }
0x10: {  	[smem:$0x3F9A] =	sst s8  }
0x11: {  	[smem:$0x3F9B] =	sst s9;
	s0 =	simm.s32 @!p0 $0x0  }
0x12: {  	s1 =	sld [smem:$0x3F81];
	s0 =	simm.s32 @p0 $0x1  }
0x13: {  	[smem:$0x3F9C] =	sst s0;
	s0 =	simm.s32 @!p1 $0x0  }
0x14: {  	s2 =	sld [smem:$0x3F80];
	s0 =	simm.s32 @p1 $0x1  }
0x15: {  	[smem:$0x3F9D] =	sst s0;
	s0 =	simm.s32 @!p2 $0x0  }
0x16: {  	s3 =	sld [smem:$0x3FDB];
	s0 =	simm.s32 @p2 $0x1  }
0x17: {  	s4 =	simm.s32 $0x1BF5;
	[smem:$0x3F9F] =	sst s0  }
0x18: {  	s0 =	sld [smem:$0x3F82];
	_ =	swait.ge [sflag:s4], $0x0  }
0x19: {  	s7 =	sld [smem:$0x3F83]  }
0x1a: {  	s8 =	sadd.s32 $0xFFFFE003, lr  }
0x1b: {  	s9 =	sadd.s32 $0xFFFFFEF7, lr;
	s5 =	simm.s32 $0xFFFFFFFF;
	p2 =	slt.u32 s8, $0xFFFFF086  }
0x1c: {  	p1 =	slt.u32 s9, $0xF7A;
	s5 =	simm.s32 @!p2 $0x0  }
0x1d: {  	s5 =	simm.s32 @p1 $0x1;
	p0 =	seq.s32 s7, s2  }
0x1e: {  	s7 =	smul.u32 @!p0 $0xF7A, s2;
	p2 =	seq.s32 @!p0 s5, $0x0  }
0x1f: {  	s9 =	smul.u32 $0xF7A, s1;
	s8 =	simm.s32 @!p0 $0x1BF5;
	p2 =	por !p2, p0  }
0x20: {  	[sflag:s8] =	ssyncset.s32 @!p0 $0xFFFFF086;
	s6 =	sadd.s32 @!p0 s3, s7;
	s7 =	simm.s32 @!p0 $0x108  }
0x21: {  	s3 =	sadd.s32 s3, s9;
	s6 =	sadd.s32 @!p0 $0x88, s6;
	s7 =	simm.s32 @p2 $0x1082  }
0x22: {  	[simem:s7], [sflag:s8] =	dma.local @!p0 [hbm:s6], $0xF7A  }
0x23: {  	s9 =	sor.u32 $0xD0000000, s2;
	s6 =	simm.s32 $0x108;
	_ =	swait.ge @!p0 [sflag:s8], $0x0  }
0x24: {  	s3 =	sadd.s32 $0x88, s3;
	s6 =	simm.s32 @!p1 $0x1082;
	[sflag:s4] =	ssyncset.s32 $0xFFFFF086  }
0x25: {  	[simem:s6], [sflag:s4] =	dma.local [hbm:s3], $0xF7A  }
0x26: {  	[smem:$0x3F83] =	sst s1;
	(tag) =	ssettag s2;
	_ =	strace s9  }
0x27: {  	s1 =	sld [smem:$0x3F93]  }
0x28: {  	s2 =	sld [smem:$0x3F94]  }
0x29: {  	s4 =	sld [smem:$0x3F96]  }
0x2a: {  	p0 =	seq.s32 s5, $0x0;
	s5 =	sld [smem:$0x3F97]  }
0x2b: {  	s6 =	sld [smem:$0x3F98]  }
0x2c: {  	s7 =	sld [smem:$0x3F99]  }
0x2d: {  	s3 =	simm.s32 $0x108;
	s8 =	sld [smem:$0x3F9A]  }
0x2e: {  	s3 =	simm.s32 @!p0 $0x1082;
	s9 =	sld [smem:$0x3F9B]  }
0x2f: {  	lr =	sadd.s32 s0, s3;
	s0 =	sld [smem:$0x3F92]  }
0x30: {  	s3 =	sld [smem:$0x3F95]  }
0x31: {  	[smem:$0x3F9E] =	sst s10  }
0x32: {  	s10 =	sld [smem:$0x3F9C];
	_ =	sdelay $0x3  }
0x33: {  	p0 =	seq.s32 s10, $0x1;
	s10 =	sld [smem:$0x3F9E];
	_ =	sdelay $0x3  }
0x34: {  	[smem:$0x3F9E] =	sst s10  }
0x35: {  	s10 =	sld [smem:$0x3F9D];
	_ =	sdelay $0x3  }
0x36: {  	p1 =	seq.s32 s10, $0x1;
	s10 =	sld [smem:$0x3F9E];
	_ =	sdelay $0x3  }
0x37: {  	[smem:$0x3F9E] =	sst s10  }
0x38: {  	s10 =	sld [smem:$0x3F9F]  }
0x39: {  	_ = 	snop;
	(pc) =	sbr.ind lr, $3  }
0x3a: {  	_ = 	snop  }
0x3b: {  	_ = 	snop  }
0x3c: {  	p2 =	seq.s32 s10, $0x1;
	s10 =	sld [smem:$0x3F9E]  }
0x3d: {  	_ =	shalt  }
0x3e: {  	_ =	shalt  }
0x3f: {  	_ =	shalt  }
0x40: {  	_ =	shalt  }
0x41: {  	_ =	shalt  }
0x42: {  	_ =	shalt  }
0x43: {  	_ =	shalt  }
0x44: {  	_ =	shalt  }
0x45: {  	_ =	shalt  }
0x46: {  	_ =	shalt  }
0x47: {  	_ =	shalt  }
0x48: {  	_ =	shalt  }
0x49: {  	_ =	shalt  }
0x4a: {  	_ =	shalt  }
0x4b: {  	_ =	shalt  }
0x4c: {  	_ =	shalt  }
0x4d: {  	_ =	shalt  }
0x4e: {  	_ =	shalt  }
0x4f: {  	_ =	shalt  }
0x50: {  	_ =	shalt  }
0x51: {  	_ =	shalt  }
0x52: {  	_ =	shalt  }
0x53: {  	_ =	shalt  }
0x54: {  	_ =	shalt  }
0x55: {  	_ =	shalt  }
0x56: {  	_ =	shalt  }
0x57: {  	_ =	shalt  }
0x58: {  	_ =	shalt  }
0x59: {  	_ =	shalt  }
0x5a: {  	_ =	shalt  }
0x5b: {  	_ =	shalt  }
0x5c: {  	_ =	shalt  }
0x5d: {  	_ =	shalt  }
0x5e: {  	_ =	shalt  }
0x5f: {  	_ =	shalt  }
0x60: {  	_ =	shalt  }
0x61: {  	_ =	shalt  }
0x62: {  	_ =	shalt  }
0x63: {  	_ =	shalt  }
0x64: {  	_ =	shalt  }
0x65: {  	_ =	shalt  }
0x66: {  	_ =	shalt  }
0x67: {  	_ =	shalt  }
0x68: {  	_ =	shalt  }
0x69: {  	_ =	shalt  }
0x6a: {  	_ =	shalt  }
0x6b: {  	_ =	shalt  }
0x6c: {  	_ =	shalt  }
0x6d: {  	_ =	shalt  }
0x6e: {  	_ =	shalt  }
0x6f: {  	_ =	shalt  }
0x70: {  	_ =	shalt  }
0x71: {  	_ =	shalt  }
0x72: {  	_ =	shalt  }
0x73: {  	_ =	shalt  }
0x74: {  	_ =	shalt  }
0x75: {  	_ =	shalt  }
0x76: {  	_ =	shalt  }
0x77: {  	_ =	shalt  }
0x78: {  	_ =	shalt  }
0x79: {  	_ =	shalt  }
0x7a: {  	_ =	shalt  }
0x7b: {  	_ =	shalt  }
0x7c: {  	_ =	shalt  }
0x7d: {  	_ =	shalt  }
0x7e: {  	_ =	shalt  }
0x7f: {  	_ =	shalt  }
0x80: {  	_ =	shalt  }
0x81: {  	_ =	shalt  }
0x82: {  	_ =	shalt  }
0x83: {  	_ =	shalt  }
0x84: {  	_ =	shalt  }
0x85: {  	_ =	shalt  }
0x86: {  	_ =	shalt  }
0x87: {  	_ =	shalt  }
.Lfunc_end0:
.L_simem_size_0:
called_computation_lowered:
.L_overlay_start_0:
0x88: {  	s2 =	sld [smem:$0x3FD9]  }
0x89: {  	s3 =	sld [smem:$0x3FFE];
	_ =	sdelay $0x1  }
0x8a: {  	s1 =	srdreg.scid  }
0x8b: {  	s0 =	sand.u32 $0x1, s1  }
0x8c: {  	s14 =	sshll.u32 s0, $0xA;
	s2 =	sadd.s32 s3, s2  }
0x8d: {  	s2 =	sadd.s32 s2, s14  }
0x8e: {  	[smem:$0x3FAA] =	sst s2  }
0x8f: {  	_ = 	snop  }
0x90: {  	s2 =	sld [smem:$0x3FD0];
	_ =	sdelay $0x2  }
0x91: {  	s15 =	simm.s32 $0xC;
	s4 =	simm.s32 $0x10  }
0x92: {  	[smem:s4], [sflag:s15] =	dma.local [hbm:s2], $0x1  }
0x93: {  	_ =	swait.eq [sflag:s15], $0x1  }
0x94: {  	[sflag:s15] =	ssyncset.done $0x0  }
0x95: {  	s16 =	sld [smem:$0x12];
	[sflag:s15] =	ssyncadd.s32 $0xFFFFFFFF  }
0x96: {  	s17 =	sld [smem:$0x13];
	(tm) =	ssettm $0x1  }
0x97: {  	s18 =	sld [smem:$0x3FFB];
	_ =	sdelay $0x3  }
0x98: {  	_ =	strace s18  }
0x99: {  	s4 =	sld [smem:$0x3FFC];
	_ =	sdelay $0x3  }
0x9a: {  	_ =	strace s4  }
0x9b: {  	s4 =	sld [smem:$0x3FFD];
	_ =	sdelay $0x3  }
0x9c: {  	_ =	strace s4  }
0x9d: {  	_ =	strace $0x8FFFFFFF  }
0x9e: {  	s19 =	sld [smem:$0x3FDB];
	_ =	sdelay $0x1  }
0x9f: {  	s5 =	simm.s32 $_scs_section_size  }
0xa0: {  	s6 =	simm.s32 $_size__tile_overlayer_lowered;
	s7 =	simm.s32 $_tile_overlayer_lowered  }
0xa1: {  	s22 =	simm.s32 $0x1BFF;
	s21 =	sshll.u32 s7, $0x1;
	s4 =	sadd.s32 s5, s19  }
0xa2: {  	s8 =	simm.s32 $0x0;
	s20 =	sshll.u32 s6, $0x1;
	s6 =	sadd.s32 s21, s4  }
0xa3: {  	[timem:s8], [sflag:s22] =	dma.local [hbm:s6], s20  }
0xa4: {  	_ =	swait.ge [sflag:s22], s20  }
0xa5: {  	s5 =	ssub.s32 $0x0, s20;
	[sflag:s22] =	ssyncset.done $0x0  }
0xa6: {  	[sflag:s22] =	ssyncadd.s32 s5;
	_ =	sdelay $0x1  }
0xa7: {  	s23 =	simm.s32 $0x1B8B  }
0xa8: {  	_ =	swait.ge [sflag:s23], $0x1  }
0xa9: {  	[sflag:s23] =	ssyncset.done $0x0  }
0xaa: {  	s25 =	simm.s32 $0x1B8E;
	s24 =	sld [smem:$0x3FFE];
	[sflag:s23] =	ssyncadd.s32 $0xFFFFFFFF  }
0xab: {  	s26 =	simm.s32 $execute0_lowered;
	[smem:$0x3FD2] =	sst s25  }
0xac: {  	s6 =	sshll.u32 s26, $0x1;
	_ =	strace $0x80000046;
	[dreg:$0x1] =	wrdreg $0xFFFFFFFF  }
0xad: {  	s28 =	simm.s32 $_size_execute0_lowered;
	s4 =	sadd.s32 s4, s6;
	[dreg:$0x0] =	wrdreg $0x0  }
0xae: {  	s6 =	sshll.u32 s28, $0x1;
	[dreg:$0x2] =	wrdreg s4  }
0xaf: {  	[dreg:$0x3] =	wrdreg s6  }
0xb0: {  	[dreg:$0x4] =	wrdreg $0xC0  }
0xb1: {  	_ =	task [dreg:s8], $0x5FFFF  }
0xb2: {  	[dreg:$0x1] =	wrdreg $0xFFFFFFFF  }
0xb3: {  	[dreg:$0x0] =	wrdreg $0x60  }
0xb4: {  	[dreg:$0x2] =	wrdreg s24  }
0xb5: {  	[dreg:$0x3] =	wrdreg s16  }
0xb6: {  	[dreg:$0x4] =	wrdreg s17  }
0xb7: {  	[dreg:$0x5] =	wrdreg $0xA  }
0xb8: {  	_ =	task.clear_ibuf [dreg:s8], $0x6FFFF;
	_ =	strace $0x90000046  }
0xb9: {  	s29 =	simm.s32 $0xA;
	_ =	strace $0x80000048  }
0xba: {  	_ =	swait.ge [sflag:s29], $0x1  }
0xbb: {  	[sflag:s29] =	ssyncadd.s32 $0xFFFFFFFF  }
0xbc: {  	_ =	strace $0x90000048  }
0xbd: {  	_ =	sfence  }
0xbe: {  	s30 =	sld [smem:$0x0];
	_ =	sdelay $0x2  }
0xbf: {  	s31 =	sshll.u32 s1, $0xD;
	s1 =	sshrl.u32 s1, $0x2  }
0xc0: {  	s3 =	sand.u32 $0x4000, s31;
	s1 =	sadd.s32 s1, s30  }
0xc1: {  	s0 =	sor.u32 s3, s0;
	s1 =	sshll.u32 s1, $0x11  }
0xc2: {  	s0 =	sor.u32 s1, s0  }
0xc3: {  	s0 =	sadd.s32 $0x8F2B, s0  }
0xc4: {  	[sflag:s0] =	ssyncadd.remote.s32 $0x1  }
0xc5: {  	_ =	sfence.sel $0xFFFF  }
0xc6: {  	[dreg:$0x0] =	wrdreg $0xFFFFFFFF;
	(pc) =	sbr.abs _section_cstart, $3  }
0xc7: {  	[dreg:$0x1] =	wrdreg $0xFFFFFFFF  }
0xc8: {  	_ =	task.clear_ibuf [dreg:s8], $0x2FFFF;
	_ =	strace $0x9FFFFFFF  }
0xc9: {  	(tm) =	ssettm $0x7FFFFFFF  }
tec
execute0_lowered:
.L_overlay_start_1:
0x0: {  	(tag) =	ssettag $0x1  }
0x1: {  	s1 =	srdreg.scid  }
0x2: {  	s1 =	sand.u32 $0x1, s1  }
0x3: {  	p0 =	seq.s32 s1, $0x1  }
.Ltmp0:
0x4: {  	s3 =	rddreg [dreg:$0x0];
	(pc) =	sbr.rel @p0 .LBB2_4-.Ltmp0, $4  }
0x5: {  	s4 =	rddreg [dreg:$0x1]  }
0x6: {  	s2 =	rddreg [dreg:$0x2];
	s5 =	simm.s32 $0x0  }
0x7: {  	[smem:$0x7FF] =	sst s5  }
0x8: {  	s0 =	rddreg [dreg:$0x3];
	_ =	strace $0x80000047;
	s1 =	stileid.u32  }
0x9: {  	s6 =	smul.u32 $0x4E2, s1  }
0xa: {  	s3 =	sadd.s32 $0x7000, s3  }
0xb: {  	s7 =	simm.s32 $0x1;
	s3 =	sadd.s32 s3, s6  }
0xc: {  	[tilespmem:s5], [sflag:$0x1] =	stream.linear.gather [hbm4b:s3+s5], $0x2710, $0x38;
	[tilespmem:$0x4E20] =	vst v63  }
0xd: {  	_ =	swait.ge [sflag:s7], $0x2710  }
0xe: {  	[sflag:s7] =	ssyncset.done $0x0  }
0xf: {  	s3 =	simm.s32 $0x2710;
	[sflag:s7] =	ssyncadd.s32 $0xFFFFD8F0  }
0x10: {  	[tilespmem:s3], [sflag:$0x1] =	stream.linear.gather [hbm4b:s4+s5], $0x2710, $0x38;
	[tilespmem:$0x4E20] =	vst v63  }
0x11: {  	_ =	swait.ge [sflag:s7], $0x2710  }
0x12: {  	s2 =	sadd.s32 s2, s6;
	[sflag:s7] =	ssyncset.done $0x0  }
0x13: {  	v0 =	vimm.f32 $1.000000000e+00;
	s5 =	simm.s32 $0x0;
	s4 =	simm.s32 $0x40;
	[sflag:s7] =	ssyncadd.s32 $0xFFFFD8F0  }
.LBB2_2:
0x14: {  	p0 =	sne.s32 s4, $0x9C00;
	v1 =	vld [tilespmem:s5+$0x0];
	_ =	sdelay $0x3  }
.Ltmp1:
0x15: {  	(pc) =	sbr.rel @p0 .LBB2_2-.Ltmp1, $2  }
0x16: {  	_ =	sdelay $0x2  }
0x17: {  	s5 =	sshra.s32 s4, $0x2;
	s4 =	sadd.s32 $0x40, s4;
	[tilespmem:v1+s3+$0x0] =	vst.idx.add.f32.msk $0xffff, v0  }
0x18: {  	v1 =	vld [tilespmem:s5+$0x0];
	_ =	sdelay $0x7  }
0x19: {  	s30 =	simm.s32 $0x0;
	s4 =	simm.s32 $0x2710;
	s31 =	simm.s32 $0x1;
	[tilespmem:v1+s3+$0x0] =	vst.idx.add.f32.msk $0xffff, v0  }
0x1a: {  	[hbm4b:s2+s30] =	stream.linear.scatter [tilespmem:s4], [sflag:$0x1], $0x2710, $0x38;
	[tilespmem:$0x4E20] =	vst v63  }
0x1b: {  	_ =	swait.ge [sflag:s31], $0x2710  }
0x1c: {  	[sflag:s31] =	ssyncset.done $0x0  }
0x1d: {  	[sflag:s31] =	ssyncadd.s32 $0xFFFFD8F0  }
.LBB2_4:
0x1e: {  	_ =	sfence.sel $0x180000  }
0x1f: {  	[bflag:$0x0] =	sbarrier.arrive $0xFFFF  }
0x20: {  	p0 =	sne.s32 s1, $0x0;
	_ =	strace $0x90000047  }
0x21: {  	s0 =	sadd.s32 @!p0 $0x100000, s0;
	[bflag:$0x2] =	sbarrier.arrive $0xFFFF  }
0x22: {  	[sflag:s0] =	ssyncadd.tile.s32 @!p0 $0x1;
	_ =	shalt  }
.Lfunc_end2:
_tile_overlayer_lowered:
.L_overlay_start_2:
0x23: {  	(tag) =	ssettag $0x2  }
0x24: {  	s0 =	rddreg [dreg:$0x0];
	s2 =	stileid.u32  }
0x25: {  	s1 =	rddreg [dreg:$0x1];
	p0 =	sne.s32 s2, $0x0  }
0x26: {  	s3 =	rddreg [dreg:$0x2];
	[bflag:$0x3] =	sbarrier.arrive $0xFFFF;
	s2 =	simm.s32 @!p0 $0x1C01  }
0x27: {  	[timem:s3], [sflag:s2] =	dma.local @!p0 [hbm:s0], s1  }
0x28: {  	s0 =	simm.s32 @!p0 $0x1  }
0x29: {  	_ =	swait.ge @!p0 [sflag:s0], s1  }
0x2a: {  	s1 =	ssub.s32 @!p0 $0x0, s1;
	[sflag:s0] =	ssyncset.done @!p0 $0x0  }
0x2b: {  	[sflag:s0] =	ssyncadd.s32 @!p0 s1  }
0x2c: {  	[bflag:$0x3] =	sbarrier.arrive $0xFFFF  }
0x2d: {  	_ =	shalt  }

// kernel: kernel.17.cloned.1.call-start
scs
__scs_entry_jumppad:
0x0: {  	(pc) =	sbr.rel $0x88, $3  }
0x1: {  	(tag) =	ssettag $0x0;
	lr =	simm.s32 $0x1  }
0x2: {  	[smem:$0x3F83] =	sst lr;
	_ =	strace $0xD0000000  }
0x3: {  	_ = 	snop  }
0x4: {  	_ = 	snop  }
0x5: {  	_ = 	snop  }
0x6: {  	_ = 	snop  }
0x7: {  	_ = 	snop  }
__scs_overlays_trampoline_lowered:
0x8: {  	[smem:$0x3F92] =	sst s0  }
0x9: {  	[smem:$0x3F93] =	sst s1  }
0xa: {  	[smem:$0x3F94] =	sst s2  }
0xb: {  	[smem:$0x3F95] =	sst s3  }
0xc: {  	[smem:$0x3F96] =	sst s4  }
0xd: {  	[smem:$0x3F97] =	sst s5  }
0xe: {  	[smem:$0x3F98] =	sst s6  }
0xf: {  	[smem:$0x3F99] =	sst s7  }
0x10: {  	[smem:$0x3F9A] =	sst s8  }
0x11: {  	[smem:$0x3F9B] =	sst s9;
	s0 =	simm.s32 @!p0 $0x0  }
0x12: {  	s1 =	sld [smem:$0x3F81];
	s0 =	simm.s32 @p0 $0x1  }
0x13: {  	[smem:$0x3F9C] =	sst s0;
	s0 =	simm.s32 @!p1 $0x0  }
0x14: {  	s2 =	sld [smem:$0x3F80];
	s0 =	simm.s32 @p1 $0x1  }
0x15: {  	[smem:$0x3F9D] =	sst s0;
	s0 =	simm.s32 @!p2 $0x0  }
0x16: {  	s3 =	sld [smem:$0x3FDB];
	s0 =	simm.s32 @p2 $0x1  }
0x17: {  	s4 =	simm.s32 $0x1BF5;
	[smem:$0x3F9F] =	sst s0  }
0x18: {  	s0 =	sld [smem:$0x3F82];
	_ =	swait.ge [sflag:s4], $0x0  }
0x19: {  	s7 =	sld [smem:$0x3F83]  }
0x1a: {  	s8 =	sadd.s32 $0xFFFFE003, lr  }
0x1b: {  	s9 =	sadd.s32 $0xFFFFFEF7, lr;
	s5 =	simm.s32 $0xFFFFFFFF;
	p2 =	slt.u32 s8, $0xFFFFF086  }
0x1c: {  	p1 =	slt.u32 s9, $0xF7A;
	s5 =	simm.s32 @!p2 $0x0  }
0x1d: {  	s5 =	simm.s32 @p1 $0x1;
	p0 =	seq.s32 s7, s2  }
0x1e: {  	s7 =	smul.u32 @!p0 $0xF7A, s2;
	p2 =	seq.s32 @!p0 s5, $0x0  }
0x1f: {  	s9 =	smul.u32 $0xF7A, s1;
	s8 =	simm.s32 @!p0 $0x1BF5;
	p2 =	por !p2, p0  }
0x20: {  	[sflag:s8] =	ssyncset.s32 @!p0 $0xFFFFF086;
	s6 =	sadd.s32 @!p0 s3, s7;
	s7 =	simm.s32 @!p0 $0x108  }
0x21: {  	s3 =	sadd.s32 s3, s9;
	s6 =	sadd.s32 @!p0 $0x88, s6;
	s7 =	simm.s32 @p2 $0x1082  }
0x22: {  	[simem:s7], [sflag:s8] =	dma.local @!p0 [hbm:s6], $0xF7A  }
0x23: {  	s9 =	sor.u32 $0xD0000000, s2;
	s6 =	simm.s32 $0x108;
	_ =	swait.ge @!p0 [sflag:s8], $0x0  }
0x24: {  	s3 =	sadd.s32 $0x88, s3;
	s6 =	simm.s32 @!p1 $0x1082;
	[sflag:s4] =	ssyncset.s32 $0xFFFFF086  }
0x25: {  	[simem:s6], [sflag:s4] =	dma.local [hbm:s3], $0xF7A  }
0x26: {  	[smem:$0x3F83] =	sst s1;
	(tag) =	ssettag s2;
	_ =	strace s9  }
0x27: {  	s1 =	sld [smem:$0x3F93]  }
0x28: {  	s2 =	sld [smem:$0x3F94]  }
0x29: {  	s4 =	sld [smem:$0x3F96]  }
0x2a: {  	p0 =	seq.s32 s5, $0x0;
	s5 =	sld [smem:$0x3F97]  }
0x2b: {  	s6 =	sld [smem:$0x3F98]  }
0x2c: {  	s7 =	sld [smem:$0x3F99]  }
0x2d: {  	s3 =	simm.s32 $0x108;
	s8 =	sld [smem:$0x3F9A]  }
0x2e: {  	s3 =	simm.s32 @!p0 $0x1082;
	s9 =	sld [smem:$0x3F9B]  }
0x2f: {  	lr =	sadd.s32 s0, s3;
	s0 =	sld [smem:$0x3F92]  }
0x30: {  	s3 =	sld [smem:$0x3F95]  }
0x31: {  	[smem:$0x3F9E] =	sst s10  }
0x32: {  	s10 =	sld [smem:$0x3F9C];
	_ =	sdelay $0x3  }
0x33: {  	p0 =	seq.s32 s10, $0x1;
	s10 =	sld [smem:$0x3F9E];
	_ =	sdelay $0x3  }
0x34: {  	[smem:$0x3F9E] =	sst s10  }
0x35: {  	s10 =	sld [smem:$0x3F9D];
	_ =	sdelay $0x3  }
0x36: {  	p1 =	seq.s32 s10, $0x1;
	s10 =	sld [smem:$0x3F9E];
	_ =	sdelay $0x3  }
0x37: {  	[smem:$0x3F9E] =	sst s10  }
0x38: {  	s10 =	sld [smem:$0x3F9F]  }
0x39: {  	_ = 	snop;
	(pc) =	sbr.ind lr, $3  }
0x3a: {  	_ = 	snop  }
0x3b: {  	_ = 	snop  }
0x3c: {  	p2 =	seq.s32 s10, $0x1;
	s10 =	sld [smem:$0x3F9E]  }
0x3d: {  	_ =	shalt  }
0x3e: {  	_ =	shalt  }
0x3f: {  	_ =	shalt  }
0x40: {  	_ =	shalt  }
0x41: {  	_ =	shalt  }
0x42: {  	_ =	shalt  }
0x43: {  	_ =	shalt  }
0x44: {  	_ =	shalt  }
0x45: {  	_ =	shalt  }
0x46: {  	_ =	shalt  }
0x47: {  	_ =	shalt  }
0x48: {  	_ =	shalt  }
0x49: {  	_ =	shalt  }
0x4a: {  	_ =	shalt  }
0x4b: {  	_ =	shalt  }
0x4c: {  	_ =	shalt  }
0x4d: {  	_ =	shalt  }
0x4e: {  	_ =	shalt  }
0x4f: {  	_ =	shalt  }
0x50: {  	_ =	shalt  }
0x51: {  	_ =	shalt  }
0x52: {  	_ =	shalt  }
0x53: {  	_ =	shalt  }
0x54: {  	_ =	shalt  }
0x55: {  	_ =	shalt  }
0x56: {  	_ =	shalt  }
0x57: {  	_ =	shalt  }
0x58: {  	_ =	shalt  }
0x59: {  	_ =	shalt  }
0x5a: {  	_ =	shalt  }
0x5b: {  	_ =	shalt  }
0x5c: {  	_ =	shalt  }
0x5d: {  	_ =	shalt  }
0x5e: {  	_ =	shalt  }
0x5f: {  	_ =	shalt  }
0x60: {  	_ =	shalt  }
0x61: {  	_ =	shalt  }
0x62: {  	_ =	shalt  }
0x63: {  	_ =	shalt  }
0x64: {  	_ =	shalt  }
0x65: {  	_ =	shalt  }
0x66: {  	_ =	shalt  }
0x67: {  	_ =	shalt  }
0x68: {  	_ =	shalt  }
0x69: {  	_ =	shalt  }
0x6a: {  	_ =	shalt  }
0x6b: {  	_ =	shalt  }
0x6c: {  	_ =	shalt  }
0x6d: {  	_ =	shalt  }
0x6e: {  	_ =	shalt  }
0x6f: {  	_ =	shalt  }
0x70: {  	_ =	shalt  }
0x71: {  	_ =	shalt  }
0x72: {  	_ =	shalt  }
0x73: {  	_ =	shalt  }
0x74: {  	_ =	shalt  }
0x75: {  	_ =	shalt  }
0x76: {  	_ =	shalt  }
0x77: {  	_ =	shalt  }
0x78: {  	_ =	shalt  }
0x79: {  	_ =	shalt  }
0x7a: {  	_ =	shalt  }
0x7b: {  	_ =	shalt  }
0x7c: {  	_ =	shalt  }
0x7d: {  	_ =	shalt  }
0x7e: {  	_ =	shalt  }
0x7f: {  	_ =	shalt  }
0x80: {  	_ =	shalt  }
0x81: {  	_ =	shalt  }
0x82: {  	_ =	shalt  }
0x83: {  	_ =	shalt  }
0x84: {  	_ =	shalt  }
0x85: {  	_ =	shalt  }
0x86: {  	_ =	shalt  }
0x87: {  	_ =	shalt  }
.Lfunc_end0:
.L_simem_size_0:
called_computation.1_lowered:
.L_overlay_start_0:
0x88: {  	s2 =	sld [smem:$0x3FD9]  }
0x89: {  	s3 =	sld [smem:$0x3FFE];
	_ =	sdelay $0x1  }
0x8a: {  	s1 =	srdreg.scid  }
0x8b: {  	s0 =	sand.u32 $0x1, s1  }
0x8c: {  	s17 =	sshll.u32 s0, $0xA;
	s2 =	sadd.s32 s3, s2  }
0x8d: {  	s2 =	sadd.s32 s2, s17  }
0x8e: {  	[smem:$0x3FAA] =	sst s2  }
0x8f: {  	_ = 	snop  }
0x90: {  	s18 =	sld [smem:$0x3FC9];
	(tm) =	ssettm $0x1  }
0x91: {  	s19 =	sld [smem:$0x3FFB];
	_ =	sdelay $0x3  }
0x92: {  	_ =	strace s19  }
0x93: {  	s2 =	sld [smem:$0x3FFC];
	_ =	sdelay $0x3  }
0x94: {  	_ =	strace s2  }
0x95: {  	s2 =	sld [smem:$0x3FFD];
	_ =	sdelay $0x3  }
0x96: {  	_ =	strace s2  }
0x97: {  	_ =	strace $0x8FFFFFFF  }
0x98: {  	s20 =	sld [smem:$0x3FDB];
	_ =	sdelay $0x1  }
0x99: {  	s4 =	simm.s32 $_scs_section_size  }
0x9a: {  	s5 =	simm.s32 $_size__tile_overlayer_lowered;
	s6 =	simm.s32 $_tile_overlayer_lowered  }
0x9b: {  	s7 =	simm.s32 $0x1BFF;
	s21 =	sshll.u32 s6, $0x1;
	s4 =	sadd.s32 s4, s20  }
0x9c: {  	s22 =	simm.s32 $0x0;
	s5 =	sshll.u32 s5, $0x1;
	s6 =	sadd.s32 s21, s4  }
0x9d: {  	[timem:s22], [sflag:s7] =	dma.local [hbm:s6], s5  }
0x9e: {  	_ =	swait.ge [sflag:s7], s5  }
0x9f: {  	s5 =	ssub.s32 $0x0, s5;
	[sflag:s7] =	ssyncset.done $0x0  }
0xa0: {  	[sflag:s7] =	ssyncadd.s32 s5;
	_ =	sdelay $0x1  }
0xa1: {  	s23 =	simm.s32 $0x1B8B  }
0xa2: {  	_ =	swait.ge [sflag:s23], $0x1  }
0xa3: {  	[sflag:s23] =	ssyncset.done $0x0  }
0xa4: {  	[sflag:s23] =	ssyncadd.s32 $0xFFFFFFFF  }
0xa5: {  	s5 =	sld [smem:$0x0]  }
0xa6: {  	s6 =	sand.u32 $0xFFFFFFFE, s1  }
0xa7: {  	p0 =	sne.s32 s1, s6  }
0xa8: {  	s6 =	sshll.u32 @p0 s6, $0xE  }
0xa9: {  	s6 =	sadd.s32 @p0 $0x11B8D, s6;
	s7 =	sshll.u32 @p0 s5, $0x11  }
0xaa: {  	s6 =	sor.u32 @p0 s7, s6  }
0xab: {  	[sflag:s6] =	ssyncadd.remote.s32 @p0 $0x1;
	_ =	sdelay $0x1  }
0xac: {  	s6 =	simm.s32 @p0 $0x1B8D  }
0xad: {  	_ =	swait.eq @p0 [sflag:s6], $0x1  }
0xae: {  	[sflag:s6] =	ssyncadd.s32 @p0 $0xFFFFFFFF  }
0xaf: {  	s7 =	sshll.u32 @!p0 s1, $0xE  }
0xb0: {  	s7 =	sor.u32 @!p0 $0x4000, s7;
	s6 =	simm.s32 @!p0 $0x1B8D  }
0xb1: {  	s5 =	sshll.u32 @!p0 s5, $0x11;
	s7 =	sadd.s32 @!p0 $0x11B8D, s7;
	_ =	swait.eq @!p0 [sflag:s6], $0x1  }
0xb2: {  	s5 =	sor.u32 @!p0 s5, s7;
	[sflag:s6] =	ssyncadd.s32 @!p0 $0xFFFFFFFF  }
0xb3: {  	s25 =	simm.s32 $0x1B8E;
	s24 =	sld [smem:$0x3FFE];
	[sflag:s5] =	ssyncadd.remote.s32 @!p0 $0x1  }
0xb4: {  	s26 =	simm.s32 $execute0_lowered;
	[smem:$0x3FD2] =	sst s25  }
0xb5: {  	s6 =	sshll.u32 s26, $0x1;
	_ =	strace $0x80000049;
	[dreg:$0x1] =	wrdreg $0xFFFFFFFF  }
0xb6: {  	s28 =	simm.s32 $_size_execute0_lowered;
	s4 =	sadd.s32 s4, s6;
	[dreg:$0x0] =	wrdreg $0x0  }
0xb7: {  	s6 =	sshll.u32 s28, $0x1;
	[dreg:$0x2] =	wrdreg s4  }
0xb8: {  	[dreg:$0x3] =	wrdreg s6  }
0xb9: {  	[dreg:$0x4] =	wrdreg $0xC0  }
0xba: {  	_ =	task [dreg:s22], $0x5FFFF  }
0xbb: {  	[dreg:$0x1] =	wrdreg $0xFFFFFFFF  }
0xbc: {  	[dreg:$0x0] =	wrdreg $0x60  }
0xbd: {  	[dreg:$0x2] =	wrdreg s18  }
0xbe: {  	[dreg:$0x3] =	wrdreg s24  }
0xbf: {  	[dreg:$0x4] =	wrdreg $0x9E200  }
0xc0: {  	[dreg:$0x5] =	wrdreg $0xB  }
0xc1: {  	_ =	task.clear_ibuf [dreg:s22], $0x6FFFF;
	_ =	strace $0x90000049  }
0xc2: {  	s29 =	simm.s32 $0xB;
	_ =	strace $0x8000004B  }
0xc3: {  	_ =	swait.ge [sflag:s29], $0x1  }
0xc4: {  	[sflag:s29] =	ssyncadd.s32 $0xFFFFFFFF  }
0xc5: {  	_ =	strace $0x9000004B  }
0xc6: {  	_ =	sfence  }
0xc7: {  	s30 =	sld [smem:$0x0];
	_ =	sdelay $0x2  }
0xc8: {  	s31 =	sshll.u32 s1, $0xD;
	s1 =	sshrl.u32 s1, $0x2  }
0xc9: {  	s4 =	sand.u32 $0x4000, s31;
	s1 =	sadd.s32 s1, s30  }
0xca: {  	s0 =	sor.u32 s4, s0;
	s1 =	sshll.u32 s1, $0x11  }
0xcb: {  	s0 =	sor.u32 s1, s0  }
0xcc: {  	s0 =	sadd.s32 $0x8F2B, s0  }
0xcd: {  	[sflag:s0] =	ssyncadd.remote.s32 $0x1  }
0xce: {  	_ =	sfence.sel $0xFFFF  }
0xcf: {  	[dreg:$0x0] =	wrdreg $0xFFFFFFFF;
	(pc) =	sbr.abs _section_cstart, $3  }
0xd0: {  	[dreg:$0x1] =	wrdreg $0xFFFFFFFF  }
0xd1: {  	_ =	task.clear_ibuf [dreg:s22], $0x2FFFF;
	_ =	strace $0x9FFFFFFF  }
0xd2: {  	(tm) =	ssettm $0x7FFFFFFF  }
0xd3: {  	_ =	shalt  }
tec
execute0_lowered:
.L_overlay_start_1:
0x0: {  	(tag) =	ssettag $0x1  }
0x1: {  	s1 =	rddreg [dreg:$0x0]  }
0x2: {  	s0 =	rddreg [dreg:$0x1]  }
0x3: {  	s3 =	rddreg [dreg:$0x2]  }
0x4: {  	s4 =	simm.s32 $0x0;
	s10 =	stileid.u32;
	s2 =	srdreg.scid  }
0x5: {  	s15 =	simm.s32 $0x5;
	s16 =	simm.s32 $0x50;
	s17 =	simm.s32 $0x4E20  }
0x6: {  	s18 =	simm.s32 $0xA0;
	s19 =	simm.s32 $0x7620;
	s20 =	simm.s32 $0x1  }
0x7: {  	s21 =	simm.s32 $0x3;
	s22 =	simm.s32 $0x2;
	s23 =	simm.s32 $0x4  }
0x8: {  	s24 =	simm.s32 $0x4C90;
	s28 =	simm.s32 $0x4DD0;
	s29 =	simm.s32 $0x6  }
0x9: {  	s30 =	simm.s32 $0x0;
	[smem:$0x7FF] =	sst s4;
	s5 =	smul.u32 $0x9C4, s10  }
0xa: {  	s2 =	sand.u32 $0x1, s2;
	s9 =	smul.u32 $0x13880, s10;
	s11 =	sshll.u32 s10, $0x6  }
0xb: {  	_ =	strace $0x8000004A;
	s6 =	ssub.s32 $0x2, s2;
	s13 =	sor.u32 $0x1C05, s11  }
0xc: {  	s7 =	sadd.s32 s5, s0;
	s8 =	sshrl.u32 s6, $0x1;
	s5 =	sadd.s32 $0x1AE00, s0  }
0xd: {  	s31 =	sadd.s32 s9, s3;
	s9 =	sshrl.u32 s9, $0x3;
	s25 =	ssub.s32 s6, s8  }
0xe: {  	s26 =	sadd.s32 $0x11000, s7;
	s7 =	sshll.u32 s2, $0x2;
	s8 =	smul.u32 $0x271, s10  }
0xf: {  	s14 =	sshrl.u32 s31, $0x3;
	[dreg:$0x4] =	wrdreg s26;
	s0 =	smax.u32 s25, $0x1  }
0x10: {  	s25 =	simm.s32 $0x4D80;
	s26 =	simm.s32 $0x4D30;
	[dreg:$0x5] =	wrdreg s0  }
.LBB2_1:
0x11: {  	s0 =	rddreg [dreg:$0x4];
	s12 =	simm.s32 $0x7  }
0x12: {  	[tilespmem:s4], [sflag:$0x7] =	stream.linear.gather [hbm4b:s0+s4], $0x4E20, $0x38;
	[tilespmem:$0x1D6A0] =	vst v63  }
0x13: {  	_ =	swait.ge [sflag:s12], $0x4E20  }
0x14: {  	[sflag:s12] =	ssyncset.done $0x0  }
0x15: {  	s31 =	simm.s32 $0x0;
	[sflag:s12] =	ssyncadd.s32 $0xFFFFB1E0  }
.LBB2_2:
0x16: {  	s0 =	sadd.s32 s7, s31  }
0x17: {  	s2 =	smul.u32 $0x27100, s0;
	_ =	sdelay $0x1  }
0x18: {  	s2 =	sadd.s32 s1, s2  }
0x19: {  	s6 =	sadd.s32 s9, s2  }
0x1a: {  	[spmem:s14], [sflag:s13] =	dma.local [hbm:s6], $0x2710  }
0x1b: {  	_ =	swait.ge [sflag:s15], $0x2710  }
0x1c: {  	[sflag:s15] =	ssyncset.done $0x0  }
0x1d: {  	[sflag:s15] =	ssyncadd.s32 $0xFFFFD8F0  }
0x1e: {  	[bflag:$0x0] =	sbarrier.arrive $0xFFFF  }
0x1f: {  	[tilespmem:s17], [sflag:$0x1] =	stream.indirect.gather [hbm4b:s2+s16], $0x80, s4, s16, $0xb8;
	[tilespmem:$0x1D6A0] =	vst v63  }
0x20: {  	_ = 	snop  }
0x21: {  	[tilespmem:s19], [sflag:$0x2] =	stream.indirect.gather [hbm4b:s2+s16], $0x80, s18, s16, $0xb8;
	[tilespmem:$0x1D6A0] =	vst v63  }
0x22: {  	_ =	swait.ge [sflag:s20], $0x2800  }
0x23: {  	[sflag:s20] =	ssyncset.done $0x0  }
0x24: {  	s12 =	simm.s32 $0x50;
	[sflag:s20] =	ssyncadd.s32 $0xFFFFD800  }
0x25: {  	[spmem:s3] =	stream.indirect.scatter.add.f32 [tilespmem:s17], [sflag:$0x3], $0x80, s12, s16, $0xb8;
	[tilespmem:$0x1D6A0] =	vst v63  }
0x26: {  	_ =	swait.ge [sflag:s21], $0x2800  }
0x27: {  	[sflag:s21] =	ssyncset.done $0x0  }
0x28: {  	s10 =	simm.s32 $0x140;
	[sflag:s21] =	ssyncadd.s32 $0xFFFFD800  }
0x29: {  	[tilespmem:s17], [sflag:$0x1] =	stream.indirect.gather [hbm4b:s2+s16], $0x80, s10, s16, $0xb8;
	[tilespmem:$0x1D6A0] =	vst v63  }
0x2a: {  	_ =	swait.ge [sflag:s22], $0x2800  }
0x2b: {  	[sflag:s22] =	ssyncset.done $0x0  }
0x2c: {  	s12 =	simm.s32 $0xF0;
	[sflag:s22] =	ssyncadd.s32 $0xFFFFD800  }
0x2d: {  	[spmem:s3] =	stream.indirect.scatter.add.f32 [tilespmem:s19], [sflag:$0x4], $0x80, s12, s16, $0xb8;
	[tilespmem:$0x1D6A0] =	vst v63  }
0x2e: {  	_ =	swait.ge [sflag:s23], $0x2800  }
0x2f: {  	[sflag:s23] =	ssyncset.done $0x0  }
0x30: {  	s6 =	simm.s32 $0xFFFED400;
	s10 =	simm.s32 $0x1E0;
	[sflag:s23] =	ssyncadd.s32 $0xFFFFD800  }
.LBB2_3:
0x31: {  	[tilespmem:s19], [sflag:$0x2] =	stream.indirect.gather [hbm4b:s2+s16], $0x80, s10, s16, $0xb8;
	[tilespmem:$0x1D6A0] =	vst v63  }
0x32: {  	s10 =	smov.u32 s6  }
0x33: {  	p0 =	sne.s32 s6, $0xFFFFFB00;
	s6 =	sadd.s32 $0x500, s6;
	_ =	swait.ge [sflag:s20], $0x2800  }
0x34: {  	s10 =	sshra.s32 s10, $0x2;
	[sflag:s20] =	ssyncset.done $0x0  }
0x35: {  	s12 =	sadd.s32 $0x4C90, s10;
	[sflag:s20] =	ssyncadd.s32 $0xFFFFD800  }
0x36: {  	[spmem:s3] =	stream.indirect.scatter.add.f32 [tilespmem:s17], [sflag:$0x3], $0x80, s12, s16, $0xb8;
	[tilespmem:$0x1D6A0] =	vst v63  }
0x37: {  	_ =	swait.ge [sflag:s21], $0x2800  }
0x38: {  	[sflag:s21] =	ssyncset.done $0x0  }
0x39: {  	s12 =	sadd.s32 $0x4D80, s10;
	[sflag:s21] =	ssyncadd.s32 $0xFFFFD800  }
0x3a: {  	[tilespmem:s17], [sflag:$0x1] =	stream.indirect.gather [hbm4b:s2+s16], $0x80, s12, s16, $0xb8;
	[tilespmem:$0x1D6A0] =	vst v63  }
0x3b: {  	_ =	swait.ge [sflag:s22], $0x2800  }
0x3c: {  	[sflag:s22] =	ssyncset.done $0x0  }
.Ltmp0:
0x3d: {  	s12 =	sadd.s32 $0x4D30, s10;
	[sflag:s22] =	ssyncadd.s32 $0xFFFFD800;
	(pc) =	sbr.rel @p0 .LBB2_3-.Ltmp0, $4  }
0x3e: {  	[spmem:s3] =	stream.indirect.scatter.add.f32 [tilespmem:s19], [sflag:$0x4], $0x80, s12, s16, $0xb8;
	[tilespmem:$0x1D6A0] =	vst v63  }
0x3f: {  	_ =	swait.ge [sflag:s23], $0x2800  }
0x40: {  	[sflag:s23] =	ssyncset.done $0x0  }
0x41: {  	s10 =	sadd.s32 $0x4E20, s10;
	[sflag:s23] =	ssyncadd.s32 $0xFFFFD800  }
0x42: {  	[tilespmem:s19], [sflag:$0x2] =	stream.indirect.gather [hbm4b:s2+s16], $0x80, s10, s16, $0xb8;
	[tilespmem:$0x1D6A0] =	vst v63  }
0x43: {  	_ =	swait.ge [sflag:s20], $0x2800  }
0x44: {  	[sflag:s20] =	ssyncset.done $0x0  }
0x45: {  	[sflag:s20] =	ssyncadd.s32 $0xFFFFD800  }
0x46: {  	[spmem:s3] =	stream.indirect.scatter.add.f32 [tilespmem:s17], [sflag:$0x3], $0x80, s24, s16, $0xb8;
	[tilespmem:$0x1D6A0] =	vst v63  }
0x47: {  	_ =	swait.ge [sflag:s21], $0x2800  }
0x48: {  	[sflag:s21] =	ssyncset.done $0x0  }
0x49: {  	[sflag:s21] =	ssyncadd.s32 $0xFFFFD800  }
0x4a: {  	[tilespmem:s17], [sflag:$0x1] =	stream.indirect.gather [hbm4b:s2+s16], $0x80, s25, s16, $0xb8;
	[tilespmem:$0x1D6A0] =	vst v63  }
0x4b: {  	_ =	swait.ge [sflag:s22], $0x2800  }
0x4c: {  	[sflag:s22] =	ssyncset.done $0x0  }
0x4d: {  	[sflag:s22] =	ssyncadd.s32 $0xFFFFD800  }
0x4e: {  	[spmem:s3] =	stream.indirect.scatter.add.f32 [tilespmem:s19], [sflag:$0x4], $0x80, s26, s16, $0xb8;
	[tilespmem:$0x1D6A0] =	vst v63  }
0x4f: {  	_ =	swait.ge [sflag:s23], $0x2800  }
0x50: {  	[sflag:s23] =	ssyncset.done $0x0  }
0x51: {  	[sflag:s23] =	ssyncadd.s32 $0xFFFFD800  }
0x52: {  	_ =	swait.ge [sflag:s20], $0x2800  }
0x53: {  	[sflag:s20] =	ssyncset.done $0x0  }
0x54: {  	s0 =	smul.u32 $0x2710, s0;
	[sflag:s20] =	ssyncadd.s32 $0xFFFFD800  }
0x55: {  	[spmem:s3] =	stream.indirect.scatter.add.f32 [tilespmem:s17], [sflag:$0x3], $0x80, s28, s16, $0xb8;
	[tilespmem:$0x1D6A0] =	vst v63  }
0x56: {  	_ =	swait.ge [sflag:s21], $0x2800  }
0x57: {  	s12 =	sor.u32 $0x1C06, s11;
	s0 =	sadd.s32 s8, s0;
	[sflag:s21] =	ssyncset.done $0x0  }
0x58: {  	s31 =	sadd.s32 $0x1, s31;
	s0 =	sshll.u32 s0, $0x4;
	[sflag:s21] =	ssyncadd.s32 $0xFFFFD800  }
0x59: {  	p0 =	sne.s32 s31, $0x4;
	s0 =	sadd.s32 s5, s0;
	[bflag:$0x0] =	sbarrier.arrive $0xFFFF  }
0x5a: {  	[hbm:s0], [sflag:s12] =	dma.local [spmem:s14], $0x2710  }
.Ltmp1:
0x5b: {  	_ =	swait.ge [sflag:s29], $0x2710;
	(pc) =	sbr.rel @p0 .LBB2_2-.Ltmp1, $3  }
0x5c: {  	[sflag:s29] =	ssyncset.done $0x0  }
0x5d: {  	[sflag:s29] =	ssyncadd.s32 $0xFFFFD8F0  }
0x5e: {  	[bflag:$0x0] =	sbarrier.arrive $0xFFFF;
	_ =	sdelay $0x1  }
0x5f: {  	s30 =	sadd.s32 $0x1, s30;
	s0 =	rddreg [dreg:$0x5]  }
0x60: {  	p0 =	sne.s32 s30, s0  }
.Ltmp2:
0x61: {  	_ = 	snop;
	(pc) =	sbr.rel @p0 .LBB2_1-.Ltmp2, $1  }
0x62: {  	_ =	sdelay $0x3  }
0x63: {  	_ =	sfence.sel $0x180000  }
0x64: {  	[bflag:$0x0] =	sbarrier.arrive $0xFFFF  }
0x65: {  	_ =	strace $0x9000004A  }
0x66: {  	s0 =	stileid.u32;
	[bflag:$0x2] =	sbarrier.arrive $0xFFFF  }
0x67: {  	p0 =	sne.s32 s0, $0x0;
	s0 =	rddreg [dreg:$0x3]  }
0x68: {  	s0 =	sadd.s32 @!p0 $0x100000, s0  }
0x69: {  	[sflag:s0] =	ssyncadd.tile.s32 @!p0 $0x1;
	_ =	shalt  }
.Lfunc_end2:
_tile_overlayer_lowered:
.L_overlay_start_2:
0x6a: {  	(tag) =	ssettag $0x2  }
0x6b: {  	s0 =	rddreg [dreg:$0x0];
	s2 =	stileid.u32  }
0x6c: {  	s1 =	rddreg [dreg:$0x1];
	p0 =	sne.s32 s2, $0x0  }
0x6d: {  	s3 =	rddreg [dreg:$0x2];
	[bflag:$0x3] =	sbarrier.arrive $0xFFFF;
	s2 =	simm.s32 @!p0 $0x1C07  }
0x6e: {  	[timem:s3], [sflag:s2] =	dma.local @!p0 [hbm:s0], s1  }
0x6f: {  	s0 =	simm.s32 @!p0 $0x7  }
0x70: {  	_ =	swait.ge @!p0 [sflag:s0], s1  }
0x71: {  	s1 =	ssub.s32 @!p0 $0x0, s1;
	[sflag:s0] =	ssyncset.done @!p0 $0x0  }
0x72: {  	[sflag:s0] =	ssyncadd.s32 @!p0 s1  }
0x73: {  	[bflag:$0x3] =	sbarrier.arrive $0xFFFF  }
0x74: {  	_ =	shalt  }

// kernel: kernel.20.cloned.1.call-start
scs
__scs_entry_jumppad:
0x0: {  	(pc) =	sbr.rel $0x88, $3  }
0x1: {  	(tag) =	ssettag $0x0;
	lr =	simm.s32 $0x1  }
0x2: {  	[smem:$0x3F83] =	sst lr;
	_ =	strace $0xD0000000  }
0x3: {  	_ = 	snop  }
0x4: {  	_ = 	snop  }
0x5: {  	_ = 	snop  }
0x6: {  	_ = 	snop  }
0x7: {  	_ = 	snop  }
__scs_overlays_trampoline_lowered:
0x8: {  	[smem:$0x3F92] =	sst s0  }
0x9: {  	[smem:$0x3F93] =	sst s1  }
0xa: {  	[smem:$0x3F94] =	sst s2  }
0xb: {  	[smem:$0x3F95] =	sst s3  }
0xc: {  	[smem:$0x3F96] =	sst s4  }
0xd: {  	[smem:$0x3F97] =	sst s5  }
0xe: {  	[smem:$0x3F98] =	sst s6  }
0xf: {  	[smem:$0x3F99] =	sst s7  }
0x10: {  	[smem:$0x3F9A] =	sst s8  }
0x11: {  	[smem:$0x3F9B] =	sst s9;
	s0 =	simm.s32 @!p0 $0x0  }
0x12: {  	s1 =	sld [smem:$0x3F81];
	s0 =	simm.s32 @p0 $0x1  }
0x13: {  	[smem:$0x3F9C] =	sst s0;
	s0 =	simm.s32 @!p1 $0x0  }
0x14: {  	s2 =	sld [smem:$0x3F80];
	s0 =	simm.s32 @p1 $0x1  }
0x15: {  	[smem:$0x3F9D] =	sst s0;
	s0 =	simm.s32 @!p2 $0x0  }
0x16: {  	s3 =	sld [smem:$0x3FDB];
	s0 =	simm.s32 @p2 $0x1  }
0x17: {  	s4 =	simm.s32 $0x1BF5;
	[smem:$0x3F9F] =	sst s0  }
0x18: {  	s0 =	sld [smem:$0x3F82];
	_ =	swait.ge [sflag:s4], $0x0  }
0x19: {  	s7 =	sld [smem:$0x3F83]  }
0x1a: {  	s8 =	sadd.s32 $0xFFFFE003, lr  }
0x1b: {  	s9 =	sadd.s32 $0xFFFFFEF7, lr;
	s5 =	simm.s32 $0xFFFFFFFF;
	p2 =	slt.u32 s8, $0xFFFFF086  }
0x1c: {  	p1 =	slt.u32 s9, $0xF7A;
	s5 =	simm.s32 @!p2 $0x0  }
0x1d: {  	s5 =	simm.s32 @p1 $0x1;
	p0 =	seq.s32 s7, s2  }
0x1e: {  	s7 =	smul.u32 @!p0 $0xF7A, s2;
	p2 =	seq.s32 @!p0 s5, $0x0  }
0x1f: {  	s9 =	smul.u32 $0xF7A, s1;
	s8 =	simm.s32 @!p0 $0x1BF5;
	p2 =	por !p2, p0  }
0x20: {  	[sflag:s8] =	ssyncset.s32 @!p0 $0xFFFFF086;
	s6 =	sadd.s32 @!p0 s3, s7;
	s7 =	simm.s32 @!p0 $0x108  }
0x21: {  	s3 =	sadd.s32 s3, s9;
	s6 =	sadd.s32 @!p0 $0x88, s6;
	s7 =	simm.s32 @p2 $0x1082  }
0x22: {  	[simem:s7], [sflag:s8] =	dma.local @!p0 [hbm:s6], $0xF7A  }
0x23: {  	s9 =	sor.u32 $0xD0000000, s2;
	s6 =	simm.s32 $0x108;
	_ =	swait.ge @!p0 [sflag:s8], $0x0  }
0x24: {  	s3 =	sadd.s32 $0x88, s3;
	s6 =	simm.s32 @!p1 $0x1082;
	[sflag:s4] =	ssyncset.s32 $0xFFFFF086  }
0x25: {  	[simem:s6], [sflag:s4] =	dma.local [hbm:s3], $0xF7A  }
0x26: {  	[smem:$0x3F83] =	sst s1;
	(tag) =	ssettag s2;
	_ =	strace s9  }
0x27: {  	s1 =	sld [smem:$0x3F93]  }
0x28: {  	s2 =	sld [smem:$0x3F94]  }
0x29: {  	s4 =	sld [smem:$0x3F96]  }
0x2a: {  	p0 =	seq.s32 s5, $0x0;
	s5 =	sld [smem:$0x3F97]  }
0x2b: {  	s6 =	sld [smem:$0x3F98]  }
0x2c: {  	s7 =	sld [smem:$0x3F99]  }
0x2d: {  	s3 =	simm.s32 $0x108;
	s8 =	sld [smem:$0x3F9A]  }
0x2e: {  	s3 =	simm.s32 @!p0 $0x1082;
	s9 =	sld [smem:$0x3F9B]  }
0x2f: {  	lr =	sadd.s32 s0, s3;
	s0 =	sld [smem:$0x3F92]  }
0x30: {  	s3 =	sld [smem:$0x3F95]  }
0x31: {  	[smem:$0x3F9E] =	sst s10  }
0x32: {  	s10 =	sld [smem:$0x3F9C];
	_ =	sdelay $0x3  }
0x33: {  	p0 =	seq.s32 s10, $0x1;
	s10 =	sld [smem:$0x3F9E];
	_ =	sdelay $0x3  }
0x34: {  	[smem:$0x3F9E] =	sst s10  }
0x35: {  	s10 =	sld [smem:$0x3F9D];
	_ =	sdelay $0x3  }
0x36: {  	p1 =	seq.s32 s10, $0x1;
	s10 =	sld [smem:$0x3F9E];
	_ =	sdelay $0x3  }
0x37: {  	[smem:$0x3F9E] =	sst s10  }
0x38: {  	s10 =	sld [smem:$0x3F9F]  }
0x39: {  	_ = 	snop;
	(pc) =	sbr.ind lr, $3  }
0x3a: {  	_ = 	snop  }
0x3b: {  	_ = 	snop  }
0x3c: {  	p2 =	seq.s32 s10, $0x1;
	s10 =	sld [smem:$0x3F9E]  }
0x3d: {  	_ =	shalt  }
0x3e: {  	_ =	shalt  }
0x3f: {  	_ =	shalt  }
0x40: {  	_ =	shalt  }
0x41: {  	_ =	shalt  }
0x42: {  	_ =	shalt  }
0x43: {  	_ =	shalt  }
0x44: {  	_ =	shalt  }
0x45: {  	_ =	shalt  }
0x46: {  	_ =	shalt  }
0x47: {  	_ =	shalt  }
0x48: {  	_ =	shalt  }
0x49: {  	_ =	shalt  }
0x4a: {  	_ =	shalt  }
0x4b: {  	_ =	shalt  }
0x4c: {  	_ =	shalt  }
0x4d: {  	_ =	shalt  }
0x4e: {  	_ =	shalt  }
0x4f: {  	_ =	shalt  }
0x50: {  	_ =	shalt  }
0x51: {  	_ =	shalt  }
0x52: {  	_ =	shalt  }
0x53: {  	_ =	shalt  }
0x54: {  	_ =	shalt  }
0x55: {  	_ =	shalt  }
0x56: {  	_ =	shalt  }
0x57: {  	_ =	shalt  }
0x58: {  	_ =	shalt  }
0x59: {  	_ =	shalt  }
0x5a: {  	_ =	shalt  }
0x5b: {  	_ =	shalt  }
0x5c: {  	_ =	shalt  }
0x5d: {  	_ =	shalt  }
0x5e: {  	_ =	shalt  }
0x5f: {  	_ =	shalt  }
0x60: {  	_ =	shalt  }
0x61: {  	_ =	shalt  }
0x62: {  	_ =	shalt  }
0x63: {  	_ =	shalt  }
0x64: {  	_ =	shalt  }
0x65: {  	_ =	shalt  }
0x66: {  	_ =	shalt  }
0x67: {  	_ =	shalt  }
0x68: {  	_ =	shalt  }
0x69: {  	_ =	shalt  }
0x6a: {  	_ =	shalt  }
0x6b: {  	_ =	shalt  }
0x6c: {  	_ =	shalt  }
0x6d: {  	_ =	shalt  }
0x6e: {  	_ =	shalt  }
0x6f: {  	_ =	shalt  }
0x70: {  	_ =	shalt  }
0x71: {  	_ =	shalt  }
0x72: {  	_ =	shalt  }
0x73: {  	_ =	shalt  }
0x74: {  	_ =	shalt  }
0x75: {  	_ =	shalt  }
0x76: {  	_ =	shalt  }
0x77: {  	_ =	shalt  }
0x78: {  	_ =	shalt  }
0x79: {  	_ =	shalt  }
0x7a: {  	_ =	shalt  }
0x7b: {  	_ =	shalt  }
0x7c: {  	_ =	shalt  }
0x7d: {  	_ =	shalt  }
0x7e: {  	_ =	shalt  }
0x7f: {  	_ =	shalt  }
0x80: {  	_ =	shalt  }
0x81: {  	_ =	shalt  }
0x82: {  	_ =	shalt  }
0x83: {  	_ =	shalt  }
0x84: {  	_ =	shalt  }
0x85: {  	_ =	shalt  }
0x86: {  	_ =	shalt  }
0x87: {  	_ =	shalt  }
.Lfunc_end0:
.L_simem_size_0:
called_computation.2_lowered:
.L_overlay_start_0:
0x88: {  	s2 =	sld [smem:$0x3FD9]  }
0x89: {  	s3 =	sld [smem:$0x3FFE];
	_ =	sdelay $0x1  }
0x8a: {  	s1 =	srdreg.scid  }
0x8b: {  	s0 =	sand.u32 $0x1, s1  }
0x8c: {  	s17 =	sshll.u32 s0, $0xA;
	s2 =	sadd.s32 s3, s2  }
0x8d: {  	s2 =	sadd.s32 s2, s17  }
0x8e: {  	[smem:$0x3FAA] =	sst s2  }
0x8f: {  	_ = 	snop  }
0x90: {  	s18 =	sld [smem:$0x3FC9];
	(tm) =	ssettm $0x1  }
0x91: {  	s19 =	sld [smem:$0x3FFB];
	_ =	sdelay $0x3  }
0x92: {  	_ =	strace s19  }
0x93: {  	s2 =	sld [smem:$0x3FFC];
	_ =	sdelay $0x3  }
0x94: {  	_ =	strace s2  }
0x95: {  	s2 =	sld [smem:$0x3FFD];
	_ =	sdelay $0x3  }
0x96: {  	_ =	strace s2  }
0x97: {  	_ =	strace $0x8FFFFFFF  }
0x98: {  	s20 =	sld [smem:$0x3FDB];
	_ =	sdelay $0x1  }
0x99: {  	s4 =	simm.s32 $_scs_section_size  }
0x9a: {  	s5 =	simm.s32 $_size__tile_overlayer_lowered;
	s6 =	simm.s32 $_tile_overlayer_lowered  }
0x9b: {  	s7 =	simm.s32 $0x1BFF;
	s21 =	sshll.u32 s6, $0x1;
	s4 =	sadd.s32 s4, s20  }
0x9c: {  	s22 =	simm.s32 $0x0;
	s5 =	sshll.u32 s5, $0x1;
	s6 =	sadd.s32 s21, s4  }
0x9d: {  	[timem:s22], [sflag:s7] =	dma.local [hbm:s6], s5  }
0x9e: {  	_ =	swait.ge [sflag:s7], s5  }
0x9f: {  	s5 =	ssub.s32 $0x0, s5;
	[sflag:s7] =	ssyncset.done $0x0  }
0xa0: {  	[sflag:s7] =	ssyncadd.s32 s5;
	_ =	sdelay $0x1  }
0xa1: {  	s23 =	simm.s32 $0x1B8B  }
0xa2: {  	_ =	swait.ge [sflag:s23], $0x1  }
0xa3: {  	[sflag:s23] =	ssyncset.done $0x0  }
0xa4: {  	[sflag:s23] =	ssyncadd.s32 $0xFFFFFFFF  }
0xa5: {  	s5 =	sld [smem:$0x0]  }
0xa6: {  	s6 =	sand.u32 $0xFFFFFFFE, s1  }
0xa7: {  	p0 =	sne.s32 s1, s6  }
0xa8: {  	s6 =	sshll.u32 @p0 s6, $0xE  }
0xa9: {  	s6 =	sadd.s32 @p0 $0x11B8D, s6;
	s7 =	sshll.u32 @p0 s5, $0x11  }
0xaa: {  	s6 =	sor.u32 @p0 s7, s6  }
0xab: {  	[sflag:s6] =	ssyncadd.remote.s32 @p0 $0x1;
	_ =	sdelay $0x1  }
0xac: {  	s6 =	simm.s32 @p0 $0x1B8D  }
0xad: {  	_ =	swait.eq @p0 [sflag:s6], $0x1  }
0xae: {  	[sflag:s6] =	ssyncadd.s32 @p0 $0xFFFFFFFF  }
0xaf: {  	s7 =	sshll.u32 @!p0 s1, $0xE  }
0xb0: {  	s7 =	sor.u32 @!p0 $0x4000, s7;
	s6 =	simm.s32 @!p0 $0x1B8D  }
0xb1: {  	s5 =	sshll.u32 @!p0 s5, $0x11;
	s7 =	sadd.s32 @!p0 $0x11B8D, s7;
	_ =	swait.eq @!p0 [sflag:s6], $0x1  }
0xb2: {  	s5 =	sor.u32 @!p0 s5, s7;
	[sflag:s6] =	ssyncadd.s32 @!p0 $0xFFFFFFFF  }
0xb3: {  	s25 =	simm.s32 $0x1B8E;
	s24 =	sld [smem:$0x3FFE];
	[sflag:s5] =	ssyncadd.remote.s32 @!p0 $0x1  }
0xb4: {  	s26 =	simm.s32 $execute0_lowered;
	[smem:$0x3FD2] =	sst s25  }
0xb5: {  	s6 =	sshll.u32 s26, $0x1;
	_ =	strace $0x8000004C;
	[dreg:$0x1] =	wrdreg $0xFFFFFFFF  }
0xb6: {  	s28 =	simm.s32 $_size_execute0_lowered;
	s4 =	sadd.s32 s4, s6;
	[dreg:$0x0] =	wrdreg $0x0  }
0xb7: {  	s6 =	sshll.u32 s28, $0x1;
	[dreg:$0x2] =	wrdreg s4  }
0xb8: {  	[dreg:$0x3] =	wrdreg s6  }
0xb9: {  	[dreg:$0x4] =	wrdreg $0xC0  }
0xba: {  	_ =	task [dreg:s22], $0x5FFFF  }
0xbb: {  	[dreg:$0x1] =	wrdreg $0xFFFFFFFF  }
0xbc: {  	[dreg:$0x0] =	wrdreg $0x60  }
0xbd: {  	[dreg:$0x2] =	wrdreg s18  }
0xbe: {  	[dreg:$0x3] =	wrdreg s24  }
0xbf: {  	[dreg:$0x4] =	wrdreg $0x9E200  }
0xc0: {  	[dreg:$0x5] =	wrdreg $0x9  }
0xc1: {  	_ =	task.clear_ibuf [dreg:s22], $0x6FFFF;
	_ =	strace $0x9000004C  }
0xc2: {  	s29 =	simm.s32 $0x9;
	_ =	strace $0x8000004E  }
0xc3: {  	_ =	swait.ge [sflag:s29], $0x1  }
0xc4: {  	[sflag:s29] =	ssyncadd.s32 $0xFFFFFFFF  }
0xc5: {  	_ =	strace $0x9000004E  }
0xc6: {  	_ =	sfence  }
0xc7: {  	s30 =	sld [smem:$0x0];
	_ =	sdelay $0x2  }
0xc8: {  	s31 =	sshll.u32 s1, $0xD;
	s1 =	sshrl.u32 s1, $0x2  }
0xc9: {  	s4 =	sand.u32 $0x4000, s31;
	s1 =	sadd.s32 s1, s30  }
0xca: {  	s0 =	sor.u32 s4, s0;
	s1 =	sshll.u32 s1, $0x11  }
0xcb: {  	s0 =	sor.u32 s1, s0  }
0xcc: {  	s0 =	sadd.s32 $0x8F2B, s0  }
0xcd: {  	[sflag:s0] =	ssyncadd.remote.s32 $0x1  }
0xce: {  	_ =	sfence.sel $0xFFFF  }
0xcf: {  	[dreg:$0x0] =	wrdreg $0xFFFFFFFF;
	(pc) =	sbr.abs _section_cstart, $3  }
0xd0: {  	[dreg:$0x1] =	wrdreg $0xFFFFFFFF  }
0xd1: {  	_ =	task.clear_ibuf [dreg:s22], $0x2FFFF;
	_ =	strace $0x9FFFFFFF  }
0xd2: {  	(tm) =	ssettm $0x7FFFFFFF  }
0xd3: {  	_ =	shalt  }
tec
execute0_lowered:
.L_overlay_start_1:
0x0: {  	(tag) =	ssettag $0x1  }
0x1: {  	s1 =	rddreg [dreg:$0x0]  }
0x2: {  	s0 =	rddreg [dreg:$0x1]  }
0x3: {  	s3 =	rddreg [dreg:$0x2]  }
0x4: {  	s4 =	simm.s32 $0x0;
	s10 =	stileid.u32;
	s2 =	srdreg.scid  }
0x5: {  	s15 =	simm.s32 $0x5;
	s16 =	simm.s32 $0x50;
	s17 =	simm.s32 $0x4E20  }
0x6: {  	s18 =	simm.s32 $0xA0;
	s19 =	simm.s32 $0x7620;
	s20 =	simm.s32 $0x1  }
0x7: {  	s21 =	simm.s32 $0x3;
	s22 =	simm.s32 $0x2;
	s23 =	simm.s32 $0x4  }
0x8: {  	s24 =	simm.s32 $0x4C90;
	s28 =	simm.s32 $0x4DD0;
	s29 =	simm.s32 $0x6  }
0x9: {  	s30 =	simm.s32 $0x0;
	[smem:$0x7FF] =	sst s4;
	s5 =	smul.u32 $0x9C4, s10  }
0xa: {  	s2 =	sand.u32 $0x1, s2;
	s9 =	smul.u32 $0x13880, s10;
	s11 =	sshll.u32 s10, $0x6  }
0xb: {  	_ =	strace $0x8000004D;
	s6 =	ssub.s32 $0x2, s2;
	s13 =	sor.u32 $0x1C05, s11  }
0xc: {  	s7 =	sadd.s32 s5, s0;
	s8 =	sshrl.u32 s6, $0x1;
	s5 =	sadd.s32 $0x153600, s0  }
0xd: {  	s31 =	sadd.s32 s9, s3;
	s9 =	sshrl.u32 s9, $0x3;
	s25 =	ssub.s32 s6, s8  }
0xe: {  	s26 =	sadd.s32 $0x11000, s7;
	s7 =	sshll.u32 s2, $0x2;
	s8 =	smul.u32 $0x271, s10  }
0xf: {  	s14 =	sshrl.u32 s31, $0x3;
	[dreg:$0x4] =	wrdreg s26;
	s0 =	smax.u32 s25, $0x1  }
0x10: {  	s25 =	simm.s32 $0x4D80;
	s26 =	simm.s32 $0x4D30;
	[dreg:$0x5] =	wrdreg s0  }
.LBB2_1:
0x11: {  	s0 =	rddreg [dreg:$0x4];
	s12 =	simm.s32 $0x7  }
0x12: {  	[tilespmem:s4], [sflag:$0x7] =	stream.linear.gather [hbm4b:s0+s4], $0x4E20, $0x38;
	[tilespmem:$0x1D6A0] =	vst v63  }
0x13: {  	_ =	swait.ge [sflag:s12], $0x4E20  }
0x14: {  	[sflag:s12] =	ssyncset.done $0x0  }
0x15: {  	s31 =	simm.s32 $0x0;
	[sflag:s12] =	ssyncadd.s32 $0xFFFFB1E0  }
.LBB2_2:
0x16: {  	s0 =	sadd.s32 s7, s31  }
0x17: {  	s2 =	smul.u32 $0x138800, s0;
	_ =	sdelay $0x1  }
0x18: {  	s2 =	sshrl.u32 s2, $0x3  }
0x19: {  	s2 =	sadd.s32 s1, s2  }
0x1a: {  	s2 =	sadd.s32 $0x138800, s2  }
0x1b: {  	s6 =	sadd.s32 s9, s2  }
0x1c: {  	[spmem:s14], [sflag:s13] =	dma.local [hbm:s6], $0x2710  }
0x1d: {  	_ =	swait.ge [sflag:s15], $0x2710  }
0x1e: {  	[sflag:s15] =	ssyncset.done $0x0  }
0x1f: {  	[sflag:s15] =	ssyncadd.s32 $0xFFFFD8F0  }
0x20: {  	[bflag:$0x0] =	sbarrier.arrive $0xFFFF  }
0x21: {  	[tilespmem:s17], [sflag:$0x1] =	stream.indirect.gather [hbm4b:s2+s16], $0x80, s4, s16, $0xb8;
	[tilespmem:$0x1D6A0] =	vst v63  }
0x22: {  	_ = 	snop  }
0x23: {  	[tilespmem:s19], [sflag:$0x2] =	stream.indirect.gather [hbm4b:s2+s16], $0x80, s18, s16, $0xb8;
	[tilespmem:$0x1D6A0] =	vst v63  }
0x24: {  	_ =	swait.ge [sflag:s20], $0x2800  }
0x25: {  	[sflag:s20] =	ssyncset.done $0x0  }
0x26: {  	s12 =	simm.s32 $0x50;
	[sflag:s20] =	ssyncadd.s32 $0xFFFFD800  }
0x27: {  	[spmem:s3] =	stream.indirect.scatter.add.f32 [tilespmem:s17], [sflag:$0x3], $0x80, s12, s16, $0xb8;
	[tilespmem:$0x1D6A0] =	vst v63  }
0x28: {  	_ =	swait.ge [sflag:s21], $0x2800  }
0x29: {  	[sflag:s21] =	ssyncset.done $0x0  }
0x2a: {  	s10 =	simm.s32 $0x140;
	[sflag:s21] =	ssyncadd.s32 $0xFFFFD800  }
0x2b: {  	[tilespmem:s17], [sflag:$0x1] =	stream.indirect.gather [hbm4b:s2+s16], $0x80, s10, s16, $0xb8;
	[tilespmem:$0x1D6A0] =	vst v63  }
0x2c: {  	_ =	swait.ge [sflag:s22], $0x2800  }
0x2d: {  	[sflag:s22] =	ssyncset.done $0x0  }
0x2e: {  	s12 =	simm.s32 $0xF0;
	[sflag:s22] =	ssyncadd.s32 $0xFFFFD800  }
0x2f: {  	[spmem:s3] =	stream.indirect.scatter.add.f32 [tilespmem:s19], [sflag:$0x4], $0x80, s12, s16, $0xb8;
	[tilespmem:$0x1D6A0] =	vst v63  }
0x30: {  	_ =	swait.ge [sflag:s23], $0x2800  }
0x31: {  	[sflag:s23] =	ssyncset.done $0x0  }
0x32: {  	s6 =	simm.s32 $0xFFFED400;
	s10 =	simm.s32 $0x1E0;
	[sflag:s23] =	ssyncadd.s32 $0xFFFFD800  }
.LBB2_3:
0x33: {  	[tilespmem:s19], [sflag:$0x2] =	stream.indirect.gather [hbm4b:s2+s16], $0x80, s10, s16, $0xb8;
	[tilespmem:$0x1D6A0] =	vst v63  }
0x34: {  	s10 =	smov.u32 s6  }
0x35: {  	p0 =	sne.s32 s6, $0xFFFFFB00;
	s6 =	sadd.s32 $0x500, s6;
	_ =	swait.ge [sflag:s20], $0x2800  }
0x36: {  	s10 =	sshra.s32 s10, $0x2;
	[sflag:s20] =	ssyncset.done $0x0  }
0x37: {  	s12 =	sadd.s32 $0x4C90, s10;
	[sflag:s20] =	ssyncadd.s32 $0xFFFFD800  }
0x38: {  	[spmem:s3] =	stream.indirect.scatter.add.f32 [tilespmem:s17], [sflag:$0x3], $0x80, s12, s16, $0xb8;
	[tilespmem:$0x1D6A0] =	vst v63  }
0x39: {  	_ =	swait.ge [sflag:s21], $0x2800  }
0x3a: {  	[sflag:s21] =	ssyncset.done $0x0  }
0x3b: {  	s12 =	sadd.s32 $0x4D80, s10;
	[sflag:s21] =	ssyncadd.s32 $0xFFFFD800  }
0x3c: {  	[tilespmem:s17], [sflag:$0x1] =	stream.indirect.gather [hbm4b:s2+s16], $0x80, s12, s16, $0xb8;
	[tilespmem:$0x1D6A0] =	vst v63  }
0x3d: {  	_ =	swait.ge [sflag:s22], $0x2800  }
0x3e: {  	[sflag:s22] =	ssyncset.done $0x0  }
.Ltmp0:
0x3f: {  	s12 =	sadd.s32 $0x4D30, s10;
	[sflag:s22] =	ssyncadd.s32 $0xFFFFD800;
	(pc) =	sbr.rel @p0 .LBB2_3-.Ltmp0, $4  }
0x40: {  	[spmem:s3] =	stream.indirect.scatter.add.f32 [tilespmem:s19], [sflag:$0x4], $0x80, s12, s16, $0xb8;
	[tilespmem:$0x1D6A0] =	vst v63  }
0x41: {  	_ =	swait.ge [sflag:s23], $0x2800  }
0x42: {  	[sflag:s23] =	ssyncset.done $0x0  }
0x43: {  	s10 =	sadd.s32 $0x4E20, s10;
	[sflag:s23] =	ssyncadd.s32 $0xFFFFD800  }
0x44: {  	[tilespmem:s19], [sflag:$0x2] =	stream.indirect.gather [hbm4b:s2+s16], $0x80, s10, s16, $0xb8;
	[tilespmem:$0x1D6A0] =	vst v63  }
0x45: {  	_ =	swait.ge [sflag:s20], $0x2800  }
0x46: {  	[sflag:s20] =	ssyncset.done $0x0  }
0x47: {  	[sflag:s20] =	ssyncadd.s32 $0xFFFFD800  }
0x48: {  	[spmem:s3] =	stream.indirect.scatter.add.f32 [tilespmem:s17], [sflag:$0x3], $0x80, s24, s16, $0xb8;
	[tilespmem:$0x1D6A0] =	vst v63  }
0x49: {  	_ =	swait.ge [sflag:s21], $0x2800  }
0x4a: {  	[sflag:s21] =	ssyncset.done $0x0  }
0x4b: {  	[sflag:s21] =	ssyncadd.s32 $0xFFFFD800  }
0x4c: {  	[tilespmem:s17], [sflag:$0x1] =	stream.indirect.gather [hbm4b:s2+s16], $0x80, s25, s16, $0xb8;
	[tilespmem:$0x1D6A0] =	vst v63  }
0x4d: {  	_ =	swait.ge [sflag:s22], $0x2800  }
0x4e: {  	[sflag:s22] =	ssyncset.done $0x0  }
0x4f: {  	[sflag:s22] =	ssyncadd.s32 $0xFFFFD800  }
0x50: {  	[spmem:s3] =	stream.indirect.scatter.add.f32 [tilespmem:s19], [sflag:$0x4], $0x80, s26, s16, $0xb8;
	[tilespmem:$0x1D6A0] =	vst v63  }
0x51: {  	_ =	swait.ge [sflag:s23], $0x2800  }
0x52: {  	[sflag:s23] =	ssyncset.done $0x0  }
0x53: {  	[sflag:s23] =	ssyncadd.s32 $0xFFFFD800  }
0x54: {  	_ =	swait.ge [sflag:s20], $0x2800  }
0x55: {  	[sflag:s20] =	ssyncset.done $0x0  }
0x56: {  	s0 =	smul.u32 $0x2710, s0;
	[sflag:s20] =	ssyncadd.s32 $0xFFFFD800  }
0x57: {  	[spmem:s3] =	stream.indirect.scatter.add.f32 [tilespmem:s17], [sflag:$0x3], $0x80, s28, s16, $0xb8;
	[tilespmem:$0x1D6A0] =	vst v63  }
0x58: {  	_ =	swait.ge [sflag:s21], $0x2800  }
0x59: {  	s12 =	sor.u32 $0x1C06, s11;
	s0 =	sadd.s32 s8, s0;
	[sflag:s21] =	ssyncset.done $0x0  }
0x5a: {  	s31 =	sadd.s32 $0x1, s31;
	s0 =	sshll.u32 s0, $0x4;
	[sflag:s21] =	ssyncadd.s32 $0xFFFFD800  }
0x5b: {  	p0 =	sne.s32 s31, $0x4;
	s0 =	sadd.s32 s5, s0;
	[bflag:$0x0] =	sbarrier.arrive $0xFFFF  }
0x5c: {  	[hbm:s0], [sflag:s12] =	dma.local [spmem:s14], $0x2710  }
.Ltmp1:
0x5d: {  	_ =	swait.ge [sflag:s29], $0x2710;
	(pc) =	sbr.rel @p0 .LBB2_2-.Ltmp1, $3  }
0x5e: {  	[sflag:s29] =	ssyncset.done $0x0  }
0x5f: {  	[sflag:s29] =	ssyncadd.s32 $0xFFFFD8F0  }
0x60: {  	[bflag:$0x0] =	sbarrier.arrive $0xFFFF;
	_ =	sdelay $0x1  }
0x61: {  	s30 =	sadd.s32 $0x1, s30;
	s0 =	rddreg [dreg:$0x5]  }
0x62: {  	p0 =	sne.s32 s30, s0  }
.Ltmp2:
0x63: {  	_ = 	snop;
	(pc) =	sbr.rel @p0 .LBB2_1-.Ltmp2, $1  }
0x64: {  	_ =	sdelay $0x3  }
0x65: {  	_ =	sfence.sel $0x180000  }
0x66: {  	[bflag:$0x0] =	sbarrier.arrive $0xFFFF  }
0x67: {  	_ =	strace $0x9000004D  }
0x68: {  	s0 =	stileid.u32;
	[bflag:$0x2] =	sbarrier.arrive $0xFFFF  }
0x69: {  	p0 =	sne.s32 s0, $0x0;
	s0 =	rddreg [dreg:$0x3]  }
0x6a: {  	s0 =	sadd.s32 @!p0 $0x100000, s0  }
0x6b: {  	[sflag:s0] =	ssyncadd.tile.s32 @!p0 $0x1;
	_ =	shalt  }
.Lfunc_end2:
_tile_overlayer_lowered:
.L_overlay_start_2:
0x6c: {  	(tag) =	ssettag $0x2  }
0x6d: {  	s0 =	rddreg [dreg:$0x0];
	s2 =	stileid.u32  }
0x6e: {  	s1 =	rddreg [dreg:$0x1];
	p0 =	sne.s32 s2, $0x0  }
0x6f: {  	s3 =	rddreg [dreg:$0x2];
	[bflag:$0x3] =	sbarrier.arrive $0xFFFF;
	s2 =	simm.s32 @!p0 $0x1C07  }
0x70: {  	[timem:s3], [sflag:s2] =	dma.local @!p0 [hbm:s0], s1  }
0x71: {  	s0 =	simm.s32 @!p0 $0x7  }
0x72: {  	_ =	swait.ge @!p0 [sflag:s0], s1  }
0x73: {  	s1 =	ssub.s32 @!p0 $0x0, s1;
	[sflag:s0] =	ssyncset.done @!p0 $0x0  }
0x74: {  	[sflag:s0] =	ssyncadd.s32 @!p0 s1  }
0x75: {  	[bflag:$0x3] =	sbarrier.arrive $0xFFFF  }
0x76: {  	_ =	shalt  }

// kernel: kernel.23.cloned.1.call-start
scs
__scs_entry_jumppad:
0x0: {  	(pc) =	sbr.rel $0x88, $3  }
0x1: {  	(tag) =	ssettag $0x0;
	lr =	simm.s32 $0x1  }
0x2: {  	[smem:$0x3F83] =	sst lr;
	_ =	strace $0xD0000000  }
0x3: {  	_ = 	snop  }
0x4: {  	_ = 	snop  }
0x5: {  	_ = 	snop  }
0x6: {  	_ = 	snop  }
0x7: {  	_ = 	snop  }
__scs_overlays_trampoline_lowered:
0x8: {  	[smem:$0x3F92] =	sst s0  }
0x9: {  	[smem:$0x3F93] =	sst s1  }
0xa: {  	[smem:$0x3F94] =	sst s2  }
0xb: {  	[smem:$0x3F95] =	sst s3  }
0xc: {  	[smem:$0x3F96] =	sst s4  }
0xd: {  	[smem:$0x3F97] =	sst s5  }
0xe: {  	[smem:$0x3F98] =	sst s6  }
0xf: {  	[smem:$0x3F99] =	sst s7  }
0x10: {  	[smem:$0x3F9A] =	sst s8  }
0x11: {  	[smem:$0x3F9B] =	sst s9;
	s0 =	simm.s32 @!p0 $0x0  }
0x12: {  	s1 =	sld [smem:$0x3F81];
	s0 =	simm.s32 @p0 $0x1  }
0x13: {  	[smem:$0x3F9C] =	sst s0;
	s0 =	simm.s32 @!p1 $0x0  }
0x14: {  	s2 =	sld [smem:$0x3F80];
	s0 =	simm.s32 @p1 $0x1  }
0x15: {  	[smem:$0x3F9D] =	sst s0;
	s0 =	simm.s32 @!p2 $0x0  }
0x16: {  	s3 =	sld [smem:$0x3FDB];
	s0 =	simm.s32 @p2 $0x1  }
0x17: {  	s4 =	simm.s32 $0x1BF5;
	[smem:$0x3F9F] =	sst s0  }
0x18: {  	s0 =	sld [smem:$0x3F82];
	_ =	swait.ge [sflag:s4], $0x0  }
0x19: {  	s7 =	sld [smem:$0x3F83]  }
0x1a: {  	s8 =	sadd.s32 $0xFFFFE003, lr  }
0x1b: {  	s9 =	sadd.s32 $0xFFFFFEF7, lr;
	s5 =	simm.s32 $0xFFFFFFFF;
	p2 =	slt.u32 s8, $0xFFFFF086  }
0x1c: {  	p1 =	slt.u32 s9, $0xF7A;
	s5 =	simm.s32 @!p2 $0x0  }
0x1d: {  	s5 =	simm.s32 @p1 $0x1;
	p0 =	seq.s32 s7, s2  }
0x1e: {  	s7 =	smul.u32 @!p0 $0xF7A, s2;
	p2 =	seq.s32 @!p0 s5, $0x0  }
0x1f: {  	s9 =	smul.u32 $0xF7A, s1;
	s8 =	simm.s32 @!p0 $0x1BF5;
	p2 =	por !p2, p0  }
0x20: {  	[sflag:s8] =	ssyncset.s32 @!p0 $0xFFFFF086;
	s6 =	sadd.s32 @!p0 s3, s7;
	s7 =	simm.s32 @!p0 $0x108  }
0x21: {  	s3 =	sadd.s32 s3, s9;
	s6 =	sadd.s32 @!p0 $0x88, s6;
	s7 =	simm.s32 @p2 $0x1082  }
0x22: {  	[simem:s7], [sflag:s8] =	dma.local @!p0 [hbm:s6], $0xF7A  }
0x23: {  	s9 =	sor.u32 $0xD0000000, s2;
	s6 =	simm.s32 $0x108;
	_ =	swait.ge @!p0 [sflag:s8], $0x0  }
0x24: {  	s3 =	sadd.s32 $0x88, s3;
	s6 =	simm.s32 @!p1 $0x1082;
	[sflag:s4] =	ssyncset.s32 $0xFFFFF086  }
0x25: {  	[simem:s6], [sflag:s4] =	dma.local [hbm:s3], $0xF7A  }
0x26: {  	[smem:$0x3F83] =	sst s1;
	(tag) =	ssettag s2;
	_ =	strace s9  }
0x27: {  	s1 =	sld [smem:$0x3F93]  }
0x28: {  	s2 =	sld [smem:$0x3F94]  }
0x29: {  	s4 =	sld [smem:$0x3F96]  }
0x2a: {  	p0 =	seq.s32 s5, $0x0;
	s5 =	sld [smem:$0x3F97]  }
0x2b: {  	s6 =	sld [smem:$0x3F98]  }
0x2c: {  	s7 =	sld [smem:$0x3F99]  }
0x2d: {  	s3 =	simm.s32 $0x108;
	s8 =	sld [smem:$0x3F9A]  }
0x2e: {  	s3 =	simm.s32 @!p0 $0x1082;
	s9 =	sld [smem:$0x3F9B]  }
0x2f: {  	lr =	sadd.s32 s0, s3;
	s0 =	sld [smem:$0x3F92]  }
0x30: {  	s3 =	sld [smem:$0x3F95]  }
0x31: {  	[smem:$0x3F9E] =	sst s10  }
0x32: {  	s10 =	sld [smem:$0x3F9C];
	_ =	sdelay $0x3  }
0x33: {  	p0 =	seq.s32 s10, $0x1;
	s10 =	sld [smem:$0x3F9E];
	_ =	sdelay $0x3  }
0x34: {  	[smem:$0x3F9E] =	sst s10  }
0x35: {  	s10 =	sld [smem:$0x3F9D];
	_ =	sdelay $0x3  }
0x36: {  	p1 =	seq.s32 s10, $0x1;
	s10 =	sld [smem:$0x3F9E];
	_ =	sdelay $0x3  }
0x37: {  	[smem:$0x3F9E] =	sst s10  }
0x38: {  	s10 =	sld [smem:$0x3F9F]  }
0x39: {  	_ = 	snop;
	(pc) =	sbr.ind lr, $3  }
0x3a: {  	_ = 	snop  }
0x3b: {  	_ = 	snop  }
0x3c: {  	p2 =	seq.s32 s10, $0x1;
	s10 =	sld [smem:$0x3F9E]  }
0x3d: {  	_ =	shalt  }
0x3e: {  	_ =	shalt  }
0x3f: {  	_ =	shalt  }
0x40: {  	_ =	shalt  }
0x41: {  	_ =	shalt  }
0x42: {  	_ =	shalt  }
0x43: {  	_ =	shalt  }
0x44: {  	_ =	shalt  }
0x45: {  	_ =	shalt  }
0x46: {  	_ =	shalt  }
0x47: {  	_ =	shalt  }
0x48: {  	_ =	shalt  }
0x49: {  	_ =	shalt  }
0x4a: {  	_ =	shalt  }
0x4b: {  	_ =	shalt  }
0x4c: {  	_ =	shalt  }
0x4d: {  	_ =	shalt  }
0x4e: {  	_ =	shalt  }
0x4f: {  	_ =	shalt  }
0x50: {  	_ =	shalt  }
0x51: {  	_ =	shalt  }
0x52: {  	_ =	shalt  }
0x53: {  	_ =	shalt  }
0x54: {  	_ =	shalt  }
0x55: {  	_ =	shalt  }
0x56: {  	_ =	shalt  }
0x57: {  	_ =	shalt  }
0x58: {  	_ =	shalt  }
0x59: {  	_ =	shalt  }
0x5a: {  	_ =	shalt  }
0x5b: {  	_ =	shalt  }
0x5c: {  	_ =	shalt  }
0x5d: {  	_ =	shalt  }
0x5e: {  	_ =	shalt  }
0x5f: {  	_ =	shalt  }
0x60: {  	_ =	shalt  }
0x61: {  	_ =	shalt  }
0x62: {  	_ =	shalt  }
0x63: {  	_ =	shalt  }
0x64: {  	_ =	shalt  }
0x65: {  	_ =	shalt  }
0x66: {  	_ =	shalt  }
0x67: {  	_ =	shalt  }
0x68: {  	_ =	shalt  }
0x69: {  	_ =	shalt  }
0x6a: {  	_ =	shalt  }
0x6b: {  	_ =	shalt  }
0x6c: {  	_ =	shalt  }
0x6d: {  	_ =	shalt  }
0x6e: {  	_ =	shalt  }
0x6f: {  	_ =	shalt  }
0x70: {  	_ =	shalt  }
0x71: {  	_ =	shalt  }
0x72: {  	_ =	shalt  }
0x73: {  	_ =	shalt  }
0x74: {  	_ =	shalt  }
0x75: {  	_ =	shalt  }
0x76: {  	_ =	shalt  }
0x77: {  	_ =	shalt  }
0x78: {  	_ =	shalt  }
0x79: {  	_ =	shalt  }
0x7a: {  	_ =	shalt  }
0x7b: {  	_ =	shalt  }
0x7c: {  	_ =	shalt  }
0x7d: {  	_ =	shalt  }
0x7e: {  	_ =	shalt  }
0x7f: {  	_ =	shalt  }
0x80: {  	_ =	shalt  }
0x81: {  	_ =	shalt  }
0x82: {  	_ =	shalt  }
0x83: {  	_ =	shalt  }
0x84: {  	_ =	shalt  }
0x85: {  	_ =	shalt  }
0x86: {  	_ =	shalt  }
0x87: {  	_ =	shalt  }
.Lfunc_end0:
.L_simem_size_0:
called_computation.3_lowered:
.L_overlay_start_0:
0x88: {  	s2 =	sld [smem:$0x3FD9]  }
0x89: {  	s3 =	sld [smem:$0x3FFE];
	_ =	sdelay $0x1  }
0x8a: {  	s1 =	srdreg.scid  }
0x8b: {  	s0 =	sand.u32 $0x1, s1  }
0x8c: {  	s17 =	sshll.u32 s0, $0xA;
	s2 =	sadd.s32 s3, s2  }
0x8d: {  	s2 =	sadd.s32 s2, s17  }
0x8e: {  	[smem:$0x3FAA] =	sst s2  }
0x8f: {  	_ = 	snop  }
0x90: {  	(tm) =	ssettm $0x1  }
0x91: {  	s18 =	sld [smem:$0x3FFB];
	_ =	sdelay $0x3  }
0x92: {  	_ =	strace s18  }
0x93: {  	s2 =	sld [smem:$0x3FFC];
	_ =	sdelay $0x3  }
0x94: {  	_ =	strace s2  }
0x95: {  	s2 =	sld [smem:$0x3FFD];
	_ =	sdelay $0x3  }
0x96: {  	_ =	strace s2  }
0x97: {  	_ =	strace $0x8FFFFFFF  }
0x98: {  	s19 =	sld [smem:$0x3FDB];
	_ =	sdelay $0x1  }
0x99: {  	s20 =	simm.s32 $_scs_section_size  }
0x9a: {  	s4 =	simm.s32 $_size__tile_overlayer_lowered;
	s5 =	simm.s32 $_tile_overlayer_lowered  }
0x9b: {  	s6 =	simm.s32 $0x1BFF;
	s21 =	sshll.u32 s5, $0x1;
	s3 =	sadd.s32 s20, s19  }
0x9c: {  	s22 =	simm.s32 $0x0;
	s4 =	sshll.u32 s4, $0x1;
	s5 =	sadd.s32 s21, s3  }
0x9d: {  	[timem:s22], [sflag:s6] =	dma.local [hbm:s5], s4  }
0x9e: {  	_ =	swait.ge [sflag:s6], s4  }
0x9f: {  	s4 =	ssub.s32 $0x0, s4;
	[sflag:s6] =	ssyncset.done $0x0  }
0xa0: {  	[sflag:s6] =	ssyncadd.s32 s4;
	_ =	sdelay $0x1  }
0xa1: {  	s23 =	simm.s32 $0x1B8B  }
0xa2: {  	_ =	swait.ge [sflag:s23], $0x1  }
0xa3: {  	[sflag:s23] =	ssyncset.done $0x0  }
0xa4: {  	[sflag:s23] =	ssyncadd.s32 $0xFFFFFFFF  }
0xa5: {  	s4 =	sld [smem:$0x0]  }
0xa6: {  	s5 =	sand.u32 $0xFFFFFFFE, s1  }
0xa7: {  	p0 =	sne.s32 s1, s5  }
0xa8: {  	s5 =	sshll.u32 @p0 s5, $0xE  }
0xa9: {  	s5 =	sadd.s32 @p0 $0x11B8D, s5;
	s6 =	sshll.u32 @p0 s4, $0x11  }
0xaa: {  	s5 =	sor.u32 @p0 s6, s5  }
0xab: {  	[sflag:s5] =	ssyncadd.remote.s32 @p0 $0x1;
	_ =	sdelay $0x1  }
0xac: {  	s5 =	simm.s32 @p0 $0x1B8D  }
0xad: {  	_ =	swait.eq @p0 [sflag:s5], $0x1  }
0xae: {  	[sflag:s5] =	ssyncadd.s32 @p0 $0xFFFFFFFF  }
0xaf: {  	s6 =	sshll.u32 @!p0 s1, $0xE  }
0xb0: {  	s6 =	sor.u32 @!p0 $0x4000, s6;
	s5 =	simm.s32 @!p0 $0x1B8D  }
0xb1: {  	s4 =	sshll.u32 @!p0 s4, $0x11;
	s6 =	sadd.s32 @!p0 $0x11B8D, s6;
	_ =	swait.eq @!p0 [sflag:s5], $0x1  }
0xb2: {  	s4 =	sor.u32 @!p0 s4, s6;
	[sflag:s5] =	ssyncadd.s32 @!p0 $0xFFFFFFFF  }
0xb3: {  	s25 =	simm.s32 $0x1B8E;
	s24 =	sld [smem:$0x3FFE];
	[sflag:s4] =	ssyncadd.remote.s32 @!p0 $0x1  }
0xb4: {  	s26 =	simm.s32 $execute0_lowered;
	[smem:$0x3FD2] =	sst s25  }
0xb5: {  	s5 =	sshll.u32 s26, $0x1;
	_ =	strace $0x8000004F;
	[dreg:$0x1] =	wrdreg $0xFFFFFFFF  }
0xb6: {  	s28 =	simm.s32 $_size_execute0_lowered;
	s3 =	sadd.s32 s3, s5;
	[dreg:$0x0] =	wrdreg $0x0  }
0xb7: {  	s5 =	sshll.u32 s28, $0x1;
	[dreg:$0x2] =	wrdreg s3  }
0xb8: {  	[dreg:$0x3] =	wrdreg s5  }
0xb9: {  	[dreg:$0x4] =	wrdreg $0xC0  }
0xba: {  	_ =	task [dreg:s22], $0x5FFFF  }
0xbb: {  	[dreg:$0x1] =	wrdreg $0xFFFFFFFF  }
0xbc: {  	[dreg:$0x0] =	wrdreg $0x60  }
0xbd: {  	[dreg:$0x2] =	wrdreg s24  }
0xbe: {  	[dreg:$0x3] =	wrdreg $0x9E200  }
0xbf: {  	[dreg:$0x4] =	wrdreg $0xA  }
0xc0: {  	_ =	task.clear_ibuf [dreg:s22], $0x5FFFF;
	_ =	strace $0x9000004F  }
0xc1: {  	s29 =	simm.s32 $0xA;
	_ =	strace $0x80000051  }
0xc2: {  	_ =	swait.ge [sflag:s29], $0x1  }
0xc3: {  	[sflag:s29] =	ssyncadd.s32 $0xFFFFFFFF  }
0xc4: {  	_ =	strace $0x90000051  }
0xc5: {  	_ =	sfence  }
0xc6: {  	s30 =	sld [smem:$0x0];
	_ =	sdelay $0x2  }
0xc7: {  	s31 =	sshll.u32 s1, $0xD;
	s1 =	sshrl.u32 s1, $0x2  }
0xc8: {  	s4 =	sand.u32 $0x4000, s31;
	s1 =	sadd.s32 s1, s30  }
0xc9: {  	s0 =	sor.u32 s4, s0;
	s1 =	sshll.u32 s1, $0x11  }
0xca: {  	s0 =	sor.u32 s1, s0  }
0xcb: {  	s0 =	sadd.s32 $0x8F2B, s0  }
0xcc: {  	[sflag:s0] =	ssyncadd.remote.s32 $0x1  }
0xcd: {  	_ =	sfence.sel $0xFFFF  }
0xce: {  	[dreg:$0x0] =	wrdreg $0xFFFFFFFF;
	(pc) =	sbr.abs _section_cstart, $3  }
0xcf: {  	[dreg:$0x1] =	wrdreg $0xFFFFFFFF  }
0xd0: {  	_ =	task.clear_ibuf [dreg:s22], $0x2FFFF;
	_ =	strace $0x9FFFFFFF  }
0xd1: {  	(tm) =	ssettm $0x7FFFFFFF  }
tec
execute0_lowered:
.L_overlay_start_1:
0x0: {  	(tag) =	ssettag $0x1  }
0x1: {  	s0 =	rddreg [dreg:$0x0]  }
0x2: {  	s2 =	rddreg [dreg:$0x1];
	s3 =	simm.s32 $0x0  }
0x3: {  	s10 =	stileid.u32;
	s1 =	srdreg.scid;
	s15 =	simm.s32 $0x5  }
0x4: {  	s16 =	simm.s32 $0x50;
	s17 =	simm.s32 $0x4E20;
	s18 =	simm.s32 $0xA0  }
0x5: {  	s19 =	simm.s32 $0x7620;
	s20 =	simm.s32 $0x1;
	s21 =	simm.s32 $0x3  }
0x6: {  	s22 =	simm.s32 $0x2;
	s23 =	simm.s32 $0x4;
	s24 =	simm.s32 $0x4C90  }
0x7: {  	s28 =	simm.s32 $0x4DD0;
	s29 =	simm.s32 $0x6;
	s30 =	simm.s32 $0x0  }
0x8: {  	[smem:$0x7FF] =	sst s3;
	s5 =	smul.u32 $0x9C4, s10;
	s1 =	sand.u32 $0x1, s1  }
0x9: {  	s4 =	sadd.s32 $0x2B3000, s0;
	s9 =	smul.u32 $0x13880, s10;
	s11 =	sshll.u32 s10, $0x6  }
0xa: {  	_ =	strace $0x80000050;
	s6 =	ssub.s32 $0x2, s1;
	s13 =	sor.u32 $0x1C05, s11  }
0xb: {  	s7 =	sadd.s32 s5, s0;
	s8 =	sshrl.u32 s6, $0x1;
	s5 =	sadd.s32 $0x1AE00, s0  }
0xc: {  	s31 =	sadd.s32 s9, s2;
	s9 =	sshrl.u32 s9, $0x3;
	s25 =	ssub.s32 s6, s8  }
0xd: {  	s26 =	sadd.s32 $0x11000, s7;
	s7 =	sshll.u32 s1, $0x2;
	s8 =	smul.u32 $0x271, s10  }
0xe: {  	s14 =	sshrl.u32 s31, $0x3;
	[dreg:$0x3] =	wrdreg s26;
	s0 =	smax.u32 s25, $0x1  }
0xf: {  	s25 =	simm.s32 $0x4D80;
	s26 =	simm.s32 $0x4D30;
	[dreg:$0x4] =	wrdreg s0  }
.LBB2_1:
0x10: {  	s0 =	rddreg [dreg:$0x3];
	s12 =	simm.s32 $0x7  }
0x11: {  	[tilespmem:s3], [sflag:$0x7] =	stream.linear.gather [hbm4b:s0+s3], $0x4E20, $0x38;
	[tilespmem:$0x1D6A0] =	vst v63  }
0x12: {  	_ =	swait.ge [sflag:s12], $0x4E20  }
0x13: {  	[sflag:s12] =	ssyncset.done $0x0  }
0x14: {  	s31 =	simm.s32 $0x0;
	[sflag:s12] =	ssyncadd.s32 $0xFFFFB1E0  }
.LBB2_2:
0x15: {  	s0 =	sadd.s32 s7, s31  }
0x16: {  	s1 =	smul.u32 $0x27100, s0;
	_ =	sdelay $0x1  }
0x17: {  	s1 =	sadd.s32 s4, s1  }
0x18: {  	s6 =	sadd.s32 s9, s1  }
0x19: {  	[spmem:s14], [sflag:s13] =	dma.local [hbm:s6], $0x2710  }
0x1a: {  	_ =	swait.ge [sflag:s15], $0x2710  }
0x1b: {  	[sflag:s15] =	ssyncset.done $0x0  }
0x1c: {  	[sflag:s15] =	ssyncadd.s32 $0xFFFFD8F0  }
0x1d: {  	[bflag:$0x0] =	sbarrier.arrive $0xFFFF  }
0x1e: {  	[tilespmem:s17], [sflag:$0x1] =	stream.indirect.gather [hbm4b:s1+s16], $0x80, s3, s16, $0xb8;
	[tilespmem:$0x1D6A0] =	vst v63  }
0x1f: {  	_ = 	snop  }
0x20: {  	[tilespmem:s19], [sflag:$0x2] =	stream.indirect.gather [hbm4b:s1+s16], $0x80, s18, s16, $0xb8;
	[tilespmem:$0x1D6A0] =	vst v63  }
0x21: {  	_ =	swait.ge [sflag:s20], $0x2800  }
0x22: {  	[sflag:s20] =	ssyncset.done $0x0  }
0x23: {  	s12 =	simm.s32 $0x50;
	[sflag:s20] =	ssyncadd.s32 $0xFFFFD800  }
0x24: {  	[spmem:s2] =	stream.indirect.scatter.add.f32 [tilespmem:s17], [sflag:$0x3], $0x80, s12, s16, $0xb8;
	[tilespmem:$0x1D6A0] =	vst v63  }
0x25: {  	_ =	swait.ge [sflag:s21], $0x2800  }
0x26: {  	[sflag:s21] =	ssyncset.done $0x0  }
0x27: {  	s10 =	simm.s32 $0x140;
	[sflag:s21] =	ssyncadd.s32 $0xFFFFD800  }
0x28: {  	[tilespmem:s17], [sflag:$0x1] =	stream.indirect.gather [hbm4b:s1+s16], $0x80, s10, s16, $0xb8;
	[tilespmem:$0x1D6A0] =	vst v63  }
0x29: {  	_ =	swait.ge [sflag:s22], $0x2800  }
0x2a: {  	[sflag:s22] =	ssyncset.done $0x0  }
0x2b: {  	s12 =	simm.s32 $0xF0;
	[sflag:s22] =	ssyncadd.s32 $0xFFFFD800  }
0x2c: {  	[spmem:s2] =	stream.indirect.scatter.add.f32 [tilespmem:s19], [sflag:$0x4], $0x80, s12, s16, $0xb8;
	[tilespmem:$0x1D6A0] =	vst v63  }
0x2d: {  	_ =	swait.ge [sflag:s23], $0x2800  }
0x2e: {  	[sflag:s23] =	ssyncset.done $0x0  }
0x2f: {  	s6 =	simm.s32 $0xFFFED400;
	s10 =	simm.s32 $0x1E0;
	[sflag:s23] =	ssyncadd.s32 $0xFFFFD800  }
.LBB2_3:
0x30: {  	[tilespmem:s19], [sflag:$0x2] =	stream.indirect.gather [hbm4b:s1+s16], $0x80, s10, s16, $0xb8;
	[tilespmem:$0x1D6A0] =	vst v63  }
0x31: {  	s10 =	smov.u32 s6  }
0x32: {  	p0 =	sne.s32 s6, $0xFFFFFB00;
	s6 =	sadd.s32 $0x500, s6;
	_ =	swait.ge [sflag:s20], $0x2800  }
0x33: {  	s10 =	sshra.s32 s10, $0x2;
	[sflag:s20] =	ssyncset.done $0x0  }
0x34: {  	s12 =	sadd.s32 $0x4C90, s10;
	[sflag:s20] =	ssyncadd.s32 $0xFFFFD800  }
0x35: {  	[spmem:s2] =	stream.indirect.scatter.add.f32 [tilespmem:s17], [sflag:$0x3], $0x80, s12, s16, $0xb8;
	[tilespmem:$0x1D6A0] =	vst v63  }
0x36: {  	_ =	swait.ge [sflag:s21], $0x2800  }
0x37: {  	[sflag:s21] =	ssyncset.done $0x0  }
0x38: {  	s12 =	sadd.s32 $0x4D80, s10;
	[sflag:s21] =	ssyncadd.s32 $0xFFFFD800  }
0x39: {  	[tilespmem:s17], [sflag:$0x1] =	stream.indirect.gather [hbm4b:s1+s16], $0x80, s12, s16, $0xb8;
	[tilespmem:$0x1D6A0] =	vst v63  }
0x3a: {  	_ =	swait.ge [sflag:s22], $0x2800  }
0x3b: {  	[sflag:s22] =	ssyncset.done $0x0  }
.Ltmp0:
0x3c: {  	s12 =	sadd.s32 $0x4D30, s10;
	[sflag:s22] =	ssyncadd.s32 $0xFFFFD800;
	(pc) =	sbr.rel @p0 .LBB2_3-.Ltmp0, $4  }
0x3d: {  	[spmem:s2] =	stream.indirect.scatter.add.f32 [tilespmem:s19], [sflag:$0x4], $0x80, s12, s16, $0xb8;
	[tilespmem:$0x1D6A0] =	vst v63  }
0x3e: {  	_ =	swait.ge [sflag:s23], $0x2800  }
0x3f: {  	[sflag:s23] =	ssyncset.done $0x0  }
0x40: {  	s10 =	sadd.s32 $0x4E20, s10;
	[sflag:s23] =	ssyncadd.s32 $0xFFFFD800  }
0x41: {  	[tilespmem:s19], [sflag:$0x2] =	stream.indirect.gather [hbm4b:s1+s16], $0x80, s10, s16, $0xb8;
	[tilespmem:$0x1D6A0] =	vst v63  }
0x42: {  	_ =	swait.ge [sflag:s20], $0x2800  }
0x43: {  	[sflag:s20] =	ssyncset.done $0x0  }
0x44: {  	[sflag:s20] =	ssyncadd.s32 $0xFFFFD800  }
0x45: {  	[spmem:s2] =	stream.indirect.scatter.add.f32 [tilespmem:s17], [sflag:$0x3], $0x80, s24, s16, $0xb8;
	[tilespmem:$0x1D6A0] =	vst v63  }
0x46: {  	_ =	swait.ge [sflag:s21], $0x2800  }
0x47: {  	[sflag:s21] =	ssyncset.done $0x0  }
0x48: {  	[sflag:s21] =	ssyncadd.s32 $0xFFFFD800  }
0x49: {  	[tilespmem:s17], [sflag:$0x1] =	stream.indirect.gather [hbm4b:s1+s16], $0x80, s25, s16, $0xb8;
	[tilespmem:$0x1D6A0] =	vst v63  }
0x4a: {  	_ =	swait.ge [sflag:s22], $0x2800  }
0x4b: {  	[sflag:s22] =	ssyncset.done $0x0  }
0x4c: {  	[sflag:s22] =	ssyncadd.s32 $0xFFFFD800  }
0x4d: {  	[spmem:s2] =	stream.indirect.scatter.add.f32 [tilespmem:s19], [sflag:$0x4], $0x80, s26, s16, $0xb8;
	[tilespmem:$0x1D6A0] =	vst v63  }
0x4e: {  	_ =	swait.ge [sflag:s23], $0x2800  }
0x4f: {  	[sflag:s23] =	ssyncset.done $0x0  }
0x50: {  	[sflag:s23] =	ssyncadd.s32 $0xFFFFD800  }
0x51: {  	_ =	swait.ge [sflag:s20], $0x2800  }
0x52: {  	[sflag:s20] =	ssyncset.done $0x0  }
0x53: {  	s0 =	smul.u32 $0x2710, s0;
	[sflag:s20] =	ssyncadd.s32 $0xFFFFD800  }
0x54: {  	[spmem:s2] =	stream.indirect.scatter.add.f32 [tilespmem:s17], [sflag:$0x3], $0x80, s28, s16, $0xb8;
	[tilespmem:$0x1D6A0] =	vst v63  }
0x55: {  	_ =	swait.ge [sflag:s21], $0x2800  }
0x56: {  	s12 =	sor.u32 $0x1C06, s11;
	s0 =	sadd.s32 s8, s0;
	[sflag:s21] =	ssyncset.done $0x0  }
0x57: {  	s31 =	sadd.s32 $0x1, s31;
	s0 =	sshll.u32 s0, $0x4;
	[sflag:s21] =	ssyncadd.s32 $0xFFFFD800  }
0x58: {  	p0 =	sne.s32 s31, $0x4;
	s0 =	sadd.s32 s5, s0;
	[bflag:$0x0] =	sbarrier.arrive $0xFFFF  }
0x59: {  	[hbm:s0], [sflag:s12] =	dma.local [spmem:s14], $0x2710  }
.Ltmp1:
0x5a: {  	_ =	swait.ge [sflag:s29], $0x2710;
	(pc) =	sbr.rel @p0 .LBB2_2-.Ltmp1, $3  }
0x5b: {  	[sflag:s29] =	ssyncset.done $0x0  }
0x5c: {  	[sflag:s29] =	ssyncadd.s32 $0xFFFFD8F0  }
0x5d: {  	[bflag:$0x0] =	sbarrier.arrive $0xFFFF;
	_ =	sdelay $0x1  }
0x5e: {  	s30 =	sadd.s32 $0x1, s30;
	s0 =	rddreg [dreg:$0x4]  }
0x5f: {  	p0 =	sne.s32 s30, s0  }
.Ltmp2:
0x60: {  	_ = 	snop;
	(pc) =	sbr.rel @p0 .LBB2_1-.Ltmp2, $1  }
0x61: {  	_ =	sdelay $0x3  }
0x62: {  	_ =	sfence.sel $0x180000  }
0x63: {  	[bflag:$0x0] =	sbarrier.arrive $0xFFFF  }
0x64: {  	_ =	strace $0x90000050  }
0x65: {  	s0 =	stileid.u32;
	[bflag:$0x2] =	sbarrier.arrive $0xFFFF  }
0x66: {  	p0 =	sne.s32 s0, $0x0;
	s0 =	rddreg [dreg:$0x2]  }
0x67: {  	s0 =	sadd.s32 @!p0 $0x100000, s0  }
0x68: {  	[sflag:s0] =	ssyncadd.tile.s32 @!p0 $0x1;
	_ =	shalt  }
.Lfunc_end2:
_tile_overlayer_lowered:
.L_overlay_start_2:
0x69: {  	(tag) =	ssettag $0x2  }
0x6a: {  	s0 =	rddreg [dreg:$0x0];
	s2 =	stileid.u32  }
0x6b: {  	s1 =	rddreg [dreg:$0x1];
	p0 =	sne.s32 s2, $0x0  }
0x6c: {  	s3 =	rddreg [dreg:$0x2];
	[bflag:$0x3] =	sbarrier.arrive $0xFFFF;
	s2 =	simm.s32 @!p0 $0x1C07  }
0x6d: {  	[timem:s3], [sflag:s2] =	dma.local @!p0 [hbm:s0], s1  }
0x6e: {  	s0 =	simm.s32 @!p0 $0x7  }
0x6f: {  	_ =	swait.ge @!p0 [sflag:s0], s1  }
0x70: {  	s1 =	ssub.s32 @!p0 $0x0, s1;
	[sflag:s0] =	ssyncset.done @!p0 $0x0  }
0x71: {  	[sflag:s0] =	ssyncadd.s32 @!p0 s1  }
0x72: {  	[bflag:$0x3] =	sbarrier.arrive $0xFFFF  }
0x73: {  	_ =	shalt  }

// kernel: kernel.26.cloned.1.call-start
scs
__scs_entry_jumppad:
0x0: {  	(pc) =	sbr.rel $0x88, $3  }
0x1: {  	(tag) =	ssettag $0x0;
	lr =	simm.s32 $0x1  }
0x2: {  	[smem:$0x3F83] =	sst lr;
	_ =	strace $0xD0000000  }
0x3: {  	_ = 	snop  }
0x4: {  	_ = 	snop  }
0x5: {  	_ = 	snop  }
0x6: {  	_ = 	snop  }
0x7: {  	_ = 	snop  }
__scs_overlays_trampoline_lowered:
0x8: {  	[smem:$0x3F92] =	sst s0  }
0x9: {  	[smem:$0x3F93] =	sst s1  }
0xa: {  	[smem:$0x3F94] =	sst s2  }
0xb: {  	[smem:$0x3F95] =	sst s3  }
0xc: {  	[smem:$0x3F96] =	sst s4  }
0xd: {  	[smem:$0x3F97] =	sst s5  }
0xe: {  	[smem:$0x3F98] =	sst s6  }
0xf: {  	[smem:$0x3F99] =	sst s7  }
0x10: {  	[smem:$0x3F9A] =	sst s8  }
0x11: {  	[smem:$0x3F9B] =	sst s9;
	s0 =	simm.s32 @!p0 $0x0  }
0x12: {  	s1 =	sld [smem:$0x3F81];
	s0 =	simm.s32 @p0 $0x1  }
0x13: {  	[smem:$0x3F9C] =	sst s0;
	s0 =	simm.s32 @!p1 $0x0  }
0x14: {  	s2 =	sld [smem:$0x3F80];
	s0 =	simm.s32 @p1 $0x1  }
0x15: {  	[smem:$0x3F9D] =	sst s0;
	s0 =	simm.s32 @!p2 $0x0  }
0x16: {  	s3 =	sld [smem:$0x3FDB];
	s0 =	simm.s32 @p2 $0x1  }
0x17: {  	s4 =	simm.s32 $0x1BF5;
	[smem:$0x3F9F] =	sst s0  }
0x18: {  	s0 =	sld [smem:$0x3F82];
	_ =	swait.ge [sflag:s4], $0x0  }
0x19: {  	s7 =	sld [smem:$0x3F83]  }
0x1a: {  	s8 =	sadd.s32 $0xFFFFE003, lr  }
0x1b: {  	s9 =	sadd.s32 $0xFFFFFEF7, lr;
	s5 =	simm.s32 $0xFFFFFFFF;
	p2 =	slt.u32 s8, $0xFFFFF086  }
0x1c: {  	p1 =	slt.u32 s9, $0xF7A;
	s5 =	simm.s32 @!p2 $0x0  }
0x1d: {  	s5 =	simm.s32 @p1 $0x1;
	p0 =	seq.s32 s7, s2  }
0x1e: {  	s7 =	smul.u32 @!p0 $0xF7A, s2;
	p2 =	seq.s32 @!p0 s5, $0x0  }
0x1f: {  	s9 =	smul.u32 $0xF7A, s1;
	s8 =	simm.s32 @!p0 $0x1BF5;
	p2 =	por !p2, p0  }
0x20: {  	[sflag:s8] =	ssyncset.s32 @!p0 $0xFFFFF086;
	s6 =	sadd.s32 @!p0 s3, s7;
	s7 =	simm.s32 @!p0 $0x108  }
0x21: {  	s3 =	sadd.s32 s3, s9;
	s6 =	sadd.s32 @!p0 $0x88, s6;
	s7 =	simm.s32 @p2 $0x1082  }
0x22: {  	[simem:s7], [sflag:s8] =	dma.local @!p0 [hbm:s6], $0xF7A  }
0x23: {  	s9 =	sor.u32 $0xD0000000, s2;
	s6 =	simm.s32 $0x108;
	_ =	swait.ge @!p0 [sflag:s8], $0x0  }
0x24: {  	s3 =	sadd.s32 $0x88, s3;
	s6 =	simm.s32 @!p1 $0x1082;
	[sflag:s4] =	ssyncset.s32 $0xFFFFF086  }
0x25: {  	[simem:s6], [sflag:s4] =	dma.local [hbm:s3], $0xF7A  }
0x26: {  	[smem:$0x3F83] =	sst s1;
	(tag) =	ssettag s2;
	_ =	strace s9  }
0x27: {  	s1 =	sld [smem:$0x3F93]  }
0x28: {  	s2 =	sld [smem:$0x3F94]  }
0x29: {  	s4 =	sld [smem:$0x3F96]  }
0x2a: {  	p0 =	seq.s32 s5, $0x0;
	s5 =	sld [smem:$0x3F97]  }
0x2b: {  	s6 =	sld [smem:$0x3F98]  }
0x2c: {  	s7 =	sld [smem:$0x3F99]  }
0x2d: {  	s3 =	simm.s32 $0x108;
	s8 =	sld [smem:$0x3F9A]  }
0x2e: {  	s3 =	simm.s32 @!p0 $0x1082;
	s9 =	sld [smem:$0x3F9B]  }
0x2f: {  	lr =	sadd.s32 s0, s3;
	s0 =	sld [smem:$0x3F92]  }
0x30: {  	s3 =	sld [smem:$0x3F95]  }
0x31: {  	[smem:$0x3F9E] =	sst s10  }
0x32: {  	s10 =	sld [smem:$0x3F9C];
	_ =	sdelay $0x3  }
0x33: {  	p0 =	seq.s32 s10, $0x1;
	s10 =	sld [smem:$0x3F9E];
	_ =	sdelay $0x3  }
0x34: {  	[smem:$0x3F9E] =	sst s10  }
0x35: {  	s10 =	sld [smem:$0x3F9D];
	_ =	sdelay $0x3  }
0x36: {  	p1 =	seq.s32 s10, $0x1;
	s10 =	sld [smem:$0x3F9E];
	_ =	sdelay $0x3  }
0x37: {  	[smem:$0x3F9E] =	sst s10  }
0x38: {  	s10 =	sld [smem:$0x3F9F]  }
0x39: {  	_ = 	snop;
	(pc) =	sbr.ind lr, $3  }
0x3a: {  	_ = 	snop  }
0x3b: {  	_ = 	snop  }
0x3c: {  	p2 =	seq.s32 s10, $0x1;
	s10 =	sld [smem:$0x3F9E]  }
0x3d: {  	_ =	shalt  }
0x3e: {  	_ =	shalt  }
0x3f: {  	_ =	shalt  }
0x40: {  	_ =	shalt  }
0x41: {  	_ =	shalt  }
0x42: {  	_ =	shalt  }
0x43: {  	_ =	shalt  }
0x44: {  	_ =	shalt  }
0x45: {  	_ =	shalt  }
0x46: {  	_ =	shalt  }
0x47: {  	_ =	shalt  }
0x48: {  	_ =	shalt  }
0x49: {  	_ =	shalt  }
0x4a: {  	_ =	shalt  }
0x4b: {  	_ =	shalt  }
0x4c: {  	_ =	shalt  }
0x4d: {  	_ =	shalt  }
0x4e: {  	_ =	shalt  }
0x4f: {  	_ =	shalt  }
0x50: {  	_ =	shalt  }
0x51: {  	_ =	shalt  }
0x52: {  	_ =	shalt  }
0x53: {  	_ =	shalt  }
0x54: {  	_ =	shalt  }
0x55: {  	_ =	shalt  }
0x56: {  	_ =	shalt  }
0x57: {  	_ =	shalt  }
0x58: {  	_ =	shalt  }
0x59: {  	_ =	shalt  }
0x5a: {  	_ =	shalt  }
0x5b: {  	_ =	shalt  }
0x5c: {  	_ =	shalt  }
0x5d: {  	_ =	shalt  }
0x5e: {  	_ =	shalt  }
0x5f: {  	_ =	shalt  }
0x60: {  	_ =	shalt  }
0x61: {  	_ =	shalt  }
0x62: {  	_ =	shalt  }
0x63: {  	_ =	shalt  }
0x64: {  	_ =	shalt  }
0x65: {  	_ =	shalt  }
0x66: {  	_ =	shalt  }
0x67: {  	_ =	shalt  }
0x68: {  	_ =	shalt  }
0x69: {  	_ =	shalt  }
0x6a: {  	_ =	shalt  }
0x6b: {  	_ =	shalt  }
0x6c: {  	_ =	shalt  }
0x6d: {  	_ =	shalt  }
0x6e: {  	_ =	shalt  }
0x6f: {  	_ =	shalt  }
0x70: {  	_ =	shalt  }
0x71: {  	_ =	shalt  }
0x72: {  	_ =	shalt  }
0x73: {  	_ =	shalt  }
0x74: {  	_ =	shalt  }
0x75: {  	_ =	shalt  }
0x76: {  	_ =	shalt  }
0x77: {  	_ =	shalt  }
0x78: {  	_ =	shalt  }
0x79: {  	_ =	shalt  }
0x7a: {  	_ =	shalt  }
0x7b: {  	_ =	shalt  }
0x7c: {  	_ =	shalt  }
0x7d: {  	_ =	shalt  }
0x7e: {  	_ =	shalt  }
0x7f: {  	_ =	shalt  }
0x80: {  	_ =	shalt  }
0x81: {  	_ =	shalt  }
0x82: {  	_ =	shalt  }
0x83: {  	_ =	shalt  }
0x84: {  	_ =	shalt  }
0x85: {  	_ =	shalt  }
0x86: {  	_ =	shalt  }
0x87: {  	_ =	shalt  }
.Lfunc_end0:
.L_simem_size_0:
called_computation.4_lowered:
.L_overlay_start_0:
0x88: {  	s2 =	sld [smem:$0x3FD9]  }
0x89: {  	s3 =	sld [smem:$0x3FFE];
	_ =	sdelay $0x1  }
0x8a: {  	s1 =	srdreg.scid  }
0x8b: {  	s0 =	sand.u32 $0x1, s1  }
0x8c: {  	s17 =	sshll.u32 s0, $0xA;
	s2 =	sadd.s32 s3, s2  }
0x8d: {  	s2 =	sadd.s32 s2, s17  }
0x8e: {  	[smem:$0x3FAA] =	sst s2  }
0x8f: {  	_ = 	snop  }
0x90: {  	(tm) =	ssettm $0x1  }
0x91: {  	s18 =	sld [smem:$0x3FFB];
	_ =	sdelay $0x3  }
0x92: {  	_ =	strace s18  }
0x93: {  	s2 =	sld [smem:$0x3FFC];
	_ =	sdelay $0x3  }
0x94: {  	_ =	strace s2  }
0x95: {  	s2 =	sld [smem:$0x3FFD];
	_ =	sdelay $0x3  }
0x96: {  	_ =	strace s2  }
0x97: {  	_ =	strace $0x8FFFFFFF  }
0x98: {  	s19 =	sld [smem:$0x3FDB];
	_ =	sdelay $0x1  }
0x99: {  	s20 =	simm.s32 $_scs_section_size  }
0x9a: {  	s4 =	simm.s32 $_size__tile_overlayer_lowered;
	s5 =	simm.s32 $_tile_overlayer_lowered  }
0x9b: {  	s6 =	simm.s32 $0x1BFF;
	s21 =	sshll.u32 s5, $0x1;
	s3 =	sadd.s32 s20, s19  }
0x9c: {  	s22 =	simm.s32 $0x0;
	s4 =	sshll.u32 s4, $0x1;
	s5 =	sadd.s32 s21, s3  }
0x9d: {  	[timem:s22], [sflag:s6] =	dma.local [hbm:s5], s4  }
0x9e: {  	_ =	swait.ge [sflag:s6], s4  }
0x9f: {  	s4 =	ssub.s32 $0x0, s4;
	[sflag:s6] =	ssyncset.done $0x0  }
0xa0: {  	[sflag:s6] =	ssyncadd.s32 s4;
	_ =	sdelay $0x1  }
0xa1: {  	s23 =	simm.s32 $0x1B8B  }
0xa2: {  	_ =	swait.ge [sflag:s23], $0x1  }
0xa3: {  	[sflag:s23] =	ssyncset.done $0x0  }
0xa4: {  	[sflag:s23] =	ssyncadd.s32 $0xFFFFFFFF  }
0xa5: {  	s4 =	sld [smem:$0x0]  }
0xa6: {  	s5 =	sand.u32 $0xFFFFFFFE, s1  }
0xa7: {  	p0 =	sne.s32 s1, s5  }
0xa8: {  	s5 =	sshll.u32 @p0 s5, $0xE  }
0xa9: {  	s5 =	sadd.s32 @p0 $0x11B8D, s5;
	s6 =	sshll.u32 @p0 s4, $0x11  }
0xaa: {  	s5 =	sor.u32 @p0 s6, s5  }
0xab: {  	[sflag:s5] =	ssyncadd.remote.s32 @p0 $0x1;
	_ =	sdelay $0x1  }
0xac: {  	s5 =	simm.s32 @p0 $0x1B8D  }
0xad: {  	_ =	swait.eq @p0 [sflag:s5], $0x1  }
0xae: {  	[sflag:s5] =	ssyncadd.s32 @p0 $0xFFFFFFFF  }
0xaf: {  	s6 =	sshll.u32 @!p0 s1, $0xE  }
0xb0: {  	s6 =	sor.u32 @!p0 $0x4000, s6;
	s5 =	simm.s32 @!p0 $0x1B8D  }
0xb1: {  	s4 =	sshll.u32 @!p0 s4, $0x11;
	s6 =	sadd.s32 @!p0 $0x11B8D, s6;
	_ =	swait.eq @!p0 [sflag:s5], $0x1  }
0xb2: {  	s4 =	sor.u32 @!p0 s4, s6;
	[sflag:s5] =	ssyncadd.s32 @!p0 $0xFFFFFFFF  }
0xb3: {  	s25 =	simm.s32 $0x1B8E;
	s24 =	sld [smem:$0x3FFE];
	[sflag:s4] =	ssyncadd.remote.s32 @!p0 $0x1  }
0xb4: {  	s26 =	simm.s32 $execute0_lowered;
	[smem:$0x3FD2] =	sst s25  }
0xb5: {  	s5 =	sshll.u32 s26, $0x1;
	_ =	strace $0x80000052;
	[dreg:$0x1] =	wrdreg $0xFFFFFFFF  }
0xb6: {  	s28 =	simm.s32 $_size_execute0_lowered;
	s3 =	sadd.s32 s3, s5;
	[dreg:$0x0] =	wrdreg $0x0  }
0xb7: {  	s5 =	sshll.u32 s28, $0x1;
	[dreg:$0x2] =	wrdreg s3  }
0xb8: {  	[dreg:$0x3] =	wrdreg s5  }
0xb9: {  	[dreg:$0x4] =	wrdreg $0xC0  }
0xba: {  	_ =	task [dreg:s22], $0x5FFFF  }
0xbb: {  	[dreg:$0x1] =	wrdreg $0xFFFFFFFF  }
0xbc: {  	[dreg:$0x0] =	wrdreg $0x60  }
0xbd: {  	[dreg:$0x2] =	wrdreg s24  }
0xbe: {  	[dreg:$0x3] =	wrdreg $0x9E200  }
0xbf: {  	[dreg:$0x4] =	wrdreg $0x9  }
0xc0: {  	_ =	task.clear_ibuf [dreg:s22], $0x5FFFF;
	_ =	strace $0x90000052  }
0xc1: {  	s29 =	simm.s32 $0x9;
	_ =	strace $0x80000054  }
0xc2: {  	_ =	swait.ge [sflag:s29], $0x1  }
0xc3: {  	[sflag:s29] =	ssyncadd.s32 $0xFFFFFFFF  }
0xc4: {  	_ =	strace $0x90000054  }
0xc5: {  	_ =	sfence  }
0xc6: {  	s30 =	sld [smem:$0x0];
	_ =	sdelay $0x2  }
0xc7: {  	s31 =	sshll.u32 s1, $0xD;
	s1 =	sshrl.u32 s1, $0x2  }
0xc8: {  	s4 =	sand.u32 $0x4000, s31;
	s1 =	sadd.s32 s1, s30  }
0xc9: {  	s0 =	sor.u32 s4, s0;
	s1 =	sshll.u32 s1, $0x11  }
0xca: {  	s0 =	sor.u32 s1, s0  }
0xcb: {  	s0 =	sadd.s32 $0x8F2B, s0  }
0xcc: {  	[sflag:s0] =	ssyncadd.remote.s32 $0x1  }
0xcd: {  	_ =	sfence.sel $0xFFFF  }
0xce: {  	[dreg:$0x0] =	wrdreg $0xFFFFFFFF;
	(pc) =	sbr.abs _section_cstart, $3  }
0xcf: {  	[dreg:$0x1] =	wrdreg $0xFFFFFFFF  }
0xd0: {  	_ =	task.clear_ibuf [dreg:s22], $0x2FFFF;
	_ =	strace $0x9FFFFFFF  }
0xd1: {  	(tm) =	ssettm $0x7FFFFFFF  }
tec
execute0_lowered:
.L_overlay_start_1:
0x0: {  	(tag) =	ssettag $0x1  }
0x1: {  	s0 =	rddreg [dreg:$0x0]  }
0x2: {  	s2 =	rddreg [dreg:$0x1];
	s3 =	simm.s32 $0x0  }
0x3: {  	s10 =	stileid.u32;
	s1 =	srdreg.scid;
	s15 =	simm.s32 $0x5  }
0x4: {  	s16 =	simm.s32 $0x50;
	s17 =	simm.s32 $0x4E20;
	s18 =	simm.s32 $0xA0  }
0x5: {  	s19 =	simm.s32 $0x7620;
	s20 =	simm.s32 $0x1;
	s21 =	simm.s32 $0x3  }
0x6: {  	s22 =	simm.s32 $0x2;
	s23 =	simm.s32 $0x4;
	s24 =	simm.s32 $0x4C90  }
0x7: {  	s28 =	simm.s32 $0x4DD0;
	s29 =	simm.s32 $0x6;
	s30 =	simm.s32 $0x0  }
0x8: {  	[smem:$0x7FF] =	sst s3;
	s5 =	smul.u32 $0x9C4, s10;
	s1 =	sand.u32 $0x1, s1  }
0x9: {  	s4 =	sadd.s32 $0x3EB800, s0;
	s9 =	smul.u32 $0x13880, s10;
	s11 =	sshll.u32 s10, $0x6  }
0xa: {  	_ =	strace $0x80000053;
	s6 =	ssub.s32 $0x2, s1;
	s13 =	sor.u32 $0x1C05, s11  }
0xb: {  	s7 =	sadd.s32 s5, s0;
	s8 =	sshrl.u32 s6, $0x1;
	s5 =	sadd.s32 $0x153600, s0  }
0xc: {  	s31 =	sadd.s32 s9, s2;
	s9 =	sshrl.u32 s9, $0x3;
	s25 =	ssub.s32 s6, s8  }
0xd: {  	s26 =	sadd.s32 $0x11000, s7;
	s7 =	sshll.u32 s1, $0x2;
	s8 =	smul.u32 $0x271, s10  }
0xe: {  	s14 =	sshrl.u32 s31, $0x3;
	[dreg:$0x3] =	wrdreg s26;
	s0 =	smax.u32 s25, $0x1  }
0xf: {  	s25 =	simm.s32 $0x4D80;
	s26 =	simm.s32 $0x4D30;
	[dreg:$0x4] =	wrdreg s0  }
.LBB2_1:
0x10: {  	s0 =	rddreg [dreg:$0x3];
	s12 =	simm.s32 $0x7  }
0x11: {  	[tilespmem:s3], [sflag:$0x7] =	stream.linear.gather [hbm4b:s0+s3], $0x4E20, $0x38;
	[tilespmem:$0x1D6A0] =	vst v63  }
0x12: {  	_ =	swait.ge [sflag:s12], $0x4E20  }
0x13: {  	[sflag:s12] =	ssyncset.done $0x0  }
0x14: {  	s31 =	simm.s32 $0x0;
	[sflag:s12] =	ssyncadd.s32 $0xFFFFB1E0  }
.LBB2_2:
0x15: {  	s0 =	sadd.s32 s7, s31  }
0x16: {  	s1 =	smul.u32 $0x27100, s0;
	_ =	sdelay $0x1  }
0x17: {  	s1 =	sadd.s32 s4, s1  }
0x18: {  	s6 =	sadd.s32 s9, s1  }
0x19: {  	[spmem:s14], [sflag:s13] =	dma.local [hbm:s6], $0x2710  }
0x1a: {  	_ =	swait.ge [sflag:s15], $0x2710  }
0x1b: {  	[sflag:s15] =	ssyncset.done $0x0  }
0x1c: {  	[sflag:s15] =	ssyncadd.s32 $0xFFFFD8F0  }
0x1d: {  	[bflag:$0x0] =	sbarrier.arrive $0xFFFF  }
0x1e: {  	[tilespmem:s17], [sflag:$0x1] =	stream.indirect.gather [hbm4b:s1+s16], $0x80, s3, s16, $0xb8;
	[tilespmem:$0x1D6A0] =	vst v63  }
0x1f: {  	_ = 	snop  }
0x20: {  	[tilespmem:s19], [sflag:$0x2] =	stream.indirect.gather [hbm4b:s1+s16], $0x80, s18, s16, $0xb8;
	[tilespmem:$0x1D6A0] =	vst v63  }
0x21: {  	_ =	swait.ge [sflag:s20], $0x2800  }
0x22: {  	[sflag:s20] =	ssyncset.done $0x0  }
0x23: {  	s12 =	simm.s32 $0x50;
	[sflag:s20] =	ssyncadd.s32 $0xFFFFD800  }
0x24: {  	[spmem:s2] =	stream.indirect.scatter.add.f32 [tilespmem:s17], [sflag:$0x3], $0x80, s12, s16, $0xb8;
	[tilespmem:$0x1D6A0] =	vst v63  }
0x25: {  	_ =	swait.ge [sflag:s21], $0x2800  }
0x26: {  	[sflag:s21] =	ssyncset.done $0x0  }
0x27: {  	s10 =	simm.s32 $0x140;
	[sflag:s21] =	ssyncadd.s32 $0xFFFFD800  }
0x28: {  	[tilespmem:s17], [sflag:$0x1] =	stream.indirect.gather [hbm4b:s1+s16], $0x80, s10, s16, $0xb8;
	[tilespmem:$0x1D6A0] =	vst v63  }
0x29: {  	_ =	swait.ge [sflag:s22], $0x2800  }
0x2a: {  	[sflag:s22] =	ssyncset.done $0x0  }
0x2b: {  	s12 =	simm.s32 $0xF0;
	[sflag:s22] =	ssyncadd.s32 $0xFFFFD800  }
0x2c: {  	[spmem:s2] =	stream.indirect.scatter.add.f32 [tilespmem:s19], [sflag:$0x4], $0x80, s12, s16, $0xb8;
	[tilespmem:$0x1D6A0] =	vst v63  }
0x2d: {  	_ =	swait.ge [sflag:s23], $0x2800  }
0x2e: {  	[sflag:s23] =	ssyncset.done $0x0  }
0x2f: {  	s6 =	simm.s32 $0xFFFED400;
	s10 =	simm.s32 $0x1E0;
	[sflag:s23] =	ssyncadd.s32 $0xFFFFD800  }
.LBB2_3:
0x30: {  	[tilespmem:s19], [sflag:$0x2] =	stream.indirect.gather [hbm4b:s1+s16], $0x80, s10, s16, $0xb8;
	[tilespmem:$0x1D6A0] =	vst v63  }
0x31: {  	s10 =	smov.u32 s6  }
0x32: {  	p0 =	sne.s32 s6, $0xFFFFFB00;
	s6 =	sadd.s32 $0x500, s6;
	_ =	swait.ge [sflag:s20], $0x2800  }
0x33: {  	s10 =	sshra.s32 s10, $0x2;
	[sflag:s20] =	ssyncset.done $0x0  }
0x34: {  	s12 =	sadd.s32 $0x4C90, s10;
	[sflag:s20] =	ssyncadd.s32 $0xFFFFD800  }
0x35: {  	[spmem:s2] =	stream.indirect.scatter.add.f32 [tilespmem:s17], [sflag:$0x3], $0x80, s12, s16, $0xb8;
	[tilespmem:$0x1D6A0] =	vst v63  }
0x36: {  	_ =	swait.ge [sflag:s21], $0x2800  }
0x37: {  	[sflag:s21] =	ssyncset.done $0x0  }
0x38: {  	s12 =	sadd.s32 $0x4D80, s10;
	[sflag:s21] =	ssyncadd.s32 $0xFFFFD800  }
0x39: {  	[tilespmem:s17], [sflag:$0x1] =	stream.indirect.gather [hbm4b:s1+s16], $0x80, s12, s16, $0xb8;
	[tilespmem:$0x1D6A0] =	vst v63  }
0x3a: {  	_ =	swait.ge [sflag:s22], $0x2800  }
0x3b: {  	[sflag:s22] =	ssyncset.done $0x0  }
.Ltmp0:
0x3c: {  	s12 =	sadd.s32 $0x4D30, s10;
	[sflag:s22] =	ssyncadd.s32 $0xFFFFD800;
	(pc) =	sbr.rel @p0 .LBB2_3-.Ltmp0, $4  }
0x3d: {  	[spmem:s2] =	stream.indirect.scatter.add.f32 [tilespmem:s19], [sflag:$0x4], $0x80, s12, s16, $0xb8;
	[tilespmem:$0x1D6A0] =	vst v63  }
0x3e: {  	_ =	swait.ge [sflag:s23], $0x2800  }
0x3f: {  	[sflag:s23] =	ssyncset.done $0x0  }
0x40: {  	s10 =	sadd.s32 $0x4E20, s10;
	[sflag:s23] =	ssyncadd.s32 $0xFFFFD800  }
0x41: {  	[tilespmem:s19], [sflag:$0x2] =	stream.indirect.gather [hbm4b:s1+s16], $0x80, s10, s16, $0xb8;
	[tilespmem:$0x1D6A0] =	vst v63  }
0x42: {  	_ =	swait.ge [sflag:s20], $0x2800  }
0x43: {  	[sflag:s20] =	ssyncset.done $0x0  }
0x44: {  	[sflag:s20] =	ssyncadd.s32 $0xFFFFD800  }
0x45: {  	[spmem:s2] =	stream.indirect.scatter.add.f32 [tilespmem:s17], [sflag:$0x3], $0x80, s24, s16, $0xb8;
	[tilespmem:$0x1D6A0] =	vst v63  }
0x46: {  	_ =	swait.ge [sflag:s21], $0x2800  }
0x47: {  	[sflag:s21] =	ssyncset.done $0x0  }
0x48: {  	[sflag:s21] =	ssyncadd.s32 $0xFFFFD800  }
0x49: {  	[tilespmem:s17], [sflag:$0x1] =	stream.indirect.gather [hbm4b:s1+s16], $0x80, s25, s16, $0xb8;
	[tilespmem:$0x1D6A0] =	vst v63  }
0x4a: {  	_ =	swait.ge [sflag:s22], $0x2800  }
0x4b: {  	[sflag:s22] =	ssyncset.done $0x0  }
0x4c: {  	[sflag:s22] =	ssyncadd.s32 $0xFFFFD800  }
0x4d: {  	[spmem:s2] =	stream.indirect.scatter.add.f32 [tilespmem:s19], [sflag:$0x4], $0x80, s26, s16, $0xb8;
	[tilespmem:$0x1D6A0] =	vst v63  }
0x4e: {  	_ =	swait.ge [sflag:s23], $0x2800  }
0x4f: {  	[sflag:s23] =	ssyncset.done $0x0  }
0x50: {  	[sflag:s23] =	ssyncadd.s32 $0xFFFFD800  }
0x51: {  	_ =	swait.ge [sflag:s20], $0x2800  }
0x52: {  	[sflag:s20] =	ssyncset.done $0x0  }
0x53: {  	s0 =	smul.u32 $0x2710, s0;
	[sflag:s20] =	ssyncadd.s32 $0xFFFFD800  }
0x54: {  	[spmem:s2] =	stream.indirect.scatter.add.f32 [tilespmem:s17], [sflag:$0x3], $0x80, s28, s16, $0xb8;
	[tilespmem:$0x1D6A0] =	vst v63  }
0x55: {  	_ =	swait.ge [sflag:s21], $0x2800  }
0x56: {  	s12 =	sor.u32 $0x1C06, s11;
	s0 =	sadd.s32 s8, s0;
	[sflag:s21] =	ssyncset.done $0x0  }
0x57: {  	s31 =	sadd.s32 $0x1, s31;
	s0 =	sshll.u32 s0, $0x4;
	[sflag:s21] =	ssyncadd.s32 $0xFFFFD800  }
0x58: {  	p0 =	sne.s32 s31, $0x4;
	s0 =	sadd.s32 s5, s0;
	[bflag:$0x0] =	sbarrier.arrive $0xFFFF  }
0x59: {  	[hbm:s0], [sflag:s12] =	dma.local [spmem:s14], $0x2710  }
.Ltmp1:
0x5a: {  	_ =	swait.ge [sflag:s29], $0x2710;
	(pc) =	sbr.rel @p0 .LBB2_2-.Ltmp1, $3  }
0x5b: {  	[sflag:s29] =	ssyncset.done $0x0  }
0x5c: {  	[sflag:s29] =	ssyncadd.s32 $0xFFFFD8F0  }
0x5d: {  	[bflag:$0x0] =	sbarrier.arrive $0xFFFF;
	_ =	sdelay $0x1  }
0x5e: {  	s30 =	sadd.s32 $0x1, s30;
	s0 =	rddreg [dreg:$0x4]  }
0x5f: {  	p0 =	sne.s32 s30, s0  }
.Ltmp2:
0x60: {  	_ = 	snop;
	(pc) =	sbr.rel @p0 .LBB2_1-.Ltmp2, $1  }
0x61: {  	_ =	sdelay $0x3  }
0x62: {  	_ =	sfence.sel $0x180000  }
0x63: {  	[bflag:$0x0] =	sbarrier.arrive $0xFFFF  }
0x64: {  	_ =	strace $0x90000053  }
0x65: {  	s0 =	stileid.u32;
	[bflag:$0x2] =	sbarrier.arrive $0xFFFF  }
0x66: {  	p0 =	sne.s32 s0, $0x0;
	s0 =	rddreg [dreg:$0x2]  }
0x67: {  	s0 =	sadd.s32 @!p0 $0x100000, s0  }
0x68: {  	[sflag:s0] =	ssyncadd.tile.s32 @!p0 $0x1;
	_ =	shalt  }
.Lfunc_end2:
_tile_overlayer_lowered:
.L_overlay_start_2:
0x69: {  	(tag) =	ssettag $0x2  }
0x6a: {  	s0 =	rddreg [dreg:$0x0];
	s2 =	stileid.u32  }
0x6b: {  	s1 =	rddreg [dreg:$0x1];
	p0 =	sne.s32 s2, $0x0  }
0x6c: {  	s3 =	rddreg [dreg:$0x2];
	[bflag:$0x3] =	sbarrier.arrive $0xFFFF;
	s2 =	simm.s32 @!p0 $0x1C07  }
0x6d: {  	[timem:s3], [sflag:s2] =	dma.local @!p0 [hbm:s0], s1  }
0x6e: {  	s0 =	simm.s32 @!p0 $0x7  }
0x6f: {  	_ =	swait.ge @!p0 [sflag:s0], s1  }
0x70: {  	s1 =	ssub.s32 @!p0 $0x0, s1;
	[sflag:s0] =	ssyncset.done @!p0 $0x0  }
0x71: {  	[sflag:s0] =	ssyncadd.s32 @!p0 s1  }
0x72: {  	[bflag:$0x3] =	sbarrier.arrive $0xFFFF  }
0x73: {  	_ =	shalt  }

// kernel: kernel.29.cloned.1.call-start
scs
__scs_entry_jumppad:
0x0: {  	(pc) =	sbr.rel $0x88, $3  }
0x1: {  	(tag) =	ssettag $0x0;
	lr =	simm.s32 $0x1  }
0x2: {  	[smem:$0x3F83] =	sst lr;
	_ =	strace $0xD0000000  }
0x3: {  	_ = 	snop  }
0x4: {  	_ = 	snop  }
0x5: {  	_ = 	snop  }
0x6: {  	_ = 	snop  }
0x7: {  	_ = 	snop  }
__scs_overlays_trampoline_lowered:
0x8: {  	[smem:$0x3F92] =	sst s0  }
0x9: {  	[smem:$0x3F93] =	sst s1  }
0xa: {  	[smem:$0x3F94] =	sst s2  }
0xb: {  	[smem:$0x3F95] =	sst s3  }
0xc: {  	[smem:$0x3F96] =	sst s4  }
0xd: {  	[smem:$0x3F97] =	sst s5  }
0xe: {  	[smem:$0x3F98] =	sst s6  }
0xf: {  	[smem:$0x3F99] =	sst s7  }
0x10: {  	[smem:$0x3F9A] =	sst s8  }
0x11: {  	[smem:$0x3F9B] =	sst s9;
	s0 =	simm.s32 @!p0 $0x0  }
0x12: {  	s1 =	sld [smem:$0x3F81];
	s0 =	simm.s32 @p0 $0x1  }
0x13: {  	[smem:$0x3F9C] =	sst s0;
	s0 =	simm.s32 @!p1 $0x0  }
0x14: {  	s2 =	sld [smem:$0x3F80];
	s0 =	simm.s32 @p1 $0x1  }
0x15: {  	[smem:$0x3F9D] =	sst s0;
	s0 =	simm.s32 @!p2 $0x0  }
0x16: {  	s3 =	sld [smem:$0x3FDB];
	s0 =	simm.s32 @p2 $0x1  }
0x17: {  	s4 =	simm.s32 $0x1BF5;
	[smem:$0x3F9F] =	sst s0  }
0x18: {  	s0 =	sld [smem:$0x3F82];
	_ =	swait.ge [sflag:s4], $0x0  }
0x19: {  	s7 =	sld [smem:$0x3F83]  }
0x1a: {  	s8 =	sadd.s32 $0xFFFFE003, lr  }
0x1b: {  	s9 =	sadd.s32 $0xFFFFFEF7, lr;
	s5 =	simm.s32 $0xFFFFFFFF;
	p2 =	slt.u32 s8, $0xFFFFF086  }
0x1c: {  	p1 =	slt.u32 s9, $0xF7A;
	s5 =	simm.s32 @!p2 $0x0  }
0x1d: {  	s5 =	simm.s32 @p1 $0x1;
	p0 =	seq.s32 s7, s2  }
0x1e: {  	s7 =	smul.u32 @!p0 $0xF7A, s2;
	p2 =	seq.s32 @!p0 s5, $0x0  }
0x1f: {  	s9 =	smul.u32 $0xF7A, s1;
	s8 =	simm.s32 @!p0 $0x1BF5;
	p2 =	por !p2, p0  }
0x20: {  	[sflag:s8] =	ssyncset.s32 @!p0 $0xFFFFF086;
	s6 =	sadd.s32 @!p0 s3, s7;
	s7 =	simm.s32 @!p0 $0x108  }
0x21: {  	s3 =	sadd.s32 s3, s9;
	s6 =	sadd.s32 @!p0 $0x88, s6;
	s7 =	simm.s32 @p2 $0x1082  }
0x22: {  	[simem:s7], [sflag:s8] =	dma.local @!p0 [hbm:s6], $0xF7A  }
0x23: {  	s9 =	sor.u32 $0xD0000000, s2;
	s6 =	simm.s32 $0x108;
	_ =	swait.ge @!p0 [sflag:s8], $0x0  }
0x24: {  	s3 =	sadd.s32 $0x88, s3;
	s6 =	simm.s32 @!p1 $0x1082;
	[sflag:s4] =	ssyncset.s32 $0xFFFFF086  }
0x25: {  	[simem:s6], [sflag:s4] =	dma.local [hbm:s3], $0xF7A  }
0x26: {  	[smem:$0x3F83] =	sst s1;
	(tag) =	ssettag s2;
	_ =	strace s9  }
0x27: {  	s1 =	sld [smem:$0x3F93]  }
0x28: {  	s2 =	sld [smem:$0x3F94]  }
0x29: {  	s4 =	sld [smem:$0x3F96]  }
0x2a: {  	p0 =	seq.s32 s5, $0x0;
	s5 =	sld [smem:$0x3F97]  }
0x2b: {  	s6 =	sld [smem:$0x3F98]  }
0x2c: {  	s7 =	sld [smem:$0x3F99]  }
0x2d: {  	s3 =	simm.s32 $0x108;
	s8 =	sld [smem:$0x3F9A]  }
0x2e: {  	s3 =	simm.s32 @!p0 $0x1082;
	s9 =	sld [smem:$0x3F9B]  }
0x2f: {  	lr =	sadd.s32 s0, s3;
	s0 =	sld [smem:$0x3F92]  }
0x30: {  	s3 =	sld [smem:$0x3F95]  }
0x31: {  	[smem:$0x3F9E] =	sst s10  }
0x32: {  	s10 =	sld [smem:$0x3F9C];
	_ =	sdelay $0x3  }
0x33: {  	p0 =	seq.s32 s10, $0x1;
	s10 =	sld [smem:$0x3F9E];
	_ =	sdelay $0x3  }
0x34: {  	[smem:$0x3F9E] =	sst s10  }
0x35: {  	s10 =	sld [smem:$0x3F9D];
	_ =	sdelay $0x3  }
0x36: {  	p1 =	seq.s32 s10, $0x1;
	s10 =	sld [smem:$0x3F9E];
	_ =	sdelay $0x3  }
0x37: {  	[smem:$0x3F9E] =	sst s10  }
0x38: {  	s10 =	sld [smem:$0x3F9F]  }
0x39: {  	_ = 	snop;
	(pc) =	sbr.ind lr, $3  }
0x3a: {  	_ = 	snop  }
0x3b: {  	_ = 	snop  }
0x3c: {  	p2 =	seq.s32 s10, $0x1;
	s10 =	sld [smem:$0x3F9E]  }
0x3d: {  	_ =	shalt  }
0x3e: {  	_ =	shalt  }
0x3f: {  	_ =	shalt  }
0x40: {  	_ =	shalt  }
0x41: {  	_ =	shalt  }
0x42: {  	_ =	shalt  }
0x43: {  	_ =	shalt  }
0x44: {  	_ =	shalt  }
0x45: {  	_ =	shalt  }
0x46: {  	_ =	shalt  }
0x47: {  	_ =	shalt  }
0x48: {  	_ =	shalt  }
0x49: {  	_ =	shalt  }
0x4a: {  	_ =	shalt  }
0x4b: {  	_ =	shalt  }
0x4c: {  	_ =	shalt  }
0x4d: {  	_ =	shalt  }
0x4e: {  	_ =	shalt  }
0x4f: {  	_ =	shalt  }
0x50: {  	_ =	shalt  }
0x51: {  	_ =	shalt  }
0x52: {  	_ =	shalt  }
0x53: {  	_ =	shalt  }
0x54: {  	_ =	shalt  }
0x55: {  	_ =	shalt  }
0x56: {  	_ =	shalt  }
0x57: {  	_ =	shalt  }
0x58: {  	_ =	shalt  }
0x59: {  	_ =	shalt  }
0x5a: {  	_ =	shalt  }
0x5b: {  	_ =	shalt  }
0x5c: {  	_ =	shalt  }
0x5d: {  	_ =	shalt  }
0x5e: {  	_ =	shalt  }
0x5f: {  	_ =	shalt  }
0x60: {  	_ =	shalt  }
0x61: {  	_ =	shalt  }
0x62: {  	_ =	shalt  }
0x63: {  	_ =	shalt  }
0x64: {  	_ =	shalt  }
0x65: {  	_ =	shalt  }
0x66: {  	_ =	shalt  }
0x67: {  	_ =	shalt  }
0x68: {  	_ =	shalt  }
0x69: {  	_ =	shalt  }
0x6a: {  	_ =	shalt  }
0x6b: {  	_ =	shalt  }
0x6c: {  	_ =	shalt  }
0x6d: {  	_ =	shalt  }
0x6e: {  	_ =	shalt  }
0x6f: {  	_ =	shalt  }
0x70: {  	_ =	shalt  }
0x71: {  	_ =	shalt  }
0x72: {  	_ =	shalt  }
0x73: {  	_ =	shalt  }
0x74: {  	_ =	shalt  }
0x75: {  	_ =	shalt  }
0x76: {  	_ =	shalt  }
0x77: {  	_ =	shalt  }
0x78: {  	_ =	shalt  }
0x79: {  	_ =	shalt  }
0x7a: {  	_ =	shalt  }
0x7b: {  	_ =	shalt  }
0x7c: {  	_ =	shalt  }
0x7d: {  	_ =	shalt  }
0x7e: {  	_ =	shalt  }
0x7f: {  	_ =	shalt  }
0x80: {  	_ =	shalt  }
0x81: {  	_ =	shalt  }
0x82: {  	_ =	shalt  }
0x83: {  	_ =	shalt  }
0x84: {  	_ =	shalt  }
0x85: {  	_ =	shalt  }
0x86: {  	_ =	shalt  }
0x87: {  	_ =	shalt  }
.Lfunc_end0:
.L_simem_size_0:
called_computation.5_lowered:
.L_overlay_start_0:
0x88: {  	s2 =	sld [smem:$0x3FD9]  }
0x89: {  	s3 =	sld [smem:$0x3FFE];
	_ =	sdelay $0x1  }
0x8a: {  	s1 =	srdreg.scid  }
0x8b: {  	s0 =	sand.u32 $0x1, s1  }
0x8c: {  	s14 =	sshll.u32 s0, $0xA;
	s2 =	sadd.s32 s3, s2  }
0x8d: {  	s2 =	sadd.s32 s2, s14  }
0x8e: {  	[smem:$0x3FAA] =	sst s2  }
0x8f: {  	_ = 	snop  }
0x90: {  	s2 =	sld [smem:$0x3FD0];
	_ =	sdelay $0x2  }
0x91: {  	s15 =	simm.s32 $0xC;
	s4 =	simm.s32 $0x10  }
0x92: {  	[smem:s4], [sflag:s15] =	dma.local [hbm:s2], $0x1  }
0x93: {  	_ =	swait.eq [sflag:s15], $0x1  }
0x94: {  	[sflag:s15] =	ssyncset.done $0x0  }
0x95: {  	[sflag:s15] =	ssyncadd.s32 $0xFFFFFFFF  }
0x96: {  	s16 =	sld [smem:$0x12];
	(tm) =	ssettm $0x1  }
0x97: {  	s17 =	sld [smem:$0x3FFB];
	_ =	sdelay $0x3  }
0x98: {  	_ =	strace s17  }
0x99: {  	s3 =	sld [smem:$0x3FFC];
	_ =	sdelay $0x3  }
0x9a: {  	_ =	strace s3  }
0x9b: {  	s3 =	sld [smem:$0x3FFD];
	_ =	sdelay $0x3  }
0x9c: {  	_ =	strace s3  }
0x9d: {  	_ =	strace $0x8FFFFFFF  }
0x9e: {  	s18 =	sld [smem:$0x3FDB];
	_ =	sdelay $0x1  }
0x9f: {  	s19 =	simm.s32 $_scs_section_size  }
0xa0: {  	s5 =	simm.s32 $_size__tile_overlayer_lowered;
	s6 =	simm.s32 $_tile_overlayer_lowered  }
0xa1: {  	s22 =	simm.s32 $0x1BFF;
	s21 =	sshll.u32 s6, $0x1;
	s3 =	sadd.s32 s19, s18  }
0xa2: {  	s7 =	simm.s32 $0x0;
	s20 =	sshll.u32 s5, $0x1;
	s5 =	sadd.s32 s21, s3  }
0xa3: {  	[timem:s7], [sflag:s22] =	dma.local [hbm:s5], s20  }
0xa4: {  	_ =	swait.ge [sflag:s22], s20  }
0xa5: {  	s4 =	ssub.s32 $0x0, s20;
	[sflag:s22] =	ssyncset.done $0x0  }
0xa6: {  	[sflag:s22] =	ssyncadd.s32 s4;
	_ =	sdelay $0x1  }
0xa7: {  	s23 =	simm.s32 $0x1B8B  }
0xa8: {  	_ =	swait.ge [sflag:s23], $0x1  }
0xa9: {  	[sflag:s23] =	ssyncset.done $0x0  }
0xaa: {  	s25 =	simm.s32 $0x1B8E;
	s24 =	sld [smem:$0x3FFE];
	[sflag:s23] =	ssyncadd.s32 $0xFFFFFFFF  }
0xab: {  	s26 =	simm.s32 $execute0_lowered;
	[smem:$0x3FD2] =	sst s25  }
0xac: {  	s5 =	sshll.u32 s26, $0x1;
	_ =	strace $0x80000055;
	[dreg:$0x1] =	wrdreg $0xFFFFFFFF  }
0xad: {  	s28 =	simm.s32 $_size_execute0_lowered;
	s3 =	sadd.s32 s3, s5;
	[dreg:$0x0] =	wrdreg $0x0  }
0xae: {  	s5 =	sshll.u32 s28, $0x1;
	[dreg:$0x2] =	wrdreg s3  }
0xaf: {  	[dreg:$0x3] =	wrdreg s5  }
0xb0: {  	[dreg:$0x4] =	wrdreg $0xC0  }
0xb1: {  	_ =	task [dreg:s7], $0x5FFFF  }
0xb2: {  	[dreg:$0x1] =	wrdreg $0xFFFFFFFF  }
0xb3: {  	[dreg:$0x0] =	wrdreg $0x60  }
0xb4: {  	[dreg:$0x2] =	wrdreg s24  }
0xb5: {  	[dreg:$0x3] =	wrdreg s16  }
0xb6: {  	[dreg:$0x4] =	wrdreg $0x9  }
0xb7: {  	_ =	task.clear_ibuf [dreg:s7], $0x5FFFF;
	_ =	strace $0x90000055  }
0xb8: {  	s29 =	simm.s32 $0x9;
	_ =	strace $0x80000057  }
0xb9: {  	_ =	swait.ge [sflag:s29], $0x1  }
0xba: {  	[sflag:s29] =	ssyncadd.s32 $0xFFFFFFFF  }
0xbb: {  	_ =	strace $0x90000057  }
0xbc: {  	_ =	sfence  }
0xbd: {  	s30 =	sld [smem:$0x0];
	_ =	sdelay $0x2  }
0xbe: {  	s31 =	sshll.u32 s1, $0xD;
	s1 =	sshrl.u32 s1, $0x2  }
0xbf: {  	s3 =	sand.u32 $0x4000, s31;
	s1 =	sadd.s32 s1, s30  }
0xc0: {  	s0 =	sor.u32 s3, s0;
	s1 =	sshll.u32 s1, $0x11  }
0xc1: {  	s0 =	sor.u32 s1, s0  }
0xc2: {  	s0 =	sadd.s32 $0x8F2B, s0  }
0xc3: {  	[sflag:s0] =	ssyncadd.remote.s32 $0x1  }
0xc4: {  	_ =	sfence.sel $0xFFFF  }
0xc5: {  	[dreg:$0x0] =	wrdreg $0xFFFFFFFF;
	(pc) =	sbr.abs _section_cstart, $3  }
0xc6: {  	[dreg:$0x1] =	wrdreg $0xFFFFFFFF  }
0xc7: {  	_ =	task.clear_ibuf [dreg:s7], $0x2FFFF;
	_ =	strace $0x9FFFFFFF  }
0xc8: {  	(tm) =	ssettm $0x7FFFFFFF  }
0xc9: {  	_ =	shalt  }
tec
execute0_lowered:
.L_overlay_start_1:
0x0: {  	(tag) =	ssettag $0x1  }
0x1: {  	s4 =	rddreg [dreg:$0x0]  }
0x2: {  	s1 =	rddreg [dreg:$0x1];
	s2 =	srdreg.scid  }
0x3: {  	s0 =	rddreg [dreg:$0x2];
	s3 =	simm.s32 $0x0;
	s10 =	simm.s32 $0x2710  }
0x4: {  	s11 =	simm.s32 $0x4E20;
	s12 =	simm.s32 $0x7530;
	s5 =	sand.u32 $0x1, s2  }
0x5: {  	s13 =	simm.s32 $0x0;
	s2 =	stileid.u32;
	s6 =	smul.u32 $0x4E2, s5  }
0x6: {  	[smem:$0x7FF] =	sst s3;
	s7 =	sshll.u32 s5, $0x4;
	s8 =	smul.u32 $0x4E2, s2  }
0x7: {  	_ =	strace $0x80000056;
	s5 =	ssub.s32 $0x2, s5;
	s7 =	sor.u32 s2, s7  }
0x8: {  	s9 =	sshrl.u32 s5, $0x1;
	s7 =	smul.u32 $0x4E2, s7;
	s8 =	sadd.s32 s8, s4  }
0x9: {  	s6 =	sadd.s32 s6, s4;
	s9 =	ssub.s32 s5, s9;
	s5 =	sadd.s32 $0xC000, s8  }
0xa: {  	s7 =	sadd.s32 s7, s4;
	s4 =	sadd.s32 $0x301400, s6;
	s6 =	sadd.s32 $0x7000, s8  }
0xb: {  	s8 =	smax.u32 s9, $0x1;
	s9 =	simm.s32 $0x1;
	s7 =	sadd.s32 $0x301E00, s7  }
.LBB2_1:
0xc: {  	[tilespmem:s3], [sflag:$0x1] =	stream.linear.gather [hbm4b:s4+s3], $0x2710, $0x38;
	[tilespmem:$0x9C40] =	vst v63  }
0xd: {  	_ =	swait.ge [sflag:s9], $0x2710  }
0xe: {  	[sflag:s9] =	ssyncset.done $0x0  }
0xf: {  	[sflag:s9] =	ssyncadd.s32 $0xFFFFD8F0  }
0x10: {  	[tilespmem:s10], [sflag:$0x1] =	stream.linear.gather [hbm4b:s5+s3], $0x2710, $0x38;
	[tilespmem:$0x9C40] =	vst v63  }
0x11: {  	_ =	swait.ge [sflag:s9], $0x2710  }
0x12: {  	[sflag:s9] =	ssyncset.done $0x0  }
0x13: {  	[sflag:s9] =	ssyncadd.s32 $0xFFFFD8F0  }
0x14: {  	[tilespmem:s11], [sflag:$0x1] =	stream.linear.gather [hbm4b:s6+s3], $0x2710, $0x38;
	[tilespmem:$0x9C40] =	vst v63  }
0x15: {  	_ =	swait.ge [sflag:s9], $0x2710  }
0x16: {  	[sflag:s9] =	ssyncset.done $0x0  }
0x17: {  	[sflag:s9] =	ssyncadd.s32 $0xFFFFD8F0  }
0x18: {  	[tilespmem:s12], [sflag:$0x1] =	stream.linear.gather [hbm4b:s1+s3], $0x2710, $0x38;
	[tilespmem:$0x9C40] =	vst v63  }
0x19: {  	_ =	swait.ge [sflag:s9], $0x2710  }
0x1a: {  	[sflag:s9] =	ssyncset.done $0x0  }
0x1b: {  	s15 =	simm.s32 $0x0;
	s14 =	simm.s32 $0x40;
	[sflag:s9] =	ssyncadd.s32 $0xFFFFD8F0  }
.LBB2_2:
0x1c: {  	p0 =	sne.s32 s14, $0x9C00;
	v0 =	vld [tilespmem:s15+$0x2710];
	_ =	sdelay $0x5  }
0x1d: {  	v1 =	vld [tilespmem:s15+$0x4E20];
	_ =	sdelay $0x1  }
0x1e: {  	v0 =	vld.idx.msk [tilespmem:v0+s3+$0x0], $0xffff;
	_ =	sdelay $0x1  }
.Ltmp0:
0x1f: {  	(pc) =	sbr.rel @p0 .LBB2_2-.Ltmp0, $2  }
0x20: {  	_ =	sdelay $0x2  }
0x21: {  	s15 =	sshra.s32 s14, $0x2;
	s14 =	sadd.s32 $0x40, s14;
	[tilespmem:v1+s12+$0x0] =	vst.idx.add.f32.msk $0xffff, v0  }
0x22: {  	v0 =	vld [tilespmem:s15+$0x2710];
	_ =	sdelay $0x4  }
0x23: {  	v1 =	vld [tilespmem:s15+$0x4E20];
	_ =	sdelay $0x2  }
0x24: {  	v0 =	vld.idx.msk [tilespmem:v0+s3+$0x0], $0xffff;
	_ =	sdelay $0x2  }
0x25: {  	s13 =	sadd.s32 $0x1, s13  }
0x26: {  	p0 =	sne.s32 s13, s8  }
.Ltmp1:
0x27: {  	[tilespmem:v1+s12+$0x0] =	vst.idx.add.f32.msk $0xffff, v0;
	(pc) =	sbr.rel @p0 .LBB2_1-.Ltmp1, $4  }
0x28: {  	[hbm4b:s7+s3] =	stream.linear.scatter [tilespmem:s12], [sflag:$0x1], $0x2710, $0x38;
	[tilespmem:$0x9C40] =	vst v63  }
0x29: {  	_ =	swait.ge [sflag:s9], $0x2710  }
0x2a: {  	[sflag:s9] =	ssyncset.done $0x0  }
0x2b: {  	[sflag:s9] =	ssyncadd.s32 $0xFFFFD8F0  }
0x2c: {  	_ =	sfence.sel $0x180000  }
0x2d: {  	[bflag:$0x0] =	sbarrier.arrive $0xFFFF  }
0x2e: {  	p0 =	sne.s32 s2, $0x0;
	_ =	strace $0x90000056  }
0x2f: {  	s0 =	sadd.s32 @!p0 $0x100000, s0;
	[bflag:$0x2] =	sbarrier.arrive $0xFFFF  }
0x30: {  	[sflag:s0] =	ssyncadd.tile.s32 @!p0 $0x1;
	_ =	shalt  }
.Lfunc_end2:
_tile_overlayer_lowered:
.L_overlay_start_2:
0x31: {  	(tag) =	ssettag $0x2  }
0x32: {  	s0 =	rddreg [dreg:$0x0];
	s2 =	stileid.u32  }
0x33: {  	s1 =	rddreg [dreg:$0x1];
	p0 =	sne.s32 s2, $0x0  }
0x34: {  	s3 =	rddreg [dreg:$0x2];
	[bflag:$0x3] =	sbarrier.arrive $0xFFFF;
	s2 =	simm.s32 @!p0 $0x1C01  }
0x35: {  	[timem:s3], [sflag:s2] =	dma.local @!p0 [hbm:s0], s1  }
0x36: {  	s0 =	simm.s32 @!p0 $0x1  }
0x37: {  	_ =	swait.ge @!p0 [sflag:s0], s1  }
0x38: {  	s1 =	ssub.s32 @!p0 $0x0, s1;
	[sflag:s0] =	ssyncset.done @!p0 $0x0  }
0x39: {  	[sflag:s0] =	ssyncadd.s32 @!p0 s1  }
0x3a: {  	[bflag:$0x3] =	sbarrier.arrive $0xFFFF  }
0x3b: {  	_ =	shalt  }

</sc_bundles>
